<compile_context>
chip_gen: v7x
topology: tpu7x:2x2x1
jax: 0.10.2.dev20260603
libtpu: 0.0.44.dev20260713+nightly
codegen_flags: <defaults>
</compile_context>

<pallas_src>
import jax
import jax.numpy as jnp
import numpy as np
from jax import lax
from jax.experimental import pallas as pl
from jax.experimental.pallas import tpu as pltpu
from jax.experimental.pallas import tpu_sc as plsc

B, C, HX, HY, H = 8, 96, 224, 224, 2
ROWS = B * C
OX, OY = HX // 2, HY // 2
NPOOL = OX * OY
ROW_ELEMS = HX * HY * H
QB_ELEMS = ROW_ELEMS // 4
STRIP = 2 * HY * H
OUT_SZ = 100
KTH = 100

NC, NS = 2, 16
NW = NC * NS
RPW = ROWS // NW

INT_MIN = np.int32(-(2 ** 31))
_S1 = 1024
_S2 = 128


def _lane_gather(v, idx):
    return lax.gather(
        v, idx[:, None],
        lax.GatherDimensionNumbers(offset_dims=(), collapsed_slice_dims=(0,),
                                   start_index_map=(0,)),
        (1,), mode=lax.GatherScatterMode.PROMISE_IN_BOUNDS)


def _splat(s):
    return jnp.zeros((16,), jnp.int32) + s


def _sc_kernel(x_hbm, ids_hbm, pairs_hbm,
               xs_v, xs2_v, sem0, sem1, uu_v, ww_v, hh_v, sm_v, sp_v, su_v,
               sp2_v, oid_v, opr_v):
    wkr = lax.axis_index("s") * NC + lax.axis_index("c")
    lanes = lax.iota(jnp.int32, 16)
    rot = [((lanes + k) & 15) for k in range(16)]
    imin_v = jnp.full((16,), INT_MIN, jnp.int32)

    uu_v[pl.ds(NPOOL, 16)] = imin_v

    def row_body(r, _):
        r0 = wkr * RPW + r

        bufs = (xs_v, xs2_v)
        sems = (sem0, sem1)
        pltpu.make_async_copy(x_hbm.at[r0, pl.ds(0, QB_ELEMS)],
                              xs_v, sem0).start()
        acc0 = imin_v
        for qb in range(4):
            cur = bufs[qb % 2]
            pltpu.make_async_copy(x_hbm.at[r0, pl.ds(qb * QB_ELEMS,
                                                     QB_ELEMS)],
                                  cur, sems[qb % 2]).wait()
            if qb < 3:
                pltpu.make_async_copy(
                    x_hbm.at[r0, pl.ds((qb + 1) * QB_ELEMS, QB_ELEMS)],
                    bufs[(qb + 1) % 2], sems[(qb + 1) % 2]).start()

            def strip_body(t, acc, qb=qb, cur=cur):
                base = t * STRIP
                i1 = qb * 28 + t
                cmx = imin_v
                for cc in range(7):
                    jl = cc * 16 + lanes
                    A = base + 4 * jl + 1
                    g0 = plsc.load_gather(cur, [A])
                    g1 = plsc.load_gather(cur, [A + 2])
                    g2 = plsc.load_gather(cur, [A + 448])
                    g3 = plsc.load_gather(cur, [A + 450])
                    best = g0
                    off = jnp.zeros((16,), jnp.int32)
                    for g, o in ((g1, 2), (g2, 448), (g3, 450)):
                        m = g > best
                        best = jnp.where(m, g, best)
                        off = jnp.where(m, jnp.int32(o), off)
                    di = jnp.where(off >= 448, jnp.int32(1), jnp.int32(0))
                    dj = (off & 2) >> 1
                    wid = (2 * i1 + di) * HY + 2 * jl + dj
                    h0 = plsc.load_gather(cur, [A + off - 1])
                    bits = plsc.bitcast(best, jnp.int32)
                    u = jnp.where(bits < 0, bits ^ jnp.int32(0x7FFFFFFF),
                                  bits)
                    pos = i1 * OY + cc * 16
                    uu_v[pl.ds(pos, 16)] = u
                    ww_v[pl.ds(pos, 16)] = wid
                    hh_v[pl.ds(pos, 16)] = h0
                    cmx = jnp.maximum(cmx, u)
                mx = jnp.max(cmx)
                acc = jnp.where(lanes == (i1 & 15), _splat(mx), acc)
                sm_v[pl.ds((i1 >> 4) * 16, 16)] = acc
                return acc

            acc0 = lax.fori_loop(0, 28, strip_body, acc0)

        def t1_body(i, thr):
            cand = thr | (jnp.int32(1) << (31 - i))
            ts = _splat(cand ^ INT_MIN)
            cnt = jnp.int32(0)
            for k in range(7):
                sk = sm_v[pl.ds(k * 16, 16)]
                cnt = cnt + plsc.all_reduce_population_count(sk >= ts)[0]
            return jnp.where(cnt >= KTH, cand, thr)

        thr1 = lax.fori_loop(0, 16, t1_body, jnp.int32(0))
        tl1 = _splat(thr1 ^ INT_MIN)

        def filt(c, wp):
            uc = uu_v[pl.ds(c * 16, 16)]
            m = uc >= tl1
            wp_c = jnp.minimum(wp, _S1)
            cs = plsc.cumsum(jnp.where(m, jnp.int32(1), jnp.int32(0)))
            tgt = wp_c + cs - 1
            plsc.store_scatter(sp_v, [tgt], c * 16 + lanes, mask=m)
            plsc.store_scatter(su_v, [tgt], uc, mask=m)
            return wp + plsc.all_reduce_population_count(m)[0]

        s1 = lax.fori_loop(0, NPOOL // 16, filt, jnp.int32(0))
        s1 = jnp.minimum(s1, _S1)
        sp_v[pl.ds(s1, 16)] = _splat(NPOOL)
        su_v[pl.ds(s1, 16)] = imin_v
        nb1 = (s1 + 15) >> 4

        def t2_body(i, thr):
            cand = thr | (jnp.int32(1) << (31 - i))
            ts = _splat(cand ^ INT_MIN)

            def cnt_body(cb, acc):
                uS = su_v[pl.ds(cb * 16, 16)]
                return acc + plsc.all_reduce_population_count(uS >= ts)[0]

            cnt = lax.fori_loop(0, nb1, cnt_body, jnp.int32(0))
            return jnp.where(cnt >= KTH, cand, thr)

        thr2 = lax.fori_loop(0, 32, t2_body, jnp.int32(0))
        tl2 = _splat(thr2 ^ INT_MIN)

        def filt2(cb, wp):
            uS = su_v[pl.ds(cb * 16, 16)]
            pS = sp_v[pl.ds(cb * 16, 16)]
            m = uS >= tl2
            wp_c = jnp.minimum(wp, _S2)
            cs = plsc.cumsum(jnp.where(m, jnp.int32(1), jnp.int32(0)))
            plsc.store_scatter(sp2_v, [wp_c + cs - 1], pS, mask=m)
            return wp + plsc.all_reduce_population_count(m)[0]

        s2 = lax.fori_loop(0, nb1, filt2, jnp.int32(0))
        s2 = jnp.minimum(s2, _S2)
        sp2_v[pl.ds(s2, 16)] = _splat(NPOOL)
        nb2 = (s2 + 15) >> 4

        def rank_a(a, _):
            pA = sp2_v[pl.ds(a * 16, 16)]
            uA = plsc.load_gather(uu_v, [pA])
            jA = a * 16 + lanes

            def rank_b(bq, acc):
                uB = plsc.load_gather(uu_v, [sp2_v[pl.ds(bq * 16, 16)]])
                for k in range(16):
                    uBr = _lane_gather(uB, rot[k])
                    jBr = bq * 16 + rot[k]
                    w = (uBr > uA) | ((uBr == uA) & (jBr < jA))
                    acc = acc + jnp.where(w, jnp.int32(1), jnp.int32(0))
                return acc

            rA = lax.fori_loop(0, nb2, rank_b, jnp.zeros((16,), jnp.int32))
            mk = rA < OUT_SZ
            widA = plsc.load_gather(ww_v, [pA])
            h0A = plsc.load_gather(hh_v, [pA])
            vA = plsc.bitcast(
                jnp.where(uA < 0, uA ^ jnp.int32(0x7FFFFFFF), uA),
                jnp.float32)
            plsc.store_scatter(oid_v, [rA], widA, mask=mk)
            plsc.store_scatter(opr_v, [2 * rA], h0A, mask=mk)
            plsc.store_scatter(opr_v, [2 * rA + 1], vA, mask=mk)
            return 0

        lax.fori_loop(0, nb2, rank_a, jnp.int32(0))
        pltpu.sync_copy(oid_v, ids_hbm.at[r0])
        pltpu.sync_copy(opr_v, pairs_hbm.at[r0])
        return 0

    lax.fori_loop(0, RPW, row_body, jnp.int32(0))


def kernel(x):
    b, c, hx, hy, h = x.shape
    x2d = x.reshape(ROWS, ROW_ELEMS)

    mesh = plsc.VectorSubcoreMesh(core_axis_name="c", subcore_axis_name="s",
                                  num_cores=NC, num_subcores=NS)
    ids, pairs = pl.kernel(
        _sc_kernel,
        out_type=[
            jax.ShapeDtypeStruct((ROWS, OX), jnp.int32),
            jax.ShapeDtypeStruct((ROWS, 2 * OX), jnp.float32),
        ],
        mesh=mesh,
        compiler_params=pltpu.CompilerParams(needs_layout_passes=False),
        scratch_types=[
            pltpu.VMEM((QB_ELEMS,), jnp.float32),
            pltpu.VMEM((QB_ELEMS,), jnp.float32),
            pltpu.SemaphoreType.DMA,
            pltpu.SemaphoreType.DMA,
            pltpu.VMEM((NPOOL + 16,), jnp.int32),
            pltpu.VMEM((NPOOL + 16,), jnp.int32),
            pltpu.VMEM((NPOOL + 16,), jnp.float32),
            pltpu.VMEM((OX,), jnp.int32),
            pltpu.VMEM((_S1 + 16,), jnp.int32),
            pltpu.VMEM((_S1 + 16,), jnp.int32),
            pltpu.VMEM((_S2 + 16,), jnp.int32),
            pltpu.VMEM((OX,), jnp.int32),
            pltpu.VMEM((2 * OX,), jnp.float32),
        ],
    )(x2d)

    x_out = pairs.reshape(ROWS, OX, 2)[:, :OUT_SZ, :].reshape(
        b, c, OUT_SZ, 1, h)
    sorted_ids = ids[:, :OUT_SZ].reshape(b, c, OUT_SZ)
    return x_out, sorted_ids, hx, hy

# --- scband reference (transcript-rebuilt; emitter-appended) ---
"""Pipeline reference for scband-max-act-pool-74801150427173 (READ-ONLY COPY).

The authoritative reference and input builder live on the scoring server;
editing this copy changes nothing except your own understanding.
"""

import jax, jax.numpy as jnp
import numpy as np

B, C, HX, HY, H = 8, 96, 224, 224, 2
K = 2
OUT_SZ = 100


def setup_inputs(seed: int = 0) -> dict:
    key = jax.random.key(seed)
    x = jax.random.normal(key, (B, C, HX, HY, H), dtype=jnp.float32)
    return {"x": x}


def _maxpool2d_with_indices(a, k):
    # a: [b, c, hx, hy]; kernel=stride=k; returns (pooled, flat_indices into hx*hy)
    b, c, hx, hy = a.shape
    ox, oy = hx // k, hy // k
    w = a.reshape(b, c, ox, k, oy, k).transpose(0, 1, 2, 4, 3, 5).reshape(b, c, ox, oy, k * k)
    amax = jnp.max(w, axis=-1)
    arg = jnp.argmax(w, axis=-1)
    di = arg // k
    dj = arg % k
    ii = (jnp.arange(ox) * k)[None, None, :, None]
    jj = (jnp.arange(oy) * k)[None, None, None, :]
    flat = (ii + di) * hy + (jj + dj)
    return amax, flat


def reference(x):
    b, output_dim, dim_x, dim_y, h = x.shape
    a = x[:, :, :, :, h - 1]
    a_p, sort_id_mp = _maxpool2d_with_indices(a, K)
    npool = a_p.shape[2] * a_p.shape[3]
    idx_flat = sort_id_mp.reshape(b, output_dim, npool)
    a_flat = a_p.reshape(b, output_dim, npool)
    x_flat = x.reshape(b, output_dim, dim_x * dim_y, h)
    # gather pooled-winner rows (broadcast index over history dim h)
    x_g = jnp.take_along_axis(x_flat, idx_flat[:, :, :, None], axis=2)
    # sort pooled activations descending
    sort_id = jnp.argsort(-a_flat, axis=2)
    x2 = jnp.take_along_axis(x_g, sort_id[:, :, :, None], axis=2)[:, :, :OUT_SZ, :]
    x_out = x2[:, :, :, None, :]  # unsqueeze(3) -> [b, C, out_sz, 1, h]
    sorted_ids = jnp.take_along_axis(idx_flat, sort_id, axis=2)[:, :, :OUT_SZ]
    return x_out, sorted_ids, dim_x, dim_y

if __name__ == "__main__":
    import jax
    _d = setup_inputs()
    print(jax.jit(kernel)(*tuple(_d.values())))

</pallas_src>

<mosaic_0001>
#map = affine_map<(d0, d1) -> (0, 0)>
module attributes {stable_mosaic.version = 14 : i64} {
  func.func @_sc_kernel(%arg0: i32, %arg1: i32, %arg2: memref<768x100352xf32, #tpu.memory_space<hbm>>, %arg3: memref<768x112xi32, #tpu.memory_space<hbm>>, %arg4: memref<768x224xf32, #tpu.memory_space<hbm>>, %arg5: memref<25088xf32, #tpu.memory_space<vmem>>, %arg6: memref<25088xf32, #tpu.memory_space<vmem>>, %arg7: memref<!tpu.dma_semaphore, #tpu.memory_space<semaphore_mem>>, %arg8: memref<!tpu.dma_semaphore, #tpu.memory_space<semaphore_mem>>, %arg9: memref<12560xi32, #tpu.memory_space<vmem>>, %arg10: memref<12560xi32, #tpu.memory_space<vmem>>, %arg11: memref<12560xf32, #tpu.memory_space<vmem>>, %arg12: memref<112xi32, #tpu.memory_space<vmem>>, %arg13: memref<1040xi32, #tpu.memory_space<vmem>>, %arg14: memref<1040xi32, #tpu.memory_space<vmem>>, %arg15: memref<144xi32, #tpu.memory_space<vmem>>, %arg16: memref<112xi32, #tpu.memory_space<vmem>>, %arg17: memref<224xf32, #tpu.memory_space<vmem>>) attributes {dimension_semantics = [#tpu.dimension_semantics<core_parallel>, #tpu.dimension_semantics<subcore_parallel>], iteration_bounds = array<i64: 2, 16>, scalar_prefetch = 0 : i64, scratch_operands = 13 : i64, tpu.core_type = #tpu.core_type<sc_vector_subcore>, window_params = [{transform_indices = #map}, {transform_indices = #map}, {transform_indices = #map}]} {
    %mul3A = arith.constant 2 : i32
    %mul3A_0 = arith.muli %arg1, %mul3A : i32
    %add3A = arith.addi %mul3A_0, %arg0 : i32
    %iota3A = tpu.iota {dimensions = array<i32: 0>} : vector<16xi32>
    %add3A_1 = arith.constant 0 : i32
    %add3A_2 = vector.broadcast %add3A_1 : i32 to vector<16xi32>
    %add3A_3 = arith.addi %iota3A, %add3A_2 : vector<16xi32>
    %and3A = arith.constant 15 : i32
    %and3A_4 = vector.broadcast %and3A : i32 to vector<16xi32>
    %and3A_5 = arith.andi %add3A_3, %and3A_4 : vector<16xi32>
    %add3A_6 = arith.constant 1 : i32
    %add3A_7 = vector.broadcast %add3A_6 : i32 to vector<16xi32>
    %add3A_8 = arith.addi %iota3A, %add3A_7 : vector<16xi32>
    %and3A_9 = arith.constant 15 : i32
    %and3A_10 = vector.broadcast %and3A_9 : i32 to vector<16xi32>
    %and3A_11 = arith.andi %add3A_8, %and3A_10 : vector<16xi32>
    %add3A_12 = arith.constant 2 : i32
    %add3A_13 = vector.broadcast %add3A_12 : i32 to vector<16xi32>
    %add3A_14 = arith.addi %iota3A, %add3A_13 : vector<16xi32>
    %and3A_15 = arith.constant 15 : i32
    %and3A_16 = vector.broadcast %and3A_15 : i32 to vector<16xi32>
    %and3A_17 = arith.andi %add3A_14, %and3A_16 : vector<16xi32>
    %add3A_18 = arith.constant 3 : i32
    %add3A_19 = vector.broadcast %add3A_18 : i32 to vector<16xi32>
    %add3A_20 = arith.addi %iota3A, %add3A_19 : vector<16xi32>
    %and3A_21 = arith.constant 15 : i32
    %and3A_22 = vector.broadcast %and3A_21 : i32 to vector<16xi32>
    %and3A_23 = arith.andi %add3A_20, %and3A_22 : vector<16xi32>
    %add3A_24 = arith.constant 4 : i32
    %add3A_25 = vector.broadcast %add3A_24 : i32 to vector<16xi32>
    %add3A_26 = arith.addi %iota3A, %add3A_25 : vector<16xi32>
    %and3A_27 = arith.constant 15 : i32
    %and3A_28 = vector.broadcast %and3A_27 : i32 to vector<16xi32>
    %and3A_29 = arith.andi %add3A_26, %and3A_28 : vector<16xi32>
    %add3A_30 = arith.constant 5 : i32
    %add3A_31 = vector.broadcast %add3A_30 : i32 to vector<16xi32>
    %add3A_32 = arith.addi %iota3A, %add3A_31 : vector<16xi32>
    %and3A_33 = arith.constant 15 : i32
    %and3A_34 = vector.broadcast %and3A_33 : i32 to vector<16xi32>
    %and3A_35 = arith.andi %add3A_32, %and3A_34 : vector<16xi32>
    %add3A_36 = arith.constant 6 : i32
    %add3A_37 = vector.broadcast %add3A_36 : i32 to vector<16xi32>
    %add3A_38 = arith.addi %iota3A, %add3A_37 : vector<16xi32>
    %and3A_39 = arith.constant 15 : i32
    %and3A_40 = vector.broadcast %and3A_39 : i32 to vector<16xi32>
    %and3A_41 = arith.andi %add3A_38, %and3A_40 : vector<16xi32>
    %add3A_42 = arith.constant 7 : i32
    %add3A_43 = vector.broadcast %add3A_42 : i32 to vector<16xi32>
    %add3A_44 = arith.addi %iota3A, %add3A_43 : vector<16xi32>
    %and3A_45 = arith.constant 15 : i32
    %and3A_46 = vector.broadcast %and3A_45 : i32 to vector<16xi32>
    %and3A_47 = arith.andi %add3A_44, %and3A_46 : vector<16xi32>
    %add3A_48 = arith.constant 8 : i32
    %add3A_49 = vector.broadcast %add3A_48 : i32 to vector<16xi32>
    %add3A_50 = arith.addi %iota3A, %add3A_49 : vector<16xi32>
    %and3A_51 = arith.constant 15 : i32
    %and3A_52 = vector.broadcast %and3A_51 : i32 to vector<16xi32>
    %and3A_53 = arith.andi %add3A_50, %and3A_52 : vector<16xi32>
    %add3A_54 = arith.constant 9 : i32
    %add3A_55 = vector.broadcast %add3A_54 : i32 to vector<16xi32>
    %add3A_56 = arith.addi %iota3A, %add3A_55 : vector<16xi32>
    %and3A_57 = arith.constant 15 : i32
    %and3A_58 = vector.broadcast %and3A_57 : i32 to vector<16xi32>
    %and3A_59 = arith.andi %add3A_56, %and3A_58 : vector<16xi32>
    %add3A_60 = arith.constant 10 : i32
    %add3A_61 = vector.broadcast %add3A_60 : i32 to vector<16xi32>
    %add3A_62 = arith.addi %iota3A, %add3A_61 : vector<16xi32>
    %and3A_63 = arith.constant 15 : i32
    %and3A_64 = vector.broadcast %and3A_63 : i32 to vector<16xi32>
    %and3A_65 = arith.andi %add3A_62, %and3A_64 : vector<16xi32>
    %add3A_66 = arith.constant 11 : i32
    %add3A_67 = vector.broadcast %add3A_66 : i32 to vector<16xi32>
    %add3A_68 = arith.addi %iota3A, %add3A_67 : vector<16xi32>
    %and3A_69 = arith.constant 15 : i32
    %and3A_70 = vector.broadcast %and3A_69 : i32 to vector<16xi32>
    %and3A_71 = arith.andi %add3A_68, %and3A_70 : vector<16xi32>
    %add3A_72 = arith.constant 12 : i32
    %add3A_73 = vector.broadcast %add3A_72 : i32 to vector<16xi32>
    %add3A_74 = arith.addi %iota3A, %add3A_73 : vector<16xi32>
    %and3A_75 = arith.constant 15 : i32
    %and3A_76 = vector.broadcast %and3A_75 : i32 to vector<16xi32>
    %and3A_77 = arith.andi %add3A_74, %and3A_76 : vector<16xi32>
    %add3A_78 = arith.constant 13 : i32
    %add3A_79 = vector.broadcast %add3A_78 : i32 to vector<16xi32>
    %add3A_80 = arith.addi %iota3A, %add3A_79 : vector<16xi32>
    %and3A_81 = arith.constant 15 : i32
    %and3A_82 = vector.broadcast %and3A_81 : i32 to vector<16xi32>
    %and3A_83 = arith.andi %add3A_80, %and3A_82 : vector<16xi32>
    %add3A_84 = arith.constant 14 : i32
    %add3A_85 = vector.broadcast %add3A_84 : i32 to vector<16xi32>
    %add3A_86 = arith.addi %iota3A, %add3A_85 : vector<16xi32>
    %and3A_87 = arith.constant 15 : i32
    %and3A_88 = vector.broadcast %and3A_87 : i32 to vector<16xi32>
    %and3A_89 = arith.andi %add3A_86, %and3A_88 : vector<16xi32>
    %add3A_90 = arith.constant 15 : i32
    %add3A_91 = vector.broadcast %add3A_90 : i32 to vector<16xi32>
    %add3A_92 = arith.addi %iota3A, %add3A_91 : vector<16xi32>
    %and3A_93 = arith.constant 15 : i32
    %and3A_94 = vector.broadcast %and3A_93 : i32 to vector<16xi32>
    %and3A_95 = arith.andi %add3A_92, %and3A_94 : vector<16xi32>
    %broadcast_in_dim3A = arith.constant -2147483648 : i32
    %broadcast_in_dim3A_96 = vector.broadcast %broadcast_in_dim3A : i32 to vector<16xi32>
    %swap3A = arith.constant 12544 : index
    %swap3A_97 = tpu.vector_load %arg9[%swap3A] {strides = array<i32>} : memref<12560xi32, #tpu.memory_space<vmem>>, vector<16xi32>,
    tpu.vector_store %arg9[%swap3A], %broadcast_in_dim3A_96 {strides = array<i32>} : memref<12560xi32, #tpu.memory_space<vmem>>, vector<16xi32>,
    %scan3A = arith.constant 0 : i32
    %scan3A_98 = arith.constant 0 : i32
    %scan3A_99 = arith.constant 24 : i32
    %scan3A_100 = arith.addi %scan3A_98, %scan3A_99 : i32
    %scan3A_101 = arith.constant 1 : i32
    %scan3A_102 = scf.for %scan3A_104 = %scan3A_98 to %scan3A_100 step %scan3A_101 iter_args(%scan3A_105 = %scan3A) -> (i32)  : i32 {
      %mul3A_106 = arith.constant 24 : i32
      %mul3A_107 = arith.muli %add3A, %mul3A_106 : i32
      %add3A_108 = arith.addi %mul3A_107, %scan3A_104 : i32
      %dma_start3A = arith.constant 0 : i32
      %dma_start3A_109 = tpu.memref_slice %arg2[%add3A_108, %dma_start3A] : memref<768x100352xf32, #tpu.memory_space<hbm>> -> memref<1x25088xf32, #tpu.memory_space<hbm>>
      %dma_start3A_110 = tpu.memref_squeeze %dma_start3A_109 : memref<1x25088xf32, #tpu.memory_space<hbm>> -> memref<25088xf32, #tpu.memory_space<hbm>>
      %dma_start3A_111 = arith.constant 0 : i32
      %dma_start3A_112 = tpu.memref_slice %arg2[%add3A_108, %dma_start3A_111] : memref<768x100352xf32, #tpu.memory_space<hbm>> -> memref<1x25088xf32, #tpu.memory_space<hbm>>
      %dma_start3A_113 = tpu.memref_squeeze %dma_start3A_112 : memref<1x25088xf32, #tpu.memory_space<hbm>> -> memref<25088xf32, #tpu.memory_space<hbm>>
      tpu.enqueue_dma source(%dma_start3A_113 : memref<25088xf32, #tpu.memory_space<hbm>>) target(%arg5 : memref<25088xf32, #tpu.memory_space<vmem>>) target_semaphore(%arg7 : memref<!tpu.dma_semaphore, #tpu.memory_space<semaphore_mem>>)
      %dma_wait3A = arith.constant 0 : i32
      %dma_wait3A_114 = tpu.memref_slice %arg2[%add3A_108, %dma_wait3A] : memref<768x100352xf32, #tpu.memory_space<hbm>> -> memref<1x25088xf32, #tpu.memory_space<hbm>>
      %dma_wait3A_115 = tpu.memref_squeeze %dma_wait3A_114 : memref<1x25088xf32, #tpu.memory_space<hbm>> -> memref<25088xf32, #tpu.memory_space<hbm>>
      %dma_wait3A_116 = arith.constant 0 : i32
      %dma_wait3A_117 = tpu.memref_slice %arg2[%add3A_108, %dma_wait3A_116] : memref<768x100352xf32, #tpu.memory_space<hbm>> -> memref<1x25088xf32, #tpu.memory_space<hbm>>
      %dma_wait3A_118 = tpu.memref_squeeze %dma_wait3A_117 : memref<1x25088xf32, #tpu.memory_space<hbm>> -> memref<25088xf32, #tpu.memory_space<hbm>>
      tpu.wait_dma2 semaphore(%arg7 : memref<!tpu.dma_semaphore, #tpu.memory_space<semaphore_mem>>) src(%dma_wait3A_118 : memref<25088xf32, #tpu.memory_space<hbm>>) dst(%arg5 : memref<25088xf32, #tpu.memory_space<vmem>>)
      %dma_start3A_119 = arith.constant 25088 : i32
      %dma_start3A_120 = tpu.memref_slice %arg2[%add3A_108, %dma_start3A_119] : memref<768x100352xf32, #tpu.memory_space<hbm>> -> memref<1x25088xf32, #tpu.memory_space<hbm>>
      %dma_start3A_121 = tpu.memref_squeeze %dma_start3A_120 : memref<1x25088xf32, #tpu.memory_space<hbm>> -> memref<25088xf32, #tpu.memory_space<hbm>>
      %dma_start3A_122 = arith.constant 25088 : i32
      %dma_start3A_123 = tpu.memref_slice %arg2[%add3A_108, %dma_start3A_122] : memref<768x100352xf32, #tpu.memory_space<hbm>> -> memref<1x25088xf32, #tpu.memory_space<hbm>>
      %dma_start3A_124 = tpu.memref_squeeze %dma_start3A_123 : memref<1x25088xf32, #tpu.memory_space<hbm>> -> memref<25088xf32, #tpu.memory_space<hbm>>
      tpu.enqueue_dma source(%dma_start3A_124 : memref<25088xf32, #tpu.memory_space<hbm>>) target(%arg6 : memref<25088xf32, #tpu.memory_space<vmem>>) target_semaphore(%arg8 : memref<!tpu.dma_semaphore, #tpu.memory_space<semaphore_mem>>)
      %scan3A_125 = arith.constant 0 : i32
      %scan3A_126 = arith.constant 28 : i32
      %scan3A_127 = arith.addi %scan3A_125, %scan3A_126 : i32
      %scan3A_128 = arith.constant 1 : i32
      %scan3A_129 = scf.for %scan3A_261 = %scan3A_125 to %scan3A_127 step %scan3A_128 iter_args(%scan3A_262 = %broadcast_in_dim3A_96) -> (vector<16xi32>)  : i32 {
        %mul3A_263 = arith.constant 896 : i32
        %mul3A_264 = arith.muli %scan3A_261, %mul3A_263 : i32
        %add3A_265 = arith.constant 0 : i32
        %add3A_266 = arith.addi %add3A_265, %scan3A_261 : i32
        %add3A_267 = arith.constant 0 : i32
        %add3A_268 = vector.broadcast %add3A_267 : i32 to vector<16xi32>
        %add3A_269 = arith.addi %add3A_268, %iota3A : vector<16xi32>
        %mul3A_270 = arith.constant 4 : i32
        %mul3A_271 = vector.broadcast %mul3A_270 : i32 to vector<16xi32>
        %mul3A_272 = arith.muli %mul3A_271, %add3A_269 : vector<16xi32>
        %add3A_273 = vector.broadcast %mul3A_264 : i32 to vector<16xi32>
        %add3A_274 = arith.addi %add3A_273, %mul3A_272 : vector<16xi32>
        %add3A_275 = arith.constant 1 : i32
        %add3A_276 = vector.broadcast %add3A_275 : i32 to vector<16xi32>
        %add3A_277 = arith.addi %add3A_274, %add3A_276 : vector<16xi32>
        %gather3A = tpu.vector_load_idx %arg5[%add3A_277] : memref<25088xf32, #tpu.memory_space<vmem>>[vector<16xi32>], vector<16xf32>,
        %add3A_278 = arith.constant 2 : i32
        %add3A_279 = vector.broadcast %add3A_278 : i32 to vector<16xi32>
        %add3A_280 = arith.addi %add3A_277, %add3A_279 : vector<16xi32>
        %gather3A_281 = tpu.vector_load_idx %arg5[%add3A_280] : memref<25088xf32, #tpu.memory_space<vmem>>[vector<16xi32>], vector<16xf32>,
        %add3A_282 = arith.constant 448 : i32
        %add3A_283 = vector.broadcast %add3A_282 : i32 to vector<16xi32>
        %add3A_284 = arith.addi %add3A_277, %add3A_283 : vector<16xi32>
        %gather3A_285 = tpu.vector_load_idx %arg5[%add3A_284] : memref<25088xf32, #tpu.memory_space<vmem>>[vector<16xi32>], vector<16xf32>,
        %add3A_286 = arith.constant 450 : i32
        %add3A_287 = vector.broadcast %add3A_286 : i32 to vector<16xi32>
        %add3A_288 = arith.addi %add3A_277, %add3A_287 : vector<16xi32>
        %gather3A_289 = tpu.vector_load_idx %arg5[%add3A_288] : memref<25088xf32, #tpu.memory_space<vmem>>[vector<16xi32>], vector<16xf32>,
        %broadcast_in_dim3A_290 = arith.constant 0 : i32
        %broadcast_in_dim3A_291 = vector.broadcast %broadcast_in_dim3A_290 : i32 to vector<16xi32>
        %gt3A = arith.cmpf ogt, %gather3A_281, %gather3A : vector<16xf32>
        %select_n3A = arith.select %gt3A, %gather3A_281, %gather3A : vector<16xi1>, vector<16xf32>
        %jit3A = arith.constant 2 : i32
        %broadcast_in_dim3A_292 = vector.broadcast %jit3A : i32 to vector<16xi32>
        %select_n3A_293 = arith.select %gt3A, %broadcast_in_dim3A_292, %broadcast_in_dim3A_291 : vector<16xi1>, vector<16xi32>
        %gt3A_294 = arith.cmpf ogt, %gather3A_285, %select_n3A : vector<16xf32>
        %select_n3A_295 = arith.select %gt3A_294, %gather3A_285, %select_n3A : vector<16xi1>, vector<16xf32>
        %jit3A_296 = arith.constant 448 : i32
        %broadcast_in_dim3A_297 = vector.broadcast %jit3A_296 : i32 to vector<16xi32>
        %select_n3A_298 = arith.select %gt3A_294, %broadcast_in_dim3A_297, %select_n3A_293 : vector<16xi1>, vector<16xi32>
        %gt3A_299 = arith.cmpf ogt, %gather3A_289, %select_n3A_295 : vector<16xf32>
        %select_n3A_300 = arith.select %gt3A_299, %gather3A_289, %select_n3A_295 : vector<16xi1>, vector<16xf32>
        %jit3A_301 = arith.constant 450 : i32
        %broadcast_in_dim3A_302 = vector.broadcast %jit3A_301 : i32 to vector<16xi32>
        %select_n3A_303 = arith.select %gt3A_299, %broadcast_in_dim3A_302, %select_n3A_298 : vector<16xi1>, vector<16xi32>
        %ge3A = arith.constant 448 : i32
        %ge3A_304 = vector.broadcast %ge3A : i32 to vector<16xi32>
        %ge3A_305 = arith.cmpi sge, %select_n3A_303, %ge3A_304 : vector<16xi32>
        %jit3A_306 = arith.constant 1 : i32
        %jit3A_307 = arith.constant 0 : i32
        %broadcast_in_dim3A_308 = vector.broadcast %jit3A_306 : i32 to vector<16xi32>
        %broadcast_in_dim3A_309 = vector.broadcast %jit3A_307 : i32 to vector<16xi32>
        %select_n3A_310 = arith.select %ge3A_305, %broadcast_in_dim3A_308, %broadcast_in_dim3A_309 : vector<16xi1>, vector<16xi32>
        %and3A_311 = arith.constant 2 : i32
        %and3A_312 = vector.broadcast %and3A_311 : i32 to vector<16xi32>
        %and3A_313 = arith.andi %select_n3A_303, %and3A_312 : vector<16xi32>
        %shift_right_arithmetic3A_314 = arith.constant 1 : i32
        %shift_right_arithmetic3A_315 = vector.broadcast %shift_right_arithmetic3A_314 : i32 to vector<16xi32>
        %shift_right_arithmetic3A_316 = arith.shrsi %and3A_313, %shift_right_arithmetic3A_315 : vector<16xi32>
        %mul3A_317 = arith.constant 2 : i32
        %mul3A_318 = arith.muli %mul3A_317, %add3A_266 : i32
        %add3A_319 = vector.broadcast %mul3A_318 : i32 to vector<16xi32>
        %add3A_320 = arith.addi %add3A_319, %select_n3A_310 : vector<16xi32>
        %mul3A_321 = arith.constant 224 : i32
        %mul3A_322 = vector.broadcast %mul3A_321 : i32 to vector<16xi32>
        %mul3A_323 = arith.muli %add3A_320, %mul3A_322 : vector<16xi32>
        %mul3A_324 = arith.constant 2 : i32
        %mul3A_325 = vector.broadcast %mul3A_324 : i32 to vector<16xi32>
        %mul3A_326 = arith.muli %mul3A_325, %add3A_269 : vector<16xi32>
        %add3A_327 = arith.addi %mul3A_323, %mul3A_326 : vector<16xi32>
        %add3A_328 = arith.addi %add3A_327, %shift_right_arithmetic3A_316 : vector<16xi32>
        %add3A_329 = arith.addi %add3A_277, %select_n3A_303 : vector<16xi32>
        %sub3A = arith.constant 1 : i32
        %sub3A_330 = vector.broadcast %sub3A : i32 to vector<16xi32>
        %sub3A_331 = arith.subi %add3A_329, %sub3A_330 : vector<16xi32>
        %gather3A_332 = tpu.vector_load_idx %arg5[%sub3A_331] : memref<25088xf32, #tpu.memory_space<vmem>>[vector<16xi32>], vector<16xf32>,
        %bitcast3A = vector.bitcast %select_n3A_300 : vector<16xf32> to vector<16xi32>
        %lt3A = arith.constant 0 : i32
        %lt3A_333 = vector.broadcast %lt3A : i32 to vector<16xi32>
        %lt3A_334 = arith.cmpi slt, %bitcast3A, %lt3A_333 : vector<16xi32>
        %xor3A_335 = arith.constant 2147483647 : i32
        %xor3A_336 = vector.broadcast %xor3A_335 : i32 to vector<16xi32>
        %xor3A_337 = arith.xori %bitcast3A, %xor3A_336 : vector<16xi32>
        %select_n3A_338 = arith.select %lt3A_334, %xor3A_337, %bitcast3A : vector<16xi1>, vector<16xi32>
        %mul3A_339 = arith.constant 112 : i32
        %mul3A_340 = arith.muli %add3A_266, %mul3A_339 : i32
        %add3A_341 = arith.constant 0 : i32
        %add3A_342 = arith.addi %mul3A_340, %add3A_341 : i32
        %swap3A_343 = arith.index_cast %add3A_342 : i32 to index
        %swap3A_344 = tpu.vector_load %arg9[%swap3A_343] {strides = array<i32>} : memref<12560xi32, #tpu.memory_space<vmem>>, vector<16xi32>,
        tpu.vector_store %arg9[%swap3A_343], %select_n3A_338 {strides = array<i32>} : memref<12560xi32, #tpu.memory_space<vmem>>, vector<16xi32>,
        %swap3A_345 = arith.index_cast %add3A_342 : i32 to index
        %swap3A_346 = tpu.vector_load %arg10[%swap3A_345] {strides = array<i32>} : memref<12560xi32, #tpu.memory_space<vmem>>, vector<16xi32>,
        tpu.vector_store %arg10[%swap3A_345], %add3A_328 {strides = array<i32>} : memref<12560xi32, #tpu.memory_space<vmem>>, vector<16xi32>,
        %swap3A_347 = arith.index_cast %add3A_342 : i32 to index
        %swap3A_348 = tpu.vector_load %arg11[%swap3A_347] {strides = array<i32>} : memref<12560xf32, #tpu.memory_space<vmem>>, vector<16xf32>,
        tpu.vector_store %arg11[%swap3A_347], %gather3A_332 {strides = array<i32>} : memref<12560xf32, #tpu.memory_space<vmem>>, vector<16xf32>,
        %max3A = arith.maxsi %broadcast_in_dim3A_96, %select_n3A_338 : vector<16xi32>
        %add3A_349 = arith.constant 16 : i32
        %add3A_350 = vector.broadcast %add3A_349 : i32 to vector<16xi32>
        %add3A_351 = arith.addi %add3A_350, %iota3A : vector<16xi32>
        %mul3A_352 = arith.constant 4 : i32
        %mul3A_353 = vector.broadcast %mul3A_352 : i32 to vector<16xi32>
        %mul3A_354 = arith.muli %mul3A_353, %add3A_351 : vector<16xi32>
        %add3A_355 = vector.broadcast %mul3A_264 : i32 to vector<16xi32>
        %add3A_356 = arith.addi %add3A_355, %mul3A_354 : vector<16xi32>
        %add3A_357 = arith.constant 1 : i32
        %add3A_358 = vector.broadcast %add3A_357 : i32 to vector<16xi32>
        %add3A_359 = arith.addi %add3A_356, %add3A_358 : vector<16xi32>
        %gather3A_360 = tpu.vector_load_idx %arg5[%add3A_359] : memref<25088xf32, #tpu.memory_space<vmem>>[vector<16xi32>], vector<16xf32>,
        %add3A_361 = arith.constant 2 : i32
        %add3A_362 = vector.broadcast %add3A_361 : i32 to vector<16xi32>
        %add3A_363 = arith.addi %add3A_359, %add3A_362 : vector<16xi32>
        %gather3A_364 = tpu.vector_load_idx %arg5[%add3A_363] : memref<25088xf32, #tpu.memory_space<vmem>>[vector<16xi32>], vector<16xf32>,
        %add3A_365 = arith.constant 448 : i32
        %add3A_366 = vector.broadcast %add3A_365 : i32 to vector<16xi32>
        %add3A_367 = arith.addi %add3A_359, %add3A_366 : vector<16xi32>
        %gather3A_368 = tpu.vector_load_idx %arg5[%add3A_367] : memref<25088xf32, #tpu.memory_space<vmem>>[vector<16xi32>], vector<16xf32>,
        %add3A_369 = arith.constant 450 : i32
        %add3A_370 = vector.broadcast %add3A_369 : i32 to vector<16xi32>
        %add3A_371 = arith.addi %add3A_359, %add3A_370 : vector<16xi32>
        %gather3A_372 = tpu.vector_load_idx %arg5[%add3A_371] : memref<25088xf32, #tpu.memory_space<vmem>>[vector<16xi32>], vector<16xf32>,
        %broadcast_in_dim3A_373 = arith.constant 0 : i32
        %broadcast_in_dim3A_374 = vector.broadcast %broadcast_in_dim3A_373 : i32 to vector<16xi32>
        %gt3A_375 = arith.cmpf ogt, %gather3A_364, %gather3A_360 : vector<16xf32>
        %select_n3A_376 = arith.select %gt3A_375, %gather3A_364, %gather3A_360 : vector<16xi1>, vector<16xf32>
        %jit3A_377 = arith.constant 2 : i32
        %broadcast_in_dim3A_378 = vector.broadcast %jit3A_377 : i32 to vector<16xi32>
        %select_n3A_379 = arith.select %gt3A_375, %broadcast_in_dim3A_378, %broadcast_in_dim3A_374 : vector<16xi1>, vector<16xi32>
        %gt3A_380 = arith.cmpf ogt, %gather3A_368, %select_n3A_376 : vector<16xf32>
        %select_n3A_381 = arith.select %gt3A_380, %gather3A_368, %select_n3A_376 : vector<16xi1>, vector<16xf32>
        %jit3A_382 = arith.constant 448 : i32
        %broadcast_in_dim3A_383 = vector.broadcast %jit3A_382 : i32 to vector<16xi32>
        %select_n3A_384 = arith.select %gt3A_380, %broadcast_in_dim3A_383, %select_n3A_379 : vector<16xi1>, vector<16xi32>
        %gt3A_385 = arith.cmpf ogt, %gather3A_372, %select_n3A_381 : vector<16xf32>
        %select_n3A_386 = arith.select %gt3A_385, %gather3A_372, %select_n3A_381 : vector<16xi1>, vector<16xf32>
        %jit3A_387 = arith.constant 450 : i32
        %broadcast_in_dim3A_388 = vector.broadcast %jit3A_387 : i32 to vector<16xi32>
        %select_n3A_389 = arith.select %gt3A_385, %broadcast_in_dim3A_388, %select_n3A_384 : vector<16xi1>, vector<16xi32>
        %ge3A_390 = arith.constant 448 : i32
        %ge3A_391 = vector.broadcast %ge3A_390 : i32 to vector<16xi32>
        %ge3A_392 = arith.cmpi sge, %select_n3A_389, %ge3A_391 : vector<16xi32>
        %jit3A_393 = arith.constant 1 : i32
        %jit3A_394 = arith.constant 0 : i32
        %broadcast_in_dim3A_395 = vector.broadcast %jit3A_393 : i32 to vector<16xi32>
        %broadcast_in_dim3A_396 = vector.broadcast %jit3A_394 : i32 to vector<16xi32>
        %select_n3A_397 = arith.select %ge3A_392, %broadcast_in_dim3A_395, %broadcast_in_dim3A_396 : vector<16xi1>, vector<16xi32>
        %and3A_398 = arith.constant 2 : i32
        %and3A_399 = vector.broadcast %and3A_398 : i32 to vector<16xi32>
        %and3A_400 = arith.andi %select_n3A_389, %and3A_399 : vector<16xi32>
        %shift_right_arithmetic3A_401 = arith.constant 1 : i32
        %shift_right_arithmetic3A_402 = vector.broadcast %shift_right_arithmetic3A_401 : i32 to vector<16xi32>
        %shift_right_arithmetic3A_403 = arith.shrsi %and3A_400, %shift_right_arithmetic3A_402 : vector<16xi32>
        %mul3A_404 = arith.constant 2 : i32
        %mul3A_405 = arith.muli %mul3A_404, %add3A_266 : i32
        %add3A_406 = vector.broadcast %mul3A_405 : i32 to vector<16xi32>
        %add3A_407 = arith.addi %add3A_406, %select_n3A_397 : vector<16xi32>
        %mul3A_408 = arith.constant 224 : i32
        %mul3A_409 = vector.broadcast %mul3A_408 : i32 to vector<16xi32>
        %mul3A_410 = arith.muli %add3A_407, %mul3A_409 : vector<16xi32>
        %mul3A_411 = arith.constant 2 : i32
        %mul3A_412 = vector.broadcast %mul3A_411 : i32 to vector<16xi32>
        %mul3A_413 = arith.muli %mul3A_412, %add3A_351 : vector<16xi32>
        %add3A_414 = arith.addi %mul3A_410, %mul3A_413 : vector<16xi32>
        %add3A_415 = arith.addi %add3A_414, %shift_right_arithmetic3A_403 : vector<16xi32>
        %add3A_416 = arith.addi %add3A_359, %select_n3A_389 : vector<16xi32>
        %sub3A_417 = arith.constant 1 : i32
        %sub3A_418 = vector.broadcast %sub3A_417 : i32 to vector<16xi32>
        %sub3A_419 = arith.subi %add3A_416, %sub3A_418 : vector<16xi32>
        %gather3A_420 = tpu.vector_load_idx %arg5[%sub3A_419] : memref<25088xf32, #tpu.memory_space<vmem>>[vector<16xi32>], vector<16xf32>,
        %bitcast3A_421 = vector.bitcast %select_n3A_386 : vector<16xf32> to vector<16xi32>
        %lt3A_422 = arith.constant 0 : i32
        %lt3A_423 = vector.broadcast %lt3A_422 : i32 to vector<16xi32>
        %lt3A_424 = arith.cmpi slt, %bitcast3A_421, %lt3A_423 : vector<16xi32>
        %xor3A_425 = arith.constant 2147483647 : i32
        %xor3A_426 = vector.broadcast %xor3A_425 : i32 to vector<16xi32>
        %xor3A_427 = arith.xori %bitcast3A_421, %xor3A_426 : vector<16xi32>
        %select_n3A_428 = arith.select %lt3A_424, %xor3A_427, %bitcast3A_421 : vector<16xi1>, vector<16xi32>
        %mul3A_429 = arith.constant 112 : i32
        %mul3A_430 = arith.muli %add3A_266, %mul3A_429 : i32
        %add3A_431 = arith.constant 16 : i32
        %add3A_432 = arith.addi %mul3A_430, %add3A_431 : i32
        %swap3A_433 = arith.index_cast %add3A_432 : i32 to index
        %swap3A_434 = tpu.vector_load %arg9[%swap3A_433] {strides = array<i32>} : memref<12560xi32, #tpu.memory_space<vmem>>, vector<16xi32>,
        tpu.vector_store %arg9[%swap3A_433], %select_n3A_428 {strides = array<i32>} : memref<12560xi32, #tpu.memory_space<vmem>>, vector<16xi32>,
        %swap3A_435 = arith.index_cast %add3A_432 : i32 to index
        %swap3A_436 = tpu.vector_load %arg10[%swap3A_435] {strides = array<i32>} : memref<12560xi32, #tpu.memory_space<vmem>>, vector<16xi32>,
        tpu.vector_store %arg10[%swap3A_435], %add3A_415 {strides = array<i32>} : memref<12560xi32, #tpu.memory_space<vmem>>, vector<16xi32>,
        %swap3A_437 = arith.index_cast %add3A_432 : i32 to index
        %swap3A_438 = tpu.vector_load %arg11[%swap3A_437] {strides = array<i32>} : memref<12560xf32, #tpu.memory_space<vmem>>, vector<16xf32>,
        tpu.vector_store %arg11[%swap3A_437], %gather3A_420 {strides = array<i32>} : memref<12560xf32, #tpu.memory_space<vmem>>, vector<16xf32>,
        %max3A_439 = arith.maxsi %max3A, %select_n3A_428 : vector<16xi32>
        %add3A_440 = arith.constant 32 : i32
        %add3A_441 = vector.broadcast %add3A_440 : i32 to vector<16xi32>
        %add3A_442 = arith.addi %add3A_441, %iota3A : vector<16xi32>
        %mul3A_443 = arith.constant 4 : i32
        %mul3A_444 = vector.broadcast %mul3A_443 : i32 to vector<16xi32>
        %mul3A_445 = arith.muli %mul3A_444, %add3A_442 : vector<16xi32>
        %add3A_446 = vector.broadcast %mul3A_264 : i32 to vector<16xi32>
        %add3A_447 = arith.addi %add3A_446, %mul3A_445 : vector<16xi32>
        %add3A_448 = arith.constant 1 : i32
        %add3A_449 = vector.broadcast %add3A_448 : i32 to vector<16xi32>
        %add3A_450 = arith.addi %add3A_447, %add3A_449 : vector<16xi32>
        %gather3A_451 = tpu.vector_load_idx %arg5[%add3A_450] : memref<25088xf32, #tpu.memory_space<vmem>>[vector<16xi32>], vector<16xf32>,
        %add3A_452 = arith.constant 2 : i32
        %add3A_453 = vector.broadcast %add3A_452 : i32 to vector<16xi32>
        %add3A_454 = arith.addi %add3A_450, %add3A_453 : vector<16xi32>
        %gather3A_455 = tpu.vector_load_idx %arg5[%add3A_454] : memref<25088xf32, #tpu.memory_space<vmem>>[vector<16xi32>], vector<16xf32>,
        %add3A_456 = arith.constant 448 : i32
        %add3A_457 = vector.broadcast %add3A_456 : i32 to vector<16xi32>
        %add3A_458 = arith.addi %add3A_450, %add3A_457 : vector<16xi32>
        %gather3A_459 = tpu.vector_load_idx %arg5[%add3A_458] : memref<25088xf32, #tpu.memory_space<vmem>>[vector<16xi32>], vector<16xf32>,
        %add3A_460 = arith.constant 450 : i32
        %add3A_461 = vector.broadcast %add3A_460 : i32 to vector<16xi32>
        %add3A_462 = arith.addi %add3A_450, %add3A_461 : vector<16xi32>
        %gather3A_463 = tpu.vector_load_idx %arg5[%add3A_462] : memref<25088xf32, #tpu.memory_space<vmem>>[vector<16xi32>], vector<16xf32>,
        %broadcast_in_dim3A_464 = arith.constant 0 : i32
        %broadcast_in_dim3A_465 = vector.broadcast %broadcast_in_dim3A_464 : i32 to vector<16xi32>
        %gt3A_466 = arith.cmpf ogt, %gather3A_455, %gather3A_451 : vector<16xf32>
        %select_n3A_467 = arith.select %gt3A_466, %gather3A_455, %gather3A_451 : vector<16xi1>, vector<16xf32>
        %jit3A_468 = arith.constant 2 : i32
        %broadcast_in_dim3A_469 = vector.broadcast %jit3A_468 : i32 to vector<16xi32>
        %select_n3A_470 = arith.select %gt3A_466, %broadcast_in_dim3A_469, %broadcast_in_dim3A_465 : vector<16xi1>, vector<16xi32>
        %gt3A_471 = arith.cmpf ogt, %gather3A_459, %select_n3A_467 : vector<16xf32>
        %select_n3A_472 = arith.select %gt3A_471, %gather3A_459, %select_n3A_467 : vector<16xi1>, vector<16xf32>
        %jit3A_473 = arith.constant 448 : i32
        %broadcast_in_dim3A_474 = vector.broadcast %jit3A_473 : i32 to vector<16xi32>
        %select_n3A_475 = arith.select %gt3A_471, %broadcast_in_dim3A_474, %select_n3A_470 : vector<16xi1>, vector<16xi32>
        %gt3A_476 = arith.cmpf ogt, %gather3A_463, %select_n3A_472 : vector<16xf32>
        %select_n3A_477 = arith.select %gt3A_476, %gather3A_463, %select_n3A_472 : vector<16xi1>, vector<16xf32>
        %jit3A_478 = arith.constant 450 : i32
        %broadcast_in_dim3A_479 = vector.broadcast %jit3A_478 : i32 to vector<16xi32>
        %select_n3A_480 = arith.select %gt3A_476, %broadcast_in_dim3A_479, %select_n3A_475 : vector<16xi1>, vector<16xi32>
        %ge3A_481 = arith.constant 448 : i32
        %ge3A_482 = vector.broadcast %ge3A_481 : i32 to vector<16xi32>
        %ge3A_483 = arith.cmpi sge, %select_n3A_480, %ge3A_482 : vector<16xi32>
        %jit3A_484 = arith.constant 1 : i32
        %jit3A_485 = arith.constant 0 : i32
        %broadcast_in_dim3A_486 = vector.broadcast %jit3A_484 : i32 to vector<16xi32>
        %broadcast_in_dim3A_487 = vector.broadcast %jit3A_485 : i32 to vector<16xi32>
        %select_n3A_488 = arith.select %ge3A_483, %broadcast_in_dim3A_486, %broadcast_in_dim3A_487 : vector<16xi1>, vector<16xi32>
        %and3A_489 = arith.constant 2 : i32
        %and3A_490 = vector.broadcast %and3A_489 : i32 to vector<16xi32>
        %and3A_491 = arith.andi %select_n3A_480, %and3A_490 : vector<16xi32>
        %shift_right_arithmetic3A_492 = arith.constant 1 : i32
        %shift_right_arithmetic3A_493 = vector.broadcast %shift_right_arithmetic3A_492 : i32 to vector<16xi32>
        %shift_right_arithmetic3A_494 = arith.shrsi %and3A_491, %shift_right_arithmetic3A_493 : vector<16xi32>
        %mul3A_495 = arith.constant 2 : i32
        %mul3A_496 = arith.muli %mul3A_495, %add3A_266 : i32
        %add3A_497 = vector.broadcast %mul3A_496 : i32 to vector<16xi32>
        %add3A_498 = arith.addi %add3A_497, %select_n3A_488 : vector<16xi32>
        %mul3A_499 = arith.constant 224 : i32
        %mul3A_500 = vector.broadcast %mul3A_499 : i32 to vector<16xi32>
        %mul3A_501 = arith.muli %add3A_498, %mul3A_500 : vector<16xi32>
        %mul3A_502 = arith.constant 2 : i32
        %mul3A_503 = vector.broadcast %mul3A_502 : i32 to vector<16xi32>
        %mul3A_504 = arith.muli %mul3A_503, %add3A_442 : vector<16xi32>
        %add3A_505 = arith.addi %mul3A_501, %mul3A_504 : vector<16xi32>
        %add3A_506 = arith.addi %add3A_505, %shift_right_arithmetic3A_494 : vector<16xi32>
        %add3A_507 = arith.addi %add3A_450, %select_n3A_480 : vector<16xi32>
        %sub3A_508 = arith.constant 1 : i32
        %sub3A_509 = vector.broadcast %sub3A_508 : i32 to vector<16xi32>
        %sub3A_510 = arith.subi %add3A_507, %sub3A_509 : vector<16xi32>
        %gather3A_511 = tpu.vector_load_idx %arg5[%sub3A_510] : memref<25088xf32, #tpu.memory_space<vmem>>[vector<16xi32>], vector<16xf32>,
        %bitcast3A_512 = vector.bitcast %select_n3A_477 : vector<16xf32> to vector<16xi32>
        %lt3A_513 = arith.constant 0 : i32
        %lt3A_514 = vector.broadcast %lt3A_513 : i32 to vector<16xi32>
        %lt3A_515 = arith.cmpi slt, %bitcast3A_512, %lt3A_514 : vector<16xi32>
        %xor3A_516 = arith.constant 2147483647 : i32
        %xor3A_517 = vector.broadcast %xor3A_516 : i32 to vector<16xi32>
        %xor3A_518 = arith.xori %bitcast3A_512, %xor3A_517 : vector<16xi32>
        %select_n3A_519 = arith.select %lt3A_515, %xor3A_518, %bitcast3A_512 : vector<16xi1>, vector<16xi32>
        %mul3A_520 = arith.constant 112 : i32
        %mul3A_521 = arith.muli %add3A_266, %mul3A_520 : i32
        %add3A_522 = arith.constant 32 : i32
        %add3A_523 = arith.addi %mul3A_521, %add3A_522 : i32
        %swap3A_524 = arith.index_cast %add3A_523 : i32 to index
        %swap3A_525 = tpu.vector_load %arg9[%swap3A_524] {strides = array<i32>} : memref<12560xi32, #tpu.memory_space<vmem>>, vector<16xi32>,
        tpu.vector_store %arg9[%swap3A_524], %select_n3A_519 {strides = array<i32>} : memref<12560xi32, #tpu.memory_space<vmem>>, vector<16xi32>,
        %swap3A_526 = arith.index_cast %add3A_523 : i32 to index
        %swap3A_527 = tpu.vector_load %arg10[%swap3A_526] {strides = array<i32>} : memref<12560xi32, #tpu.memory_space<vmem>>, vector<16xi32>,
        tpu.vector_store %arg10[%swap3A_526], %add3A_506 {strides = array<i32>} : memref<12560xi32, #tpu.memory_space<vmem>>, vector<16xi32>,
        %swap3A_528 = arith.index_cast %add3A_523 : i32 to index
        %swap3A_529 = tpu.vector_load %arg11[%swap3A_528] {strides = array<i32>} : memref<12560xf32, #tpu.memory_space<vmem>>, vector<16xf32>,
        tpu.vector_store %arg11[%swap3A_528], %gather3A_511 {strides = array<i32>} : memref<12560xf32, #tpu.memory_space<vmem>>, vector<16xf32>,
        %max3A_530 = arith.maxsi %max3A_439, %select_n3A_519 : vector<16xi32>
        %add3A_531 = arith.constant 48 : i32
        %add3A_532 = vector.broadcast %add3A_531 : i32 to vector<16xi32>
        %add3A_533 = arith.addi %add3A_532, %iota3A : vector<16xi32>
        %mul3A_534 = arith.constant 4 : i32
        %mul3A_535 = vector.broadcast %mul3A_534 : i32 to vector<16xi32>
        %mul3A_536 = arith.muli %mul3A_535, %add3A_533 : vector<16xi32>
        %add3A_537 = vector.broadcast %mul3A_264 : i32 to vector<16xi32>
        %add3A_538 = arith.addi %add3A_537, %mul3A_536 : vector<16xi32>
        %add3A_539 = arith.constant 1 : i32
        %add3A_540 = vector.broadcast %add3A_539 : i32 to vector<16xi32>
        %add3A_541 = arith.addi %add3A_538, %add3A_540 : vector<16xi32>
        %gather3A_542 = tpu.vector_load_idx %arg5[%add3A_541] : memref<25088xf32, #tpu.memory_space<vmem>>[vector<16xi32>], vector<16xf32>,
        %add3A_543 = arith.constant 2 : i32
        %add3A_544 = vector.broadcast %add3A_543 : i32 to vector<16xi32>
        %add3A_545 = arith.addi %add3A_541, %add3A_544 : vector<16xi32>
        %gather3A_546 = tpu.vector_load_idx %arg5[%add3A_545] : memref<25088xf32, #tpu.memory_space<vmem>>[vector<16xi32>], vector<16xf32>,
        %add3A_547 = arith.constant 448 : i32
        %add3A_548 = vector.broadcast %add3A_547 : i32 to vector<16xi32>
        %add3A_549 = arith.addi %add3A_541, %add3A_548 : vector<16xi32>
        %gather3A_550 = tpu.vector_load_idx %arg5[%add3A_549] : memref<25088xf32, #tpu.memory_space<vmem>>[vector<16xi32>], vector<16xf32>,
        %add3A_551 = arith.constant 450 : i32
        %add3A_552 = vector.broadcast %add3A_551 : i32 to vector<16xi32>
        %add3A_553 = arith.addi %add3A_541, %add3A_552 : vector<16xi32>
        %gather3A_554 = tpu.vector_load_idx %arg5[%add3A_553] : memref<25088xf32, #tpu.memory_space<vmem>>[vector<16xi32>], vector<16xf32>,
        %broadcast_in_dim3A_555 = arith.constant 0 : i32
        %broadcast_in_dim3A_556 = vector.broadcast %broadcast_in_dim3A_555 : i32 to vector<16xi32>
        %gt3A_557 = arith.cmpf ogt, %gather3A_546, %gather3A_542 : vector<16xf32>
        %select_n3A_558 = arith.select %gt3A_557, %gather3A_546, %gather3A_542 : vector<16xi1>, vector<16xf32>
        %jit3A_559 = arith.constant 2 : i32
        %broadcast_in_dim3A_560 = vector.broadcast %jit3A_559 : i32 to vector<16xi32>
        %select_n3A_561 = arith.select %gt3A_557, %broadcast_in_dim3A_560, %broadcast_in_dim3A_556 : vector<16xi1>, vector<16xi32>
        %gt3A_562 = arith.cmpf ogt, %gather3A_550, %select_n3A_558 : vector<16xf32>
        %select_n3A_563 = arith.select %gt3A_562, %gather3A_550, %select_n3A_558 : vector<16xi1>, vector<16xf32>
        %jit3A_564 = arith.constant 448 : i32
        %broadcast_in_dim3A_565 = vector.broadcast %jit3A_564 : i32 to vector<16xi32>
        %select_n3A_566 = arith.select %gt3A_562, %broadcast_in_dim3A_565, %select_n3A_561 : vector<16xi1>, vector<16xi32>
        %gt3A_567 = arith.cmpf ogt, %gather3A_554, %select_n3A_563 : vector<16xf32>
        %select_n3A_568 = arith.select %gt3A_567, %gather3A_554, %select_n3A_563 : vector<16xi1>, vector<16xf32>
        %jit3A_569 = arith.constant 450 : i32
        %broadcast_in_dim3A_570 = vector.broadcast %jit3A_569 : i32 to vector<16xi32>
        %select_n3A_571 = arith.select %gt3A_567, %broadcast_in_dim3A_570, %select_n3A_566 : vector<16xi1>, vector<16xi32>
        %ge3A_572 = arith.constant 448 : i32
        %ge3A_573 = vector.broadcast %ge3A_572 : i32 to vector<16xi32>
        %ge3A_574 = arith.cmpi sge, %select_n3A_571, %ge3A_573 : vector<16xi32>
        %jit3A_575 = arith.constant 1 : i32
        %jit3A_576 = arith.constant 0 : i32
        %broadcast_in_dim3A_577 = vector.broadcast %jit3A_575 : i32 to vector<16xi32>
        %broadcast_in_dim3A_578 = vector.broadcast %jit3A_576 : i32 to vector<16xi32>
        %select_n3A_579 = arith.select %ge3A_574, %broadcast_in_dim3A_577, %broadcast_in_dim3A_578 : vector<16xi1>, vector<16xi32>
        %and3A_580 = arith.constant 2 : i32
        %and3A_581 = vector.broadcast %and3A_580 : i32 to vector<16xi32>
        %and3A_582 = arith.andi %select_n3A_571, %and3A_581 : vector<16xi32>
        %shift_right_arithmetic3A_583 = arith.constant 1 : i32
        %shift_right_arithmetic3A_584 = vector.broadcast %shift_right_arithmetic3A_583 : i32 to vector<16xi32>
        %shift_right_arithmetic3A_585 = arith.shrsi %and3A_582, %shift_right_arithmetic3A_584 : vector<16xi32>
        %mul3A_586 = arith.constant 2 : i32
        %mul3A_587 = arith.muli %mul3A_586, %add3A_266 : i32
        %add3A_588 = vector.broadcast %mul3A_587 : i32 to vector<16xi32>
        %add3A_589 = arith.addi %add3A_588, %select_n3A_579 : vector<16xi32>
        %mul3A_590 = arith.constant 224 : i32
        %mul3A_591 = vector.broadcast %mul3A_590 : i32 to vector<16xi32>
        %mul3A_592 = arith.muli %add3A_589, %mul3A_591 : vector<16xi32>
        %mul3A_593 = arith.constant 2 : i32
        %mul3A_594 = vector.broadcast %mul3A_593 : i32 to vector<16xi32>
        %mul3A_595 = arith.muli %mul3A_594, %add3A_533 : vector<16xi32>
        %add3A_596 = arith.addi %mul3A_592, %mul3A_595 : vector<16xi32>
        %add3A_597 = arith.addi %add3A_596, %shift_right_arithmetic3A_585 : vector<16xi32>
        %add3A_598 = arith.addi %add3A_541, %select_n3A_571 : vector<16xi32>
        %sub3A_599 = arith.constant 1 : i32
        %sub3A_600 = vector.broadcast %sub3A_599 : i32 to vector<16xi32>
        %sub3A_601 = arith.subi %add3A_598, %sub3A_600 : vector<16xi32>
        %gather3A_602 = tpu.vector_load_idx %arg5[%sub3A_601] : memref<25088xf32, #tpu.memory_space<vmem>>[vector<16xi32>], vector<16xf32>,
        %bitcast3A_603 = vector.bitcast %select_n3A_568 : vector<16xf32> to vector<16xi32>
        %lt3A_604 = arith.constant 0 : i32
        %lt3A_605 = vector.broadcast %lt3A_604 : i32 to vector<16xi32>
        %lt3A_606 = arith.cmpi slt, %bitcast3A_603, %lt3A_605 : vector<16xi32>
        %xor3A_607 = arith.constant 2147483647 : i32
        %xor3A_608 = vector.broadcast %xor3A_607 : i32 to vector<16xi32>
        %xor3A_609 = arith.xori %bitcast3A_603, %xor3A_608 : vector<16xi32>
        %select_n3A_610 = arith.select %lt3A_606, %xor3A_609, %bitcast3A_603 : vector<16xi1>, vector<16xi32>
        %mul3A_611 = arith.constant 112 : i32
        %mul3A_612 = arith.muli %add3A_266, %mul3A_611 : i32
        %add3A_613 = arith.constant 48 : i32
        %add3A_614 = arith.addi %mul3A_612, %add3A_613 : i32
        %swap3A_615 = arith.index_cast %add3A_614 : i32 to index
        %swap3A_616 = tpu.vector_load %arg9[%swap3A_615] {strides = array<i32>} : memref<12560xi32, #tpu.memory_space<vmem>>, vector<16xi32>,
        tpu.vector_store %arg9[%swap3A_615], %select_n3A_610 {strides = array<i32>} : memref<12560xi32, #tpu.memory_space<vmem>>, vector<16xi32>,
        %swap3A_617 = arith.index_cast %add3A_614 : i32 to index
        %swap3A_618 = tpu.vector_load %arg10[%swap3A_617] {strides = array<i32>} : memref<12560xi32, #tpu.memory_space<vmem>>, vector<16xi32>,
        tpu.vector_store %arg10[%swap3A_617], %add3A_597 {strides = array<i32>} : memref<12560xi32, #tpu.memory_space<vmem>>, vector<16xi32>,
        %swap3A_619 = arith.index_cast %add3A_614 : i32 to index
        %swap3A_620 = tpu.vector_load %arg11[%swap3A_619] {strides = array<i32>} : memref<12560xf32, #tpu.memory_space<vmem>>, vector<16xf32>,
        tpu.vector_store %arg11[%swap3A_619], %gather3A_602 {strides = array<i32>} : memref<12560xf32, #tpu.memory_space<vmem>>, vector<16xf32>,
        %max3A_621 = arith.maxsi %max3A_530, %select_n3A_610 : vector<16xi32>
        %add3A_622 = arith.constant 64 : i32
        %add3A_623 = vector.broadcast %add3A_622 : i32 to vector<16xi32>
        %add3A_624 = arith.addi %add3A_623, %iota3A : vector<16xi32>
        %mul3A_625 = arith.constant 4 : i32
        %mul3A_626 = vector.broadcast %mul3A_625 : i32 to vector<16xi32>
        %mul3A_627 = arith.muli %mul3A_626, %add3A_624 : vector<16xi32>
        %add3A_628 = vector.broadcast %mul3A_264 : i32 to vector<16xi32>
        %add3A_629 = arith.addi %add3A_628, %mul3A_627 : vector<16xi32>
        %add3A_630 = arith.constant 1 : i32
        %add3A_631 = vector.broadcast %add3A_630 : i32 to vector<16xi32>
        %add3A_632 = arith.addi %add3A_629, %add3A_631 : vector<16xi32>
        %gather3A_633 = tpu.vector_load_idx %arg5[%add3A_632] : memref<25088xf32, #tpu.memory_space<vmem>>[vector<16xi32>], vector<16xf32>,
        %add3A_634 = arith.constant 2 : i32
        %add3A_635 = vector.broadcast %add3A_634 : i32 to vector<16xi32>
        %add3A_636 = arith.addi %add3A_632, %add3A_635 : vector<16xi32>
        %gather3A_637 = tpu.vector_load_idx %arg5[%add3A_636] : memref<25088xf32, #tpu.memory_space<vmem>>[vector<16xi32>], vector<16xf32>,
        %add3A_638 = arith.constant 448 : i32
        %add3A_639 = vector.broadcast %add3A_638 : i32 to vector<16xi32>
        %add3A_640 = arith.addi %add3A_632, %add3A_639 : vector<16xi32>
        %gather3A_641 = tpu.vector_load_idx %arg5[%add3A_640] : memref<25088xf32, #tpu.memory_space<vmem>>[vector<16xi32>], vector<16xf32>,
        %add3A_642 = arith.constant 450 : i32
        %add3A_643 = vector.broadcast %add3A_642 : i32 to vector<16xi32>
        %add3A_644 = arith.addi %add3A_632, %add3A_643 : vector<16xi32>
        %gather3A_645 = tpu.vector_load_idx %arg5[%add3A_644] : memref<25088xf32, #tpu.memory_space<vmem>>[vector<16xi32>], vector<16xf32>,
        %broadcast_in_dim3A_646 = arith.constant 0 : i32
        %broadcast_in_dim3A_647 = vector.broadcast %broadcast_in_dim3A_646 : i32 to vector<16xi32>
        %gt3A_648 = arith.cmpf ogt, %gather3A_637, %gather3A_633 : vector<16xf32>
        %select_n3A_649 = arith.select %gt3A_648, %gather3A_637, %gather3A_633 : vector<16xi1>, vector<16xf32>
        %jit3A_650 = arith.constant 2 : i32
        %broadcast_in_dim3A_651 = vector.broadcast %jit3A_650 : i32 to vector<16xi32>
        %select_n3A_652 = arith.select %gt3A_648, %broadcast_in_dim3A_651, %broadcast_in_dim3A_647 : vector<16xi1>, vector<16xi32>
        %gt3A_653 = arith.cmpf ogt, %gather3A_641, %select_n3A_649 : vector<16xf32>
        %select_n3A_654 = arith.select %gt3A_653, %gather3A_641, %select_n3A_649 : vector<16xi1>, vector<16xf32>
        %jit3A_655 = arith.constant 448 : i32
        %broadcast_in_dim3A_656 = vector.broadcast %jit3A_655 : i32 to vector<16xi32>
        %select_n3A_657 = arith.select %gt3A_653, %broadcast_in_dim3A_656, %select_n3A_652 : vector<16xi1>, vector<16xi32>
        %gt3A_658 = arith.cmpf ogt, %gather3A_645, %select_n3A_654 : vector<16xf32>
        %select_n3A_659 = arith.select %gt3A_658, %gather3A_645, %select_n3A_654 : vector<16xi1>, vector<16xf32>
        %jit3A_660 = arith.constant 450 : i32
        %broadcast_in_dim3A_661 = vector.broadcast %jit3A_660 : i32 to vector<16xi32>
        %select_n3A_662 = arith.select %gt3A_658, %broadcast_in_dim3A_661, %select_n3A_657 : vector<16xi1>, vector<16xi32>
        %ge3A_663 = arith.constant 448 : i32
        %ge3A_664 = vector.broadcast %ge3A_663 : i32 to vector<16xi32>
        %ge3A_665 = arith.cmpi sge, %select_n3A_662, %ge3A_664 : vector<16xi32>
        %jit3A_666 = arith.constant 1 : i32
        %jit3A_667 = arith.constant 0 : i32
        %broadcast_in_dim3A_668 = vector.broadcast %jit3A_666 : i32 to vector<16xi32>
        %broadcast_in_dim3A_669 = vector.broadcast %jit3A_667 : i32 to vector<16xi32>
        %select_n3A_670 = arith.select %ge3A_665, %broadcast_in_dim3A_668, %broadcast_in_dim3A_669 : vector<16xi1>, vector<16xi32>
        %and3A_671 = arith.constant 2 : i32
        %and3A_672 = vector.broadcast %and3A_671 : i32 to vector<16xi32>
        %and3A_673 = arith.andi %select_n3A_662, %and3A_672 : vector<16xi32>
        %shift_right_arithmetic3A_674 = arith.constant 1 : i32
        %shift_right_arithmetic3A_675 = vector.broadcast %shift_right_arithmetic3A_674 : i32 to vector<16xi32>
        %shift_right_arithmetic3A_676 = arith.shrsi %and3A_673, %shift_right_arithmetic3A_675 : vector<16xi32>
        %mul3A_677 = arith.constant 2 : i32
        %mul3A_678 = arith.muli %mul3A_677, %add3A_266 : i32
        %add3A_679 = vector.broadcast %mul3A_678 : i32 to vector<16xi32>
        %add3A_680 = arith.addi %add3A_679, %select_n3A_670 : vector<16xi32>
        %mul3A_681 = arith.constant 224 : i32
        %mul3A_682 = vector.broadcast %mul3A_681 : i32 to vector<16xi32>
        %mul3A_683 = arith.muli %add3A_680, %mul3A_682 : vector<16xi32>
        %mul3A_684 = arith.constant 2 : i32
        %mul3A_685 = vector.broadcast %mul3A_684 : i32 to vector<16xi32>
        %mul3A_686 = arith.muli %mul3A_685, %add3A_624 : vector<16xi32>
        %add3A_687 = arith.addi %mul3A_683, %mul3A_686 : vector<16xi32>
        %add3A_688 = arith.addi %add3A_687, %shift_right_arithmetic3A_676 : vector<16xi32>
        %add3A_689 = arith.addi %add3A_632, %select_n3A_662 : vector<16xi32>
        %sub3A_690 = arith.constant 1 : i32
        %sub3A_691 = vector.broadcast %sub3A_690 : i32 to vector<16xi32>
        %sub3A_692 = arith.subi %add3A_689, %sub3A_691 : vector<16xi32>
        %gather3A_693 = tpu.vector_load_idx %arg5[%sub3A_692] : memref<25088xf32, #tpu.memory_space<vmem>>[vector<16xi32>], vector<16xf32>,
        %bitcast3A_694 = vector.bitcast %select_n3A_659 : vector<16xf32> to vector<16xi32>
        %lt3A_695 = arith.constant 0 : i32
        %lt3A_696 = vector.broadcast %lt3A_695 : i32 to vector<16xi32>
        %lt3A_697 = arith.cmpi slt, %bitcast3A_694, %lt3A_696 : vector<16xi32>
        %xor3A_698 = arith.constant 2147483647 : i32
        %xor3A_699 = vector.broadcast %xor3A_698 : i32 to vector<16xi32>
        %xor3A_700 = arith.xori %bitcast3A_694, %xor3A_699 : vector<16xi32>
        %select_n3A_701 = arith.select %lt3A_697, %xor3A_700, %bitcast3A_694 : vector<16xi1>, vector<16xi32>
        %mul3A_702 = arith.constant 112 : i32
        %mul3A_703 = arith.muli %add3A_266, %mul3A_702 : i32
        %add3A_704 = arith.constant 64 : i32
        %add3A_705 = arith.addi %mul3A_703, %add3A_704 : i32
        %swap3A_706 = arith.index_cast %add3A_705 : i32 to index
        %swap3A_707 = tpu.vector_load %arg9[%swap3A_706] {strides = array<i32>} : memref<12560xi32, #tpu.memory_space<vmem>>, vector<16xi32>,
        tpu.vector_store %arg9[%swap3A_706], %select_n3A_701 {strides = array<i32>} : memref<12560xi32, #tpu.memory_space<vmem>>, vector<16xi32>,
        %swap3A_708 = arith.index_cast %add3A_705 : i32 to index
        %swap3A_709 = tpu.vector_load %arg10[%swap3A_708] {strides = array<i32>} : memref<12560xi32, #tpu.memory_space<vmem>>, vector<16xi32>,
        tpu.vector_store %arg10[%swap3A_708], %add3A_688 {strides = array<i32>} : memref<12560xi32, #tpu.memory_space<vmem>>, vector<16xi32>,
        %swap3A_710 = arith.index_cast %add3A_705 : i32 to index
        %swap3A_711 = tpu.vector_load %arg11[%swap3A_710] {strides = array<i32>} : memref<12560xf32, #tpu.memory_space<vmem>>, vector<16xf32>,
        tpu.vector_store %arg11[%swap3A_710], %gather3A_693 {strides = array<i32>} : memref<12560xf32, #tpu.memory_space<vmem>>, vector<16xf32>,
        %max3A_712 = arith.maxsi %max3A_621, %select_n3A_701 : vector<16xi32>
        %add3A_713 = arith.constant 80 : i32
        %add3A_714 = vector.broadcast %add3A_713 : i32 to vector<16xi32>
        %add3A_715 = arith.addi %add3A_714, %iota3A : vector<16xi32>
        %mul3A_716 = arith.constant 4 : i32
        %mul3A_717 = vector.broadcast %mul3A_716 : i32 to vector<16xi32>
        %mul3A_718 = arith.muli %mul3A_717, %add3A_715 : vector<16xi32>
        %add3A_719 = vector.broadcast %mul3A_264 : i32 to vector<16xi32>
        %add3A_720 = arith.addi %add3A_719, %mul3A_718 : vector<16xi32>
        %add3A_721 = arith.constant 1 : i32
        %add3A_722 = vector.broadcast %add3A_721 : i32 to vector<16xi32>
        %add3A_723 = arith.addi %add3A_720, %add3A_722 : vector<16xi32>
        %gather3A_724 = tpu.vector_load_idx %arg5[%add3A_723] : memref<25088xf32, #tpu.memory_space<vmem>>[vector<16xi32>], vector<16xf32>,
        %add3A_725 = arith.constant 2 : i32
        %add3A_726 = vector.broadcast %add3A_725 : i32 to vector<16xi32>
        %add3A_727 = arith.addi %add3A_723, %add3A_726 : vector<16xi32>
        %gather3A_728 = tpu.vector_load_idx %arg5[%add3A_727] : memref<25088xf32, #tpu.memory_space<vmem>>[vector<16xi32>], vector<16xf32>,
        %add3A_729 = arith.constant 448 : i32
        %add3A_730 = vector.broadcast %add3A_729 : i32 to vector<16xi32>
        %add3A_731 = arith.addi %add3A_723, %add3A_730 : vector<16xi32>
        %gather3A_732 = tpu.vector_load_idx %arg5[%add3A_731] : memref<25088xf32, #tpu.memory_space<vmem>>[vector<16xi32>], vector<16xf32>,
        %add3A_733 = arith.constant 450 : i32
        %add3A_734 = vector.broadcast %add3A_733 : i32 to vector<16xi32>
        %add3A_735 = arith.addi %add3A_723, %add3A_734 : vector<16xi32>
        %gather3A_736 = tpu.vector_load_idx %arg5[%add3A_735] : memref<25088xf32, #tpu.memory_space<vmem>>[vector<16xi32>], vector<16xf32>,
        %broadcast_in_dim3A_737 = arith.constant 0 : i32
        %broadcast_in_dim3A_738 = vector.broadcast %broadcast_in_dim3A_737 : i32 to vector<16xi32>
        %gt3A_739 = arith.cmpf ogt, %gather3A_728, %gather3A_724 : vector<16xf32>
        %select_n3A_740 = arith.select %gt3A_739, %gather3A_728, %gather3A_724 : vector<16xi1>, vector<16xf32>
        %jit3A_741 = arith.constant 2 : i32
        %broadcast_in_dim3A_742 = vector.broadcast %jit3A_741 : i32 to vector<16xi32>
        %select_n3A_743 = arith.select %gt3A_739, %broadcast_in_dim3A_742, %broadcast_in_dim3A_738 : vector<16xi1>, vector<16xi32>
        %gt3A_744 = arith.cmpf ogt, %gather3A_732, %select_n3A_740 : vector<16xf32>
        %select_n3A_745 = arith.select %gt3A_744, %gather3A_732, %select_n3A_740 : vector<16xi1>, vector<16xf32>
        %jit3A_746 = arith.constant 448 : i32
        %broadcast_in_dim3A_747 = vector.broadcast %jit3A_746 : i32 to vector<16xi32>
        %select_n3A_748 = arith.select %gt3A_744, %broadcast_in_dim3A_747, %select_n3A_743 : vector<16xi1>, vector<16xi32>
        %gt3A_749 = arith.cmpf ogt, %gather3A_736, %select_n3A_745 : vector<16xf32>
        %select_n3A_750 = arith.select %gt3A_749, %gather3A_736, %select_n3A_745 : vector<16xi1>, vector<16xf32>
        %jit3A_751 = arith.constant 450 : i32
        %broadcast_in_dim3A_752 = vector.broadcast %jit3A_751 : i32 to vector<16xi32>
        %select_n3A_753 = arith.select %gt3A_749, %broadcast_in_dim3A_752, %select_n3A_748 : vector<16xi1>, vector<16xi32>
        %ge3A_754 = arith.constant 448 : i32
        %ge3A_755 = vector.broadcast %ge3A_754 : i32 to vector<16xi32>
        %ge3A_756 = arith.cmpi sge, %select_n3A_753, %ge3A_755 : vector<16xi32>
        %jit3A_757 = arith.constant 1 : i32
        %jit3A_758 = arith.constant 0 : i32
        %broadcast_in_dim3A_759 = vector.broadcast %jit3A_757 : i32 to vector<16xi32>
        %broadcast_in_dim3A_760 = vector.broadcast %jit3A_758 : i32 to vector<16xi32>
        %select_n3A_761 = arith.select %ge3A_756, %broadcast_in_dim3A_759, %broadcast_in_dim3A_760 : vector<16xi1>, vector<16xi32>
        %and3A_762 = arith.constant 2 : i32
        %and3A_763 = vector.broadcast %and3A_762 : i32 to vector<16xi32>
        %and3A_764 = arith.andi %select_n3A_753, %and3A_763 : vector<16xi32>
        %shift_right_arithmetic3A_765 = arith.constant 1 : i32
        %shift_right_arithmetic3A_766 = vector.broadcast %shift_right_arithmetic3A_765 : i32 to vector<16xi32>
        %shift_right_arithmetic3A_767 = arith.shrsi %and3A_764, %shift_right_arithmetic3A_766 : vector<16xi32>
        %mul3A_768 = arith.constant 2 : i32
        %mul3A_769 = arith.muli %mul3A_768, %add3A_266 : i32
        %add3A_770 = vector.broadcast %mul3A_769 : i32 to vector<16xi32>
        %add3A_771 = arith.addi %add3A_770, %select_n3A_761 : vector<16xi32>
        %mul3A_772 = arith.constant 224 : i32
        %mul3A_773 = vector.broadcast %mul3A_772 : i32 to vector<16xi32>
        %mul3A_774 = arith.muli %add3A_771, %mul3A_773 : vector<16xi32>
        %mul3A_775 = arith.constant 2 : i32
        %mul3A_776 = vector.broadcast %mul3A_775 : i32 to vector<16xi32>
        %mul3A_777 = arith.muli %mul3A_776, %add3A_715 : vector<16xi32>
        %add3A_778 = arith.addi %mul3A_774, %mul3A_777 : vector<16xi32>
        %add3A_779 = arith.addi %add3A_778, %shift_right_arithmetic3A_767 : vector<16xi32>
        %add3A_780 = arith.addi %add3A_723, %select_n3A_753 : vector<16xi32>
        %sub3A_781 = arith.constant 1 : i32
        %sub3A_782 = vector.broadcast %sub3A_781 : i32 to vector<16xi32>
        %sub3A_783 = arith.subi %add3A_780, %sub3A_782 : vector<16xi32>
        %gather3A_784 = tpu.vector_load_idx %arg5[%sub3A_783] : memref<25088xf32, #tpu.memory_space<vmem>>[vector<16xi32>], vector<16xf32>,
        %bitcast3A_785 = vector.bitcast %select_n3A_750 : vector<16xf32> to vector<16xi32>
        %lt3A_786 = arith.constant 0 : i32
        %lt3A_787 = vector.broadcast %lt3A_786 : i32 to vector<16xi32>
        %lt3A_788 = arith.cmpi slt, %bitcast3A_785, %lt3A_787 : vector<16xi32>
        %xor3A_789 = arith.constant 2147483647 : i32
        %xor3A_790 = vector.broadcast %xor3A_789 : i32 to vector<16xi32>
        %xor3A_791 = arith.xori %bitcast3A_785, %xor3A_790 : vector<16xi32>
        %select_n3A_792 = arith.select %lt3A_788, %xor3A_791, %bitcast3A_785 : vector<16xi1>, vector<16xi32>
        %mul3A_793 = arith.constant 112 : i32
        %mul3A_794 = arith.muli %add3A_266, %mul3A_793 : i32
        %add3A_795 = arith.constant 80 : i32
        %add3A_796 = arith.addi %mul3A_794, %add3A_795 : i32
        %swap3A_797 = arith.index_cast %add3A_796 : i32 to index
        %swap3A_798 = tpu.vector_load %arg9[%swap3A_797] {strides = array<i32>} : memref<12560xi32, #tpu.memory_space<vmem>>, vector<16xi32>,
        tpu.vector_store %arg9[%swap3A_797], %select_n3A_792 {strides = array<i32>} : memref<12560xi32, #tpu.memory_space<vmem>>, vector<16xi32>,
        %swap3A_799 = arith.index_cast %add3A_796 : i32 to index
        %swap3A_800 = tpu.vector_load %arg10[%swap3A_799] {strides = array<i32>} : memref<12560xi32, #tpu.memory_space<vmem>>, vector<16xi32>,
        tpu.vector_store %arg10[%swap3A_799], %add3A_779 {strides = array<i32>} : memref<12560xi32, #tpu.memory_space<vmem>>, vector<16xi32>,
        %swap3A_801 = arith.index_cast %add3A_796 : i32 to index
        %swap3A_802 = tpu.vector_load %arg11[%swap3A_801] {strides = array<i32>} : memref<12560xf32, #tpu.memory_space<vmem>>, vector<16xf32>,
        tpu.vector_store %arg11[%swap3A_801], %gather3A_784 {strides = array<i32>} : memref<12560xf32, #tpu.memory_space<vmem>>, vector<16xf32>,
        %max3A_803 = arith.maxsi %max3A_712, %select_n3A_792 : vector<16xi32>
        %add3A_804 = arith.constant 96 : i32
        %add3A_805 = vector.broadcast %add3A_804 : i32 to vector<16xi32>
        %add3A_806 = arith.addi %add3A_805, %iota3A : vector<16xi32>
        %mul3A_807 = arith.constant 4 : i32
        %mul3A_808 = vector.broadcast %mul3A_807 : i32 to vector<16xi32>
        %mul3A_809 = arith.muli %mul3A_808, %add3A_806 : vector<16xi32>
        %add3A_810 = vector.broadcast %mul3A_264 : i32 to vector<16xi32>
        %add3A_811 = arith.addi %add3A_810, %mul3A_809 : vector<16xi32>
        %add3A_812 = arith.constant 1 : i32
        %add3A_813 = vector.broadcast %add3A_812 : i32 to vector<16xi32>
        %add3A_814 = arith.addi %add3A_811, %add3A_813 : vector<16xi32>
        %gather3A_815 = tpu.vector_load_idx %arg5[%add3A_814] : memref<25088xf32, #tpu.memory_space<vmem>>[vector<16xi32>], vector<16xf32>,
        %add3A_816 = arith.constant 2 : i32
        %add3A_817 = vector.broadcast %add3A_816 : i32 to vector<16xi32>
        %add3A_818 = arith.addi %add3A_814, %add3A_817 : vector<16xi32>
        %gather3A_819 = tpu.vector_load_idx %arg5[%add3A_818] : memref<25088xf32, #tpu.memory_space<vmem>>[vector<16xi32>], vector<16xf32>,
        %add3A_820 = arith.constant 448 : i32
        %add3A_821 = vector.broadcast %add3A_820 : i32 to vector<16xi32>
        %add3A_822 = arith.addi %add3A_814, %add3A_821 : vector<16xi32>
        %gather3A_823 = tpu.vector_load_idx %arg5[%add3A_822] : memref<25088xf32, #tpu.memory_space<vmem>>[vector<16xi32>], vector<16xf32>,
        %add3A_824 = arith.constant 450 : i32
        %add3A_825 = vector.broadcast %add3A_824 : i32 to vector<16xi32>
        %add3A_826 = arith.addi %add3A_814, %add3A_825 : vector<16xi32>
        %gather3A_827 = tpu.vector_load_idx %arg5[%add3A_826] : memref<25088xf32, #tpu.memory_space<vmem>>[vector<16xi32>], vector<16xf32>,
        %broadcast_in_dim3A_828 = arith.constant 0 : i32
        %broadcast_in_dim3A_829 = vector.broadcast %broadcast_in_dim3A_828 : i32 to vector<16xi32>
        %gt3A_830 = arith.cmpf ogt, %gather3A_819, %gather3A_815 : vector<16xf32>
        %select_n3A_831 = arith.select %gt3A_830, %gather3A_819, %gather3A_815 : vector<16xi1>, vector<16xf32>
        %jit3A_832 = arith.constant 2 : i32
        %broadcast_in_dim3A_833 = vector.broadcast %jit3A_832 : i32 to vector<16xi32>
        %select_n3A_834 = arith.select %gt3A_830, %broadcast_in_dim3A_833, %broadcast_in_dim3A_829 : vector<16xi1>, vector<16xi32>
        %gt3A_835 = arith.cmpf ogt, %gather3A_823, %select_n3A_831 : vector<16xf32>
        %select_n3A_836 = arith.select %gt3A_835, %gather3A_823, %select_n3A_831 : vector<16xi1>, vector<16xf32>
        %jit3A_837 = arith.constant 448 : i32
        %broadcast_in_dim3A_838 = vector.broadcast %jit3A_837 : i32 to vector<16xi32>
        %select_n3A_839 = arith.select %gt3A_835, %broadcast_in_dim3A_838, %select_n3A_834 : vector<16xi1>, vector<16xi32>
        %gt3A_840 = arith.cmpf ogt, %gather3A_827, %select_n3A_836 : vector<16xf32>
        %select_n3A_841 = arith.select %gt3A_840, %gather3A_827, %select_n3A_836 : vector<16xi1>, vector<16xf32>
        %jit3A_842 = arith.constant 450 : i32
        %broadcast_in_dim3A_843 = vector.broadcast %jit3A_842 : i32 to vector<16xi32>
        %select_n3A_844 = arith.select %gt3A_840, %broadcast_in_dim3A_843, %select_n3A_839 : vector<16xi1>, vector<16xi32>
        %ge3A_845 = arith.constant 448 : i32
        %ge3A_846 = vector.broadcast %ge3A_845 : i32 to vector<16xi32>
        %ge3A_847 = arith.cmpi sge, %select_n3A_844, %ge3A_846 : vector<16xi32>
        %jit3A_848 = arith.constant 1 : i32
        %jit3A_849 = arith.constant 0 : i32
        %broadcast_in_dim3A_850 = vector.broadcast %jit3A_848 : i32 to vector<16xi32>
        %broadcast_in_dim3A_851 = vector.broadcast %jit3A_849 : i32 to vector<16xi32>
        %select_n3A_852 = arith.select %ge3A_847, %broadcast_in_dim3A_850, %broadcast_in_dim3A_851 : vector<16xi1>, vector<16xi32>
        %and3A_853 = arith.constant 2 : i32
        %and3A_854 = vector.broadcast %and3A_853 : i32 to vector<16xi32>
        %and3A_855 = arith.andi %select_n3A_844, %and3A_854 : vector<16xi32>
        %shift_right_arithmetic3A_856 = arith.constant 1 : i32
        %shift_right_arithmetic3A_857 = vector.broadcast %shift_right_arithmetic3A_856 : i32 to vector<16xi32>
        %shift_right_arithmetic3A_858 = arith.shrsi %and3A_855, %shift_right_arithmetic3A_857 : vector<16xi32>
        %mul3A_859 = arith.constant 2 : i32
        %mul3A_860 = arith.muli %mul3A_859, %add3A_266 : i32
        %add3A_861 = vector.broadcast %mul3A_860 : i32 to vector<16xi32>
        %add3A_862 = arith.addi %add3A_861, %select_n3A_852 : vector<16xi32>
        %mul3A_863 = arith.constant 224 : i32
        %mul3A_864 = vector.broadcast %mul3A_863 : i32 to vector<16xi32>
        %mul3A_865 = arith.muli %add3A_862, %mul3A_864 : vector<16xi32>
        %mul3A_866 = arith.constant 2 : i32
        %mul3A_867 = vector.broadcast %mul3A_866 : i32 to vector<16xi32>
        %mul3A_868 = arith.muli %mul3A_867, %add3A_806 : vector<16xi32>
        %add3A_869 = arith.addi %mul3A_865, %mul3A_868 : vector<16xi32>
        %add3A_870 = arith.addi %add3A_869, %shift_right_arithmetic3A_858 : vector<16xi32>
        %add3A_871 = arith.addi %add3A_814, %select_n3A_844 : vector<16xi32>
        %sub3A_872 = arith.constant 1 : i32
        %sub3A_873 = vector.broadcast %sub3A_872 : i32 to vector<16xi32>
        %sub3A_874 = arith.subi %add3A_871, %sub3A_873 : vector<16xi32>
        %gather3A_875 = tpu.vector_load_idx %arg5[%sub3A_874] : memref<25088xf32, #tpu.memory_space<vmem>>[vector<16xi32>], vector<16xf32>,
        %bitcast3A_876 = vector.bitcast %select_n3A_841 : vector<16xf32> to vector<16xi32>
        %lt3A_877 = arith.constant 0 : i32
        %lt3A_878 = vector.broadcast %lt3A_877 : i32 to vector<16xi32>
        %lt3A_879 = arith.cmpi slt, %bitcast3A_876, %lt3A_878 : vector<16xi32>
        %xor3A_880 = arith.constant 2147483647 : i32
        %xor3A_881 = vector.broadcast %xor3A_880 : i32 to vector<16xi32>
        %xor3A_882 = arith.xori %bitcast3A_876, %xor3A_881 : vector<16xi32>
        %select_n3A_883 = arith.select %lt3A_879, %xor3A_882, %bitcast3A_876 : vector<16xi1>, vector<16xi32>
        %mul3A_884 = arith.constant 112 : i32
        %mul3A_885 = arith.muli %add3A_266, %mul3A_884 : i32
        %add3A_886 = arith.constant 96 : i32
        %add3A_887 = arith.addi %mul3A_885, %add3A_886 : i32
        %swap3A_888 = arith.index_cast %add3A_887 : i32 to index
        %swap3A_889 = tpu.vector_load %arg9[%swap3A_888] {strides = array<i32>} : memref<12560xi32, #tpu.memory_space<vmem>>, vector<16xi32>,
        tpu.vector_store %arg9[%swap3A_888], %select_n3A_883 {strides = array<i32>} : memref<12560xi32, #tpu.memory_space<vmem>>, vector<16xi32>,
        %swap3A_890 = arith.index_cast %add3A_887 : i32 to index
        %swap3A_891 = tpu.vector_load %arg10[%swap3A_890] {strides = array<i32>} : memref<12560xi32, #tpu.memory_space<vmem>>, vector<16xi32>,
        tpu.vector_store %arg10[%swap3A_890], %add3A_870 {strides = array<i32>} : memref<12560xi32, #tpu.memory_space<vmem>>, vector<16xi32>,
        %swap3A_892 = arith.index_cast %add3A_887 : i32 to index
        %swap3A_893 = tpu.vector_load %arg11[%swap3A_892] {strides = array<i32>} : memref<12560xf32, #tpu.memory_space<vmem>>, vector<16xf32>,
        tpu.vector_store %arg11[%swap3A_892], %gather3A_875 {strides = array<i32>} : memref<12560xf32, #tpu.memory_space<vmem>>, vector<16xf32>,
        %max3A_894 = arith.maxsi %max3A_803, %select_n3A_883 : vector<16xi32>
        %reduce_max3A = arith.constant true
        %reduce_max3A_895 = vector.broadcast %reduce_max3A : i1 to vector<16xi1>
        %reduce_max3A_896 = arith.constant -2147483648 : i32
        %reduce_max3A_897 = vector.broadcast %reduce_max3A_896 : i32 to vector<16xi32>
        %reduce_max3A_898 = arith.xori %max3A_894, %reduce_max3A_897 : vector<16xi32>
        %reduce_max3A_899 = tpu.scan <max>, %reduce_max3A_898 masked %reduce_max3A_895 : vector<16xi32>, vector<16xi1> -> vector<16xi32>
        %reduce_max3A_900 = arith.xori %reduce_max3A_899, %reduce_max3A_897 : vector<16xi32>
        %reduce_max3A_901 = vector.extract %reduce_max3A_900[15] : i32 from vector<16xi32>
        %and3A_902 = arith.constant 15 : i32
        %and3A_903 = arith.andi %add3A_266, %and3A_902 : i32
        %eq3A = vector.broadcast %and3A_903 : i32 to vector<16xi32>
        %eq3A_904 = arith.cmpi eq, %iota3A, %eq3A : vector<16xi32>
        %broadcast_in_dim3A_905 = arith.constant 0 : i32
        %broadcast_in_dim3A_906 = vector.broadcast %broadcast_in_dim3A_905 : i32 to vector<16xi32>
        %add3A_907 = vector.broadcast %reduce_max3A_901 : i32 to vector<16xi32>
        %add3A_908 = arith.addi %broadcast_in_dim3A_906, %add3A_907 : vector<16xi32>
        %select_n3A_909 = arith.select %eq3A_904, %add3A_908, %scan3A_262 : vector<16xi1>, vector<16xi32>
        %shift_right_arithmetic3A_910 = arith.constant 4 : i32
        %shift_right_arithmetic3A_911 = arith.shrsi %add3A_266, %shift_right_arithmetic3A_910 : i32
        %mul3A_912 = arith.constant 16 : i32
        %mul3A_913 = arith.muli %shift_right_arithmetic3A_911, %mul3A_912 : i32
        %swap3A_914 = arith.index_cast %mul3A_913 : i32 to index
        %swap3A_915 = tpu.vector_load %arg12[%swap3A_914] {strides = array<i32>} : memref<112xi32, #tpu.memory_space<vmem>>, vector<16xi32>,
        tpu.vector_store %arg12[%swap3A_914], %select_n3A_909 {strides = array<i32>} : memref<112xi32, #tpu.memory_space<vmem>>, vector<16xi32>,
        scf.yield %select_n3A_909 : vector<16xi32>
      }
      %scan3A_130 = arith.constant 28 : i32
      %dma_wait3A_131 = arith.constant 25088 : i32
      %dma_wait3A_132 = tpu.memref_slice %arg2[%add3A_108, %dma_wait3A_131] : memref<768x100352xf32, #tpu.memory_space<hbm>> -> memref<1x25088xf32, #tpu.memory_space<hbm>>
      %dma_wait3A_133 = tpu.memref_squeeze %dma_wait3A_132 : memref<1x25088xf32, #tpu.memory_space<hbm>> -> memref<25088xf32, #tpu.memory_space<hbm>>
      %dma_wait3A_134 = arith.constant 25088 : i32
      %dma_wait3A_135 = tpu.memref_slice %arg2[%add3A_108, %dma_wait3A_134] : memref<768x100352xf32, #tpu.memory_space<hbm>> -> memref<1x25088xf32, #tpu.memory_space<hbm>>
      %dma_wait3A_136 = tpu.memref_squeeze %dma_wait3A_135 : memref<1x25088xf32, #tpu.memory_space<hbm>> -> memref<25088xf32, #tpu.memory_space<hbm>>
      tpu.wait_dma2 semaphore(%arg8 : memref<!tpu.dma_semaphore, #tpu.memory_space<semaphore_mem>>) src(%dma_wait3A_136 : memref<25088xf32, #tpu.memory_space<hbm>>) dst(%arg6 : memref<25088xf32, #tpu.memory_space<vmem>>)
      %dma_start3A_137 = arith.constant 50176 : i32
      %dma_start3A_138 = tpu.memref_slice %arg2[%add3A_108, %dma_start3A_137] : memref<768x100352xf32, #tpu.memory_space<hbm>> -> memref<1x25088xf32, #tpu.memory_space<hbm>>
      %dma_start3A_139 = tpu.memref_squeeze %dma_start3A_138 : memref<1x25088xf32, #tpu.memory_space<hbm>> -> memref<25088xf32, #tpu.memory_space<hbm>>
      %dma_start3A_140 = arith.constant 50176 : i32
      %dma_start3A_141 = tpu.memref_slice %arg2[%add3A_108, %dma_start3A_140] : memref<768x100352xf32, #tpu.memory_space<hbm>> -> memref<1x25088xf32, #tpu.memory_space<hbm>>
      %dma_start3A_142 = tpu.memref_squeeze %dma_start3A_141 : memref<1x25088xf32, #tpu.memory_space<hbm>> -> memref<25088xf32, #tpu.memory_space<hbm>>
      tpu.enqueue_dma source(%dma_start3A_142 : memref<25088xf32, #tpu.memory_space<hbm>>) target(%arg5 : memref<25088xf32, #tpu.memory_space<vmem>>) target_semaphore(%arg7 : memref<!tpu.dma_semaphore, #tpu.memory_space<semaphore_mem>>)
      %scan3A_143 = arith.constant 0 : i32
      %scan3A_144 = arith.constant 28 : i32
      %scan3A_145 = arith.addi %scan3A_143, %scan3A_144 : i32
      %scan3A_146 = arith.constant 1 : i32
      %scan3A_147 = scf.for %scan3A_261 = %scan3A_143 to %scan3A_145 step %scan3A_146 iter_args(%scan3A_262 = %scan3A_129) -> (vector<16xi32>)  : i32 {
        %mul3A_263 = arith.constant 896 : i32
        %mul3A_264 = arith.muli %scan3A_261, %mul3A_263 : i32
        %add3A_265 = arith.constant 28 : i32
        %add3A_266 = arith.addi %add3A_265, %scan3A_261 : i32
        %add3A_267 = arith.constant 0 : i32
        %add3A_268 = vector.broadcast %add3A_267 : i32 to vector<16xi32>
        %add3A_269 = arith.addi %add3A_268, %iota3A : vector<16xi32>
        %mul3A_270 = arith.constant 4 : i32
        %mul3A_271 = vector.broadcast %mul3A_270 : i32 to vector<16xi32>
        %mul3A_272 = arith.muli %mul3A_271, %add3A_269 : vector<16xi32>
        %add3A_273 = vector.broadcast %mul3A_264 : i32 to vector<16xi32>
        %add3A_274 = arith.addi %add3A_273, %mul3A_272 : vector<16xi32>
        %add3A_275 = arith.constant 1 : i32
        %add3A_276 = vector.broadcast %add3A_275 : i32 to vector<16xi32>
        %add3A_277 = arith.addi %add3A_274, %add3A_276 : vector<16xi32>
        %gather3A = tpu.vector_load_idx %arg6[%add3A_277] : memref<25088xf32, #tpu.memory_space<vmem>>[vector<16xi32>], vector<16xf32>,
        %add3A_278 = arith.constant 2 : i32
        %add3A_279 = vector.broadcast %add3A_278 : i32 to vector<16xi32>
        %add3A_280 = arith.addi %add3A_277, %add3A_279 : vector<16xi32>
        %gather3A_281 = tpu.vector_load_idx %arg6[%add3A_280] : memref<25088xf32, #tpu.memory_space<vmem>>[vector<16xi32>], vector<16xf32>,
        %add3A_282 = arith.constant 448 : i32
        %add3A_283 = vector.broadcast %add3A_282 : i32 to vector<16xi32>
        %add3A_284 = arith.addi %add3A_277, %add3A_283 : vector<16xi32>
        %gather3A_285 = tpu.vector_load_idx %arg6[%add3A_284] : memref<25088xf32, #tpu.memory_space<vmem>>[vector<16xi32>], vector<16xf32>,
        %add3A_286 = arith.constant 450 : i32
        %add3A_287 = vector.broadcast %add3A_286 : i32 to vector<16xi32>
        %add3A_288 = arith.addi %add3A_277, %add3A_287 : vector<16xi32>
        %gather3A_289 = tpu.vector_load_idx %arg6[%add3A_288] : memref<25088xf32, #tpu.memory_space<vmem>>[vector<16xi32>], vector<16xf32>,
        %broadcast_in_dim3A_290 = arith.constant 0 : i32
        %broadcast_in_dim3A_291 = vector.broadcast %broadcast_in_dim3A_290 : i32 to vector<16xi32>
        %gt3A = arith.cmpf ogt, %gather3A_281, %gather3A : vector<16xf32>
        %select_n3A = arith.select %gt3A, %gather3A_281, %gather3A : vector<16xi1>, vector<16xf32>
        %jit3A = arith.constant 2 : i32
        %broadcast_in_dim3A_292 = vector.broadcast %jit3A : i32 to vector<16xi32>
        %select_n3A_293 = arith.select %gt3A, %broadcast_in_dim3A_292, %broadcast_in_dim3A_291 : vector<16xi1>, vector<16xi32>
        %gt3A_294 = arith.cmpf ogt, %gather3A_285, %select_n3A : vector<16xf32>
        %select_n3A_295 = arith.select %gt3A_294, %gather3A_285, %select_n3A : vector<16xi1>, vector<16xf32>
        %jit3A_296 = arith.constant 448 : i32
        %broadcast_in_dim3A_297 = vector.broadcast %jit3A_296 : i32 to vector<16xi32>
        %select_n3A_298 = arith.select %gt3A_294, %broadcast_in_dim3A_297, %select_n3A_293 : vector<16xi1>, vector<16xi32>
        %gt3A_299 = arith.cmpf ogt, %gather3A_289, %select_n3A_295 : vector<16xf32>
        %select_n3A_300 = arith.select %gt3A_299, %gather3A_289, %select_n3A_295 : vector<16xi1>, vector<16xf32>
        %jit3A_301 = arith.constant 450 : i32
        %broadcast_in_dim3A_302 = vector.broadcast %jit3A_301 : i32 to vector<16xi32>
        %select_n3A_303 = arith.select %gt3A_299, %broadcast_in_dim3A_302, %select_n3A_298 : vector<16xi1>, vector<16xi32>
        %ge3A = arith.constant 448 : i32
        %ge3A_304 = vector.broadcast %ge3A : i32 to vector<16xi32>
        %ge3A_305 = arith.cmpi sge, %select_n3A_303, %ge3A_304 : vector<16xi32>
        %jit3A_306 = arith.constant 1 : i32
        %jit3A_307 = arith.constant 0 : i32
        %broadcast_in_dim3A_308 = vector.broadcast %jit3A_306 : i32 to vector<16xi32>
        %broadcast_in_dim3A_309 = vector.broadcast %jit3A_307 : i32 to vector<16xi32>
        %select_n3A_310 = arith.select %ge3A_305, %broadcast_in_dim3A_308, %broadcast_in_dim3A_309 : vector<16xi1>, vector<16xi32>
        %and3A_311 = arith.constant 2 : i32
        %and3A_312 = vector.broadcast %and3A_311 : i32 to vector<16xi32>
        %and3A_313 = arith.andi %select_n3A_303, %and3A_312 : vector<16xi32>
        %shift_right_arithmetic3A_314 = arith.constant 1 : i32
        %shift_right_arithmetic3A_315 = vector.broadcast %shift_right_arithmetic3A_314 : i32 to vector<16xi32>
        %shift_right_arithmetic3A_316 = arith.shrsi %and3A_313, %shift_right_arithmetic3A_315 : vector<16xi32>
        %mul3A_317 = arith.constant 2 : i32
        %mul3A_318 = arith.muli %mul3A_317, %add3A_266 : i32
        %add3A_319 = vector.broadcast %mul3A_318 : i32 to vector<16xi32>
        %add3A_320 = arith.addi %add3A_319, %select_n3A_310 : vector<16xi32>
        %mul3A_321 = arith.constant 224 : i32
        %mul3A_322 = vector.broadcast %mul3A_321 : i32 to vector<16xi32>
        %mul3A_323 = arith.muli %add3A_320, %mul3A_322 : vector<16xi32>
        %mul3A_324 = arith.constant 2 : i32
        %mul3A_325 = vector.broadcast %mul3A_324 : i32 to vector<16xi32>
        %mul3A_326 = arith.muli %mul3A_325, %add3A_269 : vector<16xi32>
        %add3A_327 = arith.addi %mul3A_323, %mul3A_326 : vector<16xi32>
        %add3A_328 = arith.addi %add3A_327, %shift_right_arithmetic3A_316 : vector<16xi32>
        %add3A_329 = arith.addi %add3A_277, %select_n3A_303 : vector<16xi32>
        %sub3A = arith.constant 1 : i32
        %sub3A_330 = vector.broadcast %sub3A : i32 to vector<16xi32>
        %sub3A_331 = arith.subi %add3A_329, %sub3A_330 : vector<16xi32>
        %gather3A_332 = tpu.vector_load_idx %arg6[%sub3A_331] : memref<25088xf32, #tpu.memory_space<vmem>>[vector<16xi32>], vector<16xf32>,
        %bitcast3A = vector.bitcast %select_n3A_300 : vector<16xf32> to vector<16xi32>
        %lt3A = arith.constant 0 : i32
        %lt3A_333 = vector.broadcast %lt3A : i32 to vector<16xi32>
        %lt3A_334 = arith.cmpi slt, %bitcast3A, %lt3A_333 : vector<16xi32>
        %xor3A_335 = arith.constant 2147483647 : i32
        %xor3A_336 = vector.broadcast %xor3A_335 : i32 to vector<16xi32>
        %xor3A_337 = arith.xori %bitcast3A, %xor3A_336 : vector<16xi32>
        %select_n3A_338 = arith.select %lt3A_334, %xor3A_337, %bitcast3A : vector<16xi1>, vector<16xi32>
        %mul3A_339 = arith.constant 112 : i32
        %mul3A_340 = arith.muli %add3A_266, %mul3A_339 : i32
        %add3A_341 = arith.constant 0 : i32
        %add3A_342 = arith.addi %mul3A_340, %add3A_341 : i32
        %swap3A_343 = arith.index_cast %add3A_342 : i32 to index
        %swap3A_344 = tpu.vector_load %arg9[%swap3A_343] {strides = array<i32>} : memref<12560xi32, #tpu.memory_space<vmem>>, vector<16xi32>,
        tpu.vector_store %arg9[%swap3A_343], %select_n3A_338 {strides = array<i32>} : memref<12560xi32, #tpu.memory_space<vmem>>, vector<16xi32>,
        %swap3A_345 = arith.index_cast %add3A_342 : i32 to index
        %swap3A_346 = tpu.vector_load %arg10[%swap3A_345] {strides = array<i32>} : memref<12560xi32, #tpu.memory_space<vmem>>, vector<16xi32>,
        tpu.vector_store %arg10[%swap3A_345], %add3A_328 {strides = array<i32>} : memref<12560xi32, #tpu.memory_space<vmem>>, vector<16xi32>,
        %swap3A_347 = arith.index_cast %add3A_342 : i32 to index
        %swap3A_348 = tpu.vector_load %arg11[%swap3A_347] {strides = array<i32>} : memref<12560xf32, #tpu.memory_space<vmem>>, vector<16xf32>,
        tpu.vector_store %arg11[%swap3A_347], %gather3A_332 {strides = array<i32>} : memref<12560xf32, #tpu.memory_space<vmem>>, vector<16xf32>,
        %max3A = arith.maxsi %broadcast_in_dim3A_96, %select_n3A_338 : vector<16xi32>
        %add3A_349 = arith.constant 16 : i32
        %add3A_350 = vector.broadcast %add3A_349 : i32 to vector<16xi32>
        %add3A_351 = arith.addi %add3A_350, %iota3A : vector<16xi32>
        %mul3A_352 = arith.constant 4 : i32
        %mul3A_353 = vector.broadcast %mul3A_352 : i32 to vector<16xi32>
        %mul3A_354 = arith.muli %mul3A_353, %add3A_351 : vector<16xi32>
        %add3A_355 = vector.broadcast %mul3A_264 : i32 to vector<16xi32>
        %add3A_356 = arith.addi %add3A_355, %mul3A_354 : vector<16xi32>
        %add3A_357 = arith.constant 1 : i32
        %add3A_358 = vector.broadcast %add3A_357 : i32 to vector<16xi32>
        %add3A_359 = arith.addi %add3A_356, %add3A_358 : vector<16xi32>
        %gather3A_360 = tpu.vector_load_idx %arg6[%add3A_359] : memref<25088xf32, #tpu.memory_space<vmem>>[vector<16xi32>], vector<16xf32>,
        %add3A_361 = arith.constant 2 : i32
        %add3A_362 = vector.broadcast %add3A_361 : i32 to vector<16xi32>
        %add3A_363 = arith.addi %add3A_359, %add3A_362 : vector<16xi32>
        %gather3A_364 = tpu.vector_load_idx %arg6[%add3A_363] : memref<25088xf32, #tpu.memory_space<vmem>>[vector<16xi32>], vector<16xf32>,
        %add3A_365 = arith.constant 448 : i32
        %add3A_366 = vector.broadcast %add3A_365 : i32 to vector<16xi32>
        %add3A_367 = arith.addi %add3A_359, %add3A_366 : vector<16xi32>
        %gather3A_368 = tpu.vector_load_idx %arg6[%add3A_367] : memref<25088xf32, #tpu.memory_space<vmem>>[vector<16xi32>], vector<16xf32>,
        %add3A_369 = arith.constant 450 : i32
        %add3A_370 = vector.broadcast %add3A_369 : i32 to vector<16xi32>
        %add3A_371 = arith.addi %add3A_359, %add3A_370 : vector<16xi32>
        %gather3A_372 = tpu.vector_load_idx %arg6[%add3A_371] : memref<25088xf32, #tpu.memory_space<vmem>>[vector<16xi32>], vector<16xf32>,
        %broadcast_in_dim3A_373 = arith.constant 0 : i32
        %broadcast_in_dim3A_374 = vector.broadcast %broadcast_in_dim3A_373 : i32 to vector<16xi32>
        %gt3A_375 = arith.cmpf ogt, %gather3A_364, %gather3A_360 : vector<16xf32>
        %select_n3A_376 = arith.select %gt3A_375, %gather3A_364, %gather3A_360 : vector<16xi1>, vector<16xf32>
        %jit3A_377 = arith.constant 2 : i32
        %broadcast_in_dim3A_378 = vector.broadcast %jit3A_377 : i32 to vector<16xi32>
        %select_n3A_379 = arith.select %gt3A_375, %broadcast_in_dim3A_378, %broadcast_in_dim3A_374 : vector<16xi1>, vector<16xi32>
        %gt3A_380 = arith.cmpf ogt, %gather3A_368, %select_n3A_376 : vector<16xf32>
        %select_n3A_381 = arith.select %gt3A_380, %gather3A_368, %select_n3A_376 : vector<16xi1>, vector<16xf32>
        %jit3A_382 = arith.constant 448 : i32
        %broadcast_in_dim3A_383 = vector.broadcast %jit3A_382 : i32 to vector<16xi32>
        %select_n3A_384 = arith.select %gt3A_380, %broadcast_in_dim3A_383, %select_n3A_379 : vector<16xi1>, vector<16xi32>
        %gt3A_385 = arith.cmpf ogt, %gather3A_372, %select_n3A_381 : vector<16xf32>
        %select_n3A_386 = arith.select %gt3A_385, %gather3A_372, %select_n3A_381 : vector<16xi1>, vector<16xf32>
        %jit3A_387 = arith.constant 450 : i32
        %broadcast_in_dim3A_388 = vector.broadcast %jit3A_387 : i32 to vector<16xi32>
        %select_n3A_389 = arith.select %gt3A_385, %broadcast_in_dim3A_388, %select_n3A_384 : vector<16xi1>, vector<16xi32>
        %ge3A_390 = arith.constant 448 : i32
        %ge3A_391 = vector.broadcast %ge3A_390 : i32 to vector<16xi32>
        %ge3A_392 = arith.cmpi sge, %select_n3A_389, %ge3A_391 : vector<16xi32>
        %jit3A_393 = arith.constant 1 : i32
        %jit3A_394 = arith.constant 0 : i32
        %broadcast_in_dim3A_395 = vector.broadcast %jit3A_393 : i32 to vector<16xi32>
        %broadcast_in_dim3A_396 = vector.broadcast %jit3A_394 : i32 to vector<16xi32>
        %select_n3A_397 = arith.select %ge3A_392, %broadcast_in_dim3A_395, %broadcast_in_dim3A_396 : vector<16xi1>, vector<16xi32>
        %and3A_398 = arith.constant 2 : i32
        %and3A_399 = vector.broadcast %and3A_398 : i32 to vector<16xi32>
        %and3A_400 = arith.andi %select_n3A_389, %and3A_399 : vector<16xi32>
        %shift_right_arithmetic3A_401 = arith.constant 1 : i32
        %shift_right_arithmetic3A_402 = vector.broadcast %shift_right_arithmetic3A_401 : i32 to vector<16xi32>
        %shift_right_arithmetic3A_403 = arith.shrsi %and3A_400, %shift_right_arithmetic3A_402 : vector<16xi32>
        %mul3A_404 = arith.constant 2 : i32
        %mul3A_405 = arith.muli %mul3A_404, %add3A_266 : i32
        %add3A_406 = vector.broadcast %mul3A_405 : i32 to vector<16xi32>
        %add3A_407 = arith.addi %add3A_406, %select_n3A_397 : vector<16xi32>
        %mul3A_408 = arith.constant 224 : i32
        %mul3A_409 = vector.broadcast %mul3A_408 : i32 to vector<16xi32>
        %mul3A_410 = arith.muli %add3A_407, %mul3A_409 : vector<16xi32>
        %mul3A_411 = arith.constant 2 : i32
        %mul3A_412 = vector.broadcast %mul3A_411 : i32 to vector<16xi32>
        %mul3A_413 = arith.muli %mul3A_412, %add3A_351 : vector<16xi32>
        %add3A_414 = arith.addi %mul3A_410, %mul3A_413 : vector<16xi32>
        %add3A_415 = arith.addi %add3A_414, %shift_right_arithmetic3A_403 : vector<16xi32>
        %add3A_416 = arith.addi %add3A_359, %select_n3A_389 : vector<16xi32>
        %sub3A_417 = arith.constant 1 : i32
        %sub3A_418 = vector.broadcast %sub3A_417 : i32 to vector<16xi32>
        %sub3A_419 = arith.subi %add3A_416, %sub3A_418 : vector<16xi32>
        %gather3A_420 = tpu.vector_load_idx %arg6[%sub3A_419] : memref<25088xf32, #tpu.memory_space<vmem>>[vector<16xi32>], vector<16xf32>,
        %bitcast3A_421 = vector.bitcast %select_n3A_386 : vector<16xf32> to vector<16xi32>
        %lt3A_422 = arith.constant 0 : i32
        %lt3A_423 = vector.broadcast %lt3A_422 : i32 to vector<16xi32>
        %lt3A_424 = arith.cmpi slt, %bitcast3A_421, %lt3A_423 : vector<16xi32>
        %xor3A_425 = arith.constant 2147483647 : i32
        %xor3A_426 = vector.broadcast %xor3A_425 : i32 to vector<16xi32>
        %xor3A_427 = arith.xori %bitcast3A_421, %xor3A_426 : vector<16xi32>
        %select_n3A_428 = arith.select %lt3A_424, %xor3A_427, %bitcast3A_421 : vector<16xi1>, vector<16xi32>
        %mul3A_429 = arith.constant 112 : i32
        %mul3A_430 = arith.muli %add3A_266, %mul3A_429 : i32
        %add3A_431 = arith.constant 16 : i32
        %add3A_432 = arith.addi %mul3A_430, %add3A_431 : i32
        %swap3A_433 = arith.index_cast %add3A_432 : i32 to index
        %swap3A_434 = tpu.vector_load %arg9[%swap3A_433] {strides = array<i32>} : memref<12560xi32, #tpu.memory_space<vmem>>, vector<16xi32>,
        tpu.vector_store %arg9[%swap3A_433], %select_n3A_428 {strides = array<i32>} : memref<12560xi32, #tpu.memory_space<vmem>>, vector<16xi32>,
        %swap3A_435 = arith.index_cast %add3A_432 : i32 to index
        %swap3A_436 = tpu.vector_load %arg10[%swap3A_435] {strides = array<i32>} : memref<12560xi32, #tpu.memory_space<vmem>>, vector<16xi32>,
        tpu.vector_store %arg10[%swap3A_435], %add3A_415 {strides = array<i32>} : memref<12560xi32, #tpu.memory_space<vmem>>, vector<16xi32>,
        %swap3A_437 = arith.index_cast %add3A_432 : i32 to index
        %swap3A_438 = tpu.vector_load %arg11[%swap3A_437] {strides = array<i32>} : memref<12560xf32, #tpu.memory_space<vmem>>, vector<16xf32>,
        tpu.vector_store %arg11[%swap3A_437], %gather3A_420 {strides = array<i32>} : memref<12560xf32, #tpu.memory_space<vmem>>, vector<16xf32>,
        %max3A_439 = arith.maxsi %max3A, %select_n3A_428 : vector<16xi32>
        %add3A_440 = arith.constant 32 : i32
        %add3A_441 = vector.broadcast %add3A_440 : i32 to vector<16xi32>
        %add3A_442 = arith.addi %add3A_441, %iota3A : vector<16xi32>
        %mul3A_443 = arith.constant 4 : i32
        %mul3A_444 = vector.broadcast %mul3A_443 : i32 to vector<16xi32>
        %mul3A_445 = arith.muli %mul3A_444, %add3A_442 : vector<16xi32>
        %add3A_446 = vector.broadcast %mul3A_264 : i32 to vector<16xi32>
        %add3A_447 = arith.addi %add3A_446, %mul3A_445 : vector<16xi32>
        %add3A_448 = arith.constant 1 : i32
        %add3A_449 = vector.broadcast %add3A_448 : i32 to vector<16xi32>
        %add3A_450 = arith.addi %add3A_447, %add3A_449 : vector<16xi32>
        %gather3A_451 = tpu.vector_load_idx %arg6[%add3A_450] : memref<25088xf32, #tpu.memory_space<vmem>>[vector<16xi32>], vector<16xf32>,
        %add3A_452 = arith.constant 2 : i32
        %add3A_453 = vector.broadcast %add3A_452 : i32 to vector<16xi32>
        %add3A_454 = arith.addi %add3A_450, %add3A_453 : vector<16xi32>
        %gather3A_455 = tpu.vector_load_idx %arg6[%add3A_454] : memref<25088xf32, #tpu.memory_space<vmem>>[vector<16xi32>], vector<16xf32>,
        %add3A_456 = arith.constant 448 : i32
        %add3A_457 = vector.broadcast %add3A_456 : i32 to vector<16xi32>
        %add3A_458 = arith.addi %add3A_450, %add3A_457 : vector<16xi32>
        %gather3A_459 = tpu.vector_load_idx %arg6[%add3A_458] : memref<25088xf32, #tpu.memory_space<vmem>>[vector<16xi32>], vector<16xf32>,
        %add3A_460 = arith.constant 450 : i32
        %add3A_461 = vector.broadcast %add3A_460 : i32 to vector<16xi32>
        %add3A_462 = arith.addi %add3A_450, %add3A_461 : vector<16xi32>
        %gather3A_463 = tpu.vector_load_idx %arg6[%add3A_462] : memref<25088xf32, #tpu.memory_space<vmem>>[vector<16xi32>], vector<16xf32>,
        %broadcast_in_dim3A_464 = arith.constant 0 : i32
        %broadcast_in_dim3A_465 = vector.broadcast %broadcast_in_dim3A_464 : i32 to vector<16xi32>
        %gt3A_466 = arith.cmpf ogt, %gather3A_455, %gather3A_451 : vector<16xf32>
        %select_n3A_467 = arith.select %gt3A_466, %gather3A_455, %gather3A_451 : vector<16xi1>, vector<16xf32>
        %jit3A_468 = arith.constant 2 : i32
        %broadcast_in_dim3A_469 = vector.broadcast %jit3A_468 : i32 to vector<16xi32>
        %select_n3A_470 = arith.select %gt3A_466, %broadcast_in_dim3A_469, %broadcast_in_dim3A_465 : vector<16xi1>, vector<16xi32>
        %gt3A_471 = arith.cmpf ogt, %gather3A_459, %select_n3A_467 : vector<16xf32>
        %select_n3A_472 = arith.select %gt3A_471, %gather3A_459, %select_n3A_467 : vector<16xi1>, vector<16xf32>
        %jit3A_473 = arith.constant 448 : i32
        %broadcast_in_dim3A_474 = vector.broadcast %jit3A_473 : i32 to vector<16xi32>
        %select_n3A_475 = arith.select %gt3A_471, %broadcast_in_dim3A_474, %select_n3A_470 : vector<16xi1>, vector<16xi32>
        %gt3A_476 = arith.cmpf ogt, %gather3A_463, %select_n3A_472 : vector<16xf32>
        %select_n3A_477 = arith.select %gt3A_476, %gather3A_463, %select_n3A_472 : vector<16xi1>, vector<16xf32>
        %jit3A_478 = arith.constant 450 : i32
        %broadcast_in_dim3A_479 = vector.broadcast %jit3A_478 : i32 to vector<16xi32>
        %select_n3A_480 = arith.select %gt3A_476, %broadcast_in_dim3A_479, %select_n3A_475 : vector<16xi1>, vector<16xi32>
        %ge3A_481 = arith.constant 448 : i32
        %ge3A_482 = vector.broadcast %ge3A_481 : i32 to vector<16xi32>
        %ge3A_483 = arith.cmpi sge, %select_n3A_480, %ge3A_482 : vector<16xi32>
        %jit3A_484 = arith.constant 1 : i32
        %jit3A_485 = arith.constant 0 : i32
        %broadcast_in_dim3A_486 = vector.broadcast %jit3A_484 : i32 to vector<16xi32>
        %broadcast_in_dim3A_487 = vector.broadcast %jit3A_485 : i32 to vector<16xi32>
        %select_n3A_488 = arith.select %ge3A_483, %broadcast_in_dim3A_486, %broadcast_in_dim3A_487 : vector<16xi1>, vector<16xi32>
        %and3A_489 = arith.constant 2 : i32
        %and3A_490 = vector.broadcast %and3A_489 : i32 to vector<16xi32>
        %and3A_491 = arith.andi %select_n3A_480, %and3A_490 : vector<16xi32>
        %shift_right_arithmetic3A_492 = arith.constant 1 : i32
        %shift_right_arithmetic3A_493 = vector.broadcast %shift_right_arithmetic3A_492 : i32 to vector<16xi32>
        %shift_right_arithmetic3A_494 = arith.shrsi %and3A_491, %shift_right_arithmetic3A_493 : vector<16xi32>
        %mul3A_495 = arith.constant 2 : i32
        %mul3A_496 = arith.muli %mul3A_495, %add3A_266 : i32
        %add3A_497 = vector.broadcast %mul3A_496 : i32 to vector<16xi32>
        %add3A_498 = arith.addi %add3A_497, %select_n3A_488 : vector<16xi32>
        %mul3A_499 = arith.constant 224 : i32
        %mul3A_500 = vector.broadcast %mul3A_499 : i32 to vector<16xi32>
        %mul3A_501 = arith.muli %add3A_498, %mul3A_500 : vector<16xi32>
        %mul3A_502 = arith.constant 2 : i32
        %mul3A_503 = vector.broadcast %mul3A_502 : i32 to vector<16xi32>
        %mul3A_504 = arith.muli %mul3A_503, %add3A_442 : vector<16xi32>
        %add3A_505 = arith.addi %mul3A_501, %mul3A_504 : vector<16xi32>
        %add3A_506 = arith.addi %add3A_505, %shift_right_arithmetic3A_494 : vector<16xi32>
        %add3A_507 = arith.addi %add3A_450, %select_n3A_480 : vector<16xi32>
        %sub3A_508 = arith.constant 1 : i32
        %sub3A_509 = vector.broadcast %sub3A_508 : i32 to vector<16xi32>
        %sub3A_510 = arith.subi %add3A_507, %sub3A_509 : vector<16xi32>
        %gather3A_511 = tpu.vector_load_idx %arg6[%sub3A_510] : memref<25088xf32, #tpu.memory_space<vmem>>[vector<16xi32>], vector<16xf32>,
        %bitcast3A_512 = vector.bitcast %select_n3A_477 : vector<16xf32> to vector<16xi32>
        %lt3A_513 = arith.constant 0 : i32
        %lt3A_514 = vector.broadcast %lt3A_513 : i32 to vector<16xi32>
        %lt3A_515 = arith.cmpi slt, %bitcast3A_512, %lt3A_514 : vector<16xi32>
        %xor3A_516 = arith.constant 2147483647 : i32
        %xor3A_517 = vector.broadcast %xor3A_516 : i32 to vector<16xi32>
        %xor3A_518 = arith.xori %bitcast3A_512, %xor3A_517 : vector<16xi32>
        %select_n3A_519 = arith.select %lt3A_515, %xor3A_518, %bitcast3A_512 : vector<16xi1>, vector<16xi32>
        %mul3A_520 = arith.constant 112 : i32
        %mul3A_521 = arith.muli %add3A_266, %mul3A_520 : i32
        %add3A_522 = arith.constant 32 : i32
        %add3A_523 = arith.addi %mul3A_521, %add3A_522 : i32
        %swap3A_524 = arith.index_cast %add3A_523 : i32 to index
        %swap3A_525 = tpu.vector_load %arg9[%swap3A_524] {strides = array<i32>} : memref<12560xi32, #tpu.memory_space<vmem>>, vector<16xi32>,
        tpu.vector_store %arg9[%swap3A_524], %select_n3A_519 {strides = array<i32>} : memref<12560xi32, #tpu.memory_space<vmem>>, vector<16xi32>,
        %swap3A_526 = arith.index_cast %add3A_523 : i32 to index
        %swap3A_527 = tpu.vector_load %arg10[%swap3A_526] {strides = array<i32>} : memref<12560xi32, #tpu.memory_space<vmem>>, vector<16xi32>,
        tpu.vector_store %arg10[%swap3A_526], %add3A_506 {strides = array<i32>} : memref<12560xi32, #tpu.memory_space<vmem>>, vector<16xi32>,
        %swap3A_528 = arith.index_cast %add3A_523 : i32 to index
        %swap3A_529 = tpu.vector_load %arg11[%swap3A_528] {strides = array<i32>} : memref<12560xf32, #tpu.memory_space<vmem>>, vector<16xf32>,
        tpu.vector_store %arg11[%swap3A_528], %gather3A_511 {strides = array<i32>} : memref<12560xf32, #tpu.memory_space<vmem>>, vector<16xf32>,
        %max3A_530 = arith.maxsi %max3A_439, %select_n3A_519 : vector<16xi32>
        %add3A_531 = arith.constant 48 : i32
        %add3A_532 = vector.broadcast %add3A_531 : i32 to vector<16xi32>
        %add3A_533 = arith.addi %add3A_532, %iota3A : vector<16xi32>
        %mul3A_534 = arith.constant 4 : i32
        %mul3A_535 = vector.broadcast %mul3A_534 : i32 to vector<16xi32>
        %mul3A_536 = arith.muli %mul3A_535, %add3A_533 : vector<16xi32>
        %add3A_537 = vector.broadcast %mul3A_264 : i32 to vector<16xi32>
        %add3A_538 = arith.addi %add3A_537, %mul3A_536 : vector<16xi32>
        %add3A_539 = arith.constant 1 : i32
        %add3A_540 = vector.broadcast %add3A_539 : i32 to vector<16xi32>
        %add3A_541 = arith.addi %add3A_538, %add3A_540 : vector<16xi32>
        %gather3A_542 = tpu.vector_load_idx %arg6[%add3A_541] : memref<25088xf32, #tpu.memory_space<vmem>>[vector<16xi32>], vector<16xf32>,
        %add3A_543 = arith.constant 2 : i32
        %add3A_544 = vector.broadcast %add3A_543 : i32 to vector<16xi32>
        %add3A_545 = arith.addi %add3A_541, %add3A_544 : vector<16xi32>
        %gather3A_546 = tpu.vector_load_idx %arg6[%add3A_545] : memref<25088xf32, #tpu.memory_space<vmem>>[vector<16xi32>], vector<16xf32>,
        %add3A_547 = arith.constant 448 : i32
        %add3A_548 = vector.broadcast %add3A_547 : i32 to vector<16xi32>
        %add3A_549 = arith.addi %add3A_541, %add3A_548 : vector<16xi32>
        %gather3A_550 = tpu.vector_load_idx %arg6[%add3A_549] : memref<25088xf32, #tpu.memory_space<vmem>>[vector<16xi32>], vector<16xf32>,
        %add3A_551 = arith.constant 450 : i32
        %add3A_552 = vector.broadcast %add3A_551 : i32 to vector<16xi32>
        %add3A_553 = arith.addi %add3A_541, %add3A_552 : vector<16xi32>
        %gather3A_554 = tpu.vector_load_idx %arg6[%add3A_553] : memref<25088xf32, #tpu.memory_space<vmem>>[vector<16xi32>], vector<16xf32>,
        %broadcast_in_dim3A_555 = arith.constant 0 : i32
        %broadcast_in_dim3A_556 = vector.broadcast %broadcast_in_dim3A_555 : i32 to vector<16xi32>
        %gt3A_557 = arith.cmpf ogt, %gather3A_546, %gather3A_542 : vector<16xf32>
        %select_n3A_558 = arith.select %gt3A_557, %gather3A_546, %gather3A_542 : vector<16xi1>, vector<16xf32>
        %jit3A_559 = arith.constant 2 : i32
        %broadcast_in_dim3A_560 = vector.broadcast %jit3A_559 : i32 to vector<16xi32>
        %select_n3A_561 = arith.select %gt3A_557, %broadcast_in_dim3A_560, %broadcast_in_dim3A_556 : vector<16xi1>, vector<16xi32>
        %gt3A_562 = arith.cmpf ogt, %gather3A_550, %select_n3A_558 : vector<16xf32>
        %select_n3A_563 = arith.select %gt3A_562, %gather3A_550, %select_n3A_558 : vector<16xi1>, vector<16xf32>
        %jit3A_564 = arith.constant 448 : i32
        %broadcast_in_dim3A_565 = vector.broadcast %jit3A_564 : i32 to vector<16xi32>
        %select_n3A_566 = arith.select %gt3A_562, %broadcast_in_dim3A_565, %select_n3A_561 : vector<16xi1>, vector<16xi32>
        %gt3A_567 = arith.cmpf ogt, %gather3A_554, %select_n3A_563 : vector<16xf32>
        %select_n3A_568 = arith.select %gt3A_567, %gather3A_554, %select_n3A_563 : vector<16xi1>, vector<16xf32>
        %jit3A_569 = arith.constant 450 : i32
        %broadcast_in_dim3A_570 = vector.broadcast %jit3A_569 : i32 to vector<16xi32>
        %select_n3A_571 = arith.select %gt3A_567, %broadcast_in_dim3A_570, %select_n3A_566 : vector<16xi1>, vector<16xi32>
        %ge3A_572 = arith.constant 448 : i32
        %ge3A_573 = vector.broadcast %ge3A_572 : i32 to vector<16xi32>
        %ge3A_574 = arith.cmpi sge, %select_n3A_571, %ge3A_573 : vector<16xi32>
        %jit3A_575 = arith.constant 1 : i32
        %jit3A_576 = arith.constant 0 : i32
        %broadcast_in_dim3A_577 = vector.broadcast %jit3A_575 : i32 to vector<16xi32>
        %broadcast_in_dim3A_578 = vector.broadcast %jit3A_576 : i32 to vector<16xi32>
        %select_n3A_579 = arith.select %ge3A_574, %broadcast_in_dim3A_577, %broadcast_in_dim3A_578 : vector<16xi1>, vector<16xi32>
        %and3A_580 = arith.constant 2 : i32
        %and3A_581 = vector.broadcast %and3A_580 : i32 to vector<16xi32>
        %and3A_582 = arith.andi %select_n3A_571, %and3A_581 : vector<16xi32>
        %shift_right_arithmetic3A_583 = arith.constant 1 : i32
        %shift_right_arithmetic3A_584 = vector.broadcast %shift_right_arithmetic3A_583 : i32 to vector<16xi32>
        %shift_right_arithmetic3A_585 = arith.shrsi %and3A_582, %shift_right_arithmetic3A_584 : vector<16xi32>
        %mul3A_586 = arith.constant 2 : i32
        %mul3A_587 = arith.muli %mul3A_586, %add3A_266 : i32
        %add3A_588 = vector.broadcast %mul3A_587 : i32 to vector<16xi32>
        %add3A_589 = arith.addi %add3A_588, %select_n3A_579 : vector<16xi32>
        %mul3A_590 = arith.constant 224 : i32
        %mul3A_591 = vector.broadcast %mul3A_590 : i32 to vector<16xi32>
        %mul3A_592 = arith.muli %add3A_589, %mul3A_591 : vector<16xi32>
        %mul3A_593 = arith.constant 2 : i32
        %mul3A_594 = vector.broadcast %mul3A_593 : i32 to vector<16xi32>
        %mul3A_595 = arith.muli %mul3A_594, %add3A_533 : vector<16xi32>
        %add3A_596 = arith.addi %mul3A_592, %mul3A_595 : vector<16xi32>
        %add3A_597 = arith.addi %add3A_596, %shift_right_arithmetic3A_585 : vector<16xi32>
        %add3A_598 = arith.addi %add3A_541, %select_n3A_571 : vector<16xi32>
        %sub3A_599 = arith.constant 1 : i32
        %sub3A_600 = vector.broadcast %sub3A_599 : i32 to vector<16xi32>
        %sub3A_601 = arith.subi %add3A_598, %sub3A_600 : vector<16xi32>
        %gather3A_602 = tpu.vector_load_idx %arg6[%sub3A_601] : memref<25088xf32, #tpu.memory_space<vmem>>[vector<16xi32>], vector<16xf32>,
        %bitcast3A_603 = vector.bitcast %select_n3A_568 : vector<16xf32> to vector<16xi32>
        %lt3A_604 = arith.constant 0 : i32
        %lt3A_605 = vector.broadcast %lt3A_604 : i32 to vector<16xi32>
        %lt3A_606 = arith.cmpi slt, %bitcast3A_603, %lt3A_605 : vector<16xi32>
        %xor3A_607 = arith.constant 2147483647 : i32
        %xor3A_608 = vector.broadcast %xor3A_607 : i32 to vector<16xi32>
        %xor3A_609 = arith.xori %bitcast3A_603, %xor3A_608 : vector<16xi32>
        %select_n3A_610 = arith.select %lt3A_606, %xor3A_609, %bitcast3A_603 : vector<16xi1>, vector<16xi32>
        %mul3A_611 = arith.constant 112 : i32
        %mul3A_612 = arith.muli %add3A_266, %mul3A_611 : i32
        %add3A_613 = arith.constant 48 : i32
        %add3A_614 = arith.addi %mul3A_612, %add3A_613 : i32
        %swap3A_615 = arith.index_cast %add3A_614 : i32 to index
        %swap3A_616 = tpu.vector_load %arg9[%swap3A_615] {strides = array<i32>} : memref<12560xi32, #tpu.memory_space<vmem>>, vector<16xi32>,
        tpu.vector_store %arg9[%swap3A_615], %select_n3A_610 {strides = array<i32>} : memref<12560xi32, #tpu.memory_space<vmem>>, vector<16xi32>,
        %swap3A_617 = arith.index_cast %add3A_614 : i32 to index
        %swap3A_618 = tpu.vector_load %arg10[%swap3A_617] {strides = array<i32>} : memref<12560xi32, #tpu.memory_space<vmem>>, vector<16xi32>,
        tpu.vector_store %arg10[%swap3A_617], %add3A_597 {strides = array<i32>} : memref<12560xi32, #tpu.memory_space<vmem>>, vector<16xi32>,
        %swap3A_619 = arith.index_cast %add3A_614 : i32 to index
        %swap3A_620 = tpu.vector_load %arg11[%swap3A_619] {strides = array<i32>} : memref<12560xf32, #tpu.memory_space<vmem>>, vector<16xf32>,
        tpu.vector_store %arg11[%swap3A_619], %gather3A_602 {strides = array<i32>} : memref<12560xf32, #tpu.memory_space<vmem>>, vector<16xf32>,
        %max3A_621 = arith.maxsi %max3A_530, %select_n3A_610 : vector<16xi32>
        %add3A_622 = arith.constant 64 : i32
        %add3A_623 = vector.broadcast %add3A_622 : i32 to vector<16xi32>
        %add3A_624 = arith.addi %add3A_623, %iota3A : vector<16xi32>
        %mul3A_625 = arith.constant 4 : i32
        %mul3A_626 = vector.broadcast %mul3A_625 : i32 to vector<16xi32>
        %mul3A_627 = arith.muli %mul3A_626, %add3A_624 : vector<16xi32>
        %add3A_628 = vector.broadcast %mul3A_264 : i32 to vector<16xi32>
        %add3A_629 = arith.addi %add3A_628, %mul3A_627 : vector<16xi32>
        %add3A_630 = arith.constant 1 : i32
        %add3A_631 = vector.broadcast %add3A_630 : i32 to vector<16xi32>
        %add3A_632 = arith.addi %add3A_629, %add3A_631 : vector<16xi32>
        %gather3A_633 = tpu.vector_load_idx %arg6[%add3A_632] : memref<25088xf32, #tpu.memory_space<vmem>>[vector<16xi32>], vector<16xf32>,
        %add3A_634 = arith.constant 2 : i32
        %add3A_635 = vector.broadcast %add3A_634 : i32 to vector<16xi32>
        %add3A_636 = arith.addi %add3A_632, %add3A_635 : vector<16xi32>
        %gather3A_637 = tpu.vector_load_idx %arg6[%add3A_636] : memref<25088xf32, #tpu.memory_space<vmem>>[vector<16xi32>], vector<16xf32>,
        %add3A_638 = arith.constant 448 : i32
        %add3A_639 = vector.broadcast %add3A_638 : i32 to vector<16xi32>
        %add3A_640 = arith.addi %add3A_632, %add3A_639 : vector<16xi32>
        %gather3A_641 = tpu.vector_load_idx %arg6[%add3A_640] : memref<25088xf32, #tpu.memory_space<vmem>>[vector<16xi32>], vector<16xf32>,
        %add3A_642 = arith.constant 450 : i32
        %add3A_643 = vector.broadcast %add3A_642 : i32 to vector<16xi32>
        %add3A_644 = arith.addi %add3A_632, %add3A_643 : vector<16xi32>
        %gather3A_645 = tpu.vector_load_idx %arg6[%add3A_644] : memref<25088xf32, #tpu.memory_space<vmem>>[vector<16xi32>], vector<16xf32>,
        %broadcast_in_dim3A_646 = arith.constant 0 : i32
        %broadcast_in_dim3A_647 = vector.broadcast %broadcast_in_dim3A_646 : i32 to vector<16xi32>
        %gt3A_648 = arith.cmpf ogt, %gather3A_637, %gather3A_633 : vector<16xf32>
        %select_n3A_649 = arith.select %gt3A_648, %gather3A_637, %gather3A_633 : vector<16xi1>, vector<16xf32>
        %jit3A_650 = arith.constant 2 : i32
        %broadcast_in_dim3A_651 = vector.broadcast %jit3A_650 : i32 to vector<16xi32>
        %select_n3A_652 = arith.select %gt3A_648, %broadcast_in_dim3A_651, %broadcast_in_dim3A_647 : vector<16xi1>, vector<16xi32>
        %gt3A_653 = arith.cmpf ogt, %gather3A_641, %select_n3A_649 : vector<16xf32>
        %select_n3A_654 = arith.select %gt3A_653, %gather3A_641, %select_n3A_649 : vector<16xi1>, vector<16xf32>
        %jit3A_655 = arith.constant 448 : i32
        %broadcast_in_dim3A_656 = vector.broadcast %jit3A_655 : i32 to vector<16xi32>
        %select_n3A_657 = arith.select %gt3A_653, %broadcast_in_dim3A_656, %select_n3A_652 : vector<16xi1>, vector<16xi32>
        %gt3A_658 = arith.cmpf ogt, %gather3A_645, %select_n3A_654 : vector<16xf32>
        %select_n3A_659 = arith.select %gt3A_658, %gather3A_645, %select_n3A_654 : vector<16xi1>, vector<16xf32>
        %jit3A_660 = arith.constant 450 : i32
        %broadcast_in_dim3A_661 = vector.broadcast %jit3A_660 : i32 to vector<16xi32>
        %select_n3A_662 = arith.select %gt3A_658, %broadcast_in_dim3A_661, %select_n3A_657 : vector<16xi1>, vector<16xi32>
        %ge3A_663 = arith.constant 448 : i32
        %ge3A_664 = vector.broadcast %ge3A_663 : i32 to vector<16xi32>
        %ge3A_665 = arith.cmpi sge, %select_n3A_662, %ge3A_664 : vector<16xi32>
        %jit3A_666 = arith.constant 1 : i32
        %jit3A_667 = arith.constant 0 : i32
        %broadcast_in_dim3A_668 = vector.broadcast %jit3A_666 : i32 to vector<16xi32>
        %broadcast_in_dim3A_669 = vector.broadcast %jit3A_667 : i32 to vector<16xi32>
        %select_n3A_670 = arith.select %ge3A_665, %broadcast_in_dim3A_668, %broadcast_in_dim3A_669 : vector<16xi1>, vector<16xi32>
        %and3A_671 = arith.constant 2 : i32
        %and3A_672 = vector.broadcast %and3A_671 : i32 to vector<16xi32>
        %and3A_673 = arith.andi %select_n3A_662, %and3A_672 : vector<16xi32>
        %shift_right_arithmetic3A_674 = arith.constant 1 : i32
        %shift_right_arithmetic3A_675 = vector.broadcast %shift_right_arithmetic3A_674 : i32 to vector<16xi32>
        %shift_right_arithmetic3A_676 = arith.shrsi %and3A_673, %shift_right_arithmetic3A_675 : vector<16xi32>
        %mul3A_677 = arith.constant 2 : i32
        %mul3A_678 = arith.muli %mul3A_677, %add3A_266 : i32
        %add3A_679 = vector.broadcast %mul3A_678 : i32 to vector<16xi32>
        %add3A_680 = arith.addi %add3A_679, %select_n3A_670 : vector<16xi32>
        %mul3A_681 = arith.constant 224 : i32
        %mul3A_682 = vector.broadcast %mul3A_681 : i32 to vector<16xi32>
        %mul3A_683 = arith.muli %add3A_680, %mul3A_682 : vector<16xi32>
        %mul3A_684 = arith.constant 2 : i32
        %mul3A_685 = vector.broadcast %mul3A_684 : i32 to vector<16xi32>
        %mul3A_686 = arith.muli %mul3A_685, %add3A_624 : vector<16xi32>
        %add3A_687 = arith.addi %mul3A_683, %mul3A_686 : vector<16xi32>
        %add3A_688 = arith.addi %add3A_687, %shift_right_arithmetic3A_676 : vector<16xi32>
        %add3A_689 = arith.addi %add3A_632, %select_n3A_662 : vector<16xi32>
        %sub3A_690 = arith.constant 1 : i32
        %sub3A_691 = vector.broadcast %sub3A_690 : i32 to vector<16xi32>
        %sub3A_692 = arith.subi %add3A_689, %sub3A_691 : vector<16xi32>
        %gather3A_693 = tpu.vector_load_idx %arg6[%sub3A_692] : memref<25088xf32, #tpu.memory_space<vmem>>[vector<16xi32>], vector<16xf32>,
        %bitcast3A_694 = vector.bitcast %select_n3A_659 : vector<16xf32> to vector<16xi32>
        %lt3A_695 = arith.constant 0 : i32
        %lt3A_696 = vector.broadcast %lt3A_695 : i32 to vector<16xi32>
        %lt3A_697 = arith.cmpi slt, %bitcast3A_694, %lt3A_696 : vector<16xi32>
        %xor3A_698 = arith.constant 2147483647 : i32
        %xor3A_699 = vector.broadcast %xor3A_698 : i32 to vector<16xi32>
        %xor3A_700 = arith.xori %bitcast3A_694, %xor3A_699 : vector<16xi32>
        %select_n3A_701 = arith.select %lt3A_697, %xor3A_700, %bitcast3A_694 : vector<16xi1>, vector<16xi32>
        %mul3A_702 = arith.constant 112 : i32
        %mul3A_703 = arith.muli %add3A_266, %mul3A_702 : i32
        %add3A_704 = arith.constant 64 : i32
        %add3A_705 = arith.addi %mul3A_703, %add3A_704 : i32
        %swap3A_706 = arith.index_cast %add3A_705 : i32 to index
        %swap3A_707 = tpu.vector_load %arg9[%swap3A_706] {strides = array<i32>} : memref<12560xi32, #tpu.memory_space<vmem>>, vector<16xi32>,
        tpu.vector_store %arg9[%swap3A_706], %select_n3A_701 {strides = array<i32>} : memref<12560xi32, #tpu.memory_space<vmem>>, vector<16xi32>,
        %swap3A_708 = arith.index_cast %add3A_705 : i32 to index
        %swap3A_709 = tpu.vector_load %arg10[%swap3A_708] {strides = array<i32>} : memref<12560xi32, #tpu.memory_space<vmem>>, vector<16xi32>,
        tpu.vector_store %arg10[%swap3A_708], %add3A_688 {strides = array<i32>} : memref<12560xi32, #tpu.memory_space<vmem>>, vector<16xi32>,
        %swap3A_710 = arith.index_cast %add3A_705 : i32 to index
        %swap3A_711 = tpu.vector_load %arg11[%swap3A_710] {strides = array<i32>} : memref<12560xf32, #tpu.memory_space<vmem>>, vector<16xf32>,
        tpu.vector_store %arg11[%swap3A_710], %gather3A_693 {strides = array<i32>} : memref<12560xf32, #tpu.memory_space<vmem>>, vector<16xf32>,
        %max3A_712 = arith.maxsi %max3A_621, %select_n3A_701 : vector<16xi32>
        %add3A_713 = arith.constant 80 : i32
        %add3A_714 = vector.broadcast %add3A_713 : i32 to vector<16xi32>
        %add3A_715 = arith.addi %add3A_714, %iota3A : vector<16xi32>
        %mul3A_716 = arith.constant 4 : i32
        %mul3A_717 = vector.broadcast %mul3A_716 : i32 to vector<16xi32>
        %mul3A_718 = arith.muli %mul3A_717, %add3A_715 : vector<16xi32>
        %add3A_719 = vector.broadcast %mul3A_264 : i32 to vector<16xi32>
        %add3A_720 = arith.addi %add3A_719, %mul3A_718 : vector<16xi32>
        %add3A_721 = arith.constant 1 : i32
        %add3A_722 = vector.broadcast %add3A_721 : i32 to vector<16xi32>
        %add3A_723 = arith.addi %add3A_720, %add3A_722 : vector<16xi32>
        %gather3A_724 = tpu.vector_load_idx %arg6[%add3A_723] : memref<25088xf32, #tpu.memory_space<vmem>>[vector<16xi32>], vector<16xf32>,
        %add3A_725 = arith.constant 2 : i32
        %add3A_726 = vector.broadcast %add3A_725 : i32 to vector<16xi32>
        %add3A_727 = arith.addi %add3A_723, %add3A_726 : vector<16xi32>
        %gather3A_728 = tpu.vector_load_idx %arg6[%add3A_727] : memref<25088xf32, #tpu.memory_space<vmem>>[vector<16xi32>], vector<16xf32>,
        %add3A_729 = arith.constant 448 : i32
        %add3A_730 = vector.broadcast %add3A_729 : i32 to vector<16xi32>
        %add3A_731 = arith.addi %add3A_723, %add3A_730 : vector<16xi32>
        %gather3A_732 = tpu.vector_load_idx %arg6[%add3A_731] : memref<25088xf32, #tpu.memory_space<vmem>>[vector<16xi32>], vector<16xf32>,
        %add3A_733 = arith.constant 450 : i32
        %add3A_734 = vector.broadcast %add3A_733 : i32 to vector<16xi32>
        %add3A_735 = arith.addi %add3A_723, %add3A_734 : vector<16xi32>
        %gather3A_736 = tpu.vector_load_idx %arg6[%add3A_735] : memref<25088xf32, #tpu.memory_space<vmem>>[vector<16xi32>], vector<16xf32>,
        %broadcast_in_dim3A_737 = arith.constant 0 : i32
        %broadcast_in_dim3A_738 = vector.broadcast %broadcast_in_dim3A_737 : i32 to vector<16xi32>
        %gt3A_739 = arith.cmpf ogt, %gather3A_728, %gather3A_724 : vector<16xf32>
        %select_n3A_740 = arith.select %gt3A_739, %gather3A_728, %gather3A_724 : vector<16xi1>, vector<16xf32>
        %jit3A_741 = arith.constant 2 : i32
        %broadcast_in_dim3A_742 = vector.broadcast %jit3A_741 : i32 to vector<16xi32>
        %select_n3A_743 = arith.select %gt3A_739, %broadcast_in_dim3A_742, %broadcast_in_dim3A_738 : vector<16xi1>, vector<16xi32>
        %gt3A_744 = arith.cmpf ogt, %gather3A_732, %select_n3A_740 : vector<16xf32>
        %select_n3A_745 = arith.select %gt3A_744, %gather3A_732, %select_n3A_740 : vector<16xi1>, vector<16xf32>
        %jit3A_746 = arith.constant 448 : i32
        %broadcast_in_dim3A_747 = vector.broadcast %jit3A_746 : i32 to vector<16xi32>
        %select_n3A_748 = arith.select %gt3A_744, %broadcast_in_dim3A_747, %select_n3A_743 : vector<16xi1>, vector<16xi32>
        %gt3A_749 = arith.cmpf ogt, %gather3A_736, %select_n3A_745 : vector<16xf32>
        %select_n3A_750 = arith.select %gt3A_749, %gather3A_736, %select_n3A_745 : vector<16xi1>, vector<16xf32>
        %jit3A_751 = arith.constant 450 : i32
        %broadcast_in_dim3A_752 = vector.broadcast %jit3A_751 : i32 to vector<16xi32>
        %select_n3A_753 = arith.select %gt3A_749, %broadcast_in_dim3A_752, %select_n3A_748 : vector<16xi1>, vector<16xi32>
        %ge3A_754 = arith.constant 448 : i32
        %ge3A_755 = vector.broadcast %ge3A_754 : i32 to vector<16xi32>
        %ge3A_756 = arith.cmpi sge, %select_n3A_753, %ge3A_755 : vector<16xi32>
        %jit3A_757 = arith.constant 1 : i32
        %jit3A_758 = arith.constant 0 : i32
        %broadcast_in_dim3A_759 = vector.broadcast %jit3A_757 : i32 to vector<16xi32>
        %broadcast_in_dim3A_760 = vector.broadcast %jit3A_758 : i32 to vector<16xi32>
        %select_n3A_761 = arith.select %ge3A_756, %broadcast_in_dim3A_759, %broadcast_in_dim3A_760 : vector<16xi1>, vector<16xi32>
        %and3A_762 = arith.constant 2 : i32
        %and3A_763 = vector.broadcast %and3A_762 : i32 to vector<16xi32>
        %and3A_764 = arith.andi %select_n3A_753, %and3A_763 : vector<16xi32>
        %shift_right_arithmetic3A_765 = arith.constant 1 : i32
        %shift_right_arithmetic3A_766 = vector.broadcast %shift_right_arithmetic3A_765 : i32 to vector<16xi32>
        %shift_right_arithmetic3A_767 = arith.shrsi %and3A_764, %shift_right_arithmetic3A_766 : vector<16xi32>
        %mul3A_768 = arith.constant 2 : i32
        %mul3A_769 = arith.muli %mul3A_768, %add3A_266 : i32
        %add3A_770 = vector.broadcast %mul3A_769 : i32 to vector<16xi32>
        %add3A_771 = arith.addi %add3A_770, %select_n3A_761 : vector<16xi32>
        %mul3A_772 = arith.constant 224 : i32
        %mul3A_773 = vector.broadcast %mul3A_772 : i32 to vector<16xi32>
        %mul3A_774 = arith.muli %add3A_771, %mul3A_773 : vector<16xi32>
        %mul3A_775 = arith.constant 2 : i32
        %mul3A_776 = vector.broadcast %mul3A_775 : i32 to vector<16xi32>
        %mul3A_777 = arith.muli %mul3A_776, %add3A_715 : vector<16xi32>
        %add3A_778 = arith.addi %mul3A_774, %mul3A_777 : vector<16xi32>
        %add3A_779 = arith.addi %add3A_778, %shift_right_arithmetic3A_767 : vector<16xi32>
        %add3A_780 = arith.addi %add3A_723, %select_n3A_753 : vector<16xi32>
        %sub3A_781 = arith.constant 1 : i32
        %sub3A_782 = vector.broadcast %sub3A_781 : i32 to vector<16xi32>
        %sub3A_783 = arith.subi %add3A_780, %sub3A_782 : vector<16xi32>
        %gather3A_784 = tpu.vector_load_idx %arg6[%sub3A_783] : memref<25088xf32, #tpu.memory_space<vmem>>[vector<16xi32>], vector<16xf32>,
        %bitcast3A_785 = vector.bitcast %select_n3A_750 : vector<16xf32> to vector<16xi32>
        %lt3A_786 = arith.constant 0 : i32
        %lt3A_787 = vector.broadcast %lt3A_786 : i32 to vector<16xi32>
        %lt3A_788 = arith.cmpi slt, %bitcast3A_785, %lt3A_787 : vector<16xi32>
        %xor3A_789 = arith.constant 2147483647 : i32
        %xor3A_790 = vector.broadcast %xor3A_789 : i32 to vector<16xi32>
        %xor3A_791 = arith.xori %bitcast3A_785, %xor3A_790 : vector<16xi32>
        %select_n3A_792 = arith.select %lt3A_788, %xor3A_791, %bitcast3A_785 : vector<16xi1>, vector<16xi32>
        %mul3A_793 = arith.constant 112 : i32
        %mul3A_794 = arith.muli %add3A_266, %mul3A_793 : i32
        %add3A_795 = arith.constant 80 : i32
        %add3A_796 = arith.addi %mul3A_794, %add3A_795 : i32
        %swap3A_797 = arith.index_cast %add3A_796 : i32 to index
        %swap3A_798 = tpu.vector_load %arg9[%swap3A_797] {strides = array<i32>} : memref<12560xi32, #tpu.memory_space<vmem>>, vector<16xi32>,
        tpu.vector_store %arg9[%swap3A_797], %select_n3A_792 {strides = array<i32>} : memref<12560xi32, #tpu.memory_space<vmem>>, vector<16xi32>,
        %swap3A_799 = arith.index_cast %add3A_796 : i32 to index
        %swap3A_800 = tpu.vector_load %arg10[%swap3A_799] {strides = array<i32>} : memref<12560xi32, #tpu.memory_space<vmem>>, vector<16xi32>,
        tpu.vector_store %arg10[%swap3A_799], %add3A_779 {strides = array<i32>} : memref<12560xi32, #tpu.memory_space<vmem>>, vector<16xi32>,
        %swap3A_801 = arith.index_cast %add3A_796 : i32 to index
        %swap3A_802 = tpu.vector_load %arg11[%swap3A_801] {strides = array<i32>} : memref<12560xf32, #tpu.memory_space<vmem>>, vector<16xf32>,
        tpu.vector_store %arg11[%swap3A_801], %gather3A_784 {strides = array<i32>} : memref<12560xf32, #tpu.memory_space<vmem>>, vector<16xf32>,
        %max3A_803 = arith.maxsi %max3A_712, %select_n3A_792 : vector<16xi32>
        %add3A_804 = arith.constant 96 : i32
        %add3A_805 = vector.broadcast %add3A_804 : i32 to vector<16xi32>
        %add3A_806 = arith.addi %add3A_805, %iota3A : vector<16xi32>
        %mul3A_807 = arith.constant 4 : i32
        %mul3A_808 = vector.broadcast %mul3A_807 : i32 to vector<16xi32>
        %mul3A_809 = arith.muli %mul3A_808, %add3A_806 : vector<16xi32>
        %add3A_810 = vector.broadcast %mul3A_264 : i32 to vector<16xi32>
        %add3A_811 = arith.addi %add3A_810, %mul3A_809 : vector<16xi32>
        %add3A_812 = arith.constant 1 : i32
        %add3A_813 = vector.broadcast %add3A_812 : i32 to vector<16xi32>
        %add3A_814 = arith.addi %add3A_811, %add3A_813 : vector<16xi32>
        %gather3A_815 = tpu.vector_load_idx %arg6[%add3A_814] : memref<25088xf32, #tpu.memory_space<vmem>>[vector<16xi32>], vector<16xf32>,
        %add3A_816 = arith.constant 2 : i32
        %add3A_817 = vector.broadcast %add3A_816 : i32 to vector<16xi32>
        %add3A_818 = arith.addi %add3A_814, %add3A_817 : vector<16xi32>
        %gather3A_819 = tpu.vector_load_idx %arg6[%add3A_818] : memref<25088xf32, #tpu.memory_space<vmem>>[vector<16xi32>], vector<16xf32>,
        %add3A_820 = arith.constant 448 : i32
        %add3A_821 = vector.broadcast %add3A_820 : i32 to vector<16xi32>
        %add3A_822 = arith.addi %add3A_814, %add3A_821 : vector<16xi32>
        %gather3A_823 = tpu.vector_load_idx %arg6[%add3A_822] : memref<25088xf32, #tpu.memory_space<vmem>>[vector<16xi32>], vector<16xf32>,
        %add3A_824 = arith.constant 450 : i32
        %add3A_825 = vector.broadcast %add3A_824 : i32 to vector<16xi32>
        %add3A_826 = arith.addi %add3A_814, %add3A_825 : vector<16xi32>
        %gather3A_827 = tpu.vector_load_idx %arg6[%add3A_826] : memref<25088xf32, #tpu.memory_space<vmem>>[vector<16xi32>], vector<16xf32>,
        %broadcast_in_dim3A_828 = arith.constant 0 : i32
        %broadcast_in_dim3A_829 = vector.broadcast %broadcast_in_dim3A_828 : i32 to vector<16xi32>
        %gt3A_830 = arith.cmpf ogt, %gather3A_819, %gather3A_815 : vector<16xf32>
        %select_n3A_831 = arith.select %gt3A_830, %gather3A_819, %gather3A_815 : vector<16xi1>, vector<16xf32>
        %jit3A_832 = arith.constant 2 : i32
        %broadcast_in_dim3A_833 = vector.broadcast %jit3A_832 : i32 to vector<16xi32>
        %select_n3A_834 = arith.select %gt3A_830, %broadcast_in_dim3A_833, %broadcast_in_dim3A_829 : vector<16xi1>, vector<16xi32>
        %gt3A_835 = arith.cmpf ogt, %gather3A_823, %select_n3A_831 : vector<16xf32>
        %select_n3A_836 = arith.select %gt3A_835, %gather3A_823, %select_n3A_831 : vector<16xi1>, vector<16xf32>
        %jit3A_837 = arith.constant 448 : i32
        %broadcast_in_dim3A_838 = vector.broadcast %jit3A_837 : i32 to vector<16xi32>
        %select_n3A_839 = arith.select %gt3A_835, %broadcast_in_dim3A_838, %select_n3A_834 : vector<16xi1>, vector<16xi32>
        %gt3A_840 = arith.cmpf ogt, %gather3A_827, %select_n3A_836 : vector<16xf32>
        %select_n3A_841 = arith.select %gt3A_840, %gather3A_827, %select_n3A_836 : vector<16xi1>, vector<16xf32>
        %jit3A_842 = arith.constant 450 : i32
        %broadcast_in_dim3A_843 = vector.broadcast %jit3A_842 : i32 to vector<16xi32>
        %select_n3A_844 = arith.select %gt3A_840, %broadcast_in_dim3A_843, %select_n3A_839 : vector<16xi1>, vector<16xi32>
        %ge3A_845 = arith.constant 448 : i32
        %ge3A_846 = vector.broadcast %ge3A_845 : i32 to vector<16xi32>
        %ge3A_847 = arith.cmpi sge, %select_n3A_844, %ge3A_846 : vector<16xi32>
        %jit3A_848 = arith.constant 1 : i32
        %jit3A_849 = arith.constant 0 : i32
        %broadcast_in_dim3A_850 = vector.broadcast %jit3A_848 : i32 to vector<16xi32>
        %broadcast_in_dim3A_851 = vector.broadcast %jit3A_849 : i32 to vector<16xi32>
        %select_n3A_852 = arith.select %ge3A_847, %broadcast_in_dim3A_850, %broadcast_in_dim3A_851 : vector<16xi1>, vector<16xi32>
        %and3A_853 = arith.constant 2 : i32
        %and3A_854 = vector.broadcast %and3A_853 : i32 to vector<16xi32>
        %and3A_855 = arith.andi %select_n3A_844, %and3A_854 : vector<16xi32>
        %shift_right_arithmetic3A_856 = arith.constant 1 : i32
        %shift_right_arithmetic3A_857 = vector.broadcast %shift_right_arithmetic3A_856 : i32 to vector<16xi32>
        %shift_right_arithmetic3A_858 = arith.shrsi %and3A_855, %shift_right_arithmetic3A_857 : vector<16xi32>
        %mul3A_859 = arith.constant 2 : i32
        %mul3A_860 = arith.muli %mul3A_859, %add3A_266 : i32
        %add3A_861 = vector.broadcast %mul3A_860 : i32 to vector<16xi32>
        %add3A_862 = arith.addi %add3A_861, %select_n3A_852 : vector<16xi32>
        %mul3A_863 = arith.constant 224 : i32
        %mul3A_864 = vector.broadcast %mul3A_863 : i32 to vector<16xi32>
        %mul3A_865 = arith.muli %add3A_862, %mul3A_864 : vector<16xi32>
        %mul3A_866 = arith.constant 2 : i32
        %mul3A_867 = vector.broadcast %mul3A_866 : i32 to vector<16xi32>
        %mul3A_868 = arith.muli %mul3A_867, %add3A_806 : vector<16xi32>
        %add3A_869 = arith.addi %mul3A_865, %mul3A_868 : vector<16xi32>
        %add3A_870 = arith.addi %add3A_869, %shift_right_arithmetic3A_858 : vector<16xi32>
        %add3A_871 = arith.addi %add3A_814, %select_n3A_844 : vector<16xi32>
        %sub3A_872 = arith.constant 1 : i32
        %sub3A_873 = vector.broadcast %sub3A_872 : i32 to vector<16xi32>
        %sub3A_874 = arith.subi %add3A_871, %sub3A_873 : vector<16xi32>
        %gather3A_875 = tpu.vector_load_idx %arg6[%sub3A_874] : memref<25088xf32, #tpu.memory_space<vmem>>[vector<16xi32>], vector<16xf32>,
        %bitcast3A_876 = vector.bitcast %select_n3A_841 : vector<16xf32> to vector<16xi32>
        %lt3A_877 = arith.constant 0 : i32
        %lt3A_878 = vector.broadcast %lt3A_877 : i32 to vector<16xi32>
        %lt3A_879 = arith.cmpi slt, %bitcast3A_876, %lt3A_878 : vector<16xi32>
        %xor3A_880 = arith.constant 2147483647 : i32
        %xor3A_881 = vector.broadcast %xor3A_880 : i32 to vector<16xi32>
        %xor3A_882 = arith.xori %bitcast3A_876, %xor3A_881 : vector<16xi32>
        %select_n3A_883 = arith.select %lt3A_879, %xor3A_882, %bitcast3A_876 : vector<16xi1>, vector<16xi32>
        %mul3A_884 = arith.constant 112 : i32
        %mul3A_885 = arith.muli %add3A_266, %mul3A_884 : i32
        %add3A_886 = arith.constant 96 : i32
        %add3A_887 = arith.addi %mul3A_885, %add3A_886 : i32
        %swap3A_888 = arith.index_cast %add3A_887 : i32 to index
        %swap3A_889 = tpu.vector_load %arg9[%swap3A_888] {strides = array<i32>} : memref<12560xi32, #tpu.memory_space<vmem>>, vector<16xi32>,
        tpu.vector_store %arg9[%swap3A_888], %select_n3A_883 {strides = array<i32>} : memref<12560xi32, #tpu.memory_space<vmem>>, vector<16xi32>,
        %swap3A_890 = arith.index_cast %add3A_887 : i32 to index
        %swap3A_891 = tpu.vector_load %arg10[%swap3A_890] {strides = array<i32>} : memref<12560xi32, #tpu.memory_space<vmem>>, vector<16xi32>,
        tpu.vector_store %arg10[%swap3A_890], %add3A_870 {strides = array<i32>} : memref<12560xi32, #tpu.memory_space<vmem>>, vector<16xi32>,
        %swap3A_892 = arith.index_cast %add3A_887 : i32 to index
        %swap3A_893 = tpu.vector_load %arg11[%swap3A_892] {strides = array<i32>} : memref<12560xf32, #tpu.memory_space<vmem>>, vector<16xf32>,
        tpu.vector_store %arg11[%swap3A_892], %gather3A_875 {strides = array<i32>} : memref<12560xf32, #tpu.memory_space<vmem>>, vector<16xf32>,
        %max3A_894 = arith.maxsi %max3A_803, %select_n3A_883 : vector<16xi32>
        %reduce_max3A = arith.constant true
        %reduce_max3A_895 = vector.broadcast %reduce_max3A : i1 to vector<16xi1>
        %reduce_max3A_896 = arith.constant -2147483648 : i32
        %reduce_max3A_897 = vector.broadcast %reduce_max3A_896 : i32 to vector<16xi32>
        %reduce_max3A_898 = arith.xori %max3A_894, %reduce_max3A_897 : vector<16xi32>
        %reduce_max3A_899 = tpu.scan <max>, %reduce_max3A_898 masked %reduce_max3A_895 : vector<16xi32>, vector<16xi1> -> vector<16xi32>
        %reduce_max3A_900 = arith.xori %reduce_max3A_899, %reduce_max3A_897 : vector<16xi32>
        %reduce_max3A_901 = vector.extract %reduce_max3A_900[15] : i32 from vector<16xi32>
        %and3A_902 = arith.constant 15 : i32
        %and3A_903 = arith.andi %add3A_266, %and3A_902 : i32
        %eq3A = vector.broadcast %and3A_903 : i32 to vector<16xi32>
        %eq3A_904 = arith.cmpi eq, %iota3A, %eq3A : vector<16xi32>
        %broadcast_in_dim3A_905 = arith.constant 0 : i32
        %broadcast_in_dim3A_906 = vector.broadcast %broadcast_in_dim3A_905 : i32 to vector<16xi32>
        %add3A_907 = vector.broadcast %reduce_max3A_901 : i32 to vector<16xi32>
        %add3A_908 = arith.addi %broadcast_in_dim3A_906, %add3A_907 : vector<16xi32>
        %select_n3A_909 = arith.select %eq3A_904, %add3A_908, %scan3A_262 : vector<16xi1>, vector<16xi32>
        %shift_right_arithmetic3A_910 = arith.constant 4 : i32
        %shift_right_arithmetic3A_911 = arith.shrsi %add3A_266, %shift_right_arithmetic3A_910 : i32
        %mul3A_912 = arith.constant 16 : i32
        %mul3A_913 = arith.muli %shift_right_arithmetic3A_911, %mul3A_912 : i32
        %swap3A_914 = arith.index_cast %mul3A_913 : i32 to index
        %swap3A_915 = tpu.vector_load %arg12[%swap3A_914] {strides = array<i32>} : memref<112xi32, #tpu.memory_space<vmem>>, vector<16xi32>,
        tpu.vector_store %arg12[%swap3A_914], %select_n3A_909 {strides = array<i32>} : memref<112xi32, #tpu.memory_space<vmem>>, vector<16xi32>,
        scf.yield %select_n3A_909 : vector<16xi32>
      }
      %scan3A_148 = arith.constant 28 : i32
      %dma_wait3A_149 = arith.constant 50176 : i32
      %dma_wait3A_150 = tpu.memref_slice %arg2[%add3A_108, %dma_wait3A_149] : memref<768x100352xf32, #tpu.memory_space<hbm>> -> memref<1x25088xf32, #tpu.memory_space<hbm>>
      %dma_wait3A_151 = tpu.memref_squeeze %dma_wait3A_150 : memref<1x25088xf32, #tpu.memory_space<hbm>> -> memref<25088xf32, #tpu.memory_space<hbm>>
      %dma_wait3A_152 = arith.constant 50176 : i32
      %dma_wait3A_153 = tpu.memref_slice %arg2[%add3A_108, %dma_wait3A_152] : memref<768x100352xf32, #tpu.memory_space<hbm>> -> memref<1x25088xf32, #tpu.memory_space<hbm>>
      %dma_wait3A_154 = tpu.memref_squeeze %dma_wait3A_153 : memref<1x25088xf32, #tpu.memory_space<hbm>> -> memref<25088xf32, #tpu.memory_space<hbm>>
      tpu.wait_dma2 semaphore(%arg7 : memref<!tpu.dma_semaphore, #tpu.memory_space<semaphore_mem>>) src(%dma_wait3A_154 : memref<25088xf32, #tpu.memory_space<hbm>>) dst(%arg5 : memref<25088xf32, #tpu.memory_space<vmem>>)
      %dma_start3A_155 = arith.constant 75264 : i32
      %dma_start3A_156 = tpu.memref_slice %arg2[%add3A_108, %dma_start3A_155] : memref<768x100352xf32, #tpu.memory_space<hbm>> -> memref<1x25088xf32, #tpu.memory_space<hbm>>
      %dma_start3A_157 = tpu.memref_squeeze %dma_start3A_156 : memref<1x25088xf32, #tpu.memory_space<hbm>> -> memref<25088xf32, #tpu.memory_space<hbm>>
      %dma_start3A_158 = arith.constant 75264 : i32
      %dma_start3A_159 = tpu.memref_slice %arg2[%add3A_108, %dma_start3A_158] : memref<768x100352xf32, #tpu.memory_space<hbm>> -> memref<1x25088xf32, #tpu.memory_space<hbm>>
      %dma_start3A_160 = tpu.memref_squeeze %dma_start3A_159 : memref<1x25088xf32, #tpu.memory_space<hbm>> -> memref<25088xf32, #tpu.memory_space<hbm>>
      tpu.enqueue_dma source(%dma_start3A_160 : memref<25088xf32, #tpu.memory_space<hbm>>) target(%arg6 : memref<25088xf32, #tpu.memory_space<vmem>>) target_semaphore(%arg8 : memref<!tpu.dma_semaphore, #tpu.memory_space<semaphore_mem>>)
      %scan3A_161 = arith.constant 0 : i32
      %scan3A_162 = arith.constant 28 : i32
      %scan3A_163 = arith.addi %scan3A_161, %scan3A_162 : i32
      %scan3A_164 = arith.constant 1 : i32
      %scan3A_165 = scf.for %scan3A_261 = %scan3A_161 to %scan3A_163 step %scan3A_164 iter_args(%scan3A_262 = %scan3A_147) -> (vector<16xi32>)  : i32 {
        %mul3A_263 = arith.constant 896 : i32
        %mul3A_264 = arith.muli %scan3A_261, %mul3A_263 : i32
        %add3A_265 = arith.constant 56 : i32
        %add3A_266 = arith.addi %add3A_265, %scan3A_261 : i32
        %add3A_267 = arith.constant 0 : i32
        %add3A_268 = vector.broadcast %add3A_267 : i32 to vector<16xi32>
        %add3A_269 = arith.addi %add3A_268, %iota3A : vector<16xi32>
        %mul3A_270 = arith.constant 4 : i32
        %mul3A_271 = vector.broadcast %mul3A_270 : i32 to vector<16xi32>
        %mul3A_272 = arith.muli %mul3A_271, %add3A_269 : vector<16xi32>
        %add3A_273 = vector.broadcast %mul3A_264 : i32 to vector<16xi32>
        %add3A_274 = arith.addi %add3A_273, %mul3A_272 : vector<16xi32>
        %add3A_275 = arith.constant 1 : i32
        %add3A_276 = vector.broadcast %add3A_275 : i32 to vector<16xi32>
        %add3A_277 = arith.addi %add3A_274, %add3A_276 : vector<16xi32>
        %gather3A = tpu.vector_load_idx %arg5[%add3A_277] : memref<25088xf32, #tpu.memory_space<vmem>>[vector<16xi32>], vector<16xf32>,
        %add3A_278 = arith.constant 2 : i32
        %add3A_279 = vector.broadcast %add3A_278 : i32 to vector<16xi32>
        %add3A_280 = arith.addi %add3A_277, %add3A_279 : vector<16xi32>
        %gather3A_281 = tpu.vector_load_idx %arg5[%add3A_280] : memref<25088xf32, #tpu.memory_space<vmem>>[vector<16xi32>], vector<16xf32>,
        %add3A_282 = arith.constant 448 : i32
        %add3A_283 = vector.broadcast %add3A_282 : i32 to vector<16xi32>
        %add3A_284 = arith.addi %add3A_277, %add3A_283 : vector<16xi32>
        %gather3A_285 = tpu.vector_load_idx %arg5[%add3A_284] : memref<25088xf32, #tpu.memory_space<vmem>>[vector<16xi32>], vector<16xf32>,
        %add3A_286 = arith.constant 450 : i32
        %add3A_287 = vector.broadcast %add3A_286 : i32 to vector<16xi32>
        %add3A_288 = arith.addi %add3A_277, %add3A_287 : vector<16xi32>
        %gather3A_289 = tpu.vector_load_idx %arg5[%add3A_288] : memref<25088xf32, #tpu.memory_space<vmem>>[vector<16xi32>], vector<16xf32>,
        %broadcast_in_dim3A_290 = arith.constant 0 : i32
        %broadcast_in_dim3A_291 = vector.broadcast %broadcast_in_dim3A_290 : i32 to vector<16xi32>
        %gt3A = arith.cmpf ogt, %gather3A_281, %gather3A : vector<16xf32>
        %select_n3A = arith.select %gt3A, %gather3A_281, %gather3A : vector<16xi1>, vector<16xf32>
        %jit3A = arith.constant 2 : i32
        %broadcast_in_dim3A_292 = vector.broadcast %jit3A : i32 to vector<16xi32>
        %select_n3A_293 = arith.select %gt3A, %broadcast_in_dim3A_292, %broadcast_in_dim3A_291 : vector<16xi1>, vector<16xi32>
        %gt3A_294 = arith.cmpf ogt, %gather3A_285, %select_n3A : vector<16xf32>
        %select_n3A_295 = arith.select %gt3A_294, %gather3A_285, %select_n3A : vector<16xi1>, vector<16xf32>
        %jit3A_296 = arith.constant 448 : i32
        %broadcast_in_dim3A_297 = vector.broadcast %jit3A_296 : i32 to vector<16xi32>
        %select_n3A_298 = arith.select %gt3A_294, %broadcast_in_dim3A_297, %select_n3A_293 : vector<16xi1>, vector<16xi32>
        %gt3A_299 = arith.cmpf ogt, %gather3A_289, %select_n3A_295 : vector<16xf32>
        %select_n3A_300 = arith.select %gt3A_299, %gather3A_289, %select_n3A_295 : vector<16xi1>, vector<16xf32>
        %jit3A_301 = arith.constant 450 : i32
        %broadcast_in_dim3A_302 = vector.broadcast %jit3A_301 : i32 to vector<16xi32>
        %select_n3A_303 = arith.select %gt3A_299, %broadcast_in_dim3A_302, %select_n3A_298 : vector<16xi1>, vector<16xi32>
        %ge3A = arith.constant 448 : i32
        %ge3A_304 = vector.broadcast %ge3A : i32 to vector<16xi32>
        %ge3A_305 = arith.cmpi sge, %select_n3A_303, %ge3A_304 : vector<16xi32>
        %jit3A_306 = arith.constant 1 : i32
        %jit3A_307 = arith.constant 0 : i32
        %broadcast_in_dim3A_308 = vector.broadcast %jit3A_306 : i32 to vector<16xi32>
        %broadcast_in_dim3A_309 = vector.broadcast %jit3A_307 : i32 to vector<16xi32>
        %select_n3A_310 = arith.select %ge3A_305, %broadcast_in_dim3A_308, %broadcast_in_dim3A_309 : vector<16xi1>, vector<16xi32>
        %and3A_311 = arith.constant 2 : i32
        %and3A_312 = vector.broadcast %and3A_311 : i32 to vector<16xi32>
        %and3A_313 = arith.andi %select_n3A_303, %and3A_312 : vector<16xi32>
        %shift_right_arithmetic3A_314 = arith.constant 1 : i32
        %shift_right_arithmetic3A_315 = vector.broadcast %shift_right_arithmetic3A_314 : i32 to vector<16xi32>
        %shift_right_arithmetic3A_316 = arith.shrsi %and3A_313, %shift_right_arithmetic3A_315 : vector<16xi32>
        %mul3A_317 = arith.constant 2 : i32
        %mul3A_318 = arith.muli %mul3A_317, %add3A_266 : i32
        %add3A_319 = vector.broadcast %mul3A_318 : i32 to vector<16xi32>
        %add3A_320 = arith.addi %add3A_319, %select_n3A_310 : vector<16xi32>
        %mul3A_321 = arith.constant 224 : i32
        %mul3A_322 = vector.broadcast %mul3A_321 : i32 to vector<16xi32>
        %mul3A_323 = arith.muli %add3A_320, %mul3A_322 : vector<16xi32>
        %mul3A_324 = arith.constant 2 : i32
        %mul3A_325 = vector.broadcast %mul3A_324 : i32 to vector<16xi32>
        %mul3A_326 = arith.muli %mul3A_325, %add3A_269 : vector<16xi32>
        %add3A_327 = arith.addi %mul3A_323, %mul3A_326 : vector<16xi32>
        %add3A_328 = arith.addi %add3A_327, %shift_right_arithmetic3A_316 : vector<16xi32>
        %add3A_329 = arith.addi %add3A_277, %select_n3A_303 : vector<16xi32>
        %sub3A = arith.constant 1 : i32
        %sub3A_330 = vector.broadcast %sub3A : i32 to vector<16xi32>
        %sub3A_331 = arith.subi %add3A_329, %sub3A_330 : vector<16xi32>
        %gather3A_332 = tpu.vector_load_idx %arg5[%sub3A_331] : memref<25088xf32, #tpu.memory_space<vmem>>[vector<16xi32>], vector<16xf32>,
        %bitcast3A = vector.bitcast %select_n3A_300 : vector<16xf32> to vector<16xi32>
        %lt3A = arith.constant 0 : i32
        %lt3A_333 = vector.broadcast %lt3A : i32 to vector<16xi32>
        %lt3A_334 = arith.cmpi slt, %bitcast3A, %lt3A_333 : vector<16xi32>
        %xor3A_335 = arith.constant 2147483647 : i32
        %xor3A_336 = vector.broadcast %xor3A_335 : i32 to vector<16xi32>
        %xor3A_337 = arith.xori %bitcast3A, %xor3A_336 : vector<16xi32>
        %select_n3A_338 = arith.select %lt3A_334, %xor3A_337, %bitcast3A : vector<16xi1>, vector<16xi32>
        %mul3A_339 = arith.constant 112 : i32
        %mul3A_340 = arith.muli %add3A_266, %mul3A_339 : i32
        %add3A_341 = arith.constant 0 : i32
        %add3A_342 = arith.addi %mul3A_340, %add3A_341 : i32
        %swap3A_343 = arith.index_cast %add3A_342 : i32 to index
        %swap3A_344 = tpu.vector_load %arg9[%swap3A_343] {strides = array<i32>} : memref<12560xi32, #tpu.memory_space<vmem>>, vector<16xi32>,
        tpu.vector_store %arg9[%swap3A_343], %select_n3A_338 {strides = array<i32>} : memref<12560xi32, #tpu.memory_space<vmem>>, vector<16xi32>,
        %swap3A_345 = arith.index_cast %add3A_342 : i32 to index
        %swap3A_346 = tpu.vector_load %arg10[%swap3A_345] {strides = array<i32>} : memref<12560xi32, #tpu.memory_space<vmem>>, vector<16xi32>,
        tpu.vector_store %arg10[%swap3A_345], %add3A_328 {strides = array<i32>} : memref<12560xi32, #tpu.memory_space<vmem>>, vector<16xi32>,
        %swap3A_347 = arith.index_cast %add3A_342 : i32 to index
        %swap3A_348 = tpu.vector_load %arg11[%swap3A_347] {strides = array<i32>} : memref<12560xf32, #tpu.memory_space<vmem>>, vector<16xf32>,
        tpu.vector_store %arg11[%swap3A_347], %gather3A_332 {strides = array<i32>} : memref<12560xf32, #tpu.memory_space<vmem>>, vector<16xf32>,
        %max3A = arith.maxsi %broadcast_in_dim3A_96, %select_n3A_338 : vector<16xi32>
        %add3A_349 = arith.constant 16 : i32
        %add3A_350 = vector.broadcast %add3A_349 : i32 to vector<16xi32>
        %add3A_351 = arith.addi %add3A_350, %iota3A : vector<16xi32>
        %mul3A_352 = arith.constant 4 : i32
        %mul3A_353 = vector.broadcast %mul3A_352 : i32 to vector<16xi32>
        %mul3A_354 = arith.muli %mul3A_353, %add3A_351 : vector<16xi32>
        %add3A_355 = vector.broadcast %mul3A_264 : i32 to vector<16xi32>
        %add3A_356 = arith.addi %add3A_355, %mul3A_354 : vector<16xi32>
        %add3A_357 = arith.constant 1 : i32
        %add3A_358 = vector.broadcast %add3A_357 : i32 to vector<16xi32>
        %add3A_359 = arith.addi %add3A_356, %add3A_358 : vector<16xi32>
        %gather3A_360 = tpu.vector_load_idx %arg5[%add3A_359] : memref<25088xf32, #tpu.memory_space<vmem>>[vector<16xi32>], vector<16xf32>,
        %add3A_361 = arith.constant 2 : i32
        %add3A_362 = vector.broadcast %add3A_361 : i32 to vector<16xi32>
        %add3A_363 = arith.addi %add3A_359, %add3A_362 : vector<16xi32>
        %gather3A_364 = tpu.vector_load_idx %arg5[%add3A_363] : memref<25088xf32, #tpu.memory_space<vmem>>[vector<16xi32>], vector<16xf32>,
        %add3A_365 = arith.constant 448 : i32
        %add3A_366 = vector.broadcast %add3A_365 : i32 to vector<16xi32>
        %add3A_367 = arith.addi %add3A_359, %add3A_366 : vector<16xi32>
        %gather3A_368 = tpu.vector_load_idx %arg5[%add3A_367] : memref<25088xf32, #tpu.memory_space<vmem>>[vector<16xi32>], vector<16xf32>,
        %add3A_369 = arith.constant 450 : i32
        %add3A_370 = vector.broadcast %add3A_369 : i32 to vector<16xi32>
        %add3A_371 = arith.addi %add3A_359, %add3A_370 : vector<16xi32>
        %gather3A_372 = tpu.vector_load_idx %arg5[%add3A_371] : memref<25088xf32, #tpu.memory_space<vmem>>[vector<16xi32>], vector<16xf32>,
        %broadcast_in_dim3A_373 = arith.constant 0 : i32
        %broadcast_in_dim3A_374 = vector.broadcast %broadcast_in_dim3A_373 : i32 to vector<16xi32>
        %gt3A_375 = arith.cmpf ogt, %gather3A_364, %gather3A_360 : vector<16xf32>
        %select_n3A_376 = arith.select %gt3A_375, %gather3A_364, %gather3A_360 : vector<16xi1>, vector<16xf32>
        %jit3A_377 = arith.constant 2 : i32
        %broadcast_in_dim3A_378 = vector.broadcast %jit3A_377 : i32 to vector<16xi32>
        %select_n3A_379 = arith.select %gt3A_375, %broadcast_in_dim3A_378, %broadcast_in_dim3A_374 : vector<16xi1>, vector<16xi32>
        %gt3A_380 = arith.cmpf ogt, %gather3A_368, %select_n3A_376 : vector<16xf32>
        %select_n3A_381 = arith.select %gt3A_380, %gather3A_368, %select_n3A_376 : vector<16xi1>, vector<16xf32>
        %jit3A_382 = arith.constant 448 : i32
        %broadcast_in_dim3A_383 = vector.broadcast %jit3A_382 : i32 to vector<16xi32>
        %select_n3A_384 = arith.select %gt3A_380, %broadcast_in_dim3A_383, %select_n3A_379 : vector<16xi1>, vector<16xi32>
        %gt3A_385 = arith.cmpf ogt, %gather3A_372, %select_n3A_381 : vector<16xf32>
        %select_n3A_386 = arith.select %gt3A_385, %gather3A_372, %select_n3A_381 : vector<16xi1>, vector<16xf32>
        %jit3A_387 = arith.constant 450 : i32
        %broadcast_in_dim3A_388 = vector.broadcast %jit3A_387 : i32 to vector<16xi32>
        %select_n3A_389 = arith.select %gt3A_385, %broadcast_in_dim3A_388, %select_n3A_384 : vector<16xi1>, vector<16xi32>
        %ge3A_390 = arith.constant 448 : i32
        %ge3A_391 = vector.broadcast %ge3A_390 : i32 to vector<16xi32>
        %ge3A_392 = arith.cmpi sge, %select_n3A_389, %ge3A_391 : vector<16xi32>
        %jit3A_393 = arith.constant 1 : i32
        %jit3A_394 = arith.constant 0 : i32
        %broadcast_in_dim3A_395 = vector.broadcast %jit3A_393 : i32 to vector<16xi32>
        %broadcast_in_dim3A_396 = vector.broadcast %jit3A_394 : i32 to vector<16xi32>
        %select_n3A_397 = arith.select %ge3A_392, %broadcast_in_dim3A_395, %broadcast_in_dim3A_396 : vector<16xi1>, vector<16xi32>
        %and3A_398 = arith.constant 2 : i32
        %and3A_399 = vector.broadcast %and3A_398 : i32 to vector<16xi32>
        %and3A_400 = arith.andi %select_n3A_389, %and3A_399 : vector<16xi32>
        %shift_right_arithmetic3A_401 = arith.constant 1 : i32
        %shift_right_arithmetic3A_402 = vector.broadcast %shift_right_arithmetic3A_401 : i32 to vector<16xi32>
        %shift_right_arithmetic3A_403 = arith.shrsi %and3A_400, %shift_right_arithmetic3A_402 : vector<16xi32>
        %mul3A_404 = arith.constant 2 : i32
        %mul3A_405 = arith.muli %mul3A_404, %add3A_266 : i32
        %add3A_406 = vector.broadcast %mul3A_405 : i32 to vector<16xi32>
        %add3A_407 = arith.addi %add3A_406, %select_n3A_397 : vector<16xi32>
        %mul3A_408 = arith.constant 224 : i32
        %mul3A_409 = vector.broadcast %mul3A_408 : i32 to vector<16xi32>
        %mul3A_410 = arith.muli %add3A_407, %mul3A_409 : vector<16xi32>
        %mul3A_411 = arith.constant 2 : i32
        %mul3A_412 = vector.broadcast %mul3A_411 : i32 to vector<16xi32>
        %mul3A_413 = arith.muli %mul3A_412, %add3A_351 : vector<16xi32>
        %add3A_414 = arith.addi %mul3A_410, %mul3A_413 : vector<16xi32>
        %add3A_415 = arith.addi %add3A_414, %shift_right_arithmetic3A_403 : vector<16xi32>
        %add3A_416 = arith.addi %add3A_359, %select_n3A_389 : vector<16xi32>
        %sub3A_417 = arith.constant 1 : i32
        %sub3A_418 = vector.broadcast %sub3A_417 : i32 to vector<16xi32>
        %sub3A_419 = arith.subi %add3A_416, %sub3A_418 : vector<16xi32>
        %gather3A_420 = tpu.vector_load_idx %arg5[%sub3A_419] : memref<25088xf32, #tpu.memory_space<vmem>>[vector<16xi32>], vector<16xf32>,
        %bitcast3A_421 = vector.bitcast %select_n3A_386 : vector<16xf32> to vector<16xi32>
        %lt3A_422 = arith.constant 0 : i32
        %lt3A_423 = vector.broadcast %lt3A_422 : i32 to vector<16xi32>
        %lt3A_424 = arith.cmpi slt, %bitcast3A_421, %lt3A_423 : vector<16xi32>
        %xor3A_425 = arith.constant 2147483647 : i32
        %xor3A_426 = vector.broadcast %xor3A_425 : i32 to vector<16xi32>
        %xor3A_427 = arith.xori %bitcast3A_421, %xor3A_426 : vector<16xi32>
        %select_n3A_428 = arith.select %lt3A_424, %xor3A_427, %bitcast3A_421 : vector<16xi1>, vector<16xi32>
        %mul3A_429 = arith.constant 112 : i32
        %mul3A_430 = arith.muli %add3A_266, %mul3A_429 : i32
        %add3A_431 = arith.constant 16 : i32
        %add3A_432 = arith.addi %mul3A_430, %add3A_431 : i32
        %swap3A_433 = arith.index_cast %add3A_432 : i32 to index
        %swap3A_434 = tpu.vector_load %arg9[%swap3A_433] {strides = array<i32>} : memref<12560xi32, #tpu.memory_space<vmem>>, vector<16xi32>,
        tpu.vector_store %arg9[%swap3A_433], %select_n3A_428 {strides = array<i32>} : memref<12560xi32, #tpu.memory_space<vmem>>, vector<16xi32>,
        %swap3A_435 = arith.index_cast %add3A_432 : i32 to index
        %swap3A_436 = tpu.vector_load %arg10[%swap3A_435] {strides = array<i32>} : memref<12560xi32, #tpu.memory_space<vmem>>, vector<16xi32>,
        tpu.vector_store %arg10[%swap3A_435], %add3A_415 {strides = array<i32>} : memref<12560xi32, #tpu.memory_space<vmem>>, vector<16xi32>,
        %swap3A_437 = arith.index_cast %add3A_432 : i32 to index
        %swap3A_438 = tpu.vector_load %arg11[%swap3A_437] {strides = array<i32>} : memref<12560xf32, #tpu.memory_space<vmem>>, vector<16xf32>,
        tpu.vector_store %arg11[%swap3A_437], %gather3A_420 {strides = array<i32>} : memref<12560xf32, #tpu.memory_space<vmem>>, vector<16xf32>,
        %max3A_439 = arith.maxsi %max3A, %select_n3A_428 : vector<16xi32>
        %add3A_440 = arith.constant 32 : i32
        %add3A_441 = vector.broadcast %add3A_440 : i32 to vector<16xi32>
        %add3A_442 = arith.addi %add3A_441, %iota3A : vector<16xi32>
        %mul3A_443 = arith.constant 4 : i32
        %mul3A_444 = vector.broadcast %mul3A_443 : i32 to vector<16xi32>
        %mul3A_445 = arith.muli %mul3A_444, %add3A_442 : vector<16xi32>
        %add3A_446 = vector.broadcast %mul3A_264 : i32 to vector<16xi32>
        %add3A_447 = arith.addi %add3A_446, %mul3A_445 : vector<16xi32>
        %add3A_448 = arith.constant 1 : i32
        %add3A_449 = vector.broadcast %add3A_448 : i32 to vector<16xi32>
        %add3A_450 = arith.addi %add3A_447, %add3A_449 : vector<16xi32>
        %gather3A_451 = tpu.vector_load_idx %arg5[%add3A_450] : memref<25088xf32, #tpu.memory_space<vmem>>[vector<16xi32>], vector<16xf32>,
        %add3A_452 = arith.constant 2 : i32
        %add3A_453 = vector.broadcast %add3A_452 : i32 to vector<16xi32>
        %add3A_454 = arith.addi %add3A_450, %add3A_453 : vector<16xi32>
        %gather3A_455 = tpu.vector_load_idx %arg5[%add3A_454] : memref<25088xf32, #tpu.memory_space<vmem>>[vector<16xi32>], vector<16xf32>,
        %add3A_456 = arith.constant 448 : i32
        %add3A_457 = vector.broadcast %add3A_456 : i32 to vector<16xi32>
        %add3A_458 = arith.addi %add3A_450, %add3A_457 : vector<16xi32>
        %gather3A_459 = tpu.vector_load_idx %arg5[%add3A_458] : memref<25088xf32, #tpu.memory_space<vmem>>[vector<16xi32>], vector<16xf32>,
        %add3A_460 = arith.constant 450 : i32
        %add3A_461 = vector.broadcast %add3A_460 : i32 to vector<16xi32>
        %add3A_462 = arith.addi %add3A_450, %add3A_461 : vector<16xi32>
        %gather3A_463 = tpu.vector_load_idx %arg5[%add3A_462] : memref<25088xf32, #tpu.memory_space<vmem>>[vector<16xi32>], vector<16xf32>,
        %broadcast_in_dim3A_464 = arith.constant 0 : i32
        %broadcast_in_dim3A_465 = vector.broadcast %broadcast_in_dim3A_464 : i32 to vector<16xi32>
        %gt3A_466 = arith.cmpf ogt, %gather3A_455, %gather3A_451 : vector<16xf32>
        %select_n3A_467 = arith.select %gt3A_466, %gather3A_455, %gather3A_451 : vector<16xi1>, vector<16xf32>
        %jit3A_468 = arith.constant 2 : i32
        %broadcast_in_dim3A_469 = vector.broadcast %jit3A_468 : i32 to vector<16xi32>
        %select_n3A_470 = arith.select %gt3A_466, %broadcast_in_dim3A_469, %broadcast_in_dim3A_465 : vector<16xi1>, vector<16xi32>
        %gt3A_471 = arith.cmpf ogt, %gather3A_459, %select_n3A_467 : vector<16xf32>
        %select_n3A_472 = arith.select %gt3A_471, %gather3A_459, %select_n3A_467 : vector<16xi1>, vector<16xf32>
        %jit3A_473 = arith.constant 448 : i32
        %broadcast_in_dim3A_474 = vector.broadcast %jit3A_473 : i32 to vector<16xi32>
        %select_n3A_475 = arith.select %gt3A_471, %broadcast_in_dim3A_474, %select_n3A_470 : vector<16xi1>, vector<16xi32>
        %gt3A_476 = arith.cmpf ogt, %gather3A_463, %select_n3A_472 : vector<16xf32>
        %select_n3A_477 = arith.select %gt3A_476, %gather3A_463, %select_n3A_472 : vector<16xi1>, vector<16xf32>
        %jit3A_478 = arith.constant 450 : i32
        %broadcast_in_dim3A_479 = vector.broadcast %jit3A_478 : i32 to vector<16xi32>
        %select_n3A_480 = arith.select %gt3A_476, %broadcast_in_dim3A_479, %select_n3A_475 : vector<16xi1>, vector<16xi32>
        %ge3A_481 = arith.constant 448 : i32
        %ge3A_482 = vector.broadcast %ge3A_481 : i32 to vector<16xi32>
        %ge3A_483 = arith.cmpi sge, %select_n3A_480, %ge3A_482 : vector<16xi32>
        %jit3A_484 = arith.constant 1 : i32
        %jit3A_485 = arith.constant 0 : i32
        %broadcast_in_dim3A_486 = vector.broadcast %jit3A_484 : i32 to vector<16xi32>
        %broadcast_in_dim3A_487 = vector.broadcast %jit3A_485 : i32 to vector<16xi32>
        %select_n3A_488 = arith.select %ge3A_483, %broadcast_in_dim3A_486, %broadcast_in_dim3A_487 : vector<16xi1>, vector<16xi32>
        %and3A_489 = arith.constant 2 : i32
        %and3A_490 = vector.broadcast %and3A_489 : i32 to vector<16xi32>
        %and3A_491 = arith.andi %select_n3A_480, %and3A_490 : vector<16xi32>
        %shift_right_arithmetic3A_492 = arith.constant 1 : i32
        %shift_right_arithmetic3A_493 = vector.broadcast %shift_right_arithmetic3A_492 : i32 to vector<16xi32>
        %shift_right_arithmetic3A_494 = arith.shrsi %and3A_491, %shift_right_arithmetic3A_493 : vector<16xi32>
        %mul3A_495 = arith.constant 2 : i32
        %mul3A_496 = arith.muli %mul3A_495, %add3A_266 : i32
        %add3A_497 = vector.broadcast %mul3A_496 : i32 to vector<16xi32>
        %add3A_498 = arith.addi %add3A_497, %select_n3A_488 : vector<16xi32>
        %mul3A_499 = arith.constant 224 : i32
        %mul3A_500 = vector.broadcast %mul3A_499 : i32 to vector<16xi32>
        %mul3A_501 = arith.muli %add3A_498, %mul3A_500 : vector<16xi32>
        %mul3A_502 = arith.constant 2 : i32
        %mul3A_503 = vector.broadcast %mul3A_502 : i32 to vector<16xi32>
        %mul3A_504 = arith.muli %mul3A_503, %add3A_442 : vector<16xi32>
        %add3A_505 = arith.addi %mul3A_501, %mul3A_504 : vector<16xi32>
        %add3A_506 = arith.addi %add3A_505, %shift_right_arithmetic3A_494 : vector<16xi32>
        %add3A_507 = arith.addi %add3A_450, %select_n3A_480 : vector<16xi32>
        %sub3A_508 = arith.constant 1 : i32
        %sub3A_509 = vector.broadcast %sub3A_508 : i32 to vector<16xi32>
        %sub3A_510 = arith.subi %add3A_507, %sub3A_509 : vector<16xi32>
        %gather3A_511 = tpu.vector_load_idx %arg5[%sub3A_510] : memref<25088xf32, #tpu.memory_space<vmem>>[vector<16xi32>], vector<16xf32>,
        %bitcast3A_512 = vector.bitcast %select_n3A_477 : vector<16xf32> to vector<16xi32>
        %lt3A_513 = arith.constant 0 : i32
        %lt3A_514 = vector.broadcast %lt3A_513 : i32 to vector<16xi32>
        %lt3A_515 = arith.cmpi slt, %bitcast3A_512, %lt3A_514 : vector<16xi32>
        %xor3A_516 = arith.constant 2147483647 : i32
        %xor3A_517 = vector.broadcast %xor3A_516 : i32 to vector<16xi32>
        %xor3A_518 = arith.xori %bitcast3A_512, %xor3A_517 : vector<16xi32>
        %select_n3A_519 = arith.select %lt3A_515, %xor3A_518, %bitcast3A_512 : vector<16xi1>, vector<16xi32>
        %mul3A_520 = arith.constant 112 : i32
        %mul3A_521 = arith.muli %add3A_266, %mul3A_520 : i32
        %add3A_522 = arith.constant 32 : i32
        %add3A_523 = arith.addi %mul3A_521, %add3A_522 : i32
        %swap3A_524 = arith.index_cast %add3A_523 : i32 to index
        %swap3A_525 = tpu.vector_load %arg9[%swap3A_524] {strides = array<i32>} : memref<12560xi32, #tpu.memory_space<vmem>>, vector<16xi32>,
        tpu.vector_store %arg9[%swap3A_524], %select_n3A_519 {strides = array<i32>} : memref<12560xi32, #tpu.memory_space<vmem>>, vector<16xi32>,
        %swap3A_526 = arith.index_cast %add3A_523 : i32 to index
        %swap3A_527 = tpu.vector_load %arg10[%swap3A_526] {strides = array<i32>} : memref<12560xi32, #tpu.memory_space<vmem>>, vector<16xi32>,
        tpu.vector_store %arg10[%swap3A_526], %add3A_506 {strides = array<i32>} : memref<12560xi32, #tpu.memory_space<vmem>>, vector<16xi32>,
        %swap3A_528 = arith.index_cast %add3A_523 : i32 to index
        %swap3A_529 = tpu.vector_load %arg11[%swap3A_528] {strides = array<i32>} : memref<12560xf32, #tpu.memory_space<vmem>>, vector<16xf32>,
        tpu.vector_store %arg11[%swap3A_528], %gather3A_511 {strides = array<i32>} : memref<12560xf32, #tpu.memory_space<vmem>>, vector<16xf32>,
        %max3A_530 = arith.maxsi %max3A_439, %select_n3A_519 : vector<16xi32>
        %add3A_531 = arith.constant 48 : i32
        %add3A_532 = vector.broadcast %add3A_531 : i32 to vector<16xi32>
        %add3A_533 = arith.addi %add3A_532, %iota3A : vector<16xi32>
        %mul3A_534 = arith.constant 4 : i32
        %mul3A_535 = vector.broadcast %mul3A_534 : i32 to vector<16xi32>
        %mul3A_536 = arith.muli %mul3A_535, %add3A_533 : vector<16xi32>
        %add3A_537 = vector.broadcast %mul3A_264 : i32 to vector<16xi32>
        %add3A_538 = arith.addi %add3A_537, %mul3A_536 : vector<16xi32>
        %add3A_539 = arith.constant 1 : i32
        %add3A_540 = vector.broadcast %add3A_539 : i32 to vector<16xi32>
        %add3A_541 = arith.addi %add3A_538, %add3A_540 : vector<16xi32>
        %gather3A_542 = tpu.vector_load_idx %arg5[%add3A_541] : memref<25088xf32, #tpu.memory_space<vmem>>[vector<16xi32>], vector<16xf32>,
        %add3A_543 = arith.constant 2 : i32
        %add3A_544 = vector.broadcast %add3A_543 : i32 to vector<16xi32>
        %add3A_545 = arith.addi %add3A_541, %add3A_544 : vector<16xi32>
        %gather3A_546 = tpu.vector_load_idx %arg5[%add3A_545] : memref<25088xf32, #tpu.memory_space<vmem>>[vector<16xi32>], vector<16xf32>,
        %add3A_547 = arith.constant 448 : i32
        %add3A_548 = vector.broadcast %add3A_547 : i32 to vector<16xi32>
        %add3A_549 = arith.addi %add3A_541, %add3A_548 : vector<16xi32>
        %gather3A_550 = tpu.vector_load_idx %arg5[%add3A_549] : memref<25088xf32, #tpu.memory_space<vmem>>[vector<16xi32>], vector<16xf32>,
        %add3A_551 = arith.constant 450 : i32
        %add3A_552 = vector.broadcast %add3A_551 : i32 to vector<16xi32>
        %add3A_553 = arith.addi %add3A_541, %add3A_552 : vector<16xi32>
        %gather3A_554 = tpu.vector_load_idx %arg5[%add3A_553] : memref<25088xf32, #tpu.memory_space<vmem>>[vector<16xi32>], vector<16xf32>,
        %broadcast_in_dim3A_555 = arith.constant 0 : i32
        %broadcast_in_dim3A_556 = vector.broadcast %broadcast_in_dim3A_555 : i32 to vector<16xi32>
        %gt3A_557 = arith.cmpf ogt, %gather3A_546, %gather3A_542 : vector<16xf32>
        %select_n3A_558 = arith.select %gt3A_557, %gather3A_546, %gather3A_542 : vector<16xi1>, vector<16xf32>
        %jit3A_559 = arith.constant 2 : i32
        %broadcast_in_dim3A_560 = vector.broadcast %jit3A_559 : i32 to vector<16xi32>
        %select_n3A_561 = arith.select %gt3A_557, %broadcast_in_dim3A_560, %broadcast_in_dim3A_556 : vector<16xi1>, vector<16xi32>
        %gt3A_562 = arith.cmpf ogt, %gather3A_550, %select_n3A_558 : vector<16xf32>
        %select_n3A_563 = arith.select %gt3A_562, %gather3A_550, %select_n3A_558 : vector<16xi1>, vector<16xf32>
        %jit3A_564 = arith.constant 448 : i32
        %broadcast_in_dim3A_565 = vector.broadcast %jit3A_564 : i32 to vector<16xi32>
        %select_n3A_566 = arith.select %gt3A_562, %broadcast_in_dim3A_565, %select_n3A_561 : vector<16xi1>, vector<16xi32>
        %gt3A_567 = arith.cmpf ogt, %gather3A_554, %select_n3A_563 : vector<16xf32>
        %select_n3A_568 = arith.select %gt3A_567, %gather3A_554, %select_n3A_563 : vector<16xi1>, vector<16xf32>
        %jit3A_569 = arith.constant 450 : i32
        %broadcast_in_dim3A_570 = vector.broadcast %jit3A_569 : i32 to vector<16xi32>
        %select_n3A_571 = arith.select %gt3A_567, %broadcast_in_dim3A_570, %select_n3A_566 : vector<16xi1>, vector<16xi32>
        %ge3A_572 = arith.constant 448 : i32
        %ge3A_573 = vector.broadcast %ge3A_572 : i32 to vector<16xi32>
        %ge3A_574 = arith.cmpi sge, %select_n3A_571, %ge3A_573 : vector<16xi32>
        %jit3A_575 = arith.constant 1 : i32
        %jit3A_576 = arith.constant 0 : i32
        %broadcast_in_dim3A_577 = vector.broadcast %jit3A_575 : i32 to vector<16xi32>
        %broadcast_in_dim3A_578 = vector.broadcast %jit3A_576 : i32 to vector<16xi32>
        %select_n3A_579 = arith.select %ge3A_574, %broadcast_in_dim3A_577, %broadcast_in_dim3A_578 : vector<16xi1>, vector<16xi32>
        %and3A_580 = arith.constant 2 : i32
        %and3A_581 = vector.broadcast %and3A_580 : i32 to vector<16xi32>
        %and3A_582 = arith.andi %select_n3A_571, %and3A_581 : vector<16xi32>
        %shift_right_arithmetic3A_583 = arith.constant 1 : i32
        %shift_right_arithmetic3A_584 = vector.broadcast %shift_right_arithmetic3A_583 : i32 to vector<16xi32>
        %shift_right_arithmetic3A_585 = arith.shrsi %and3A_582, %shift_right_arithmetic3A_584 : vector<16xi32>
        %mul3A_586 = arith.constant 2 : i32
        %mul3A_587 = arith.muli %mul3A_586, %add3A_266 : i32
        %add3A_588 = vector.broadcast %mul3A_587 : i32 to vector<16xi32>
        %add3A_589 = arith.addi %add3A_588, %select_n3A_579 : vector<16xi32>
        %mul3A_590 = arith.constant 224 : i32
        %mul3A_591 = vector.broadcast %mul3A_590 : i32 to vector<16xi32>
        %mul3A_592 = arith.muli %add3A_589, %mul3A_591 : vector<16xi32>
        %mul3A_593 = arith.constant 2 : i32
        %mul3A_594 = vector.broadcast %mul3A_593 : i32 to vector<16xi32>
        %mul3A_595 = arith.muli %mul3A_594, %add3A_533 : vector<16xi32>
        %add3A_596 = arith.addi %mul3A_592, %mul3A_595 : vector<16xi32>
        %add3A_597 = arith.addi %add3A_596, %shift_right_arithmetic3A_585 : vector<16xi32>
        %add3A_598 = arith.addi %add3A_541, %select_n3A_571 : vector<16xi32>
        %sub3A_599 = arith.constant 1 : i32
        %sub3A_600 = vector.broadcast %sub3A_599 : i32 to vector<16xi32>
        %sub3A_601 = arith.subi %add3A_598, %sub3A_600 : vector<16xi32>
        %gather3A_602 = tpu.vector_load_idx %arg5[%sub3A_601] : memref<25088xf32, #tpu.memory_space<vmem>>[vector<16xi32>], vector<16xf32>,
        %bitcast3A_603 = vector.bitcast %select_n3A_568 : vector<16xf32> to vector<16xi32>
        %lt3A_604 = arith.constant 0 : i32
        %lt3A_605 = vector.broadcast %lt3A_604 : i32 to vector<16xi32>
        %lt3A_606 = arith.cmpi slt, %bitcast3A_603, %lt3A_605 : vector<16xi32>
        %xor3A_607 = arith.constant 2147483647 : i32
        %xor3A_608 = vector.broadcast %xor3A_607 : i32 to vector<16xi32>
        %xor3A_609 = arith.xori %bitcast3A_603, %xor3A_608 : vector<16xi32>
        %select_n3A_610 = arith.select %lt3A_606, %xor3A_609, %bitcast3A_603 : vector<16xi1>, vector<16xi32>
        %mul3A_611 = arith.constant 112 : i32
        %mul3A_612 = arith.muli %add3A_266, %mul3A_611 : i32
        %add3A_613 = arith.constant 48 : i32
        %add3A_614 = arith.addi %mul3A_612, %add3A_613 : i32
        %swap3A_615 = arith.index_cast %add3A_614 : i32 to index
        %swap3A_616 = tpu.vector_load %arg9[%swap3A_615] {strides = array<i32>} : memref<12560xi32, #tpu.memory_space<vmem>>, vector<16xi32>,
        tpu.vector_store %arg9[%swap3A_615], %select_n3A_610 {strides = array<i32>} : memref<12560xi32, #tpu.memory_space<vmem>>, vector<16xi32>,
        %swap3A_617 = arith.index_cast %add3A_614 : i32 to index
        %swap3A_618 = tpu.vector_load %arg10[%swap3A_617] {strides = array<i32>} : memref<12560xi32, #tpu.memory_space<vmem>>, vector<16xi32>,
        tpu.vector_store %arg10[%swap3A_617], %add3A_597 {strides = array<i32>} : memref<12560xi32, #tpu.memory_space<vmem>>, vector<16xi32>,
        %swap3A_619 = arith.index_cast %add3A_614 : i32 to index
        %swap3A_620 = tpu.vector_load %arg11[%swap3A_619] {strides = array<i32>} : memref<12560xf32, #tpu.memory_space<vmem>>, vector<16xf32>,
        tpu.vector_store %arg11[%swap3A_619], %gather3A_602 {strides = array<i32>} : memref<12560xf32, #tpu.memory_space<vmem>>, vector<16xf32>,
        %max3A_621 = arith.maxsi %max3A_530, %select_n3A_610 : vector<16xi32>
        %add3A_622 = arith.constant 64 : i32
        %add3A_623 = vector.broadcast %add3A_622 : i32 to vector<16xi32>
        %add3A_624 = arith.addi %add3A_623, %iota3A : vector<16xi32>
        %mul3A_625 = arith.constant 4 : i32
        %mul3A_626 = vector.broadcast %mul3A_625 : i32 to vector<16xi32>
        %mul3A_627 = arith.muli %mul3A_626, %add3A_624 : vector<16xi32>
        %add3A_628 = vector.broadcast %mul3A_264 : i32 to vector<16xi32>
        %add3A_629 = arith.addi %add3A_628, %mul3A_627 : vector<16xi32>
        %add3A_630 = arith.constant 1 : i32
        %add3A_631 = vector.broadcast %add3A_630 : i32 to vector<16xi32>
        %add3A_632 = arith.addi %add3A_629, %add3A_631 : vector<16xi32>
        %gather3A_633 = tpu.vector_load_idx %arg5[%add3A_632] : memref<25088xf32, #tpu.memory_space<vmem>>[vector<16xi32>], vector<16xf32>,
        %add3A_634 = arith.constant 2 : i32
        %add3A_635 = vector.broadcast %add3A_634 : i32 to vector<16xi32>
        %add3A_636 = arith.addi %add3A_632, %add3A_635 : vector<16xi32>
        %gather3A_637 = tpu.vector_load_idx %arg5[%add3A_636] : memref<25088xf32, #tpu.memory_space<vmem>>[vector<16xi32>], vector<16xf32>,
        %add3A_638 = arith.constant 448 : i32
        %add3A_639 = vector.broadcast %add3A_638 : i32 to vector<16xi32>
        %add3A_640 = arith.addi %add3A_632, %add3A_639 : vector<16xi32>
        %gather3A_641 = tpu.vector_load_idx %arg5[%add3A_640] : memref<25088xf32, #tpu.memory_space<vmem>>[vector<16xi32>], vector<16xf32>,
        %add3A_642 = arith.constant 450 : i32
        %add3A_643 = vector.broadcast %add3A_642 : i32 to vector<16xi32>
        %add3A_644 = arith.addi %add3A_632, %add3A_643 : vector<16xi32>
        %gather3A_645 = tpu.vector_load_idx %arg5[%add3A_644] : memref<25088xf32, #tpu.memory_space<vmem>>[vector<16xi32>], vector<16xf32>,
        %broadcast_in_dim3A_646 = arith.constant 0 : i32
        %broadcast_in_dim3A_647 = vector.broadcast %broadcast_in_dim3A_646 : i32 to vector<16xi32>
        %gt3A_648 = arith.cmpf ogt, %gather3A_637, %gather3A_633 : vector<16xf32>
        %select_n3A_649 = arith.select %gt3A_648, %gather3A_637, %gather3A_633 : vector<16xi1>, vector<16xf32>
        %jit3A_650 = arith.constant 2 : i32
        %broadcast_in_dim3A_651 = vector.broadcast %jit3A_650 : i32 to vector<16xi32>
        %select_n3A_652 = arith.select %gt3A_648, %broadcast_in_dim3A_651, %broadcast_in_dim3A_647 : vector<16xi1>, vector<16xi32>
        %gt3A_653 = arith.cmpf ogt, %gather3A_641, %select_n3A_649 : vector<16xf32>
        %select_n3A_654 = arith.select %gt3A_653, %gather3A_641, %select_n3A_649 : vector<16xi1>, vector<16xf32>
        %jit3A_655 = arith.constant 448 : i32
        %broadcast_in_dim3A_656 = vector.broadcast %jit3A_655 : i32 to vector<16xi32>
        %select_n3A_657 = arith.select %gt3A_653, %broadcast_in_dim3A_656, %select_n3A_652 : vector<16xi1>, vector<16xi32>
        %gt3A_658 = arith.cmpf ogt, %gather3A_645, %select_n3A_654 : vector<16xf32>
        %select_n3A_659 = arith.select %gt3A_658, %gather3A_645, %select_n3A_654 : vector<16xi1>, vector<16xf32>
        %jit3A_660 = arith.constant 450 : i32
        %broadcast_in_dim3A_661 = vector.broadcast %jit3A_660 : i32 to vector<16xi32>
        %select_n3A_662 = arith.select %gt3A_658, %broadcast_in_dim3A_661, %select_n3A_657 : vector<16xi1>, vector<16xi32>
        %ge3A_663 = arith.constant 448 : i32
        %ge3A_664 = vector.broadcast %ge3A_663 : i32 to vector<16xi32>
        %ge3A_665 = arith.cmpi sge, %select_n3A_662, %ge3A_664 : vector<16xi32>
        %jit3A_666 = arith.constant 1 : i32
        %jit3A_667 = arith.constant 0 : i32
        %broadcast_in_dim3A_668 = vector.broadcast %jit3A_666 : i32 to vector<16xi32>
        %broadcast_in_dim3A_669 = vector.broadcast %jit3A_667 : i32 to vector<16xi32>
        %select_n3A_670 = arith.select %ge3A_665, %broadcast_in_dim3A_668, %broadcast_in_dim3A_669 : vector<16xi1>, vector<16xi32>
        %and3A_671 = arith.constant 2 : i32
        %and3A_672 = vector.broadcast %and3A_671 : i32 to vector<16xi32>
        %and3A_673 = arith.andi %select_n3A_662, %and3A_672 : vector<16xi32>
        %shift_right_arithmetic3A_674 = arith.constant 1 : i32
        %shift_right_arithmetic3A_675 = vector.broadcast %shift_right_arithmetic3A_674 : i32 to vector<16xi32>
        %shift_right_arithmetic3A_676 = arith.shrsi %and3A_673, %shift_right_arithmetic3A_675 : vector<16xi32>
        %mul3A_677 = arith.constant 2 : i32
        %mul3A_678 = arith.muli %mul3A_677, %add3A_266 : i32
        %add3A_679 = vector.broadcast %mul3A_678 : i32 to vector<16xi32>
        %add3A_680 = arith.addi %add3A_679, %select_n3A_670 : vector<16xi32>
        %mul3A_681 = arith.constant 224 : i32
        %mul3A_682 = vector.broadcast %mul3A_681 : i32 to vector<16xi32>
        %mul3A_683 = arith.muli %add3A_680, %mul3A_682 : vector<16xi32>
        %mul3A_684 = arith.constant 2 : i32
        %mul3A_685 = vector.broadcast %mul3A_684 : i32 to vector<16xi32>
        %mul3A_686 = arith.muli %mul3A_685, %add3A_624 : vector<16xi32>
        %add3A_687 = arith.addi %mul3A_683, %mul3A_686 : vector<16xi32>
        %add3A_688 = arith.addi %add3A_687, %shift_right_arithmetic3A_676 : vector<16xi32>
        %add3A_689 = arith.addi %add3A_632, %select_n3A_662 : vector<16xi32>
        %sub3A_690 = arith.constant 1 : i32
        %sub3A_691 = vector.broadcast %sub3A_690 : i32 to vector<16xi32>
        %sub3A_692 = arith.subi %add3A_689, %sub3A_691 : vector<16xi32>
        %gather3A_693 = tpu.vector_load_idx %arg5[%sub3A_692] : memref<25088xf32, #tpu.memory_space<vmem>>[vector<16xi32>], vector<16xf32>,
        %bitcast3A_694 = vector.bitcast %select_n3A_659 : vector<16xf32> to vector<16xi32>
        %lt3A_695 = arith.constant 0 : i32
        %lt3A_696 = vector.broadcast %lt3A_695 : i32 to vector<16xi32>
        %lt3A_697 = arith.cmpi slt, %bitcast3A_694, %lt3A_696 : vector<16xi32>
        %xor3A_698 = arith.constant 2147483647 : i32
        %xor3A_699 = vector.broadcast %xor3A_698 : i32 to vector<16xi32>
        %xor3A_700 = arith.xori %bitcast3A_694, %xor3A_699 : vector<16xi32>
        %select_n3A_701 = arith.select %lt3A_697, %xor3A_700, %bitcast3A_694 : vector<16xi1>, vector<16xi32>
        %mul3A_702 = arith.constant 112 : i32
        %mul3A_703 = arith.muli %add3A_266, %mul3A_702 : i32
        %add3A_704 = arith.constant 64 : i32
        %add3A_705 = arith.addi %mul3A_703, %add3A_704 : i32
        %swap3A_706 = arith.index_cast %add3A_705 : i32 to index
        %swap3A_707 = tpu.vector_load %arg9[%swap3A_706] {strides = array<i32>} : memref<12560xi32, #tpu.memory_space<vmem>>, vector<16xi32>,
        tpu.vector_store %arg9[%swap3A_706], %select_n3A_701 {strides = array<i32>} : memref<12560xi32, #tpu.memory_space<vmem>>, vector<16xi32>,
        %swap3A_708 = arith.index_cast %add3A_705 : i32 to index
        %swap3A_709 = tpu.vector_load %arg10[%swap3A_708] {strides = array<i32>} : memref<12560xi32, #tpu.memory_space<vmem>>, vector<16xi32>,
        tpu.vector_store %arg10[%swap3A_708], %add3A_688 {strides = array<i32>} : memref<12560xi32, #tpu.memory_space<vmem>>, vector<16xi32>,
        %swap3A_710 = arith.index_cast %add3A_705 : i32 to index
        %swap3A_711 = tpu.vector_load %arg11[%swap3A_710] {strides = array<i32>} : memref<12560xf32, #tpu.memory_space<vmem>>, vector<16xf32>,
        tpu.vector_store %arg11[%swap3A_710], %gather3A_693 {strides = array<i32>} : memref<12560xf32, #tpu.memory_space<vmem>>, vector<16xf32>,
        %max3A_712 = arith.maxsi %max3A_621, %select_n3A_701 : vector<16xi32>
        %add3A_713 = arith.constant 80 : i32
        %add3A_714 = vector.broadcast %add3A_713 : i32 to vector<16xi32>
        %add3A_715 = arith.addi %add3A_714, %iota3A : vector<16xi32>
        %mul3A_716 = arith.constant 4 : i32
        %mul3A_717 = vector.broadcast %mul3A_716 : i32 to vector<16xi32>
        %mul3A_718 = arith.muli %mul3A_717, %add3A_715 : vector<16xi32>
        %add3A_719 = vector.broadcast %mul3A_264 : i32 to vector<16xi32>
        %add3A_720 = arith.addi %add3A_719, %mul3A_718 : vector<16xi32>
        %add3A_721 = arith.constant 1 : i32
        %add3A_722 = vector.broadcast %add3A_721 : i32 to vector<16xi32>
        %add3A_723 = arith.addi %add3A_720, %add3A_722 : vector<16xi32>
        %gather3A_724 = tpu.vector_load_idx %arg5[%add3A_723] : memref<25088xf32, #tpu.memory_space<vmem>>[vector<16xi32>], vector<16xf32>,
        %add3A_725 = arith.constant 2 : i32
        %add3A_726 = vector.broadcast %add3A_725 : i32 to vector<16xi32>
        %add3A_727 = arith.addi %add3A_723, %add3A_726 : vector<16xi32>
        %gather3A_728 = tpu.vector_load_idx %arg5[%add3A_727] : memref<25088xf32, #tpu.memory_space<vmem>>[vector<16xi32>], vector<16xf32>,
        %add3A_729 = arith.constant 448 : i32
        %add3A_730 = vector.broadcast %add3A_729 : i32 to vector<16xi32>
        %add3A_731 = arith.addi %add3A_723, %add3A_730 : vector<16xi32>
        %gather3A_732 = tpu.vector_load_idx %arg5[%add3A_731] : memref<25088xf32, #tpu.memory_space<vmem>>[vector<16xi32>], vector<16xf32>,
        %add3A_733 = arith.constant 450 : i32
        %add3A_734 = vector.broadcast %add3A_733 : i32 to vector<16xi32>
        %add3A_735 = arith.addi %add3A_723, %add3A_734 : vector<16xi32>
        %gather3A_736 = tpu.vector_load_idx %arg5[%add3A_735] : memref<25088xf32, #tpu.memory_space<vmem>>[vector<16xi32>], vector<16xf32>,
        %broadcast_in_dim3A_737 = arith.constant 0 : i32
        %broadcast_in_dim3A_738 = vector.broadcast %broadcast_in_dim3A_737 : i32 to vector<16xi32>
        %gt3A_739 = arith.cmpf ogt, %gather3A_728, %gather3A_724 : vector<16xf32>
        %select_n3A_740 = arith.select %gt3A_739, %gather3A_728, %gather3A_724 : vector<16xi1>, vector<16xf32>
        %jit3A_741 = arith.constant 2 : i32
        %broadcast_in_dim3A_742 = vector.broadcast %jit3A_741 : i32 to vector<16xi32>
        %select_n3A_743 = arith.select %gt3A_739, %broadcast_in_dim3A_742, %broadcast_in_dim3A_738 : vector<16xi1>, vector<16xi32>
        %gt3A_744 = arith.cmpf ogt, %gather3A_732, %select_n3A_740 : vector<16xf32>
        %select_n3A_745 = arith.select %gt3A_744, %gather3A_732, %select_n3A_740 : vector<16xi1>, vector<16xf32>
        %jit3A_746 = arith.constant 448 : i32
        %broadcast_in_dim3A_747 = vector.broadcast %jit3A_746 : i32 to vector<16xi32>
        %select_n3A_748 = arith.select %gt3A_744, %broadcast_in_dim3A_747, %select_n3A_743 : vector<16xi1>, vector<16xi32>
        %gt3A_749 = arith.cmpf ogt, %gather3A_736, %select_n3A_745 : vector<16xf32>
        %select_n3A_750 = arith.select %gt3A_749, %gather3A_736, %select_n3A_745 : vector<16xi1>, vector<16xf32>
        %jit3A_751 = arith.constant 450 : i32
        %broadcast_in_dim3A_752 = vector.broadcast %jit3A_751 : i32 to vector<16xi32>
        %select_n3A_753 = arith.select %gt3A_749, %broadcast_in_dim3A_752, %select_n3A_748 : vector<16xi1>, vector<16xi32>
        %ge3A_754 = arith.constant 448 : i32
        %ge3A_755 = vector.broadcast %ge3A_754 : i32 to vector<16xi32>
        %ge3A_756 = arith.cmpi sge, %select_n3A_753, %ge3A_755 : vector<16xi32>
        %jit3A_757 = arith.constant 1 : i32
        %jit3A_758 = arith.constant 0 : i32
        %broadcast_in_dim3A_759 = vector.broadcast %jit3A_757 : i32 to vector<16xi32>
        %broadcast_in_dim3A_760 = vector.broadcast %jit3A_758 : i32 to vector<16xi32>
        %select_n3A_761 = arith.select %ge3A_756, %broadcast_in_dim3A_759, %broadcast_in_dim3A_760 : vector<16xi1>, vector<16xi32>
        %and3A_762 = arith.constant 2 : i32
        %and3A_763 = vector.broadcast %and3A_762 : i32 to vector<16xi32>
        %and3A_764 = arith.andi %select_n3A_753, %and3A_763 : vector<16xi32>
        %shift_right_arithmetic3A_765 = arith.constant 1 : i32
        %shift_right_arithmetic3A_766 = vector.broadcast %shift_right_arithmetic3A_765 : i32 to vector<16xi32>
        %shift_right_arithmetic3A_767 = arith.shrsi %and3A_764, %shift_right_arithmetic3A_766 : vector<16xi32>
        %mul3A_768 = arith.constant 2 : i32
        %mul3A_769 = arith.muli %mul3A_768, %add3A_266 : i32
        %add3A_770 = vector.broadcast %mul3A_769 : i32 to vector<16xi32>
        %add3A_771 = arith.addi %add3A_770, %select_n3A_761 : vector<16xi32>
        %mul3A_772 = arith.constant 224 : i32
        %mul3A_773 = vector.broadcast %mul3A_772 : i32 to vector<16xi32>
        %mul3A_774 = arith.muli %add3A_771, %mul3A_773 : vector<16xi32>
        %mul3A_775 = arith.constant 2 : i32
        %mul3A_776 = vector.broadcast %mul3A_775 : i32 to vector<16xi32>
        %mul3A_777 = arith.muli %mul3A_776, %add3A_715 : vector<16xi32>
        %add3A_778 = arith.addi %mul3A_774, %mul3A_777 : vector<16xi32>
        %add3A_779 = arith.addi %add3A_778, %shift_right_arithmetic3A_767 : vector<16xi32>
        %add3A_780 = arith.addi %add3A_723, %select_n3A_753 : vector<16xi32>
        %sub3A_781 = arith.constant 1 : i32
        %sub3A_782 = vector.broadcast %sub3A_781 : i32 to vector<16xi32>
        %sub3A_783 = arith.subi %add3A_780, %sub3A_782 : vector<16xi32>
        %gather3A_784 = tpu.vector_load_idx %arg5[%sub3A_783] : memref<25088xf32, #tpu.memory_space<vmem>>[vector<16xi32>], vector<16xf32>,
        %bitcast3A_785 = vector.bitcast %select_n3A_750 : vector<16xf32> to vector<16xi32>
        %lt3A_786 = arith.constant 0 : i32
        %lt3A_787 = vector.broadcast %lt3A_786 : i32 to vector<16xi32>
        %lt3A_788 = arith.cmpi slt, %bitcast3A_785, %lt3A_787 : vector<16xi32>
        %xor3A_789 = arith.constant 2147483647 : i32
        %xor3A_790 = vector.broadcast %xor3A_789 : i32 to vector<16xi32>
        %xor3A_791 = arith.xori %bitcast3A_785, %xor3A_790 : vector<16xi32>
        %select_n3A_792 = arith.select %lt3A_788, %xor3A_791, %bitcast3A_785 : vector<16xi1>, vector<16xi32>
        %mul3A_793 = arith.constant 112 : i32
        %mul3A_794 = arith.muli %add3A_266, %mul3A_793 : i32
        %add3A_795 = arith.constant 80 : i32
        %add3A_796 = arith.addi %mul3A_794, %add3A_795 : i32
        %swap3A_797 = arith.index_cast %add3A_796 : i32 to index
        %swap3A_798 = tpu.vector_load %arg9[%swap3A_797] {strides = array<i32>} : memref<12560xi32, #tpu.memory_space<vmem>>, vector<16xi32>,
        tpu.vector_store %arg9[%swap3A_797], %select_n3A_792 {strides = array<i32>} : memref<12560xi32, #tpu.memory_space<vmem>>, vector<16xi32>,
        %swap3A_799 = arith.index_cast %add3A_796 : i32 to index
        %swap3A_800 = tpu.vector_load %arg10[%swap3A_799] {strides = array<i32>} : memref<12560xi32, #tpu.memory_space<vmem>>, vector<16xi32>,
        tpu.vector_store %arg10[%swap3A_799], %add3A_779 {strides = array<i32>} : memref<12560xi32, #tpu.memory_space<vmem>>, vector<16xi32>,
        %swap3A_801 = arith.index_cast %add3A_796 : i32 to index
        %swap3A_802 = tpu.vector_load %arg11[%swap3A_801] {strides = array<i32>} : memref<12560xf32, #tpu.memory_space<vmem>>, vector<16xf32>,
        tpu.vector_store %arg11[%swap3A_801], %gather3A_784 {strides = array<i32>} : memref<12560xf32, #tpu.memory_space<vmem>>, vector<16xf32>,
        %max3A_803 = arith.maxsi %max3A_712, %select_n3A_792 : vector<16xi32>
        %add3A_804 = arith.constant 96 : i32
        %add3A_805 = vector.broadcast %add3A_804 : i32 to vector<16xi32>
        %add3A_806 = arith.addi %add3A_805, %iota3A : vector<16xi32>
        %mul3A_807 = arith.constant 4 : i32
        %mul3A_808 = vector.broadcast %mul3A_807 : i32 to vector<16xi32>
        %mul3A_809 = arith.muli %mul3A_808, %add3A_806 : vector<16xi32>
        %add3A_810 = vector.broadcast %mul3A_264 : i32 to vector<16xi32>
        %add3A_811 = arith.addi %add3A_810, %mul3A_809 : vector<16xi32>
        %add3A_812 = arith.constant 1 : i32
        %add3A_813 = vector.broadcast %add3A_812 : i32 to vector<16xi32>
        %add3A_814 = arith.addi %add3A_811, %add3A_813 : vector<16xi32>
        %gather3A_815 = tpu.vector_load_idx %arg5[%add3A_814] : memref<25088xf32, #tpu.memory_space<vmem>>[vector<16xi32>], vector<16xf32>,
        %add3A_816 = arith.constant 2 : i32
        %add3A_817 = vector.broadcast %add3A_816 : i32 to vector<16xi32>
        %add3A_818 = arith.addi %add3A_814, %add3A_817 : vector<16xi32>
        %gather3A_819 = tpu.vector_load_idx %arg5[%add3A_818] : memref<25088xf32, #tpu.memory_space<vmem>>[vector<16xi32>], vector<16xf32>,
        %add3A_820 = arith.constant 448 : i32
        %add3A_821 = vector.broadcast %add3A_820 : i32 to vector<16xi32>
        %add3A_822 = arith.addi %add3A_814, %add3A_821 : vector<16xi32>
        %gather3A_823 = tpu.vector_load_idx %arg5[%add3A_822] : memref<25088xf32, #tpu.memory_space<vmem>>[vector<16xi32>], vector<16xf32>,
        %add3A_824 = arith.constant 450 : i32
        %add3A_825 = vector.broadcast %add3A_824 : i32 to vector<16xi32>
        %add3A_826 = arith.addi %add3A_814, %add3A_825 : vector<16xi32>
        %gather3A_827 = tpu.vector_load_idx %arg5[%add3A_826] : memref<25088xf32, #tpu.memory_space<vmem>>[vector<16xi32>], vector<16xf32>,
        %broadcast_in_dim3A_828 = arith.constant 0 : i32
        %broadcast_in_dim3A_829 = vector.broadcast %broadcast_in_dim3A_828 : i32 to vector<16xi32>
        %gt3A_830 = arith.cmpf ogt, %gather3A_819, %gather3A_815 : vector<16xf32>
        %select_n3A_831 = arith.select %gt3A_830, %gather3A_819, %gather3A_815 : vector<16xi1>, vector<16xf32>
        %jit3A_832 = arith.constant 2 : i32
        %broadcast_in_dim3A_833 = vector.broadcast %jit3A_832 : i32 to vector<16xi32>
        %select_n3A_834 = arith.select %gt3A_830, %broadcast_in_dim3A_833, %broadcast_in_dim3A_829 : vector<16xi1>, vector<16xi32>
        %gt3A_835 = arith.cmpf ogt, %gather3A_823, %select_n3A_831 : vector<16xf32>
        %select_n3A_836 = arith.select %gt3A_835, %gather3A_823, %select_n3A_831 : vector<16xi1>, vector<16xf32>
        %jit3A_837 = arith.constant 448 : i32
        %broadcast_in_dim3A_838 = vector.broadcast %jit3A_837 : i32 to vector<16xi32>
        %select_n3A_839 = arith.select %gt3A_835, %broadcast_in_dim3A_838, %select_n3A_834 : vector<16xi1>, vector<16xi32>
        %gt3A_840 = arith.cmpf ogt, %gather3A_827, %select_n3A_836 : vector<16xf32>
        %select_n3A_841 = arith.select %gt3A_840, %gather3A_827, %select_n3A_836 : vector<16xi1>, vector<16xf32>
        %jit3A_842 = arith.constant 450 : i32
        %broadcast_in_dim3A_843 = vector.broadcast %jit3A_842 : i32 to vector<16xi32>
        %select_n3A_844 = arith.select %gt3A_840, %broadcast_in_dim3A_843, %select_n3A_839 : vector<16xi1>, vector<16xi32>
        %ge3A_845 = arith.constant 448 : i32
        %ge3A_846 = vector.broadcast %ge3A_845 : i32 to vector<16xi32>
        %ge3A_847 = arith.cmpi sge, %select_n3A_844, %ge3A_846 : vector<16xi32>
        %jit3A_848 = arith.constant 1 : i32
        %jit3A_849 = arith.constant 0 : i32
        %broadcast_in_dim3A_850 = vector.broadcast %jit3A_848 : i32 to vector<16xi32>
        %broadcast_in_dim3A_851 = vector.broadcast %jit3A_849 : i32 to vector<16xi32>
        %select_n3A_852 = arith.select %ge3A_847, %broadcast_in_dim3A_850, %broadcast_in_dim3A_851 : vector<16xi1>, vector<16xi32>
        %and3A_853 = arith.constant 2 : i32
        %and3A_854 = vector.broadcast %and3A_853 : i32 to vector<16xi32>
        %and3A_855 = arith.andi %select_n3A_844, %and3A_854 : vector<16xi32>
        %shift_right_arithmetic3A_856 = arith.constant 1 : i32
        %shift_right_arithmetic3A_857 = vector.broadcast %shift_right_arithmetic3A_856 : i32 to vector<16xi32>
        %shift_right_arithmetic3A_858 = arith.shrsi %and3A_855, %shift_right_arithmetic3A_857 : vector<16xi32>
        %mul3A_859 = arith.constant 2 : i32
        %mul3A_860 = arith.muli %mul3A_859, %add3A_266 : i32
        %add3A_861 = vector.broadcast %mul3A_860 : i32 to vector<16xi32>
        %add3A_862 = arith.addi %add3A_861, %select_n3A_852 : vector<16xi32>
        %mul3A_863 = arith.constant 224 : i32
        %mul3A_864 = vector.broadcast %mul3A_863 : i32 to vector<16xi32>
        %mul3A_865 = arith.muli %add3A_862, %mul3A_864 : vector<16xi32>
        %mul3A_866 = arith.constant 2 : i32
        %mul3A_867 = vector.broadcast %mul3A_866 : i32 to vector<16xi32>
        %mul3A_868 = arith.muli %mul3A_867, %add3A_806 : vector<16xi32>
        %add3A_869 = arith.addi %mul3A_865, %mul3A_868 : vector<16xi32>
        %add3A_870 = arith.addi %add3A_869, %shift_right_arithmetic3A_858 : vector<16xi32>
        %add3A_871 = arith.addi %add3A_814, %select_n3A_844 : vector<16xi32>
        %sub3A_872 = arith.constant 1 : i32
        %sub3A_873 = vector.broadcast %sub3A_872 : i32 to vector<16xi32>
        %sub3A_874 = arith.subi %add3A_871, %sub3A_873 : vector<16xi32>
        %gather3A_875 = tpu.vector_load_idx %arg5[%sub3A_874] : memref<25088xf32, #tpu.memory_space<vmem>>[vector<16xi32>], vector<16xf32>,
        %bitcast3A_876 = vector.bitcast %select_n3A_841 : vector<16xf32> to vector<16xi32>
        %lt3A_877 = arith.constant 0 : i32
        %lt3A_878 = vector.broadcast %lt3A_877 : i32 to vector<16xi32>
        %lt3A_879 = arith.cmpi slt, %bitcast3A_876, %lt3A_878 : vector<16xi32>
        %xor3A_880 = arith.constant 2147483647 : i32
        %xor3A_881 = vector.broadcast %xor3A_880 : i32 to vector<16xi32>
        %xor3A_882 = arith.xori %bitcast3A_876, %xor3A_881 : vector<16xi32>
        %select_n3A_883 = arith.select %lt3A_879, %xor3A_882, %bitcast3A_876 : vector<16xi1>, vector<16xi32>
        %mul3A_884 = arith.constant 112 : i32
        %mul3A_885 = arith.muli %add3A_266, %mul3A_884 : i32
        %add3A_886 = arith.constant 96 : i32
        %add3A_887 = arith.addi %mul3A_885, %add3A_886 : i32
        %swap3A_888 = arith.index_cast %add3A_887 : i32 to index
        %swap3A_889 = tpu.vector_load %arg9[%swap3A_888] {strides = array<i32>} : memref<12560xi32, #tpu.memory_space<vmem>>, vector<16xi32>,
        tpu.vector_store %arg9[%swap3A_888], %select_n3A_883 {strides = array<i32>} : memref<12560xi32, #tpu.memory_space<vmem>>, vector<16xi32>,
        %swap3A_890 = arith.index_cast %add3A_887 : i32 to index
        %swap3A_891 = tpu.vector_load %arg10[%swap3A_890] {strides = array<i32>} : memref<12560xi32, #tpu.memory_space<vmem>>, vector<16xi32>,
        tpu.vector_store %arg10[%swap3A_890], %add3A_870 {strides = array<i32>} : memref<12560xi32, #tpu.memory_space<vmem>>, vector<16xi32>,
        %swap3A_892 = arith.index_cast %add3A_887 : i32 to index
        %swap3A_893 = tpu.vector_load %arg11[%swap3A_892] {strides = array<i32>} : memref<12560xf32, #tpu.memory_space<vmem>>, vector<16xf32>,
        tpu.vector_store %arg11[%swap3A_892], %gather3A_875 {strides = array<i32>} : memref<12560xf32, #tpu.memory_space<vmem>>, vector<16xf32>,
        %max3A_894 = arith.maxsi %max3A_803, %select_n3A_883 : vector<16xi32>
        %reduce_max3A = arith.constant true
        %reduce_max3A_895 = vector.broadcast %reduce_max3A : i1 to vector<16xi1>
        %reduce_max3A_896 = arith.constant -2147483648 : i32
        %reduce_max3A_897 = vector.broadcast %reduce_max3A_896 : i32 to vector<16xi32>
        %reduce_max3A_898 = arith.xori %max3A_894, %reduce_max3A_897 : vector<16xi32>
        %reduce_max3A_899 = tpu.scan <max>, %reduce_max3A_898 masked %reduce_max3A_895 : vector<16xi32>, vector<16xi1> -> vector<16xi32>
        %reduce_max3A_900 = arith.xori %reduce_max3A_899, %reduce_max3A_897 : vector<16xi32>
        %reduce_max3A_901 = vector.extract %reduce_max3A_900[15] : i32 from vector<16xi32>
        %and3A_902 = arith.constant 15 : i32
        %and3A_903 = arith.andi %add3A_266, %and3A_902 : i32
        %eq3A = vector.broadcast %and3A_903 : i32 to vector<16xi32>
        %eq3A_904 = arith.cmpi eq, %iota3A, %eq3A : vector<16xi32>
        %broadcast_in_dim3A_905 = arith.constant 0 : i32
        %broadcast_in_dim3A_906 = vector.broadcast %broadcast_in_dim3A_905 : i32 to vector<16xi32>
        %add3A_907 = vector.broadcast %reduce_max3A_901 : i32 to vector<16xi32>
        %add3A_908 = arith.addi %broadcast_in_dim3A_906, %add3A_907 : vector<16xi32>
        %select_n3A_909 = arith.select %eq3A_904, %add3A_908, %scan3A_262 : vector<16xi1>, vector<16xi32>
        %shift_right_arithmetic3A_910 = arith.constant 4 : i32
        %shift_right_arithmetic3A_911 = arith.shrsi %add3A_266, %shift_right_arithmetic3A_910 : i32
        %mul3A_912 = arith.constant 16 : i32
        %mul3A_913 = arith.muli %shift_right_arithmetic3A_911, %mul3A_912 : i32
        %swap3A_914 = arith.index_cast %mul3A_913 : i32 to index
        %swap3A_915 = tpu.vector_load %arg12[%swap3A_914] {strides = array<i32>} : memref<112xi32, #tpu.memory_space<vmem>>, vector<16xi32>,
        tpu.vector_store %arg12[%swap3A_914], %select_n3A_909 {strides = array<i32>} : memref<112xi32, #tpu.memory_space<vmem>>, vector<16xi32>,
        scf.yield %select_n3A_909 : vector<16xi32>
      }
      %scan3A_166 = arith.constant 28 : i32
      %dma_wait3A_167 = arith.constant 75264 : i32
      %dma_wait3A_168 = tpu.memref_slice %arg2[%add3A_108, %dma_wait3A_167] : memref<768x100352xf32, #tpu.memory_space<hbm>> -> memref<1x25088xf32, #tpu.memory_space<hbm>>
      %dma_wait3A_169 = tpu.memref_squeeze %dma_wait3A_168 : memref<1x25088xf32, #tpu.memory_space<hbm>> -> memref<25088xf32, #tpu.memory_space<hbm>>
      %dma_wait3A_170 = arith.constant 75264 : i32
      %dma_wait3A_171 = tpu.memref_slice %arg2[%add3A_108, %dma_wait3A_170] : memref<768x100352xf32, #tpu.memory_space<hbm>> -> memref<1x25088xf32, #tpu.memory_space<hbm>>
      %dma_wait3A_172 = tpu.memref_squeeze %dma_wait3A_171 : memref<1x25088xf32, #tpu.memory_space<hbm>> -> memref<25088xf32, #tpu.memory_space<hbm>>
      tpu.wait_dma2 semaphore(%arg8 : memref<!tpu.dma_semaphore, #tpu.memory_space<semaphore_mem>>) src(%dma_wait3A_172 : memref<25088xf32, #tpu.memory_space<hbm>>) dst(%arg6 : memref<25088xf32, #tpu.memory_space<vmem>>)
      %scan3A_173 = arith.constant 0 : i32
      %scan3A_174 = arith.constant 28 : i32
      %scan3A_175 = arith.addi %scan3A_173, %scan3A_174 : i32
      %scan3A_176 = arith.constant 1 : i32
      %scan3A_177 = scf.for %scan3A_261 = %scan3A_173 to %scan3A_175 step %scan3A_176 iter_args(%scan3A_262 = %scan3A_165) -> (vector<16xi32>)  : i32 {
        %mul3A_263 = arith.constant 896 : i32
        %mul3A_264 = arith.muli %scan3A_261, %mul3A_263 : i32
        %add3A_265 = arith.constant 84 : i32
        %add3A_266 = arith.addi %add3A_265, %scan3A_261 : i32
        %add3A_267 = arith.constant 0 : i32
        %add3A_268 = vector.broadcast %add3A_267 : i32 to vector<16xi32>
        %add3A_269 = arith.addi %add3A_268, %iota3A : vector<16xi32>
        %mul3A_270 = arith.constant 4 : i32
        %mul3A_271 = vector.broadcast %mul3A_270 : i32 to vector<16xi32>
        %mul3A_272 = arith.muli %mul3A_271, %add3A_269 : vector<16xi32>
        %add3A_273 = vector.broadcast %mul3A_264 : i32 to vector<16xi32>
        %add3A_274 = arith.addi %add3A_273, %mul3A_272 : vector<16xi32>
        %add3A_275 = arith.constant 1 : i32
        %add3A_276 = vector.broadcast %add3A_275 : i32 to vector<16xi32>
        %add3A_277 = arith.addi %add3A_274, %add3A_276 : vector<16xi32>
        %gather3A = tpu.vector_load_idx %arg6[%add3A_277] : memref<25088xf32, #tpu.memory_space<vmem>>[vector<16xi32>], vector<16xf32>,
        %add3A_278 = arith.constant 2 : i32
        %add3A_279 = vector.broadcast %add3A_278 : i32 to vector<16xi32>
        %add3A_280 = arith.addi %add3A_277, %add3A_279 : vector<16xi32>
        %gather3A_281 = tpu.vector_load_idx %arg6[%add3A_280] : memref<25088xf32, #tpu.memory_space<vmem>>[vector<16xi32>], vector<16xf32>,
        %add3A_282 = arith.constant 448 : i32
        %add3A_283 = vector.broadcast %add3A_282 : i32 to vector<16xi32>
        %add3A_284 = arith.addi %add3A_277, %add3A_283 : vector<16xi32>
        %gather3A_285 = tpu.vector_load_idx %arg6[%add3A_284] : memref<25088xf32, #tpu.memory_space<vmem>>[vector<16xi32>], vector<16xf32>,
        %add3A_286 = arith.constant 450 : i32
        %add3A_287 = vector.broadcast %add3A_286 : i32 to vector<16xi32>
        %add3A_288 = arith.addi %add3A_277, %add3A_287 : vector<16xi32>
        %gather3A_289 = tpu.vector_load_idx %arg6[%add3A_288] : memref<25088xf32, #tpu.memory_space<vmem>>[vector<16xi32>], vector<16xf32>,
        %broadcast_in_dim3A_290 = arith.constant 0 : i32
        %broadcast_in_dim3A_291 = vector.broadcast %broadcast_in_dim3A_290 : i32 to vector<16xi32>
        %gt3A = arith.cmpf ogt, %gather3A_281, %gather3A : vector<16xf32>
        %select_n3A = arith.select %gt3A, %gather3A_281, %gather3A : vector<16xi1>, vector<16xf32>
        %jit3A = arith.constant 2 : i32
        %broadcast_in_dim3A_292 = vector.broadcast %jit3A : i32 to vector<16xi32>
        %select_n3A_293 = arith.select %gt3A, %broadcast_in_dim3A_292, %broadcast_in_dim3A_291 : vector<16xi1>, vector<16xi32>
        %gt3A_294 = arith.cmpf ogt, %gather3A_285, %select_n3A : vector<16xf32>
        %select_n3A_295 = arith.select %gt3A_294, %gather3A_285, %select_n3A : vector<16xi1>, vector<16xf32>
        %jit3A_296 = arith.constant 448 : i32
        %broadcast_in_dim3A_297 = vector.broadcast %jit3A_296 : i32 to vector<16xi32>
        %select_n3A_298 = arith.select %gt3A_294, %broadcast_in_dim3A_297, %select_n3A_293 : vector<16xi1>, vector<16xi32>
        %gt3A_299 = arith.cmpf ogt, %gather3A_289, %select_n3A_295 : vector<16xf32>
        %select_n3A_300 = arith.select %gt3A_299, %gather3A_289, %select_n3A_295 : vector<16xi1>, vector<16xf32>
        %jit3A_301 = arith.constant 450 : i32
        %broadcast_in_dim3A_302 = vector.broadcast %jit3A_301 : i32 to vector<16xi32>
        %select_n3A_303 = arith.select %gt3A_299, %broadcast_in_dim3A_302, %select_n3A_298 : vector<16xi1>, vector<16xi32>
        %ge3A = arith.constant 448 : i32
        %ge3A_304 = vector.broadcast %ge3A : i32 to vector<16xi32>
        %ge3A_305 = arith.cmpi sge, %select_n3A_303, %ge3A_304 : vector<16xi32>
        %jit3A_306 = arith.constant 1 : i32
        %jit3A_307 = arith.constant 0 : i32
        %broadcast_in_dim3A_308 = vector.broadcast %jit3A_306 : i32 to vector<16xi32>
        %broadcast_in_dim3A_309 = vector.broadcast %jit3A_307 : i32 to vector<16xi32>
        %select_n3A_310 = arith.select %ge3A_305, %broadcast_in_dim3A_308, %broadcast_in_dim3A_309 : vector<16xi1>, vector<16xi32>
        %and3A_311 = arith.constant 2 : i32
        %and3A_312 = vector.broadcast %and3A_311 : i32 to vector<16xi32>
        %and3A_313 = arith.andi %select_n3A_303, %and3A_312 : vector<16xi32>
        %shift_right_arithmetic3A_314 = arith.constant 1 : i32
        %shift_right_arithmetic3A_315 = vector.broadcast %shift_right_arithmetic3A_314 : i32 to vector<16xi32>
        %shift_right_arithmetic3A_316 = arith.shrsi %and3A_313, %shift_right_arithmetic3A_315 : vector<16xi32>
        %mul3A_317 = arith.constant 2 : i32
        %mul3A_318 = arith.muli %mul3A_317, %add3A_266 : i32
        %add3A_319 = vector.broadcast %mul3A_318 : i32 to vector<16xi32>
        %add3A_320 = arith.addi %add3A_319, %select_n3A_310 : vector<16xi32>
        %mul3A_321 = arith.constant 224 : i32
        %mul3A_322 = vector.broadcast %mul3A_321 : i32 to vector<16xi32>
        %mul3A_323 = arith.muli %add3A_320, %mul3A_322 : vector<16xi32>
        %mul3A_324 = arith.constant 2 : i32
        %mul3A_325 = vector.broadcast %mul3A_324 : i32 to vector<16xi32>
        %mul3A_326 = arith.muli %mul3A_325, %add3A_269 : vector<16xi32>
        %add3A_327 = arith.addi %mul3A_323, %mul3A_326 : vector<16xi32>
        %add3A_328 = arith.addi %add3A_327, %shift_right_arithmetic3A_316 : vector<16xi32>
        %add3A_329 = arith.addi %add3A_277, %select_n3A_303 : vector<16xi32>
        %sub3A = arith.constant 1 : i32
        %sub3A_330 = vector.broadcast %sub3A : i32 to vector<16xi32>
        %sub3A_331 = arith.subi %add3A_329, %sub3A_330 : vector<16xi32>
        %gather3A_332 = tpu.vector_load_idx %arg6[%sub3A_331] : memref<25088xf32, #tpu.memory_space<vmem>>[vector<16xi32>], vector<16xf32>,
        %bitcast3A = vector.bitcast %select_n3A_300 : vector<16xf32> to vector<16xi32>
        %lt3A = arith.constant 0 : i32
        %lt3A_333 = vector.broadcast %lt3A : i32 to vector<16xi32>
        %lt3A_334 = arith.cmpi slt, %bitcast3A, %lt3A_333 : vector<16xi32>
        %xor3A_335 = arith.constant 2147483647 : i32
        %xor3A_336 = vector.broadcast %xor3A_335 : i32 to vector<16xi32>
        %xor3A_337 = arith.xori %bitcast3A, %xor3A_336 : vector<16xi32>
        %select_n3A_338 = arith.select %lt3A_334, %xor3A_337, %bitcast3A : vector<16xi1>, vector<16xi32>
        %mul3A_339 = arith.constant 112 : i32
        %mul3A_340 = arith.muli %add3A_266, %mul3A_339 : i32
        %add3A_341 = arith.constant 0 : i32
        %add3A_342 = arith.addi %mul3A_340, %add3A_341 : i32
        %swap3A_343 = arith.index_cast %add3A_342 : i32 to index
        %swap3A_344 = tpu.vector_load %arg9[%swap3A_343] {strides = array<i32>} : memref<12560xi32, #tpu.memory_space<vmem>>, vector<16xi32>,
        tpu.vector_store %arg9[%swap3A_343], %select_n3A_338 {strides = array<i32>} : memref<12560xi32, #tpu.memory_space<vmem>>, vector<16xi32>,
        %swap3A_345 = arith.index_cast %add3A_342 : i32 to index
        %swap3A_346 = tpu.vector_load %arg10[%swap3A_345] {strides = array<i32>} : memref<12560xi32, #tpu.memory_space<vmem>>, vector<16xi32>,
        tpu.vector_store %arg10[%swap3A_345], %add3A_328 {strides = array<i32>} : memref<12560xi32, #tpu.memory_space<vmem>>, vector<16xi32>,
        %swap3A_347 = arith.index_cast %add3A_342 : i32 to index
        %swap3A_348 = tpu.vector_load %arg11[%swap3A_347] {strides = array<i32>} : memref<12560xf32, #tpu.memory_space<vmem>>, vector<16xf32>,
        tpu.vector_store %arg11[%swap3A_347], %gather3A_332 {strides = array<i32>} : memref<12560xf32, #tpu.memory_space<vmem>>, vector<16xf32>,
        %max3A = arith.maxsi %broadcast_in_dim3A_96, %select_n3A_338 : vector<16xi32>
        %add3A_349 = arith.constant 16 : i32
        %add3A_350 = vector.broadcast %add3A_349 : i32 to vector<16xi32>
        %add3A_351 = arith.addi %add3A_350, %iota3A : vector<16xi32>
        %mul3A_352 = arith.constant 4 : i32
        %mul3A_353 = vector.broadcast %mul3A_352 : i32 to vector<16xi32>
        %mul3A_354 = arith.muli %mul3A_353, %add3A_351 : vector<16xi32>
        %add3A_355 = vector.broadcast %mul3A_264 : i32 to vector<16xi32>
        %add3A_356 = arith.addi %add3A_355, %mul3A_354 : vector<16xi32>
        %add3A_357 = arith.constant 1 : i32
        %add3A_358 = vector.broadcast %add3A_357 : i32 to vector<16xi32>
        %add3A_359 = arith.addi %add3A_356, %add3A_358 : vector<16xi32>
        %gather3A_360 = tpu.vector_load_idx %arg6[%add3A_359] : memref<25088xf32, #tpu.memory_space<vmem>>[vector<16xi32>], vector<16xf32>,
        %add3A_361 = arith.constant 2 : i32
        %add3A_362 = vector.broadcast %add3A_361 : i32 to vector<16xi32>
        %add3A_363 = arith.addi %add3A_359, %add3A_362 : vector<16xi32>
        %gather3A_364 = tpu.vector_load_idx %arg6[%add3A_363] : memref<25088xf32, #tpu.memory_space<vmem>>[vector<16xi32>], vector<16xf32>,
        %add3A_365 = arith.constant 448 : i32
        %add3A_366 = vector.broadcast %add3A_365 : i32 to vector<16xi32>
        %add3A_367 = arith.addi %add3A_359, %add3A_366 : vector<16xi32>
        %gather3A_368 = tpu.vector_load_idx %arg6[%add3A_367] : memref<25088xf32, #tpu.memory_space<vmem>>[vector<16xi32>], vector<16xf32>,
        %add3A_369 = arith.constant 450 : i32
        %add3A_370 = vector.broadcast %add3A_369 : i32 to vector<16xi32>
        %add3A_371 = arith.addi %add3A_359, %add3A_370 : vector<16xi32>
        %gather3A_372 = tpu.vector_load_idx %arg6[%add3A_371] : memref<25088xf32, #tpu.memory_space<vmem>>[vector<16xi32>], vector<16xf32>,
        %broadcast_in_dim3A_373 = arith.constant 0 : i32
        %broadcast_in_dim3A_374 = vector.broadcast %broadcast_in_dim3A_373 : i32 to vector<16xi32>
        %gt3A_375 = arith.cmpf ogt, %gather3A_364, %gather3A_360 : vector<16xf32>
        %select_n3A_376 = arith.select %gt3A_375, %gather3A_364, %gather3A_360 : vector<16xi1>, vector<16xf32>
        %jit3A_377 = arith.constant 2 : i32
        %broadcast_in_dim3A_378 = vector.broadcast %jit3A_377 : i32 to vector<16xi32>
        %select_n3A_379 = arith.select %gt3A_375, %broadcast_in_dim3A_378, %broadcast_in_dim3A_374 : vector<16xi1>, vector<16xi32>
        %gt3A_380 = arith.cmpf ogt, %gather3A_368, %select_n3A_376 : vector<16xf32>
        %select_n3A_381 = arith.select %gt3A_380, %gather3A_368, %select_n3A_376 : vector<16xi1>, vector<16xf32>
        %jit3A_382 = arith.constant 448 : i32
        %broadcast_in_dim3A_383 = vector.broadcast %jit3A_382 : i32 to vector<16xi32>
        %select_n3A_384 = arith.select %gt3A_380, %broadcast_in_dim3A_383, %select_n3A_379 : vector<16xi1>, vector<16xi32>
        %gt3A_385 = arith.cmpf ogt, %gather3A_372, %select_n3A_381 : vector<16xf32>
        %select_n3A_386 = arith.select %gt3A_385, %gather3A_372, %select_n3A_381 : vector<16xi1>, vector<16xf32>
        %jit3A_387 = arith.constant 450 : i32
        %broadcast_in_dim3A_388 = vector.broadcast %jit3A_387 : i32 to vector<16xi32>
        %select_n3A_389 = arith.select %gt3A_385, %broadcast_in_dim3A_388, %select_n3A_384 : vector<16xi1>, vector<16xi32>
        %ge3A_390 = arith.constant 448 : i32
        %ge3A_391 = vector.broadcast %ge3A_390 : i32 to vector<16xi32>
        %ge3A_392 = arith.cmpi sge, %select_n3A_389, %ge3A_391 : vector<16xi32>
        %jit3A_393 = arith.constant 1 : i32
        %jit3A_394 = arith.constant 0 : i32
        %broadcast_in_dim3A_395 = vector.broadcast %jit3A_393 : i32 to vector<16xi32>
        %broadcast_in_dim3A_396 = vector.broadcast %jit3A_394 : i32 to vector<16xi32>
        %select_n3A_397 = arith.select %ge3A_392, %broadcast_in_dim3A_395, %broadcast_in_dim3A_396 : vector<16xi1>, vector<16xi32>
        %and3A_398 = arith.constant 2 : i32
        %and3A_399 = vector.broadcast %and3A_398 : i32 to vector<16xi32>
        %and3A_400 = arith.andi %select_n3A_389, %and3A_399 : vector<16xi32>
        %shift_right_arithmetic3A_401 = arith.constant 1 : i32
        %shift_right_arithmetic3A_402 = vector.broadcast %shift_right_arithmetic3A_401 : i32 to vector<16xi32>
        %shift_right_arithmetic3A_403 = arith.shrsi %and3A_400, %shift_right_arithmetic3A_402 : vector<16xi32>
        %mul3A_404 = arith.constant 2 : i32
        %mul3A_405 = arith.muli %mul3A_404, %add3A_266 : i32
        %add3A_406 = vector.broadcast %mul3A_405 : i32 to vector<16xi32>
        %add3A_407 = arith.addi %add3A_406, %select_n3A_397 : vector<16xi32>
        %mul3A_408 = arith.constant 224 : i32
        %mul3A_409 = vector.broadcast %mul3A_408 : i32 to vector<16xi32>
        %mul3A_410 = arith.muli %add3A_407, %mul3A_409 : vector<16xi32>
        %mul3A_411 = arith.constant 2 : i32
        %mul3A_412 = vector.broadcast %mul3A_411 : i32 to vector<16xi32>
        %mul3A_413 = arith.muli %mul3A_412, %add3A_351 : vector<16xi32>
        %add3A_414 = arith.addi %mul3A_410, %mul3A_413 : vector<16xi32>
        %add3A_415 = arith.addi %add3A_414, %shift_right_arithmetic3A_403 : vector<16xi32>
        %add3A_416 = arith.addi %add3A_359, %select_n3A_389 : vector<16xi32>
        %sub3A_417 = arith.constant 1 : i32
        %sub3A_418 = vector.broadcast %sub3A_417 : i32 to vector<16xi32>
        %sub3A_419 = arith.subi %add3A_416, %sub3A_418 : vector<16xi32>
        %gather3A_420 = tpu.vector_load_idx %arg6[%sub3A_419] : memref<25088xf32, #tpu.memory_space<vmem>>[vector<16xi32>], vector<16xf32>,
        %bitcast3A_421 = vector.bitcast %select_n3A_386 : vector<16xf32> to vector<16xi32>
        %lt3A_422 = arith.constant 0 : i32
        %lt3A_423 = vector.broadcast %lt3A_422 : i32 to vector<16xi32>
        %lt3A_424 = arith.cmpi slt, %bitcast3A_421, %lt3A_423 : vector<16xi32>
        %xor3A_425 = arith.constant 2147483647 : i32
        %xor3A_426 = vector.broadcast %xor3A_425 : i32 to vector<16xi32>
        %xor3A_427 = arith.xori %bitcast3A_421, %xor3A_426 : vector<16xi32>
        %select_n3A_428 = arith.select %lt3A_424, %xor3A_427, %bitcast3A_421 : vector<16xi1>, vector<16xi32>
        %mul3A_429 = arith.constant 112 : i32
        %mul3A_430 = arith.muli %add3A_266, %mul3A_429 : i32
        %add3A_431 = arith.constant 16 : i32
        %add3A_432 = arith.addi %mul3A_430, %add3A_431 : i32
        %swap3A_433 = arith.index_cast %add3A_432 : i32 to index
        %swap3A_434 = tpu.vector_load %arg9[%swap3A_433] {strides = array<i32>} : memref<12560xi32, #tpu.memory_space<vmem>>, vector<16xi32>,
        tpu.vector_store %arg9[%swap3A_433], %select_n3A_428 {strides = array<i32>} : memref<12560xi32, #tpu.memory_space<vmem>>, vector<16xi32>,
        %swap3A_435 = arith.index_cast %add3A_432 : i32 to index
        %swap3A_436 = tpu.vector_load %arg10[%swap3A_435] {strides = array<i32>} : memref<12560xi32, #tpu.memory_space<vmem>>, vector<16xi32>,
        tpu.vector_store %arg10[%swap3A_435], %add3A_415 {strides = array<i32>} : memref<12560xi32, #tpu.memory_space<vmem>>, vector<16xi32>,
        %swap3A_437 = arith.index_cast %add3A_432 : i32 to index
        %swap3A_438 = tpu.vector_load %arg11[%swap3A_437] {strides = array<i32>} : memref<12560xf32, #tpu.memory_space<vmem>>, vector<16xf32>,
        tpu.vector_store %arg11[%swap3A_437], %gather3A_420 {strides = array<i32>} : memref<12560xf32, #tpu.memory_space<vmem>>, vector<16xf32>,
        %max3A_439 = arith.maxsi %max3A, %select_n3A_428 : vector<16xi32>
        %add3A_440 = arith.constant 32 : i32
        %add3A_441 = vector.broadcast %add3A_440 : i32 to vector<16xi32>
        %add3A_442 = arith.addi %add3A_441, %iota3A : vector<16xi32>
        %mul3A_443 = arith.constant 4 : i32
        %mul3A_444 = vector.broadcast %mul3A_443 : i32 to vector<16xi32>
        %mul3A_445 = arith.muli %mul3A_444, %add3A_442 : vector<16xi32>
        %add3A_446 = vector.broadcast %mul3A_264 : i32 to vector<16xi32>
        %add3A_447 = arith.addi %add3A_446, %mul3A_445 : vector<16xi32>
        %add3A_448 = arith.constant 1 : i32
        %add3A_449 = vector.broadcast %add3A_448 : i32 to vector<16xi32>
        %add3A_450 = arith.addi %add3A_447, %add3A_449 : vector<16xi32>
        %gather3A_451 = tpu.vector_load_idx %arg6[%add3A_450] : memref<25088xf32, #tpu.memory_space<vmem>>[vector<16xi32>], vector<16xf32>,
        %add3A_452 = arith.constant 2 : i32
        %add3A_453 = vector.broadcast %add3A_452 : i32 to vector<16xi32>
        %add3A_454 = arith.addi %add3A_450, %add3A_453 : vector<16xi32>
        %gather3A_455 = tpu.vector_load_idx %arg6[%add3A_454] : memref<25088xf32, #tpu.memory_space<vmem>>[vector<16xi32>], vector<16xf32>,
        %add3A_456 = arith.constant 448 : i32
        %add3A_457 = vector.broadcast %add3A_456 : i32 to vector<16xi32>
        %add3A_458 = arith.addi %add3A_450, %add3A_457 : vector<16xi32>
        %gather3A_459 = tpu.vector_load_idx %arg6[%add3A_458] : memref<25088xf32, #tpu.memory_space<vmem>>[vector<16xi32>], vector<16xf32>,
        %add3A_460 = arith.constant 450 : i32
        %add3A_461 = vector.broadcast %add3A_460 : i32 to vector<16xi32>
        %add3A_462 = arith.addi %add3A_450, %add3A_461 : vector<16xi32>
        %gather3A_463 = tpu.vector_load_idx %arg6[%add3A_462] : memref<25088xf32, #tpu.memory_space<vmem>>[vector<16xi32>], vector<16xf32>,
        %broadcast_in_dim3A_464 = arith.constant 0 : i32
        %broadcast_in_dim3A_465 = vector.broadcast %broadcast_in_dim3A_464 : i32 to vector<16xi32>
        %gt3A_466 = arith.cmpf ogt, %gather3A_455, %gather3A_451 : vector<16xf32>
        %select_n3A_467 = arith.select %gt3A_466, %gather3A_455, %gather3A_451 : vector<16xi1>, vector<16xf32>
        %jit3A_468 = arith.constant 2 : i32
        %broadcast_in_dim3A_469 = vector.broadcast %jit3A_468 : i32 to vector<16xi32>
        %select_n3A_470 = arith.select %gt3A_466, %broadcast_in_dim3A_469, %broadcast_in_dim3A_465 : vector<16xi1>, vector<16xi32>
        %gt3A_471 = arith.cmpf ogt, %gather3A_459, %select_n3A_467 : vector<16xf32>
        %select_n3A_472 = arith.select %gt3A_471, %gather3A_459, %select_n3A_467 : vector<16xi1>, vector<16xf32>
        %jit3A_473 = arith.constant 448 : i32
        %broadcast_in_dim3A_474 = vector.broadcast %jit3A_473 : i32 to vector<16xi32>
        %select_n3A_475 = arith.select %gt3A_471, %broadcast_in_dim3A_474, %select_n3A_470 : vector<16xi1>, vector<16xi32>
        %gt3A_476 = arith.cmpf ogt, %gather3A_463, %select_n3A_472 : vector<16xf32>
        %select_n3A_477 = arith.select %gt3A_476, %gather3A_463, %select_n3A_472 : vector<16xi1>, vector<16xf32>
        %jit3A_478 = arith.constant 450 : i32
        %broadcast_in_dim3A_479 = vector.broadcast %jit3A_478 : i32 to vector<16xi32>
        %select_n3A_480 = arith.select %gt3A_476, %broadcast_in_dim3A_479, %select_n3A_475 : vector<16xi1>, vector<16xi32>
        %ge3A_481 = arith.constant 448 : i32
        %ge3A_482 = vector.broadcast %ge3A_481 : i32 to vector<16xi32>
        %ge3A_483 = arith.cmpi sge, %select_n3A_480, %ge3A_482 : vector<16xi32>
        %jit3A_484 = arith.constant 1 : i32
        %jit3A_485 = arith.constant 0 : i32
        %broadcast_in_dim3A_486 = vector.broadcast %jit3A_484 : i32 to vector<16xi32>
        %broadcast_in_dim3A_487 = vector.broadcast %jit3A_485 : i32 to vector<16xi32>
        %select_n3A_488 = arith.select %ge3A_483, %broadcast_in_dim3A_486, %broadcast_in_dim3A_487 : vector<16xi1>, vector<16xi32>
        %and3A_489 = arith.constant 2 : i32
        %and3A_490 = vector.broadcast %and3A_489 : i32 to vector<16xi32>
        %and3A_491 = arith.andi %select_n3A_480, %and3A_490 : vector<16xi32>
        %shift_right_arithmetic3A_492 = arith.constant 1 : i32
        %shift_right_arithmetic3A_493 = vector.broadcast %shift_right_arithmetic3A_492 : i32 to vector<16xi32>
        %shift_right_arithmetic3A_494 = arith.shrsi %and3A_491, %shift_right_arithmetic3A_493 : vector<16xi32>
        %mul3A_495 = arith.constant 2 : i32
        %mul3A_496 = arith.muli %mul3A_495, %add3A_266 : i32
        %add3A_497 = vector.broadcast %mul3A_496 : i32 to vector<16xi32>
        %add3A_498 = arith.addi %add3A_497, %select_n3A_488 : vector<16xi32>
        %mul3A_499 = arith.constant 224 : i32
        %mul3A_500 = vector.broadcast %mul3A_499 : i32 to vector<16xi32>
        %mul3A_501 = arith.muli %add3A_498, %mul3A_500 : vector<16xi32>
        %mul3A_502 = arith.constant 2 : i32
        %mul3A_503 = vector.broadcast %mul3A_502 : i32 to vector<16xi32>
        %mul3A_504 = arith.muli %mul3A_503, %add3A_442 : vector<16xi32>
        %add3A_505 = arith.addi %mul3A_501, %mul3A_504 : vector<16xi32>
        %add3A_506 = arith.addi %add3A_505, %shift_right_arithmetic3A_494 : vector<16xi32>
        %add3A_507 = arith.addi %add3A_450, %select_n3A_480 : vector<16xi32>
        %sub3A_508 = arith.constant 1 : i32
        %sub3A_509 = vector.broadcast %sub3A_508 : i32 to vector<16xi32>
        %sub3A_510 = arith.subi %add3A_507, %sub3A_509 : vector<16xi32>
        %gather3A_511 = tpu.vector_load_idx %arg6[%sub3A_510] : memref<25088xf32, #tpu.memory_space<vmem>>[vector<16xi32>], vector<16xf32>,
        %bitcast3A_512 = vector.bitcast %select_n3A_477 : vector<16xf32> to vector<16xi32>
        %lt3A_513 = arith.constant 0 : i32
        %lt3A_514 = vector.broadcast %lt3A_513 : i32 to vector<16xi32>
        %lt3A_515 = arith.cmpi slt, %bitcast3A_512, %lt3A_514 : vector<16xi32>
        %xor3A_516 = arith.constant 2147483647 : i32
        %xor3A_517 = vector.broadcast %xor3A_516 : i32 to vector<16xi32>
        %xor3A_518 = arith.xori %bitcast3A_512, %xor3A_517 : vector<16xi32>
        %select_n3A_519 = arith.select %lt3A_515, %xor3A_518, %bitcast3A_512 : vector<16xi1>, vector<16xi32>
        %mul3A_520 = arith.constant 112 : i32
        %mul3A_521 = arith.muli %add3A_266, %mul3A_520 : i32
        %add3A_522 = arith.constant 32 : i32
        %add3A_523 = arith.addi %mul3A_521, %add3A_522 : i32
        %swap3A_524 = arith.index_cast %add3A_523 : i32 to index
        %swap3A_525 = tpu.vector_load %arg9[%swap3A_524] {strides = array<i32>} : memref<12560xi32, #tpu.memory_space<vmem>>, vector<16xi32>,
        tpu.vector_store %arg9[%swap3A_524], %select_n3A_519 {strides = array<i32>} : memref<12560xi32, #tpu.memory_space<vmem>>, vector<16xi32>,
        %swap3A_526 = arith.index_cast %add3A_523 : i32 to index
        %swap3A_527 = tpu.vector_load %arg10[%swap3A_526] {strides = array<i32>} : memref<12560xi32, #tpu.memory_space<vmem>>, vector<16xi32>,
        tpu.vector_store %arg10[%swap3A_526], %add3A_506 {strides = array<i32>} : memref<12560xi32, #tpu.memory_space<vmem>>, vector<16xi32>,
        %swap3A_528 = arith.index_cast %add3A_523 : i32 to index
        %swap3A_529 = tpu.vector_load %arg11[%swap3A_528] {strides = array<i32>} : memref<12560xf32, #tpu.memory_space<vmem>>, vector<16xf32>,
        tpu.vector_store %arg11[%swap3A_528], %gather3A_511 {strides = array<i32>} : memref<12560xf32, #tpu.memory_space<vmem>>, vector<16xf32>,
        %max3A_530 = arith.maxsi %max3A_439, %select_n3A_519 : vector<16xi32>
        %add3A_531 = arith.constant 48 : i32
        %add3A_532 = vector.broadcast %add3A_531 : i32 to vector<16xi32>
        %add3A_533 = arith.addi %add3A_532, %iota3A : vector<16xi32>
        %mul3A_534 = arith.constant 4 : i32
        %mul3A_535 = vector.broadcast %mul3A_534 : i32 to vector<16xi32>
        %mul3A_536 = arith.muli %mul3A_535, %add3A_533 : vector<16xi32>
        %add3A_537 = vector.broadcast %mul3A_264 : i32 to vector<16xi32>
        %add3A_538 = arith.addi %add3A_537, %mul3A_536 : vector<16xi32>
        %add3A_539 = arith.constant 1 : i32
        %add3A_540 = vector.broadcast %add3A_539 : i32 to vector<16xi32>
        %add3A_541 = arith.addi %add3A_538, %add3A_540 : vector<16xi32>
        %gather3A_542 = tpu.vector_load_idx %arg6[%add3A_541] : memref<25088xf32, #tpu.memory_space<vmem>>[vector<16xi32>], vector<16xf32>,
        %add3A_543 = arith.constant 2 : i32
        %add3A_544 = vector.broadcast %add3A_543 : i32 to vector<16xi32>
        %add3A_545 = arith.addi %add3A_541, %add3A_544 : vector<16xi32>
        %gather3A_546 = tpu.vector_load_idx %arg6[%add3A_545] : memref<25088xf32, #tpu.memory_space<vmem>>[vector<16xi32>], vector<16xf32>,
        %add3A_547 = arith.constant 448 : i32
        %add3A_548 = vector.broadcast %add3A_547 : i32 to vector<16xi32>
        %add3A_549 = arith.addi %add3A_541, %add3A_548 : vector<16xi32>
        %gather3A_550 = tpu.vector_load_idx %arg6[%add3A_549] : memref<25088xf32, #tpu.memory_space<vmem>>[vector<16xi32>], vector<16xf32>,
        %add3A_551 = arith.constant 450 : i32
        %add3A_552 = vector.broadcast %add3A_551 : i32 to vector<16xi32>
        %add3A_553 = arith.addi %add3A_541, %add3A_552 : vector<16xi32>
        %gather3A_554 = tpu.vector_load_idx %arg6[%add3A_553] : memref<25088xf32, #tpu.memory_space<vmem>>[vector<16xi32>], vector<16xf32>,
        %broadcast_in_dim3A_555 = arith.constant 0 : i32
        %broadcast_in_dim3A_556 = vector.broadcast %broadcast_in_dim3A_555 : i32 to vector<16xi32>
        %gt3A_557 = arith.cmpf ogt, %gather3A_546, %gather3A_542 : vector<16xf32>
        %select_n3A_558 = arith.select %gt3A_557, %gather3A_546, %gather3A_542 : vector<16xi1>, vector<16xf32>
        %jit3A_559 = arith.constant 2 : i32
        %broadcast_in_dim3A_560 = vector.broadcast %jit3A_559 : i32 to vector<16xi32>
        %select_n3A_561 = arith.select %gt3A_557, %broadcast_in_dim3A_560, %broadcast_in_dim3A_556 : vector<16xi1>, vector<16xi32>
        %gt3A_562 = arith.cmpf ogt, %gather3A_550, %select_n3A_558 : vector<16xf32>
        %select_n3A_563 = arith.select %gt3A_562, %gather3A_550, %select_n3A_558 : vector<16xi1>, vector<16xf32>
        %jit3A_564 = arith.constant 448 : i32
        %broadcast_in_dim3A_565 = vector.broadcast %jit3A_564 : i32 to vector<16xi32>
        %select_n3A_566 = arith.select %gt3A_562, %broadcast_in_dim3A_565, %select_n3A_561 : vector<16xi1>, vector<16xi32>
        %gt3A_567 = arith.cmpf ogt, %gather3A_554, %select_n3A_563 : vector<16xf32>
        %select_n3A_568 = arith.select %gt3A_567, %gather3A_554, %select_n3A_563 : vector<16xi1>, vector<16xf32>
        %jit3A_569 = arith.constant 450 : i32
        %broadcast_in_dim3A_570 = vector.broadcast %jit3A_569 : i32 to vector<16xi32>
        %select_n3A_571 = arith.select %gt3A_567, %broadcast_in_dim3A_570, %select_n3A_566 : vector<16xi1>, vector<16xi32>
        %ge3A_572 = arith.constant 448 : i32
        %ge3A_573 = vector.broadcast %ge3A_572 : i32 to vector<16xi32>
        %ge3A_574 = arith.cmpi sge, %select_n3A_571, %ge3A_573 : vector<16xi32>
        %jit3A_575 = arith.constant 1 : i32
        %jit3A_576 = arith.constant 0 : i32
        %broadcast_in_dim3A_577 = vector.broadcast %jit3A_575 : i32 to vector<16xi32>
        %broadcast_in_dim3A_578 = vector.broadcast %jit3A_576 : i32 to vector<16xi32>
        %select_n3A_579 = arith.select %ge3A_574, %broadcast_in_dim3A_577, %broadcast_in_dim3A_578 : vector<16xi1>, vector<16xi32>
        %and3A_580 = arith.constant 2 : i32
        %and3A_581 = vector.broadcast %and3A_580 : i32 to vector<16xi32>
        %and3A_582 = arith.andi %select_n3A_571, %and3A_581 : vector<16xi32>
        %shift_right_arithmetic3A_583 = arith.constant 1 : i32
        %shift_right_arithmetic3A_584 = vector.broadcast %shift_right_arithmetic3A_583 : i32 to vector<16xi32>
        %shift_right_arithmetic3A_585 = arith.shrsi %and3A_582, %shift_right_arithmetic3A_584 : vector<16xi32>
        %mul3A_586 = arith.constant 2 : i32
        %mul3A_587 = arith.muli %mul3A_586, %add3A_266 : i32
        %add3A_588 = vector.broadcast %mul3A_587 : i32 to vector<16xi32>
        %add3A_589 = arith.addi %add3A_588, %select_n3A_579 : vector<16xi32>
        %mul3A_590 = arith.constant 224 : i32
        %mul3A_591 = vector.broadcast %mul3A_590 : i32 to vector<16xi32>
        %mul3A_592 = arith.muli %add3A_589, %mul3A_591 : vector<16xi32>
        %mul3A_593 = arith.constant 2 : i32
        %mul3A_594 = vector.broadcast %mul3A_593 : i32 to vector<16xi32>
        %mul3A_595 = arith.muli %mul3A_594, %add3A_533 : vector<16xi32>
        %add3A_596 = arith.addi %mul3A_592, %mul3A_595 : vector<16xi32>
        %add3A_597 = arith.addi %add3A_596, %shift_right_arithmetic3A_585 : vector<16xi32>
        %add3A_598 = arith.addi %add3A_541, %select_n3A_571 : vector<16xi32>
        %sub3A_599 = arith.constant 1 : i32
        %sub3A_600 = vector.broadcast %sub3A_599 : i32 to vector<16xi32>
        %sub3A_601 = arith.subi %add3A_598, %sub3A_600 : vector<16xi32>
        %gather3A_602 = tpu.vector_load_idx %arg6[%sub3A_601] : memref<25088xf32, #tpu.memory_space<vmem>>[vector<16xi32>], vector<16xf32>,
        %bitcast3A_603 = vector.bitcast %select_n3A_568 : vector<16xf32> to vector<16xi32>
        %lt3A_604 = arith.constant 0 : i32
        %lt3A_605 = vector.broadcast %lt3A_604 : i32 to vector<16xi32>
        %lt3A_606 = arith.cmpi slt, %bitcast3A_603, %lt3A_605 : vector<16xi32>
        %xor3A_607 = arith.constant 2147483647 : i32
        %xor3A_608 = vector.broadcast %xor3A_607 : i32 to vector<16xi32>
        %xor3A_609 = arith.xori %bitcast3A_603, %xor3A_608 : vector<16xi32>
        %select_n3A_610 = arith.select %lt3A_606, %xor3A_609, %bitcast3A_603 : vector<16xi1>, vector<16xi32>
        %mul3A_611 = arith.constant 112 : i32
        %mul3A_612 = arith.muli %add3A_266, %mul3A_611 : i32
        %add3A_613 = arith.constant 48 : i32
        %add3A_614 = arith.addi %mul3A_612, %add3A_613 : i32
        %swap3A_615 = arith.index_cast %add3A_614 : i32 to index
        %swap3A_616 = tpu.vector_load %arg9[%swap3A_615] {strides = array<i32>} : memref<12560xi32, #tpu.memory_space<vmem>>, vector<16xi32>,
        tpu.vector_store %arg9[%swap3A_615], %select_n3A_610 {strides = array<i32>} : memref<12560xi32, #tpu.memory_space<vmem>>, vector<16xi32>,
        %swap3A_617 = arith.index_cast %add3A_614 : i32 to index
        %swap3A_618 = tpu.vector_load %arg10[%swap3A_617] {strides = array<i32>} : memref<12560xi32, #tpu.memory_space<vmem>>, vector<16xi32>,
        tpu.vector_store %arg10[%swap3A_617], %add3A_597 {strides = array<i32>} : memref<12560xi32, #tpu.memory_space<vmem>>, vector<16xi32>,
        %swap3A_619 = arith.index_cast %add3A_614 : i32 to index
        %swap3A_620 = tpu.vector_load %arg11[%swap3A_619] {strides = array<i32>} : memref<12560xf32, #tpu.memory_space<vmem>>, vector<16xf32>,
        tpu.vector_store %arg11[%swap3A_619], %gather3A_602 {strides = array<i32>} : memref<12560xf32, #tpu.memory_space<vmem>>, vector<16xf32>,
        %max3A_621 = arith.maxsi %max3A_530, %select_n3A_610 : vector<16xi32>
        %add3A_622 = arith.constant 64 : i32
        %add3A_623 = vector.broadcast %add3A_622 : i32 to vector<16xi32>
        %add3A_624 = arith.addi %add3A_623, %iota3A : vector<16xi32>
        %mul3A_625 = arith.constant 4 : i32
        %mul3A_626 = vector.broadcast %mul3A_625 : i32 to vector<16xi32>
        %mul3A_627 = arith.muli %mul3A_626, %add3A_624 : vector<16xi32>
        %add3A_628 = vector.broadcast %mul3A_264 : i32 to vector<16xi32>
        %add3A_629 = arith.addi %add3A_628, %mul3A_627 : vector<16xi32>
        %add3A_630 = arith.constant 1 : i32
        %add3A_631 = vector.broadcast %add3A_630 : i32 to vector<16xi32>
        %add3A_632 = arith.addi %add3A_629, %add3A_631 : vector<16xi32>
        %gather3A_633 = tpu.vector_load_idx %arg6[%add3A_632] : memref<25088xf32, #tpu.memory_space<vmem>>[vector<16xi32>], vector<16xf32>,
        %add3A_634 = arith.constant 2 : i32
        %add3A_635 = vector.broadcast %add3A_634 : i32 to vector<16xi32>
        %add3A_636 = arith.addi %add3A_632, %add3A_635 : vector<16xi32>
        %gather3A_637 = tpu.vector_load_idx %arg6[%add3A_636] : memref<25088xf32, #tpu.memory_space<vmem>>[vector<16xi32>], vector<16xf32>,
        %add3A_638 = arith.constant 448 : i32
        %add3A_639 = vector.broadcast %add3A_638 : i32 to vector<16xi32>
        %add3A_640 = arith.addi %add3A_632, %add3A_639 : vector<16xi32>
        %gather3A_641 = tpu.vector_load_idx %arg6[%add3A_640] : memref<25088xf32, #tpu.memory_space<vmem>>[vector<16xi32>], vector<16xf32>,
        %add3A_642 = arith.constant 450 : i32
        %add3A_643 = vector.broadcast %add3A_642 : i32 to vector<16xi32>
        %add3A_644 = arith.addi %add3A_632, %add3A_643 : vector<16xi32>
        %gather3A_645 = tpu.vector_load_idx %arg6[%add3A_644] : memref<25088xf32, #tpu.memory_space<vmem>>[vector<16xi32>], vector<16xf32>,
        %broadcast_in_dim3A_646 = arith.constant 0 : i32
        %broadcast_in_dim3A_647 = vector.broadcast %broadcast_in_dim3A_646 : i32 to vector<16xi32>
        %gt3A_648 = arith.cmpf ogt, %gather3A_637, %gather3A_633 : vector<16xf32>
        %select_n3A_649 = arith.select %gt3A_648, %gather3A_637, %gather3A_633 : vector<16xi1>, vector<16xf32>
        %jit3A_650 = arith.constant 2 : i32
        %broadcast_in_dim3A_651 = vector.broadcast %jit3A_650 : i32 to vector<16xi32>
        %select_n3A_652 = arith.select %gt3A_648, %broadcast_in_dim3A_651, %broadcast_in_dim3A_647 : vector<16xi1>, vector<16xi32>
        %gt3A_653 = arith.cmpf ogt, %gather3A_641, %select_n3A_649 : vector<16xf32>
        %select_n3A_654 = arith.select %gt3A_653, %gather3A_641, %select_n3A_649 : vector<16xi1>, vector<16xf32>
        %jit3A_655 = arith.constant 448 : i32
        %broadcast_in_dim3A_656 = vector.broadcast %jit3A_655 : i32 to vector<16xi32>
        %select_n3A_657 = arith.select %gt3A_653, %broadcast_in_dim3A_656, %select_n3A_652 : vector<16xi1>, vector<16xi32>
        %gt3A_658 = arith.cmpf ogt, %gather3A_645, %select_n3A_654 : vector<16xf32>
        %select_n3A_659 = arith.select %gt3A_658, %gather3A_645, %select_n3A_654 : vector<16xi1>, vector<16xf32>
        %jit3A_660 = arith.constant 450 : i32
        %broadcast_in_dim3A_661 = vector.broadcast %jit3A_660 : i32 to vector<16xi32>
        %select_n3A_662 = arith.select %gt3A_658, %broadcast_in_dim3A_661, %select_n3A_657 : vector<16xi1>, vector<16xi32>
        %ge3A_663 = arith.constant 448 : i32
        %ge3A_664 = vector.broadcast %ge3A_663 : i32 to vector<16xi32>
        %ge3A_665 = arith.cmpi sge, %select_n3A_662, %ge3A_664 : vector<16xi32>
        %jit3A_666 = arith.constant 1 : i32
        %jit3A_667 = arith.constant 0 : i32
        %broadcast_in_dim3A_668 = vector.broadcast %jit3A_666 : i32 to vector<16xi32>
        %broadcast_in_dim3A_669 = vector.broadcast %jit3A_667 : i32 to vector<16xi32>
        %select_n3A_670 = arith.select %ge3A_665, %broadcast_in_dim3A_668, %broadcast_in_dim3A_669 : vector<16xi1>, vector<16xi32>
        %and3A_671 = arith.constant 2 : i32
        %and3A_672 = vector.broadcast %and3A_671 : i32 to vector<16xi32>
        %and3A_673 = arith.andi %select_n3A_662, %and3A_672 : vector<16xi32>
        %shift_right_arithmetic3A_674 = arith.constant 1 : i32
        %shift_right_arithmetic3A_675 = vector.broadcast %shift_right_arithmetic3A_674 : i32 to vector<16xi32>
        %shift_right_arithmetic3A_676 = arith.shrsi %and3A_673, %shift_right_arithmetic3A_675 : vector<16xi32>
        %mul3A_677 = arith.constant 2 : i32
        %mul3A_678 = arith.muli %mul3A_677, %add3A_266 : i32
        %add3A_679 = vector.broadcast %mul3A_678 : i32 to vector<16xi32>
        %add3A_680 = arith.addi %add3A_679, %select_n3A_670 : vector<16xi32>
        %mul3A_681 = arith.constant 224 : i32
        %mul3A_682 = vector.broadcast %mul3A_681 : i32 to vector<16xi32>
        %mul3A_683 = arith.muli %add3A_680, %mul3A_682 : vector<16xi32>
        %mul3A_684 = arith.constant 2 : i32
        %mul3A_685 = vector.broadcast %mul3A_684 : i32 to vector<16xi32>
        %mul3A_686 = arith.muli %mul3A_685, %add3A_624 : vector<16xi32>
        %add3A_687 = arith.addi %mul3A_683, %mul3A_686 : vector<16xi32>
        %add3A_688 = arith.addi %add3A_687, %shift_right_arithmetic3A_676 : vector<16xi32>
        %add3A_689 = arith.addi %add3A_632, %select_n3A_662 : vector<16xi32>
        %sub3A_690 = arith.constant 1 : i32
        %sub3A_691 = vector.broadcast %sub3A_690 : i32 to vector<16xi32>
        %sub3A_692 = arith.subi %add3A_689, %sub3A_691 : vector<16xi32>
        %gather3A_693 = tpu.vector_load_idx %arg6[%sub3A_692] : memref<25088xf32, #tpu.memory_space<vmem>>[vector<16xi32>], vector<16xf32>,
        %bitcast3A_694 = vector.bitcast %select_n3A_659 : vector<16xf32> to vector<16xi32>
        %lt3A_695 = arith.constant 0 : i32
        %lt3A_696 = vector.broadcast %lt3A_695 : i32 to vector<16xi32>
        %lt3A_697 = arith.cmpi slt, %bitcast3A_694, %lt3A_696 : vector<16xi32>
        %xor3A_698 = arith.constant 2147483647 : i32
        %xor3A_699 = vector.broadcast %xor3A_698 : i32 to vector<16xi32>
        %xor3A_700 = arith.xori %bitcast3A_694, %xor3A_699 : vector<16xi32>
        %select_n3A_701 = arith.select %lt3A_697, %xor3A_700, %bitcast3A_694 : vector<16xi1>, vector<16xi32>
        %mul3A_702 = arith.constant 112 : i32
        %mul3A_703 = arith.muli %add3A_266, %mul3A_702 : i32
        %add3A_704 = arith.constant 64 : i32
        %add3A_705 = arith.addi %mul3A_703, %add3A_704 : i32
        %swap3A_706 = arith.index_cast %add3A_705 : i32 to index
        %swap3A_707 = tpu.vector_load %arg9[%swap3A_706] {strides = array<i32>} : memref<12560xi32, #tpu.memory_space<vmem>>, vector<16xi32>,
        tpu.vector_store %arg9[%swap3A_706], %select_n3A_701 {strides = array<i32>} : memref<12560xi32, #tpu.memory_space<vmem>>, vector<16xi32>,
        %swap3A_708 = arith.index_cast %add3A_705 : i32 to index
        %swap3A_709 = tpu.vector_load %arg10[%swap3A_708] {strides = array<i32>} : memref<12560xi32, #tpu.memory_space<vmem>>, vector<16xi32>,
        tpu.vector_store %arg10[%swap3A_708], %add3A_688 {strides = array<i32>} : memref<12560xi32, #tpu.memory_space<vmem>>, vector<16xi32>,
        %swap3A_710 = arith.index_cast %add3A_705 : i32 to index
        %swap3A_711 = tpu.vector_load %arg11[%swap3A_710] {strides = array<i32>} : memref<12560xf32, #tpu.memory_space<vmem>>, vector<16xf32>,
        tpu.vector_store %arg11[%swap3A_710], %gather3A_693 {strides = array<i32>} : memref<12560xf32, #tpu.memory_space<vmem>>, vector<16xf32>,
        %max3A_712 = arith.maxsi %max3A_621, %select_n3A_701 : vector<16xi32>
        %add3A_713 = arith.constant 80 : i32
        %add3A_714 = vector.broadcast %add3A_713 : i32 to vector<16xi32>
        %add3A_715 = arith.addi %add3A_714, %iota3A : vector<16xi32>
        %mul3A_716 = arith.constant 4 : i32
        %mul3A_717 = vector.broadcast %mul3A_716 : i32 to vector<16xi32>
        %mul3A_718 = arith.muli %mul3A_717, %add3A_715 : vector<16xi32>
        %add3A_719 = vector.broadcast %mul3A_264 : i32 to vector<16xi32>
        %add3A_720 = arith.addi %add3A_719, %mul3A_718 : vector<16xi32>
        %add3A_721 = arith.constant 1 : i32
        %add3A_722 = vector.broadcast %add3A_721 : i32 to vector<16xi32>
        %add3A_723 = arith.addi %add3A_720, %add3A_722 : vector<16xi32>
        %gather3A_724 = tpu.vector_load_idx %arg6[%add3A_723] : memref<25088xf32, #tpu.memory_space<vmem>>[vector<16xi32>], vector<16xf32>,
        %add3A_725 = arith.constant 2 : i32
        %add3A_726 = vector.broadcast %add3A_725 : i32 to vector<16xi32>
        %add3A_727 = arith.addi %add3A_723, %add3A_726 : vector<16xi32>
        %gather3A_728 = tpu.vector_load_idx %arg6[%add3A_727] : memref<25088xf32, #tpu.memory_space<vmem>>[vector<16xi32>], vector<16xf32>,
        %add3A_729 = arith.constant 448 : i32
        %add3A_730 = vector.broadcast %add3A_729 : i32 to vector<16xi32>
        %add3A_731 = arith.addi %add3A_723, %add3A_730 : vector<16xi32>
        %gather3A_732 = tpu.vector_load_idx %arg6[%add3A_731] : memref<25088xf32, #tpu.memory_space<vmem>>[vector<16xi32>], vector<16xf32>,
        %add3A_733 = arith.constant 450 : i32
        %add3A_734 = vector.broadcast %add3A_733 : i32 to vector<16xi32>
        %add3A_735 = arith.addi %add3A_723, %add3A_734 : vector<16xi32>
        %gather3A_736 = tpu.vector_load_idx %arg6[%add3A_735] : memref<25088xf32, #tpu.memory_space<vmem>>[vector<16xi32>], vector<16xf32>,
        %broadcast_in_dim3A_737 = arith.constant 0 : i32
        %broadcast_in_dim3A_738 = vector.broadcast %broadcast_in_dim3A_737 : i32 to vector<16xi32>
        %gt3A_739 = arith.cmpf ogt, %gather3A_728, %gather3A_724 : vector<16xf32>
        %select_n3A_740 = arith.select %gt3A_739, %gather3A_728, %gather3A_724 : vector<16xi1>, vector<16xf32>
        %jit3A_741 = arith.constant 2 : i32
        %broadcast_in_dim3A_742 = vector.broadcast %jit3A_741 : i32 to vector<16xi32>
        %select_n3A_743 = arith.select %gt3A_739, %broadcast_in_dim3A_742, %broadcast_in_dim3A_738 : vector<16xi1>, vector<16xi32>
        %gt3A_744 = arith.cmpf ogt, %gather3A_732, %select_n3A_740 : vector<16xf32>
        %select_n3A_745 = arith.select %gt3A_744, %gather3A_732, %select_n3A_740 : vector<16xi1>, vector<16xf32>
        %jit3A_746 = arith.constant 448 : i32
        %broadcast_in_dim3A_747 = vector.broadcast %jit3A_746 : i32 to vector<16xi32>
        %select_n3A_748 = arith.select %gt3A_744, %broadcast_in_dim3A_747, %select_n3A_743 : vector<16xi1>, vector<16xi32>
        %gt3A_749 = arith.cmpf ogt, %gather3A_736, %select_n3A_745 : vector<16xf32>
        %select_n3A_750 = arith.select %gt3A_749, %gather3A_736, %select_n3A_745 : vector<16xi1>, vector<16xf32>
        %jit3A_751 = arith.constant 450 : i32
        %broadcast_in_dim3A_752 = vector.broadcast %jit3A_751 : i32 to vector<16xi32>
        %select_n3A_753 = arith.select %gt3A_749, %broadcast_in_dim3A_752, %select_n3A_748 : vector<16xi1>, vector<16xi32>
        %ge3A_754 = arith.constant 448 : i32
        %ge3A_755 = vector.broadcast %ge3A_754 : i32 to vector<16xi32>
        %ge3A_756 = arith.cmpi sge, %select_n3A_753, %ge3A_755 : vector<16xi32>
        %jit3A_757 = arith.constant 1 : i32
        %jit3A_758 = arith.constant 0 : i32
        %broadcast_in_dim3A_759 = vector.broadcast %jit3A_757 : i32 to vector<16xi32>
        %broadcast_in_dim3A_760 = vector.broadcast %jit3A_758 : i32 to vector<16xi32>
        %select_n3A_761 = arith.select %ge3A_756, %broadcast_in_dim3A_759, %broadcast_in_dim3A_760 : vector<16xi1>, vector<16xi32>
        %and3A_762 = arith.constant 2 : i32
        %and3A_763 = vector.broadcast %and3A_762 : i32 to vector<16xi32>
        %and3A_764 = arith.andi %select_n3A_753, %and3A_763 : vector<16xi32>
        %shift_right_arithmetic3A_765 = arith.constant 1 : i32
        %shift_right_arithmetic3A_766 = vector.broadcast %shift_right_arithmetic3A_765 : i32 to vector<16xi32>
        %shift_right_arithmetic3A_767 = arith.shrsi %and3A_764, %shift_right_arithmetic3A_766 : vector<16xi32>
        %mul3A_768 = arith.constant 2 : i32
        %mul3A_769 = arith.muli %mul3A_768, %add3A_266 : i32
        %add3A_770 = vector.broadcast %mul3A_769 : i32 to vector<16xi32>
        %add3A_771 = arith.addi %add3A_770, %select_n3A_761 : vector<16xi32>
        %mul3A_772 = arith.constant 224 : i32
        %mul3A_773 = vector.broadcast %mul3A_772 : i32 to vector<16xi32>
        %mul3A_774 = arith.muli %add3A_771, %mul3A_773 : vector<16xi32>
        %mul3A_775 = arith.constant 2 : i32
        %mul3A_776 = vector.broadcast %mul3A_775 : i32 to vector<16xi32>
        %mul3A_777 = arith.muli %mul3A_776, %add3A_715 : vector<16xi32>
        %add3A_778 = arith.addi %mul3A_774, %mul3A_777 : vector<16xi32>
        %add3A_779 = arith.addi %add3A_778, %shift_right_arithmetic3A_767 : vector<16xi32>
        %add3A_780 = arith.addi %add3A_723, %select_n3A_753 : vector<16xi32>
        %sub3A_781 = arith.constant 1 : i32
        %sub3A_782 = vector.broadcast %sub3A_781 : i32 to vector<16xi32>
        %sub3A_783 = arith.subi %add3A_780, %sub3A_782 : vector<16xi32>
        %gather3A_784 = tpu.vector_load_idx %arg6[%sub3A_783] : memref<25088xf32, #tpu.memory_space<vmem>>[vector<16xi32>], vector<16xf32>,
        %bitcast3A_785 = vector.bitcast %select_n3A_750 : vector<16xf32> to vector<16xi32>
        %lt3A_786 = arith.constant 0 : i32
        %lt3A_787 = vector.broadcast %lt3A_786 : i32 to vector<16xi32>
        %lt3A_788 = arith.cmpi slt, %bitcast3A_785, %lt3A_787 : vector<16xi32>
        %xor3A_789 = arith.constant 2147483647 : i32
        %xor3A_790 = vector.broadcast %xor3A_789 : i32 to vector<16xi32>
        %xor3A_791 = arith.xori %bitcast3A_785, %xor3A_790 : vector<16xi32>
        %select_n3A_792 = arith.select %lt3A_788, %xor3A_791, %bitcast3A_785 : vector<16xi1>, vector<16xi32>
        %mul3A_793 = arith.constant 112 : i32
        %mul3A_794 = arith.muli %add3A_266, %mul3A_793 : i32
        %add3A_795 = arith.constant 80 : i32
        %add3A_796 = arith.addi %mul3A_794, %add3A_795 : i32
        %swap3A_797 = arith.index_cast %add3A_796 : i32 to index
        %swap3A_798 = tpu.vector_load %arg9[%swap3A_797] {strides = array<i32>} : memref<12560xi32, #tpu.memory_space<vmem>>, vector<16xi32>,
        tpu.vector_store %arg9[%swap3A_797], %select_n3A_792 {strides = array<i32>} : memref<12560xi32, #tpu.memory_space<vmem>>, vector<16xi32>,
        %swap3A_799 = arith.index_cast %add3A_796 : i32 to index
        %swap3A_800 = tpu.vector_load %arg10[%swap3A_799] {strides = array<i32>} : memref<12560xi32, #tpu.memory_space<vmem>>, vector<16xi32>,
        tpu.vector_store %arg10[%swap3A_799], %add3A_779 {strides = array<i32>} : memref<12560xi32, #tpu.memory_space<vmem>>, vector<16xi32>,
        %swap3A_801 = arith.index_cast %add3A_796 : i32 to index
        %swap3A_802 = tpu.vector_load %arg11[%swap3A_801] {strides = array<i32>} : memref<12560xf32, #tpu.memory_space<vmem>>, vector<16xf32>,
        tpu.vector_store %arg11[%swap3A_801], %gather3A_784 {strides = array<i32>} : memref<12560xf32, #tpu.memory_space<vmem>>, vector<16xf32>,
        %max3A_803 = arith.maxsi %max3A_712, %select_n3A_792 : vector<16xi32>
        %add3A_804 = arith.constant 96 : i32
        %add3A_805 = vector.broadcast %add3A_804 : i32 to vector<16xi32>
        %add3A_806 = arith.addi %add3A_805, %iota3A : vector<16xi32>
        %mul3A_807 = arith.constant 4 : i32
        %mul3A_808 = vector.broadcast %mul3A_807 : i32 to vector<16xi32>
        %mul3A_809 = arith.muli %mul3A_808, %add3A_806 : vector<16xi32>
        %add3A_810 = vector.broadcast %mul3A_264 : i32 to vector<16xi32>
        %add3A_811 = arith.addi %add3A_810, %mul3A_809 : vector<16xi32>
        %add3A_812 = arith.constant 1 : i32
        %add3A_813 = vector.broadcast %add3A_812 : i32 to vector<16xi32>
        %add3A_814 = arith.addi %add3A_811, %add3A_813 : vector<16xi32>
        %gather3A_815 = tpu.vector_load_idx %arg6[%add3A_814] : memref<25088xf32, #tpu.memory_space<vmem>>[vector<16xi32>], vector<16xf32>,
        %add3A_816 = arith.constant 2 : i32
        %add3A_817 = vector.broadcast %add3A_816 : i32 to vector<16xi32>
        %add3A_818 = arith.addi %add3A_814, %add3A_817 : vector<16xi32>
        %gather3A_819 = tpu.vector_load_idx %arg6[%add3A_818] : memref<25088xf32, #tpu.memory_space<vmem>>[vector<16xi32>], vector<16xf32>,
        %add3A_820 = arith.constant 448 : i32
        %add3A_821 = vector.broadcast %add3A_820 : i32 to vector<16xi32>
        %add3A_822 = arith.addi %add3A_814, %add3A_821 : vector<16xi32>
        %gather3A_823 = tpu.vector_load_idx %arg6[%add3A_822] : memref<25088xf32, #tpu.memory_space<vmem>>[vector<16xi32>], vector<16xf32>,
        %add3A_824 = arith.constant 450 : i32
        %add3A_825 = vector.broadcast %add3A_824 : i32 to vector<16xi32>
        %add3A_826 = arith.addi %add3A_814, %add3A_825 : vector<16xi32>
        %gather3A_827 = tpu.vector_load_idx %arg6[%add3A_826] : memref<25088xf32, #tpu.memory_space<vmem>>[vector<16xi32>], vector<16xf32>,
        %broadcast_in_dim3A_828 = arith.constant 0 : i32
        %broadcast_in_dim3A_829 = vector.broadcast %broadcast_in_dim3A_828 : i32 to vector<16xi32>
        %gt3A_830 = arith.cmpf ogt, %gather3A_819, %gather3A_815 : vector<16xf32>
        %select_n3A_831 = arith.select %gt3A_830, %gather3A_819, %gather3A_815 : vector<16xi1>, vector<16xf32>
        %jit3A_832 = arith.constant 2 : i32
        %broadcast_in_dim3A_833 = vector.broadcast %jit3A_832 : i32 to vector<16xi32>
        %select_n3A_834 = arith.select %gt3A_830, %broadcast_in_dim3A_833, %broadcast_in_dim3A_829 : vector<16xi1>, vector<16xi32>
        %gt3A_835 = arith.cmpf ogt, %gather3A_823, %select_n3A_831 : vector<16xf32>
        %select_n3A_836 = arith.select %gt3A_835, %gather3A_823, %select_n3A_831 : vector<16xi1>, vector<16xf32>
        %jit3A_837 = arith.constant 448 : i32
        %broadcast_in_dim3A_838 = vector.broadcast %jit3A_837 : i32 to vector<16xi32>
        %select_n3A_839 = arith.select %gt3A_835, %broadcast_in_dim3A_838, %select_n3A_834 : vector<16xi1>, vector<16xi32>
        %gt3A_840 = arith.cmpf ogt, %gather3A_827, %select_n3A_836 : vector<16xf32>
        %select_n3A_841 = arith.select %gt3A_840, %gather3A_827, %select_n3A_836 : vector<16xi1>, vector<16xf32>
        %jit3A_842 = arith.constant 450 : i32
        %broadcast_in_dim3A_843 = vector.broadcast %jit3A_842 : i32 to vector<16xi32>
        %select_n3A_844 = arith.select %gt3A_840, %broadcast_in_dim3A_843, %select_n3A_839 : vector<16xi1>, vector<16xi32>
        %ge3A_845 = arith.constant 448 : i32
        %ge3A_846 = vector.broadcast %ge3A_845 : i32 to vector<16xi32>
        %ge3A_847 = arith.cmpi sge, %select_n3A_844, %ge3A_846 : vector<16xi32>
        %jit3A_848 = arith.constant 1 : i32
        %jit3A_849 = arith.constant 0 : i32
        %broadcast_in_dim3A_850 = vector.broadcast %jit3A_848 : i32 to vector<16xi32>
        %broadcast_in_dim3A_851 = vector.broadcast %jit3A_849 : i32 to vector<16xi32>
        %select_n3A_852 = arith.select %ge3A_847, %broadcast_in_dim3A_850, %broadcast_in_dim3A_851 : vector<16xi1>, vector<16xi32>
        %and3A_853 = arith.constant 2 : i32
        %and3A_854 = vector.broadcast %and3A_853 : i32 to vector<16xi32>
        %and3A_855 = arith.andi %select_n3A_844, %and3A_854 : vector<16xi32>
        %shift_right_arithmetic3A_856 = arith.constant 1 : i32
        %shift_right_arithmetic3A_857 = vector.broadcast %shift_right_arithmetic3A_856 : i32 to vector<16xi32>
        %shift_right_arithmetic3A_858 = arith.shrsi %and3A_855, %shift_right_arithmetic3A_857 : vector<16xi32>
        %mul3A_859 = arith.constant 2 : i32
        %mul3A_860 = arith.muli %mul3A_859, %add3A_266 : i32
        %add3A_861 = vector.broadcast %mul3A_860 : i32 to vector<16xi32>
        %add3A_862 = arith.addi %add3A_861, %select_n3A_852 : vector<16xi32>
        %mul3A_863 = arith.constant 224 : i32
        %mul3A_864 = vector.broadcast %mul3A_863 : i32 to vector<16xi32>
        %mul3A_865 = arith.muli %add3A_862, %mul3A_864 : vector<16xi32>
        %mul3A_866 = arith.constant 2 : i32
        %mul3A_867 = vector.broadcast %mul3A_866 : i32 to vector<16xi32>
        %mul3A_868 = arith.muli %mul3A_867, %add3A_806 : vector<16xi32>
        %add3A_869 = arith.addi %mul3A_865, %mul3A_868 : vector<16xi32>
        %add3A_870 = arith.addi %add3A_869, %shift_right_arithmetic3A_858 : vector<16xi32>
        %add3A_871 = arith.addi %add3A_814, %select_n3A_844 : vector<16xi32>
        %sub3A_872 = arith.constant 1 : i32
        %sub3A_873 = vector.broadcast %sub3A_872 : i32 to vector<16xi32>
        %sub3A_874 = arith.subi %add3A_871, %sub3A_873 : vector<16xi32>
        %gather3A_875 = tpu.vector_load_idx %arg6[%sub3A_874] : memref<25088xf32, #tpu.memory_space<vmem>>[vector<16xi32>], vector<16xf32>,
        %bitcast3A_876 = vector.bitcast %select_n3A_841 : vector<16xf32> to vector<16xi32>
        %lt3A_877 = arith.constant 0 : i32
        %lt3A_878 = vector.broadcast %lt3A_877 : i32 to vector<16xi32>
        %lt3A_879 = arith.cmpi slt, %bitcast3A_876, %lt3A_878 : vector<16xi32>
        %xor3A_880 = arith.constant 2147483647 : i32
        %xor3A_881 = vector.broadcast %xor3A_880 : i32 to vector<16xi32>
        %xor3A_882 = arith.xori %bitcast3A_876, %xor3A_881 : vector<16xi32>
        %select_n3A_883 = arith.select %lt3A_879, %xor3A_882, %bitcast3A_876 : vector<16xi1>, vector<16xi32>
        %mul3A_884 = arith.constant 112 : i32
        %mul3A_885 = arith.muli %add3A_266, %mul3A_884 : i32
        %add3A_886 = arith.constant 96 : i32
        %add3A_887 = arith.addi %mul3A_885, %add3A_886 : i32
        %swap3A_888 = arith.index_cast %add3A_887 : i32 to index
        %swap3A_889 = tpu.vector_load %arg9[%swap3A_888] {strides = array<i32>} : memref<12560xi32, #tpu.memory_space<vmem>>, vector<16xi32>,
        tpu.vector_store %arg9[%swap3A_888], %select_n3A_883 {strides = array<i32>} : memref<12560xi32, #tpu.memory_space<vmem>>, vector<16xi32>,
        %swap3A_890 = arith.index_cast %add3A_887 : i32 to index
        %swap3A_891 = tpu.vector_load %arg10[%swap3A_890] {strides = array<i32>} : memref<12560xi32, #tpu.memory_space<vmem>>, vector<16xi32>,
        tpu.vector_store %arg10[%swap3A_890], %add3A_870 {strides = array<i32>} : memref<12560xi32, #tpu.memory_space<vmem>>, vector<16xi32>,
        %swap3A_892 = arith.index_cast %add3A_887 : i32 to index
        %swap3A_893 = tpu.vector_load %arg11[%swap3A_892] {strides = array<i32>} : memref<12560xf32, #tpu.memory_space<vmem>>, vector<16xf32>,
        tpu.vector_store %arg11[%swap3A_892], %gather3A_875 {strides = array<i32>} : memref<12560xf32, #tpu.memory_space<vmem>>, vector<16xf32>,
        %max3A_894 = arith.maxsi %max3A_803, %select_n3A_883 : vector<16xi32>
        %reduce_max3A = arith.constant true
        %reduce_max3A_895 = vector.broadcast %reduce_max3A : i1 to vector<16xi1>
        %reduce_max3A_896 = arith.constant -2147483648 : i32
        %reduce_max3A_897 = vector.broadcast %reduce_max3A_896 : i32 to vector<16xi32>
        %reduce_max3A_898 = arith.xori %max3A_894, %reduce_max3A_897 : vector<16xi32>
        %reduce_max3A_899 = tpu.scan <max>, %reduce_max3A_898 masked %reduce_max3A_895 : vector<16xi32>, vector<16xi1> -> vector<16xi32>
        %reduce_max3A_900 = arith.xori %reduce_max3A_899, %reduce_max3A_897 : vector<16xi32>
        %reduce_max3A_901 = vector.extract %reduce_max3A_900[15] : i32 from vector<16xi32>
        %and3A_902 = arith.constant 15 : i32
        %and3A_903 = arith.andi %add3A_266, %and3A_902 : i32
        %eq3A = vector.broadcast %and3A_903 : i32 to vector<16xi32>
        %eq3A_904 = arith.cmpi eq, %iota3A, %eq3A : vector<16xi32>
        %broadcast_in_dim3A_905 = arith.constant 0 : i32
        %broadcast_in_dim3A_906 = vector.broadcast %broadcast_in_dim3A_905 : i32 to vector<16xi32>
        %add3A_907 = vector.broadcast %reduce_max3A_901 : i32 to vector<16xi32>
        %add3A_908 = arith.addi %broadcast_in_dim3A_906, %add3A_907 : vector<16xi32>
        %select_n3A_909 = arith.select %eq3A_904, %add3A_908, %scan3A_262 : vector<16xi1>, vector<16xi32>
        %shift_right_arithmetic3A_910 = arith.constant 4 : i32
        %shift_right_arithmetic3A_911 = arith.shrsi %add3A_266, %shift_right_arithmetic3A_910 : i32
        %mul3A_912 = arith.constant 16 : i32
        %mul3A_913 = arith.muli %shift_right_arithmetic3A_911, %mul3A_912 : i32
        %swap3A_914 = arith.index_cast %mul3A_913 : i32 to index
        %swap3A_915 = tpu.vector_load %arg12[%swap3A_914] {strides = array<i32>} : memref<112xi32, #tpu.memory_space<vmem>>, vector<16xi32>,
        tpu.vector_store %arg12[%swap3A_914], %select_n3A_909 {strides = array<i32>} : memref<112xi32, #tpu.memory_space<vmem>>, vector<16xi32>,
        scf.yield %select_n3A_909 : vector<16xi32>
      }
      %scan3A_178 = arith.constant 28 : i32
      %scan3A_179 = arith.constant 0 : i32
      %scan3A_180 = arith.constant 0 : i32
      %scan3A_181 = arith.constant 16 : i32
      %scan3A_182 = arith.addi %scan3A_180, %scan3A_181 : i32
      %scan3A_183 = arith.constant 1 : i32
      %scan3A_184 = scf.for %scan3A_261 = %scan3A_180 to %scan3A_182 step %scan3A_183 iter_args(%scan3A_262 = %scan3A_179) -> (i32)  : i32 {
        %sub3A = arith.constant 31 : i32
        %sub3A_263 = arith.subi %sub3A, %scan3A_261 : i32
        %shift_left3A = arith.constant 1 : i32
        %shift_left3A_264 = arith.shli %shift_left3A, %sub3A_263 : i32
        %or3A = arith.ori %scan3A_262, %shift_left3A_264 : i32
        %xor3A_265 = arith.constant -2147483648 : i32
        %xor3A_266 = arith.xori %or3A, %xor3A_265 : i32
        %broadcast_in_dim3A_267 = arith.constant 0 : i32
        %broadcast_in_dim3A_268 = vector.broadcast %broadcast_in_dim3A_267 : i32 to vector<16xi32>
        %add3A_269 = vector.broadcast %xor3A_266 : i32 to vector<16xi32>
        %add3A_270 = arith.addi %broadcast_in_dim3A_268, %add3A_269 : vector<16xi32>
        %get3A = arith.constant 0 : index
        %get3A_271 = tpu.vector_load %arg12[%get3A] {strides = array<i32>} : memref<112xi32, #tpu.memory_space<vmem>>, vector<16xi32>,
        %ge3A = arith.cmpi sge, %get3A_271, %add3A_270 : vector<16xi32>
        %all_reduce_population_count3A = tpu.all_reduce %ge3A {dim = 0 : i64, kind = #tpu.reduction_kind<sum>} : vector<16xi1> -> vector<16xi32>
        %slice3A = vector.extract_strided_slice %all_reduce_population_count3A {offsets = [0], sizes = [1], strides = [1]} : vector<16xi32> to vector<1xi32>
        %squeeze3A = vector.extract %slice3A[0] : i32 from vector<1xi32>
        %add3A_272 = arith.constant 0 : i32
        %add3A_273 = arith.addi %add3A_272, %squeeze3A : i32
        %get3A_274 = arith.constant 16 : index
        %get3A_275 = tpu.vector_load %arg12[%get3A_274] {strides = array<i32>} : memref<112xi32, #tpu.memory_space<vmem>>, vector<16xi32>,
        %ge3A_276 = arith.cmpi sge, %get3A_275, %add3A_270 : vector<16xi32>
        %all_reduce_population_count3A_277 = tpu.all_reduce %ge3A_276 {dim = 0 : i64, kind = #tpu.reduction_kind<sum>} : vector<16xi1> -> vector<16xi32>
        %slice3A_278 = vector.extract_strided_slice %all_reduce_population_count3A_277 {offsets = [0], sizes = [1], strides = [1]} : vector<16xi32> to vector<1xi32>
        %squeeze3A_279 = vector.extract %slice3A_278[0] : i32 from vector<1xi32>
        %add3A_280 = arith.addi %add3A_273, %squeeze3A_279 : i32
        %get3A_281 = arith.constant 32 : index
        %get3A_282 = tpu.vector_load %arg12[%get3A_281] {strides = array<i32>} : memref<112xi32, #tpu.memory_space<vmem>>, vector<16xi32>,
        %ge3A_283 = arith.cmpi sge, %get3A_282, %add3A_270 : vector<16xi32>
        %all_reduce_population_count3A_284 = tpu.all_reduce %ge3A_283 {dim = 0 : i64, kind = #tpu.reduction_kind<sum>} : vector<16xi1> -> vector<16xi32>
        %slice3A_285 = vector.extract_strided_slice %all_reduce_population_count3A_284 {offsets = [0], sizes = [1], strides = [1]} : vector<16xi32> to vector<1xi32>
        %squeeze3A_286 = vector.extract %slice3A_285[0] : i32 from vector<1xi32>
        %add3A_287 = arith.addi %add3A_280, %squeeze3A_286 : i32
        %get3A_288 = arith.constant 48 : index
        %get3A_289 = tpu.vector_load %arg12[%get3A_288] {strides = array<i32>} : memref<112xi32, #tpu.memory_space<vmem>>, vector<16xi32>,
        %ge3A_290 = arith.cmpi sge, %get3A_289, %add3A_270 : vector<16xi32>
        %all_reduce_population_count3A_291 = tpu.all_reduce %ge3A_290 {dim = 0 : i64, kind = #tpu.reduction_kind<sum>} : vector<16xi1> -> vector<16xi32>
        %slice3A_292 = vector.extract_strided_slice %all_reduce_population_count3A_291 {offsets = [0], sizes = [1], strides = [1]} : vector<16xi32> to vector<1xi32>
        %squeeze3A_293 = vector.extract %slice3A_292[0] : i32 from vector<1xi32>
        %add3A_294 = arith.addi %add3A_287, %squeeze3A_293 : i32
        %get3A_295 = arith.constant 64 : index
        %get3A_296 = tpu.vector_load %arg12[%get3A_295] {strides = array<i32>} : memref<112xi32, #tpu.memory_space<vmem>>, vector<16xi32>,
        %ge3A_297 = arith.cmpi sge, %get3A_296, %add3A_270 : vector<16xi32>
        %all_reduce_population_count3A_298 = tpu.all_reduce %ge3A_297 {dim = 0 : i64, kind = #tpu.reduction_kind<sum>} : vector<16xi1> -> vector<16xi32>
        %slice3A_299 = vector.extract_strided_slice %all_reduce_population_count3A_298 {offsets = [0], sizes = [1], strides = [1]} : vector<16xi32> to vector<1xi32>
        %squeeze3A_300 = vector.extract %slice3A_299[0] : i32 from vector<1xi32>
        %add3A_301 = arith.addi %add3A_294, %squeeze3A_300 : i32
        %get3A_302 = arith.constant 80 : index
        %get3A_303 = tpu.vector_load %arg12[%get3A_302] {strides = array<i32>} : memref<112xi32, #tpu.memory_space<vmem>>, vector<16xi32>,
        %ge3A_304 = arith.cmpi sge, %get3A_303, %add3A_270 : vector<16xi32>
        %all_reduce_population_count3A_305 = tpu.all_reduce %ge3A_304 {dim = 0 : i64, kind = #tpu.reduction_kind<sum>} : vector<16xi1> -> vector<16xi32>
        %slice3A_306 = vector.extract_strided_slice %all_reduce_population_count3A_305 {offsets = [0], sizes = [1], strides = [1]} : vector<16xi32> to vector<1xi32>
        %squeeze3A_307 = vector.extract %slice3A_306[0] : i32 from vector<1xi32>
        %add3A_308 = arith.addi %add3A_301, %squeeze3A_307 : i32
        %get3A_309 = arith.constant 96 : index
        %get3A_310 = tpu.vector_load %arg12[%get3A_309] {strides = array<i32>} : memref<112xi32, #tpu.memory_space<vmem>>, vector<16xi32>,
        %ge3A_311 = arith.cmpi sge, %get3A_310, %add3A_270 : vector<16xi32>
        %all_reduce_population_count3A_312 = tpu.all_reduce %ge3A_311 {dim = 0 : i64, kind = #tpu.reduction_kind<sum>} : vector<16xi1> -> vector<16xi32>
        %slice3A_313 = vector.extract_strided_slice %all_reduce_population_count3A_312 {offsets = [0], sizes = [1], strides = [1]} : vector<16xi32> to vector<1xi32>
        %squeeze3A_314 = vector.extract %slice3A_313[0] : i32 from vector<1xi32>
        %add3A_315 = arith.addi %add3A_308, %squeeze3A_314 : i32
        %ge3A_316 = arith.constant 100 : i32
        %ge3A_317 = arith.cmpi sge, %add3A_315, %ge3A_316 : i32
        %select_n3A = arith.select %ge3A_317, %or3A, %scan3A_262 : i32
        scf.yield %select_n3A : i32
      }
      %scan3A_185 = arith.constant 16 : i32
      %xor3A = arith.constant -2147483648 : i32
      %xor3A_186 = arith.xori %scan3A_184, %xor3A : i32
      %broadcast_in_dim3A_187 = arith.constant 0 : i32
      %broadcast_in_dim3A_188 = vector.broadcast %broadcast_in_dim3A_187 : i32 to vector<16xi32>
      %add3A_189 = vector.broadcast %xor3A_186 : i32 to vector<16xi32>
      %add3A_190 = arith.addi %broadcast_in_dim3A_188, %add3A_189 : vector<16xi32>
      %scan3A_191 = arith.constant 0 : i32
      %scan3A_192 = arith.constant 0 : i32
      %scan3A_193 = arith.constant 784 : i32
      %scan3A_194 = arith.addi %scan3A_192, %scan3A_193 : i32
      %scan3A_195 = arith.constant 1 : i32
      %scan3A_196 = scf.for %scan3A_261 = %scan3A_192 to %scan3A_194 step %scan3A_195 iter_args(%scan3A_262 = %scan3A_191) -> (i32)  : i32 {
        %mul3A_263 = arith.constant 16 : i32
        %mul3A_264 = arith.muli %scan3A_261, %mul3A_263 : i32
        %get3A = arith.index_cast %mul3A_264 : i32 to index
        %get3A_265 = tpu.vector_load %arg9[%get3A] {strides = array<i32>} : memref<12560xi32, #tpu.memory_space<vmem>>, vector<16xi32>,
        %ge3A = arith.cmpi sge, %get3A_265, %add3A_190 : vector<16xi32>
        %min3A_266 = arith.constant 1024 : i32
        %min3A_267 = arith.minsi %scan3A_262, %min3A_266 : i32
        %jit3A = arith.constant 1 : i32
        %jit3A_268 = arith.constant 0 : i32
        %broadcast_in_dim3A_269 = vector.broadcast %jit3A : i32 to vector<16xi32>
        %broadcast_in_dim3A_270 = vector.broadcast %jit3A_268 : i32 to vector<16xi32>
        %select_n3A = arith.select %ge3A, %broadcast_in_dim3A_269, %broadcast_in_dim3A_270 : vector<16xi1>, vector<16xi32>
        %broadcast_in_dim3A_271 = arith.constant true
        %broadcast_in_dim3A_272 = vector.broadcast %broadcast_in_dim3A_271 : i1 to vector<16xi1>
        %masked_cumsum3A = tpu.scan <sum>, %select_n3A masked %broadcast_in_dim3A_272 : vector<16xi32>, vector<16xi1> -> vector<16xi32>
        %add3A_273 = vector.broadcast %min3A_267 : i32 to vector<16xi32>
        %add3A_274 = arith.addi %add3A_273, %masked_cumsum3A : vector<16xi32>
        %sub3A = arith.constant 1 : i32
        %sub3A_275 = vector.broadcast %sub3A : i32 to vector<16xi32>
        %sub3A_276 = arith.subi %add3A_274, %sub3A_275 : vector<16xi32>
        %mul3A_277 = arith.constant 16 : i32
        %mul3A_278 = arith.muli %scan3A_261, %mul3A_277 : i32
        %add3A_279 = vector.broadcast %mul3A_278 : i32 to vector<16xi32>
        %add3A_280 = arith.addi %add3A_279, %iota3A : vector<16xi32>
        tpu.vector_store_idx %arg13[%sub3A_276], %add3A_280 masked %ge3A : memref<1040xi32, #tpu.memory_space<vmem>>[vector<16xi32>], vector<16xi32>, vector<16xi1>
        tpu.vector_store_idx %arg14[%sub3A_276], %get3A_265 masked %ge3A : memref<1040xi32, #tpu.memory_space<vmem>>[vector<16xi32>], vector<16xi32>, vector<16xi1>
        %all_reduce_population_count3A = tpu.all_reduce %ge3A {dim = 0 : i64, kind = #tpu.reduction_kind<sum>} : vector<16xi1> -> vector<16xi32>
        %slice3A = vector.extract_strided_slice %all_reduce_population_count3A {offsets = [0], sizes = [1], strides = [1]} : vector<16xi32> to vector<1xi32>
        %squeeze3A = vector.extract %slice3A[0] : i32 from vector<1xi32>
        %add3A_281 = arith.addi %scan3A_262, %squeeze3A : i32
        scf.yield %add3A_281 : i32
      }
      %scan3A_197 = arith.constant 784 : i32
      %min3A = arith.constant 1024 : i32
      %min3A_198 = arith.minsi %scan3A_196, %min3A : i32
      %broadcast_in_dim3A_199 = arith.constant 0 : i32
      %broadcast_in_dim3A_200 = vector.broadcast %broadcast_in_dim3A_199 : i32 to vector<16xi32>
      %add3A_201 = arith.constant 12544 : i32
      %add3A_202 = vector.broadcast %add3A_201 : i32 to vector<16xi32>
      %add3A_203 = arith.addi %broadcast_in_dim3A_200, %add3A_202 : vector<16xi32>
      %swap3A_204 = arith.index_cast %min3A_198 : i32 to index
      %swap3A_205 = tpu.vector_load %arg13[%swap3A_204] {strides = array<i32>} : memref<1040xi32, #tpu.memory_space<vmem>>, vector<16xi32>,
      tpu.vector_store %arg13[%swap3A_204], %add3A_203 {strides = array<i32>} : memref<1040xi32, #tpu.memory_space<vmem>>, vector<16xi32>,
      %swap3A_206 = arith.index_cast %min3A_198 : i32 to index
      %swap3A_207 = tpu.vector_load %arg14[%swap3A_206] {strides = array<i32>} : memref<1040xi32, #tpu.memory_space<vmem>>, vector<16xi32>,
      tpu.vector_store %arg14[%swap3A_206], %broadcast_in_dim3A_96 {strides = array<i32>} : memref<1040xi32, #tpu.memory_space<vmem>>, vector<16xi32>,
      %add3A_208 = arith.constant 15 : i32
      %add3A_209 = arith.addi %min3A_198, %add3A_208 : i32
      %shift_right_arithmetic3A = arith.constant 4 : i32
      %shift_right_arithmetic3A_210 = arith.shrsi %add3A_209, %shift_right_arithmetic3A : i32
      %scan3A_211 = arith.constant 0 : i32
      %scan3A_212 = arith.constant 0 : i32
      %scan3A_213 = arith.constant 32 : i32
      %scan3A_214 = arith.addi %scan3A_212, %scan3A_213 : i32
      %scan3A_215 = arith.constant 1 : i32
      %scan3A_216 = scf.for %scan3A_261 = %scan3A_212 to %scan3A_214 step %scan3A_215 iter_args(%scan3A_262 = %scan3A_211) -> (i32)  : i32 {
        %sub3A = arith.constant 31 : i32
        %sub3A_263 = arith.subi %sub3A, %scan3A_261 : i32
        %shift_left3A = arith.constant 1 : i32
        %shift_left3A_264 = arith.shli %shift_left3A, %sub3A_263 : i32
        %or3A = arith.ori %scan3A_262, %shift_left3A_264 : i32
        %xor3A_265 = arith.constant -2147483648 : i32
        %xor3A_266 = arith.xori %or3A, %xor3A_265 : i32
        %broadcast_in_dim3A_267 = arith.constant 0 : i32
        %broadcast_in_dim3A_268 = vector.broadcast %broadcast_in_dim3A_267 : i32 to vector<16xi32>
        %add3A_269 = vector.broadcast %xor3A_266 : i32 to vector<16xi32>
        %add3A_270 = arith.addi %broadcast_in_dim3A_268, %add3A_269 : vector<16xi32>
        %while3A_271 = arith.constant 0 : i32
        %while3A_272 = arith.constant 0 : i32
        %while3A_273 = arith.subi %shift_right_arithmetic3A_210, %while3A_271 : i32
        %while3A_274 = arith.addi %while3A_271, %while3A_273 : i32
        %while3A_275 = arith.constant 1 : i32
        %while3A_276 = arith.divsi %while3A_273, %while3A_275 : i32
        %while3A_277 = arith.muli %while3A_276, %while3A_275 : i32
        %while3A_278 = arith.addi %while3A_271, %while3A_277 : i32
        %while3A_279 = arith.constant 1 : i32
        %while3A_280 = scf.for %while3A_284 = %while3A_271 to %while3A_278 step %while3A_279 iter_args(%while3A_285 = %while3A_272) -> (i32)  : i32 {
          %mul3A_286 = arith.constant 16 : i32
          %mul3A_287 = arith.muli %while3A_284, %mul3A_286 : i32
          %get3A = arith.index_cast %mul3A_287 : i32 to index
          %get3A_288 = tpu.vector_load %arg14[%get3A] {strides = array<i32>} : memref<1040xi32, #tpu.memory_space<vmem>>, vector<16xi32>,
          %ge3A_289 = arith.cmpi sge, %get3A_288, %add3A_270 : vector<16xi32>
          %all_reduce_population_count3A = tpu.all_reduce %ge3A_289 {dim = 0 : i64, kind = #tpu.reduction_kind<sum>} : vector<16xi1> -> vector<16xi32>
          %slice3A = vector.extract_strided_slice %all_reduce_population_count3A {offsets = [0], sizes = [1], strides = [1]} : vector<16xi32> to vector<1xi32>
          %squeeze3A = vector.extract %slice3A[0] : i32 from vector<1xi32>
          %add3A_290 = arith.addi %while3A_285, %squeeze3A : i32
          scf.yield %add3A_290 : i32
        }
        %while3A_281 = arith.constant 1 : i32
        %while3A_282 = scf.for %while3A_284 = %while3A_278 to %while3A_274 step %while3A_281 iter_args(%while3A_285 = %while3A_280) -> (i32)  : i32 {
          %mul3A_286 = arith.constant 16 : i32
          %mul3A_287 = arith.muli %while3A_284, %mul3A_286 : i32
          %get3A = arith.index_cast %mul3A_287 : i32 to index
          %get3A_288 = tpu.vector_load %arg14[%get3A] {strides = array<i32>} : memref<1040xi32, #tpu.memory_space<vmem>>, vector<16xi32>,
          %ge3A_289 = arith.cmpi sge, %get3A_288, %add3A_270 : vector<16xi32>
          %all_reduce_population_count3A = tpu.all_reduce %ge3A_289 {dim = 0 : i64, kind = #tpu.reduction_kind<sum>} : vector<16xi1> -> vector<16xi32>
          %slice3A = vector.extract_strided_slice %all_reduce_population_count3A {offsets = [0], sizes = [1], strides = [1]} : vector<16xi32> to vector<1xi32>
          %squeeze3A = vector.extract %slice3A[0] : i32 from vector<1xi32>
          %add3A_290 = arith.addi %while3A_285, %squeeze3A : i32
          scf.yield %add3A_290 : i32
        }
        %ge3A = arith.constant 100 : i32
        %ge3A_283 = arith.cmpi sge, %while3A_282, %ge3A : i32
        %select_n3A = arith.select %ge3A_283, %or3A, %scan3A_262 : i32
        scf.yield %select_n3A : i32
      }
      %scan3A_217 = arith.constant 32 : i32
      %xor3A_218 = arith.constant -2147483648 : i32
      %xor3A_219 = arith.xori %scan3A_216, %xor3A_218 : i32
      %broadcast_in_dim3A_220 = arith.constant 0 : i32
      %broadcast_in_dim3A_221 = vector.broadcast %broadcast_in_dim3A_220 : i32 to vector<16xi32>
      %add3A_222 = vector.broadcast %xor3A_219 : i32 to vector<16xi32>
      %add3A_223 = arith.addi %broadcast_in_dim3A_221, %add3A_222 : vector<16xi32>
      %while3A = arith.constant 0 : i32
      %while3A_224 = arith.constant 0 : i32
      %while3A_225 = arith.subi %shift_right_arithmetic3A_210, %while3A : i32
      %while3A_226 = arith.addi %while3A, %while3A_225 : i32
      %while3A_227 = arith.constant 1 : i32
      %while3A_228 = arith.divsi %while3A_225, %while3A_227 : i32
      %while3A_229 = arith.muli %while3A_228, %while3A_227 : i32
      %while3A_230 = arith.addi %while3A, %while3A_229 : i32
      %while3A_231 = arith.constant 1 : i32
      %while3A_232 = scf.for %while3A_261 = %while3A to %while3A_230 step %while3A_231 iter_args(%while3A_262 = %while3A_224) -> (i32)  : i32 {
        %mul3A_263 = arith.constant 16 : i32
        %mul3A_264 = arith.muli %while3A_261, %mul3A_263 : i32
        %get3A = arith.index_cast %mul3A_264 : i32 to index
        %get3A_265 = tpu.vector_load %arg14[%get3A] {strides = array<i32>} : memref<1040xi32, #tpu.memory_space<vmem>>, vector<16xi32>,
        %mul3A_266 = arith.constant 16 : i32
        %mul3A_267 = arith.muli %while3A_261, %mul3A_266 : i32
        %get3A_268 = arith.index_cast %mul3A_267 : i32 to index
        %get3A_269 = tpu.vector_load %arg13[%get3A_268] {strides = array<i32>} : memref<1040xi32, #tpu.memory_space<vmem>>, vector<16xi32>,
        %ge3A = arith.cmpi sge, %get3A_265, %add3A_223 : vector<16xi32>
        %min3A_270 = arith.constant 128 : i32
        %min3A_271 = arith.minsi %while3A_262, %min3A_270 : i32
        %jit3A = arith.constant 1 : i32
        %jit3A_272 = arith.constant 0 : i32
        %broadcast_in_dim3A_273 = vector.broadcast %jit3A : i32 to vector<16xi32>
        %broadcast_in_dim3A_274 = vector.broadcast %jit3A_272 : i32 to vector<16xi32>
        %select_n3A = arith.select %ge3A, %broadcast_in_dim3A_273, %broadcast_in_dim3A_274 : vector<16xi1>, vector<16xi32>
        %broadcast_in_dim3A_275 = arith.constant true
        %broadcast_in_dim3A_276 = vector.broadcast %broadcast_in_dim3A_275 : i1 to vector<16xi1>
        %masked_cumsum3A = tpu.scan <sum>, %select_n3A masked %broadcast_in_dim3A_276 : vector<16xi32>, vector<16xi1> -> vector<16xi32>
        %add3A_277 = vector.broadcast %min3A_271 : i32 to vector<16xi32>
        %add3A_278 = arith.addi %add3A_277, %masked_cumsum3A : vector<16xi32>
        %sub3A = arith.constant 1 : i32
        %sub3A_279 = vector.broadcast %sub3A : i32 to vector<16xi32>
        %sub3A_280 = arith.subi %add3A_278, %sub3A_279 : vector<16xi32>
        tpu.vector_store_idx %arg15[%sub3A_280], %get3A_269 masked %ge3A : memref<144xi32, #tpu.memory_space<vmem>>[vector<16xi32>], vector<16xi32>, vector<16xi1>
        %all_reduce_population_count3A = tpu.all_reduce %ge3A {dim = 0 : i64, kind = #tpu.reduction_kind<sum>} : vector<16xi1> -> vector<16xi32>
        %slice3A = vector.extract_strided_slice %all_reduce_population_count3A {offsets = [0], sizes = [1], strides = [1]} : vector<16xi32> to vector<1xi32>
        %squeeze3A = vector.extract %slice3A[0] : i32 from vector<1xi32>
        %add3A_281 = arith.addi %while3A_262, %squeeze3A : i32
        scf.yield %add3A_281 : i32
      }
      %while3A_233 = arith.constant 1 : i32
      %while3A_234 = scf.for %while3A_261 = %while3A_230 to %while3A_226 step %while3A_233 iter_args(%while3A_262 = %while3A_232) -> (i32)  : i32 {
        %mul3A_263 = arith.constant 16 : i32
        %mul3A_264 = arith.muli %while3A_261, %mul3A_263 : i32
        %get3A = arith.index_cast %mul3A_264 : i32 to index
        %get3A_265 = tpu.vector_load %arg14[%get3A] {strides = array<i32>} : memref<1040xi32, #tpu.memory_space<vmem>>, vector<16xi32>,
        %mul3A_266 = arith.constant 16 : i32
        %mul3A_267 = arith.muli %while3A_261, %mul3A_266 : i32
        %get3A_268 = arith.index_cast %mul3A_267 : i32 to index
        %get3A_269 = tpu.vector_load %arg13[%get3A_268] {strides = array<i32>} : memref<1040xi32, #tpu.memory_space<vmem>>, vector<16xi32>,
        %ge3A = arith.cmpi sge, %get3A_265, %add3A_223 : vector<16xi32>
        %min3A_270 = arith.constant 128 : i32
        %min3A_271 = arith.minsi %while3A_262, %min3A_270 : i32
        %jit3A = arith.constant 1 : i32
        %jit3A_272 = arith.constant 0 : i32
        %broadcast_in_dim3A_273 = vector.broadcast %jit3A : i32 to vector<16xi32>
        %broadcast_in_dim3A_274 = vector.broadcast %jit3A_272 : i32 to vector<16xi32>
        %select_n3A = arith.select %ge3A, %broadcast_in_dim3A_273, %broadcast_in_dim3A_274 : vector<16xi1>, vector<16xi32>
        %broadcast_in_dim3A_275 = arith.constant true
        %broadcast_in_dim3A_276 = vector.broadcast %broadcast_in_dim3A_275 : i1 to vector<16xi1>
        %masked_cumsum3A = tpu.scan <sum>, %select_n3A masked %broadcast_in_dim3A_276 : vector<16xi32>, vector<16xi1> -> vector<16xi32>
        %add3A_277 = vector.broadcast %min3A_271 : i32 to vector<16xi32>
        %add3A_278 = arith.addi %add3A_277, %masked_cumsum3A : vector<16xi32>
        %sub3A = arith.constant 1 : i32
        %sub3A_279 = vector.broadcast %sub3A : i32 to vector<16xi32>
        %sub3A_280 = arith.subi %add3A_278, %sub3A_279 : vector<16xi32>
        tpu.vector_store_idx %arg15[%sub3A_280], %get3A_269 masked %ge3A : memref<144xi32, #tpu.memory_space<vmem>>[vector<16xi32>], vector<16xi32>, vector<16xi1>
        %all_reduce_population_count3A = tpu.all_reduce %ge3A {dim = 0 : i64, kind = #tpu.reduction_kind<sum>} : vector<16xi1> -> vector<16xi32>
        %slice3A = vector.extract_strided_slice %all_reduce_population_count3A {offsets = [0], sizes = [1], strides = [1]} : vector<16xi32> to vector<1xi32>
        %squeeze3A = vector.extract %slice3A[0] : i32 from vector<1xi32>
        %add3A_281 = arith.addi %while3A_262, %squeeze3A : i32
        scf.yield %add3A_281 : i32
      }
      %min3A_235 = arith.constant 128 : i32
      %min3A_236 = arith.minsi %while3A_234, %min3A_235 : i32
      %broadcast_in_dim3A_237 = arith.constant 0 : i32
      %broadcast_in_dim3A_238 = vector.broadcast %broadcast_in_dim3A_237 : i32 to vector<16xi32>
      %add3A_239 = arith.constant 12544 : i32
      %add3A_240 = vector.broadcast %add3A_239 : i32 to vector<16xi32>
      %add3A_241 = arith.addi %broadcast_in_dim3A_238, %add3A_240 : vector<16xi32>
      %swap3A_242 = arith.index_cast %min3A_236 : i32 to index
      %swap3A_243 = tpu.vector_load %arg15[%swap3A_242] {strides = array<i32>} : memref<144xi32, #tpu.memory_space<vmem>>, vector<16xi32>,
      tpu.vector_store %arg15[%swap3A_242], %add3A_241 {strides = array<i32>} : memref<144xi32, #tpu.memory_space<vmem>>, vector<16xi32>,
      %add3A_244 = arith.constant 15 : i32
      %add3A_245 = arith.addi %min3A_236, %add3A_244 : i32
      %shift_right_arithmetic3A_246 = arith.constant 4 : i32
      %shift_right_arithmetic3A_247 = arith.shrsi %add3A_245, %shift_right_arithmetic3A_246 : i32
      %while3A_248 = arith.constant 0 : i32
      %while3A_249 = arith.constant 0 : i32
      %while3A_250 = arith.subi %shift_right_arithmetic3A_247, %while3A_248 : i32
      %while3A_251 = arith.addi %while3A_248, %while3A_250 : i32
      %while3A_252 = arith.constant 1 : i32
      %while3A_253 = arith.divsi %while3A_250, %while3A_252 : i32
      %while3A_254 = arith.muli %while3A_253, %while3A_252 : i32
      %while3A_255 = arith.addi %while3A_248, %while3A_254 : i32
      %while3A_256 = arith.constant 1 : i32
      %while3A_257 = scf.for %while3A_261 = %while3A_248 to %while3A_255 step %while3A_256 iter_args(%while3A_262 = %while3A_249) -> (i32)  : i32 {
        %mul3A_263 = arith.constant 16 : i32
        %mul3A_264 = arith.muli %while3A_261, %mul3A_263 : i32
        %get3A = arith.index_cast %mul3A_264 : i32 to index
        %get3A_265 = tpu.vector_load %arg15[%get3A] {strides = array<i32>} : memref<144xi32, #tpu.memory_space<vmem>>, vector<16xi32>,
        %gather3A = tpu.vector_load_idx %arg9[%get3A_265] : memref<12560xi32, #tpu.memory_space<vmem>>[vector<16xi32>], vector<16xi32>,
        %mul3A_266 = arith.constant 16 : i32
        %mul3A_267 = arith.muli %while3A_261, %mul3A_266 : i32
        %add3A_268 = vector.broadcast %mul3A_267 : i32 to vector<16xi32>
        %add3A_269 = arith.addi %add3A_268, %iota3A : vector<16xi32>
        %broadcast_in_dim3A_270 = arith.constant 0 : i32
        %broadcast_in_dim3A_271 = vector.broadcast %broadcast_in_dim3A_270 : i32 to vector<16xi32>
        %while3A_272 = arith.constant 0 : i32
        %while3A_273 = arith.subi %shift_right_arithmetic3A_247, %while3A_272 : i32
        %while3A_274 = arith.addi %while3A_272, %while3A_273 : i32
        %while3A_275 = arith.constant 1 : i32
        %while3A_276 = arith.divsi %while3A_273, %while3A_275 : i32
        %while3A_277 = arith.muli %while3A_276, %while3A_275 : i32
        %while3A_278 = arith.addi %while3A_272, %while3A_277 : i32
        %while3A_279 = arith.constant 1 : i32
        %while3A_280 = scf.for %while3A_303 = %while3A_272 to %while3A_278 step %while3A_279 iter_args(%while3A_304 = %broadcast_in_dim3A_271) -> (vector<16xi32>)  : i32 {
          %mul3A_305 = arith.constant 16 : i32
          %mul3A_306 = arith.muli %while3A_303, %mul3A_305 : i32
          %get3A_307 = arith.index_cast %mul3A_306 : i32 to index
          %get3A_308 = tpu.vector_load %arg15[%get3A_307] {strides = array<i32>} : memref<144xi32, #tpu.memory_space<vmem>>, vector<16xi32>,
          %gather3A_309 = tpu.vector_load_idx %arg9[%get3A_308] : memref<12560xi32, #tpu.memory_space<vmem>>[vector<16xi32>], vector<16xi32>,
          %broadcast_in_dim3A_310 = vector.shape_cast %and3A_5 : vector<16xi32> to vector<16x1xi32>
          %gather3A_311 = vector.shape_cast %broadcast_in_dim3A_310 : vector<16x1xi32> to vector<16xi32>
          %gather3A_312 = tpu.dynamic_gather %gather3A_309[%gather3A_311] in [0] : vector<16xi32>, vector<16xi32> -> vector<16xi32>
          %mul3A_313 = arith.constant 16 : i32
          %mul3A_314 = arith.muli %while3A_303, %mul3A_313 : i32
          %add3A_315 = vector.broadcast %mul3A_314 : i32 to vector<16xi32>
          %add3A_316 = arith.addi %add3A_315, %and3A_5 : vector<16xi32>
          %gt3A = arith.cmpi sgt, %gather3A_312, %gather3A : vector<16xi32>
          %eq3A = arith.cmpi eq, %gather3A_312, %gather3A : vector<16xi32>
          %lt3A_317 = arith.cmpi slt, %add3A_316, %add3A_269 : vector<16xi32>
          %and3A_318 = arith.andi %eq3A, %lt3A_317 : vector<16xi1>
          %or3A = arith.ori %gt3A, %and3A_318 : vector<16xi1>
          %jit3A = arith.constant 1 : i32
          %jit3A_319 = arith.constant 0 : i32
          %broadcast_in_dim3A_320 = vector.broadcast %jit3A : i32 to vector<16xi32>
          %broadcast_in_dim3A_321 = vector.broadcast %jit3A_319 : i32 to vector<16xi32>
          %select_n3A_322 = arith.select %or3A, %broadcast_in_dim3A_320, %broadcast_in_dim3A_321 : vector<16xi1>, vector<16xi32>
          %add3A_323 = arith.addi %while3A_304, %select_n3A_322 : vector<16xi32>
          %broadcast_in_dim3A_324 = vector.shape_cast %and3A_11 : vector<16xi32> to vector<16x1xi32>
          %gather3A_325 = vector.shape_cast %broadcast_in_dim3A_324 : vector<16x1xi32> to vector<16xi32>
          %gather3A_326 = tpu.dynamic_gather %gather3A_309[%gather3A_325] in [0] : vector<16xi32>, vector<16xi32> -> vector<16xi32>
          %mul3A_327 = arith.constant 16 : i32
          %mul3A_328 = arith.muli %while3A_303, %mul3A_327 : i32
          %add3A_329 = vector.broadcast %mul3A_328 : i32 to vector<16xi32>
          %add3A_330 = arith.addi %add3A_329, %and3A_11 : vector<16xi32>
          %gt3A_331 = arith.cmpi sgt, %gather3A_326, %gather3A : vector<16xi32>
          %eq3A_332 = arith.cmpi eq, %gather3A_326, %gather3A : vector<16xi32>
          %lt3A_333 = arith.cmpi slt, %add3A_330, %add3A_269 : vector<16xi32>
          %and3A_334 = arith.andi %eq3A_332, %lt3A_333 : vector<16xi1>
          %or3A_335 = arith.ori %gt3A_331, %and3A_334 : vector<16xi1>
          %jit3A_336 = arith.constant 1 : i32
          %jit3A_337 = arith.constant 0 : i32
          %broadcast_in_dim3A_338 = vector.broadcast %jit3A_336 : i32 to vector<16xi32>
          %broadcast_in_dim3A_339 = vector.broadcast %jit3A_337 : i32 to vector<16xi32>
          %select_n3A_340 = arith.select %or3A_335, %broadcast_in_dim3A_338, %broadcast_in_dim3A_339 : vector<16xi1>, vector<16xi32>
          %add3A_341 = arith.addi %add3A_323, %select_n3A_340 : vector<16xi32>
          %broadcast_in_dim3A_342 = vector.shape_cast %and3A_17 : vector<16xi32> to vector<16x1xi32>
          %gather3A_343 = vector.shape_cast %broadcast_in_dim3A_342 : vector<16x1xi32> to vector<16xi32>
          %gather3A_344 = tpu.dynamic_gather %gather3A_309[%gather3A_343] in [0] : vector<16xi32>, vector<16xi32> -> vector<16xi32>
          %mul3A_345 = arith.constant 16 : i32
          %mul3A_346 = arith.muli %while3A_303, %mul3A_345 : i32
          %add3A_347 = vector.broadcast %mul3A_346 : i32 to vector<16xi32>
          %add3A_348 = arith.addi %add3A_347, %and3A_17 : vector<16xi32>
          %gt3A_349 = arith.cmpi sgt, %gather3A_344, %gather3A : vector<16xi32>
          %eq3A_350 = arith.cmpi eq, %gather3A_344, %gather3A : vector<16xi32>
          %lt3A_351 = arith.cmpi slt, %add3A_348, %add3A_269 : vector<16xi32>
          %and3A_352 = arith.andi %eq3A_350, %lt3A_351 : vector<16xi1>
          %or3A_353 = arith.ori %gt3A_349, %and3A_352 : vector<16xi1>
          %jit3A_354 = arith.constant 1 : i32
          %jit3A_355 = arith.constant 0 : i32
          %broadcast_in_dim3A_356 = vector.broadcast %jit3A_354 : i32 to vector<16xi32>
          %broadcast_in_dim3A_357 = vector.broadcast %jit3A_355 : i32 to vector<16xi32>
          %select_n3A_358 = arith.select %or3A_353, %broadcast_in_dim3A_356, %broadcast_in_dim3A_357 : vector<16xi1>, vector<16xi32>
          %add3A_359 = arith.addi %add3A_341, %select_n3A_358 : vector<16xi32>
          %broadcast_in_dim3A_360 = vector.shape_cast %and3A_23 : vector<16xi32> to vector<16x1xi32>
          %gather3A_361 = vector.shape_cast %broadcast_in_dim3A_360 : vector<16x1xi32> to vector<16xi32>
          %gather3A_362 = tpu.dynamic_gather %gather3A_309[%gather3A_361] in [0] : vector<16xi32>, vector<16xi32> -> vector<16xi32>
          %mul3A_363 = arith.constant 16 : i32
          %mul3A_364 = arith.muli %while3A_303, %mul3A_363 : i32
          %add3A_365 = vector.broadcast %mul3A_364 : i32 to vector<16xi32>
          %add3A_366 = arith.addi %add3A_365, %and3A_23 : vector<16xi32>
          %gt3A_367 = arith.cmpi sgt, %gather3A_362, %gather3A : vector<16xi32>
          %eq3A_368 = arith.cmpi eq, %gather3A_362, %gather3A : vector<16xi32>
          %lt3A_369 = arith.cmpi slt, %add3A_366, %add3A_269 : vector<16xi32>
          %and3A_370 = arith.andi %eq3A_368, %lt3A_369 : vector<16xi1>
          %or3A_371 = arith.ori %gt3A_367, %and3A_370 : vector<16xi1>
          %jit3A_372 = arith.constant 1 : i32
          %jit3A_373 = arith.constant 0 : i32
          %broadcast_in_dim3A_374 = vector.broadcast %jit3A_372 : i32 to vector<16xi32>
          %broadcast_in_dim3A_375 = vector.broadcast %jit3A_373 : i32 to vector<16xi32>
          %select_n3A_376 = arith.select %or3A_371, %broadcast_in_dim3A_374, %broadcast_in_dim3A_375 : vector<16xi1>, vector<16xi32>
          %add3A_377 = arith.addi %add3A_359, %select_n3A_376 : vector<16xi32>
          %broadcast_in_dim3A_378 = vector.shape_cast %and3A_29 : vector<16xi32> to vector<16x1xi32>
          %gather3A_379 = vector.shape_cast %broadcast_in_dim3A_378 : vector<16x1xi32> to vector<16xi32>
          %gather3A_380 = tpu.dynamic_gather %gather3A_309[%gather3A_379] in [0] : vector<16xi32>, vector<16xi32> -> vector<16xi32>
          %mul3A_381 = arith.constant 16 : i32
          %mul3A_382 = arith.muli %while3A_303, %mul3A_381 : i32
          %add3A_383 = vector.broadcast %mul3A_382 : i32 to vector<16xi32>
          %add3A_384 = arith.addi %add3A_383, %and3A_29 : vector<16xi32>
          %gt3A_385 = arith.cmpi sgt, %gather3A_380, %gather3A : vector<16xi32>
          %eq3A_386 = arith.cmpi eq, %gather3A_380, %gather3A : vector<16xi32>
          %lt3A_387 = arith.cmpi slt, %add3A_384, %add3A_269 : vector<16xi32>
          %and3A_388 = arith.andi %eq3A_386, %lt3A_387 : vector<16xi1>
          %or3A_389 = arith.ori %gt3A_385, %and3A_388 : vector<16xi1>
          %jit3A_390 = arith.constant 1 : i32
          %jit3A_391 = arith.constant 0 : i32
          %broadcast_in_dim3A_392 = vector.broadcast %jit3A_390 : i32 to vector<16xi32>
          %broadcast_in_dim3A_393 = vector.broadcast %jit3A_391 : i32 to vector<16xi32>
          %select_n3A_394 = arith.select %or3A_389, %broadcast_in_dim3A_392, %broadcast_in_dim3A_393 : vector<16xi1>, vector<16xi32>
          %add3A_395 = arith.addi %add3A_377, %select_n3A_394 : vector<16xi32>
          %broadcast_in_dim3A_396 = vector.shape_cast %and3A_35 : vector<16xi32> to vector<16x1xi32>
          %gather3A_397 = vector.shape_cast %broadcast_in_dim3A_396 : vector<16x1xi32> to vector<16xi32>
          %gather3A_398 = tpu.dynamic_gather %gather3A_309[%gather3A_397] in [0] : vector<16xi32>, vector<16xi32> -> vector<16xi32>
          %mul3A_399 = arith.constant 16 : i32
          %mul3A_400 = arith.muli %while3A_303, %mul3A_399 : i32
          %add3A_401 = vector.broadcast %mul3A_400 : i32 to vector<16xi32>
          %add3A_402 = arith.addi %add3A_401, %and3A_35 : vector<16xi32>
          %gt3A_403 = arith.cmpi sgt, %gather3A_398, %gather3A : vector<16xi32>
          %eq3A_404 = arith.cmpi eq, %gather3A_398, %gather3A : vector<16xi32>
          %lt3A_405 = arith.cmpi slt, %add3A_402, %add3A_269 : vector<16xi32>
          %and3A_406 = arith.andi %eq3A_404, %lt3A_405 : vector<16xi1>
          %or3A_407 = arith.ori %gt3A_403, %and3A_406 : vector<16xi1>
          %jit3A_408 = arith.constant 1 : i32
          %jit3A_409 = arith.constant 0 : i32
          %broadcast_in_dim3A_410 = vector.broadcast %jit3A_408 : i32 to vector<16xi32>
          %broadcast_in_dim3A_411 = vector.broadcast %jit3A_409 : i32 to vector<16xi32>
          %select_n3A_412 = arith.select %or3A_407, %broadcast_in_dim3A_410, %broadcast_in_dim3A_411 : vector<16xi1>, vector<16xi32>
          %add3A_413 = arith.addi %add3A_395, %select_n3A_412 : vector<16xi32>
          %broadcast_in_dim3A_414 = vector.shape_cast %and3A_41 : vector<16xi32> to vector<16x1xi32>
          %gather3A_415 = vector.shape_cast %broadcast_in_dim3A_414 : vector<16x1xi32> to vector<16xi32>
          %gather3A_416 = tpu.dynamic_gather %gather3A_309[%gather3A_415] in [0] : vector<16xi32>, vector<16xi32> -> vector<16xi32>
          %mul3A_417 = arith.constant 16 : i32
          %mul3A_418 = arith.muli %while3A_303, %mul3A_417 : i32
          %add3A_419 = vector.broadcast %mul3A_418 : i32 to vector<16xi32>
          %add3A_420 = arith.addi %add3A_419, %and3A_41 : vector<16xi32>
          %gt3A_421 = arith.cmpi sgt, %gather3A_416, %gather3A : vector<16xi32>
          %eq3A_422 = arith.cmpi eq, %gather3A_416, %gather3A : vector<16xi32>
          %lt3A_423 = arith.cmpi slt, %add3A_420, %add3A_269 : vector<16xi32>
          %and3A_424 = arith.andi %eq3A_422, %lt3A_423 : vector<16xi1>
          %or3A_425 = arith.ori %gt3A_421, %and3A_424 : vector<16xi1>
          %jit3A_426 = arith.constant 1 : i32
          %jit3A_427 = arith.constant 0 : i32
          %broadcast_in_dim3A_428 = vector.broadcast %jit3A_426 : i32 to vector<16xi32>
          %broadcast_in_dim3A_429 = vector.broadcast %jit3A_427 : i32 to vector<16xi32>
          %select_n3A_430 = arith.select %or3A_425, %broadcast_in_dim3A_428, %broadcast_in_dim3A_429 : vector<16xi1>, vector<16xi32>
          %add3A_431 = arith.addi %add3A_413, %select_n3A_430 : vector<16xi32>
          %broadcast_in_dim3A_432 = vector.shape_cast %and3A_47 : vector<16xi32> to vector<16x1xi32>
          %gather3A_433 = vector.shape_cast %broadcast_in_dim3A_432 : vector<16x1xi32> to vector<16xi32>
          %gather3A_434 = tpu.dynamic_gather %gather3A_309[%gather3A_433] in [0] : vector<16xi32>, vector<16xi32> -> vector<16xi32>
          %mul3A_435 = arith.constant 16 : i32
          %mul3A_436 = arith.muli %while3A_303, %mul3A_435 : i32
          %add3A_437 = vector.broadcast %mul3A_436 : i32 to vector<16xi32>
          %add3A_438 = arith.addi %add3A_437, %and3A_47 : vector<16xi32>
          %gt3A_439 = arith.cmpi sgt, %gather3A_434, %gather3A : vector<16xi32>
          %eq3A_440 = arith.cmpi eq, %gather3A_434, %gather3A : vector<16xi32>
          %lt3A_441 = arith.cmpi slt, %add3A_438, %add3A_269 : vector<16xi32>
          %and3A_442 = arith.andi %eq3A_440, %lt3A_441 : vector<16xi1>
          %or3A_443 = arith.ori %gt3A_439, %and3A_442 : vector<16xi1>
          %jit3A_444 = arith.constant 1 : i32
          %jit3A_445 = arith.constant 0 : i32
          %broadcast_in_dim3A_446 = vector.broadcast %jit3A_444 : i32 to vector<16xi32>
          %broadcast_in_dim3A_447 = vector.broadcast %jit3A_445 : i32 to vector<16xi32>
          %select_n3A_448 = arith.select %or3A_443, %broadcast_in_dim3A_446, %broadcast_in_dim3A_447 : vector<16xi1>, vector<16xi32>
          %add3A_449 = arith.addi %add3A_431, %select_n3A_448 : vector<16xi32>
          %broadcast_in_dim3A_450 = vector.shape_cast %and3A_53 : vector<16xi32> to vector<16x1xi32>
          %gather3A_451 = vector.shape_cast %broadcast_in_dim3A_450 : vector<16x1xi32> to vector<16xi32>
          %gather3A_452 = tpu.dynamic_gather %gather3A_309[%gather3A_451] in [0] : vector<16xi32>, vector<16xi32> -> vector<16xi32>
          %mul3A_453 = arith.constant 16 : i32
          %mul3A_454 = arith.muli %while3A_303, %mul3A_453 : i32
          %add3A_455 = vector.broadcast %mul3A_454 : i32 to vector<16xi32>
          %add3A_456 = arith.addi %add3A_455, %and3A_53 : vector<16xi32>
          %gt3A_457 = arith.cmpi sgt, %gather3A_452, %gather3A : vector<16xi32>
          %eq3A_458 = arith.cmpi eq, %gather3A_452, %gather3A : vector<16xi32>
          %lt3A_459 = arith.cmpi slt, %add3A_456, %add3A_269 : vector<16xi32>
          %and3A_460 = arith.andi %eq3A_458, %lt3A_459 : vector<16xi1>
          %or3A_461 = arith.ori %gt3A_457, %and3A_460 : vector<16xi1>
          %jit3A_462 = arith.constant 1 : i32
          %jit3A_463 = arith.constant 0 : i32
          %broadcast_in_dim3A_464 = vector.broadcast %jit3A_462 : i32 to vector<16xi32>
          %broadcast_in_dim3A_465 = vector.broadcast %jit3A_463 : i32 to vector<16xi32>
          %select_n3A_466 = arith.select %or3A_461, %broadcast_in_dim3A_464, %broadcast_in_dim3A_465 : vector<16xi1>, vector<16xi32>
          %add3A_467 = arith.addi %add3A_449, %select_n3A_466 : vector<16xi32>
          %broadcast_in_dim3A_468 = vector.shape_cast %and3A_59 : vector<16xi32> to vector<16x1xi32>
          %gather3A_469 = vector.shape_cast %broadcast_in_dim3A_468 : vector<16x1xi32> to vector<16xi32>
          %gather3A_470 = tpu.dynamic_gather %gather3A_309[%gather3A_469] in [0] : vector<16xi32>, vector<16xi32> -> vector<16xi32>
          %mul3A_471 = arith.constant 16 : i32
          %mul3A_472 = arith.muli %while3A_303, %mul3A_471 : i32
          %add3A_473 = vector.broadcast %mul3A_472 : i32 to vector<16xi32>
          %add3A_474 = arith.addi %add3A_473, %and3A_59 : vector<16xi32>
          %gt3A_475 = arith.cmpi sgt, %gather3A_470, %gather3A : vector<16xi32>
          %eq3A_476 = arith.cmpi eq, %gather3A_470, %gather3A : vector<16xi32>
          %lt3A_477 = arith.cmpi slt, %add3A_474, %add3A_269 : vector<16xi32>
          %and3A_478 = arith.andi %eq3A_476, %lt3A_477 : vector<16xi1>
          %or3A_479 = arith.ori %gt3A_475, %and3A_478 : vector<16xi1>
          %jit3A_480 = arith.constant 1 : i32
          %jit3A_481 = arith.constant 0 : i32
          %broadcast_in_dim3A_482 = vector.broadcast %jit3A_480 : i32 to vector<16xi32>
          %broadcast_in_dim3A_483 = vector.broadcast %jit3A_481 : i32 to vector<16xi32>
          %select_n3A_484 = arith.select %or3A_479, %broadcast_in_dim3A_482, %broadcast_in_dim3A_483 : vector<16xi1>, vector<16xi32>
          %add3A_485 = arith.addi %add3A_467, %select_n3A_484 : vector<16xi32>
          %broadcast_in_dim3A_486 = vector.shape_cast %and3A_65 : vector<16xi32> to vector<16x1xi32>
          %gather3A_487 = vector.shape_cast %broadcast_in_dim3A_486 : vector<16x1xi32> to vector<16xi32>
          %gather3A_488 = tpu.dynamic_gather %gather3A_309[%gather3A_487] in [0] : vector<16xi32>, vector<16xi32> -> vector<16xi32>
          %mul3A_489 = arith.constant 16 : i32
          %mul3A_490 = arith.muli %while3A_303, %mul3A_489 : i32
          %add3A_491 = vector.broadcast %mul3A_490 : i32 to vector<16xi32>
          %add3A_492 = arith.addi %add3A_491, %and3A_65 : vector<16xi32>
          %gt3A_493 = arith.cmpi sgt, %gather3A_488, %gather3A : vector<16xi32>
          %eq3A_494 = arith.cmpi eq, %gather3A_488, %gather3A : vector<16xi32>
          %lt3A_495 = arith.cmpi slt, %add3A_492, %add3A_269 : vector<16xi32>
          %and3A_496 = arith.andi %eq3A_494, %lt3A_495 : vector<16xi1>
          %or3A_497 = arith.ori %gt3A_493, %and3A_496 : vector<16xi1>
          %jit3A_498 = arith.constant 1 : i32
          %jit3A_499 = arith.constant 0 : i32
          %broadcast_in_dim3A_500 = vector.broadcast %jit3A_498 : i32 to vector<16xi32>
          %broadcast_in_dim3A_501 = vector.broadcast %jit3A_499 : i32 to vector<16xi32>
          %select_n3A_502 = arith.select %or3A_497, %broadcast_in_dim3A_500, %broadcast_in_dim3A_501 : vector<16xi1>, vector<16xi32>
          %add3A_503 = arith.addi %add3A_485, %select_n3A_502 : vector<16xi32>
          %broadcast_in_dim3A_504 = vector.shape_cast %and3A_71 : vector<16xi32> to vector<16x1xi32>
          %gather3A_505 = vector.shape_cast %broadcast_in_dim3A_504 : vector<16x1xi32> to vector<16xi32>
          %gather3A_506 = tpu.dynamic_gather %gather3A_309[%gather3A_505] in [0] : vector<16xi32>, vector<16xi32> -> vector<16xi32>
          %mul3A_507 = arith.constant 16 : i32
          %mul3A_508 = arith.muli %while3A_303, %mul3A_507 : i32
          %add3A_509 = vector.broadcast %mul3A_508 : i32 to vector<16xi32>
          %add3A_510 = arith.addi %add3A_509, %and3A_71 : vector<16xi32>
          %gt3A_511 = arith.cmpi sgt, %gather3A_506, %gather3A : vector<16xi32>
          %eq3A_512 = arith.cmpi eq, %gather3A_506, %gather3A : vector<16xi32>
          %lt3A_513 = arith.cmpi slt, %add3A_510, %add3A_269 : vector<16xi32>
          %and3A_514 = arith.andi %eq3A_512, %lt3A_513 : vector<16xi1>
          %or3A_515 = arith.ori %gt3A_511, %and3A_514 : vector<16xi1>
          %jit3A_516 = arith.constant 1 : i32
          %jit3A_517 = arith.constant 0 : i32
          %broadcast_in_dim3A_518 = vector.broadcast %jit3A_516 : i32 to vector<16xi32>
          %broadcast_in_dim3A_519 = vector.broadcast %jit3A_517 : i32 to vector<16xi32>
          %select_n3A_520 = arith.select %or3A_515, %broadcast_in_dim3A_518, %broadcast_in_dim3A_519 : vector<16xi1>, vector<16xi32>
          %add3A_521 = arith.addi %add3A_503, %select_n3A_520 : vector<16xi32>
          %broadcast_in_dim3A_522 = vector.shape_cast %and3A_77 : vector<16xi32> to vector<16x1xi32>
          %gather3A_523 = vector.shape_cast %broadcast_in_dim3A_522 : vector<16x1xi32> to vector<16xi32>
          %gather3A_524 = tpu.dynamic_gather %gather3A_309[%gather3A_523] in [0] : vector<16xi32>, vector<16xi32> -> vector<16xi32>
          %mul3A_525 = arith.constant 16 : i32
          %mul3A_526 = arith.muli %while3A_303, %mul3A_525 : i32
          %add3A_527 = vector.broadcast %mul3A_526 : i32 to vector<16xi32>
          %add3A_528 = arith.addi %add3A_527, %and3A_77 : vector<16xi32>
          %gt3A_529 = arith.cmpi sgt, %gather3A_524, %gather3A : vector<16xi32>
          %eq3A_530 = arith.cmpi eq, %gather3A_524, %gather3A : vector<16xi32>
          %lt3A_531 = arith.cmpi slt, %add3A_528, %add3A_269 : vector<16xi32>
          %and3A_532 = arith.andi %eq3A_530, %lt3A_531 : vector<16xi1>
          %or3A_533 = arith.ori %gt3A_529, %and3A_532 : vector<16xi1>
          %jit3A_534 = arith.constant 1 : i32
          %jit3A_535 = arith.constant 0 : i32
          %broadcast_in_dim3A_536 = vector.broadcast %jit3A_534 : i32 to vector<16xi32>
          %broadcast_in_dim3A_537 = vector.broadcast %jit3A_535 : i32 to vector<16xi32>
          %select_n3A_538 = arith.select %or3A_533, %broadcast_in_dim3A_536, %broadcast_in_dim3A_537 : vector<16xi1>, vector<16xi32>
          %add3A_539 = arith.addi %add3A_521, %select_n3A_538 : vector<16xi32>
          %broadcast_in_dim3A_540 = vector.shape_cast %and3A_83 : vector<16xi32> to vector<16x1xi32>
          %gather3A_541 = vector.shape_cast %broadcast_in_dim3A_540 : vector<16x1xi32> to vector<16xi32>
          %gather3A_542 = tpu.dynamic_gather %gather3A_309[%gather3A_541] in [0] : vector<16xi32>, vector<16xi32> -> vector<16xi32>
          %mul3A_543 = arith.constant 16 : i32
          %mul3A_544 = arith.muli %while3A_303, %mul3A_543 : i32
          %add3A_545 = vector.broadcast %mul3A_544 : i32 to vector<16xi32>
          %add3A_546 = arith.addi %add3A_545, %and3A_83 : vector<16xi32>
          %gt3A_547 = arith.cmpi sgt, %gather3A_542, %gather3A : vector<16xi32>
          %eq3A_548 = arith.cmpi eq, %gather3A_542, %gather3A : vector<16xi32>
          %lt3A_549 = arith.cmpi slt, %add3A_546, %add3A_269 : vector<16xi32>
          %and3A_550 = arith.andi %eq3A_548, %lt3A_549 : vector<16xi1>
          %or3A_551 = arith.ori %gt3A_547, %and3A_550 : vector<16xi1>
          %jit3A_552 = arith.constant 1 : i32
          %jit3A_553 = arith.constant 0 : i32
          %broadcast_in_dim3A_554 = vector.broadcast %jit3A_552 : i32 to vector<16xi32>
          %broadcast_in_dim3A_555 = vector.broadcast %jit3A_553 : i32 to vector<16xi32>
          %select_n3A_556 = arith.select %or3A_551, %broadcast_in_dim3A_554, %broadcast_in_dim3A_555 : vector<16xi1>, vector<16xi32>
          %add3A_557 = arith.addi %add3A_539, %select_n3A_556 : vector<16xi32>
          %broadcast_in_dim3A_558 = vector.shape_cast %and3A_89 : vector<16xi32> to vector<16x1xi32>
          %gather3A_559 = vector.shape_cast %broadcast_in_dim3A_558 : vector<16x1xi32> to vector<16xi32>
          %gather3A_560 = tpu.dynamic_gather %gather3A_309[%gather3A_559] in [0] : vector<16xi32>, vector<16xi32> -> vector<16xi32>
          %mul3A_561 = arith.constant 16 : i32
          %mul3A_562 = arith.muli %while3A_303, %mul3A_561 : i32
          %add3A_563 = vector.broadcast %mul3A_562 : i32 to vector<16xi32>
          %add3A_564 = arith.addi %add3A_563, %and3A_89 : vector<16xi32>
          %gt3A_565 = arith.cmpi sgt, %gather3A_560, %gather3A : vector<16xi32>
          %eq3A_566 = arith.cmpi eq, %gather3A_560, %gather3A : vector<16xi32>
          %lt3A_567 = arith.cmpi slt, %add3A_564, %add3A_269 : vector<16xi32>
          %and3A_568 = arith.andi %eq3A_566, %lt3A_567 : vector<16xi1>
          %or3A_569 = arith.ori %gt3A_565, %and3A_568 : vector<16xi1>
          %jit3A_570 = arith.constant 1 : i32
          %jit3A_571 = arith.constant 0 : i32
          %broadcast_in_dim3A_572 = vector.broadcast %jit3A_570 : i32 to vector<16xi32>
          %broadcast_in_dim3A_573 = vector.broadcast %jit3A_571 : i32 to vector<16xi32>
          %select_n3A_574 = arith.select %or3A_569, %broadcast_in_dim3A_572, %broadcast_in_dim3A_573 : vector<16xi1>, vector<16xi32>
          %add3A_575 = arith.addi %add3A_557, %select_n3A_574 : vector<16xi32>
          %broadcast_in_dim3A_576 = vector.shape_cast %and3A_95 : vector<16xi32> to vector<16x1xi32>
          %gather3A_577 = vector.shape_cast %broadcast_in_dim3A_576 : vector<16x1xi32> to vector<16xi32>
          %gather3A_578 = tpu.dynamic_gather %gather3A_309[%gather3A_577] in [0] : vector<16xi32>, vector<16xi32> -> vector<16xi32>
          %mul3A_579 = arith.constant 16 : i32
          %mul3A_580 = arith.muli %while3A_303, %mul3A_579 : i32
          %add3A_581 = vector.broadcast %mul3A_580 : i32 to vector<16xi32>
          %add3A_582 = arith.addi %add3A_581, %and3A_95 : vector<16xi32>
          %gt3A_583 = arith.cmpi sgt, %gather3A_578, %gather3A : vector<16xi32>
          %eq3A_584 = arith.cmpi eq, %gather3A_578, %gather3A : vector<16xi32>
          %lt3A_585 = arith.cmpi slt, %add3A_582, %add3A_269 : vector<16xi32>
          %and3A_586 = arith.andi %eq3A_584, %lt3A_585 : vector<16xi1>
          %or3A_587 = arith.ori %gt3A_583, %and3A_586 : vector<16xi1>
          %jit3A_588 = arith.constant 1 : i32
          %jit3A_589 = arith.constant 0 : i32
          %broadcast_in_dim3A_590 = vector.broadcast %jit3A_588 : i32 to vector<16xi32>
          %broadcast_in_dim3A_591 = vector.broadcast %jit3A_589 : i32 to vector<16xi32>
          %select_n3A_592 = arith.select %or3A_587, %broadcast_in_dim3A_590, %broadcast_in_dim3A_591 : vector<16xi1>, vector<16xi32>
          %add3A_593 = arith.addi %add3A_575, %select_n3A_592 : vector<16xi32>
          scf.yield %add3A_593 : vector<16xi32>
        }
        %while3A_281 = arith.constant 1 : i32
        %while3A_282 = scf.for %while3A_303 = %while3A_278 to %while3A_274 step %while3A_281 iter_args(%while3A_304 = %while3A_280) -> (vector<16xi32>)  : i32 {
          %mul3A_305 = arith.constant 16 : i32
          %mul3A_306 = arith.muli %while3A_303, %mul3A_305 : i32
          %get3A_307 = arith.index_cast %mul3A_306 : i32 to index
          %get3A_308 = tpu.vector_load %arg15[%get3A_307] {strides = array<i32>} : memref<144xi32, #tpu.memory_space<vmem>>, vector<16xi32>,
          %gather3A_309 = tpu.vector_load_idx %arg9[%get3A_308] : memref<12560xi32, #tpu.memory_space<vmem>>[vector<16xi32>], vector<16xi32>,
          %broadcast_in_dim3A_310 = vector.shape_cast %and3A_5 : vector<16xi32> to vector<16x1xi32>
          %gather3A_311 = vector.shape_cast %broadcast_in_dim3A_310 : vector<16x1xi32> to vector<16xi32>
          %gather3A_312 = tpu.dynamic_gather %gather3A_309[%gather3A_311] in [0] : vector<16xi32>, vector<16xi32> -> vector<16xi32>
          %mul3A_313 = arith.constant 16 : i32
          %mul3A_314 = arith.muli %while3A_303, %mul3A_313 : i32
          %add3A_315 = vector.broadcast %mul3A_314 : i32 to vector<16xi32>
          %add3A_316 = arith.addi %add3A_315, %and3A_5 : vector<16xi32>
          %gt3A = arith.cmpi sgt, %gather3A_312, %gather3A : vector<16xi32>
          %eq3A = arith.cmpi eq, %gather3A_312, %gather3A : vector<16xi32>
          %lt3A_317 = arith.cmpi slt, %add3A_316, %add3A_269 : vector<16xi32>
          %and3A_318 = arith.andi %eq3A, %lt3A_317 : vector<16xi1>
          %or3A = arith.ori %gt3A, %and3A_318 : vector<16xi1>
          %jit3A = arith.constant 1 : i32
          %jit3A_319 = arith.constant 0 : i32
          %broadcast_in_dim3A_320 = vector.broadcast %jit3A : i32 to vector<16xi32>
          %broadcast_in_dim3A_321 = vector.broadcast %jit3A_319 : i32 to vector<16xi32>
          %select_n3A_322 = arith.select %or3A, %broadcast_in_dim3A_320, %broadcast_in_dim3A_321 : vector<16xi1>, vector<16xi32>
          %add3A_323 = arith.addi %while3A_304, %select_n3A_322 : vector<16xi32>
          %broadcast_in_dim3A_324 = vector.shape_cast %and3A_11 : vector<16xi32> to vector<16x1xi32>
          %gather3A_325 = vector.shape_cast %broadcast_in_dim3A_324 : vector<16x1xi32> to vector<16xi32>
          %gather3A_326 = tpu.dynamic_gather %gather3A_309[%gather3A_325] in [0] : vector<16xi32>, vector<16xi32> -> vector<16xi32>
          %mul3A_327 = arith.constant 16 : i32
          %mul3A_328 = arith.muli %while3A_303, %mul3A_327 : i32
          %add3A_329 = vector.broadcast %mul3A_328 : i32 to vector<16xi32>
          %add3A_330 = arith.addi %add3A_329, %and3A_11 : vector<16xi32>
          %gt3A_331 = arith.cmpi sgt, %gather3A_326, %gather3A : vector<16xi32>
          %eq3A_332 = arith.cmpi eq, %gather3A_326, %gather3A : vector<16xi32>
          %lt3A_333 = arith.cmpi slt, %add3A_330, %add3A_269 : vector<16xi32>
          %and3A_334 = arith.andi %eq3A_332, %lt3A_333 : vector<16xi1>
          %or3A_335 = arith.ori %gt3A_331, %and3A_334 : vector<16xi1>
          %jit3A_336 = arith.constant 1 : i32
          %jit3A_337 = arith.constant 0 : i32
          %broadcast_in_dim3A_338 = vector.broadcast %jit3A_336 : i32 to vector<16xi32>
          %broadcast_in_dim3A_339 = vector.broadcast %jit3A_337 : i32 to vector<16xi32>
          %select_n3A_340 = arith.select %or3A_335, %broadcast_in_dim3A_338, %broadcast_in_dim3A_339 : vector<16xi1>, vector<16xi32>
          %add3A_341 = arith.addi %add3A_323, %select_n3A_340 : vector<16xi32>
          %broadcast_in_dim3A_342 = vector.shape_cast %and3A_17 : vector<16xi32> to vector<16x1xi32>
          %gather3A_343 = vector.shape_cast %broadcast_in_dim3A_342 : vector<16x1xi32> to vector<16xi32>
          %gather3A_344 = tpu.dynamic_gather %gather3A_309[%gather3A_343] in [0] : vector<16xi32>, vector<16xi32> -> vector<16xi32>
          %mul3A_345 = arith.constant 16 : i32
          %mul3A_346 = arith.muli %while3A_303, %mul3A_345 : i32
          %add3A_347 = vector.broadcast %mul3A_346 : i32 to vector<16xi32>
          %add3A_348 = arith.addi %add3A_347, %and3A_17 : vector<16xi32>
          %gt3A_349 = arith.cmpi sgt, %gather3A_344, %gather3A : vector<16xi32>
          %eq3A_350 = arith.cmpi eq, %gather3A_344, %gather3A : vector<16xi32>
          %lt3A_351 = arith.cmpi slt, %add3A_348, %add3A_269 : vector<16xi32>
          %and3A_352 = arith.andi %eq3A_350, %lt3A_351 : vector<16xi1>
          %or3A_353 = arith.ori %gt3A_349, %and3A_352 : vector<16xi1>
          %jit3A_354 = arith.constant 1 : i32
          %jit3A_355 = arith.constant 0 : i32
          %broadcast_in_dim3A_356 = vector.broadcast %jit3A_354 : i32 to vector<16xi32>
          %broadcast_in_dim3A_357 = vector.broadcast %jit3A_355 : i32 to vector<16xi32>
          %select_n3A_358 = arith.select %or3A_353, %broadcast_in_dim3A_356, %broadcast_in_dim3A_357 : vector<16xi1>, vector<16xi32>
          %add3A_359 = arith.addi %add3A_341, %select_n3A_358 : vector<16xi32>
          %broadcast_in_dim3A_360 = vector.shape_cast %and3A_23 : vector<16xi32> to vector<16x1xi32>
          %gather3A_361 = vector.shape_cast %broadcast_in_dim3A_360 : vector<16x1xi32> to vector<16xi32>
          %gather3A_362 = tpu.dynamic_gather %gather3A_309[%gather3A_361] in [0] : vector<16xi32>, vector<16xi32> -> vector<16xi32>
          %mul3A_363 = arith.constant 16 : i32
          %mul3A_364 = arith.muli %while3A_303, %mul3A_363 : i32
          %add3A_365 = vector.broadcast %mul3A_364 : i32 to vector<16xi32>
          %add3A_366 = arith.addi %add3A_365, %and3A_23 : vector<16xi32>
          %gt3A_367 = arith.cmpi sgt, %gather3A_362, %gather3A : vector<16xi32>
          %eq3A_368 = arith.cmpi eq, %gather3A_362, %gather3A : vector<16xi32>
          %lt3A_369 = arith.cmpi slt, %add3A_366, %add3A_269 : vector<16xi32>
          %and3A_370 = arith.andi %eq3A_368, %lt3A_369 : vector<16xi1>
          %or3A_371 = arith.ori %gt3A_367, %and3A_370 : vector<16xi1>
          %jit3A_372 = arith.constant 1 : i32
          %jit3A_373 = arith.constant 0 : i32
          %broadcast_in_dim3A_374 = vector.broadcast %jit3A_372 : i32 to vector<16xi32>
          %broadcast_in_dim3A_375 = vector.broadcast %jit3A_373 : i32 to vector<16xi32>
          %select_n3A_376 = arith.select %or3A_371, %broadcast_in_dim3A_374, %broadcast_in_dim3A_375 : vector<16xi1>, vector<16xi32>
          %add3A_377 = arith.addi %add3A_359, %select_n3A_376 : vector<16xi32>
          %broadcast_in_dim3A_378 = vector.shape_cast %and3A_29 : vector<16xi32> to vector<16x1xi32>
          %gather3A_379 = vector.shape_cast %broadcast_in_dim3A_378 : vector<16x1xi32> to vector<16xi32>
          %gather3A_380 = tpu.dynamic_gather %gather3A_309[%gather3A_379] in [0] : vector<16xi32>, vector<16xi32> -> vector<16xi32>
          %mul3A_381 = arith.constant 16 : i32
          %mul3A_382 = arith.muli %while3A_303, %mul3A_381 : i32
          %add3A_383 = vector.broadcast %mul3A_382 : i32 to vector<16xi32>
          %add3A_384 = arith.addi %add3A_383, %and3A_29 : vector<16xi32>
          %gt3A_385 = arith.cmpi sgt, %gather3A_380, %gather3A : vector<16xi32>
          %eq3A_386 = arith.cmpi eq, %gather3A_380, %gather3A : vector<16xi32>
          %lt3A_387 = arith.cmpi slt, %add3A_384, %add3A_269 : vector<16xi32>
          %and3A_388 = arith.andi %eq3A_386, %lt3A_387 : vector<16xi1>
          %or3A_389 = arith.ori %gt3A_385, %and3A_388 : vector<16xi1>
          %jit3A_390 = arith.constant 1 : i32
          %jit3A_391 = arith.constant 0 : i32
          %broadcast_in_dim3A_392 = vector.broadcast %jit3A_390 : i32 to vector<16xi32>
          %broadcast_in_dim3A_393 = vector.broadcast %jit3A_391 : i32 to vector<16xi32>
          %select_n3A_394 = arith.select %or3A_389, %broadcast_in_dim3A_392, %broadcast_in_dim3A_393 : vector<16xi1>, vector<16xi32>
          %add3A_395 = arith.addi %add3A_377, %select_n3A_394 : vector<16xi32>
          %broadcast_in_dim3A_396 = vector.shape_cast %and3A_35 : vector<16xi32> to vector<16x1xi32>
          %gather3A_397 = vector.shape_cast %broadcast_in_dim3A_396 : vector<16x1xi32> to vector<16xi32>
          %gather3A_398 = tpu.dynamic_gather %gather3A_309[%gather3A_397] in [0] : vector<16xi32>, vector<16xi32> -> vector<16xi32>
          %mul3A_399 = arith.constant 16 : i32
          %mul3A_400 = arith.muli %while3A_303, %mul3A_399 : i32
          %add3A_401 = vector.broadcast %mul3A_400 : i32 to vector<16xi32>
          %add3A_402 = arith.addi %add3A_401, %and3A_35 : vector<16xi32>
          %gt3A_403 = arith.cmpi sgt, %gather3A_398, %gather3A : vector<16xi32>
          %eq3A_404 = arith.cmpi eq, %gather3A_398, %gather3A : vector<16xi32>
          %lt3A_405 = arith.cmpi slt, %add3A_402, %add3A_269 : vector<16xi32>
          %and3A_406 = arith.andi %eq3A_404, %lt3A_405 : vector<16xi1>
          %or3A_407 = arith.ori %gt3A_403, %and3A_406 : vector<16xi1>
          %jit3A_408 = arith.constant 1 : i32
          %jit3A_409 = arith.constant 0 : i32
          %broadcast_in_dim3A_410 = vector.broadcast %jit3A_408 : i32 to vector<16xi32>
          %broadcast_in_dim3A_411 = vector.broadcast %jit3A_409 : i32 to vector<16xi32>
          %select_n3A_412 = arith.select %or3A_407, %broadcast_in_dim3A_410, %broadcast_in_dim3A_411 : vector<16xi1>, vector<16xi32>
          %add3A_413 = arith.addi %add3A_395, %select_n3A_412 : vector<16xi32>
          %broadcast_in_dim3A_414 = vector.shape_cast %and3A_41 : vector<16xi32> to vector<16x1xi32>
          %gather3A_415 = vector.shape_cast %broadcast_in_dim3A_414 : vector<16x1xi32> to vector<16xi32>
          %gather3A_416 = tpu.dynamic_gather %gather3A_309[%gather3A_415] in [0] : vector<16xi32>, vector<16xi32> -> vector<16xi32>
          %mul3A_417 = arith.constant 16 : i32
          %mul3A_418 = arith.muli %while3A_303, %mul3A_417 : i32
          %add3A_419 = vector.broadcast %mul3A_418 : i32 to vector<16xi32>
          %add3A_420 = arith.addi %add3A_419, %and3A_41 : vector<16xi32>
          %gt3A_421 = arith.cmpi sgt, %gather3A_416, %gather3A : vector<16xi32>
          %eq3A_422 = arith.cmpi eq, %gather3A_416, %gather3A : vector<16xi32>
          %lt3A_423 = arith.cmpi slt, %add3A_420, %add3A_269 : vector<16xi32>
          %and3A_424 = arith.andi %eq3A_422, %lt3A_423 : vector<16xi1>
          %or3A_425 = arith.ori %gt3A_421, %and3A_424 : vector<16xi1>
          %jit3A_426 = arith.constant 1 : i32
          %jit3A_427 = arith.constant 0 : i32
          %broadcast_in_dim3A_428 = vector.broadcast %jit3A_426 : i32 to vector<16xi32>
          %broadcast_in_dim3A_429 = vector.broadcast %jit3A_427 : i32 to vector<16xi32>
          %select_n3A_430 = arith.select %or3A_425, %broadcast_in_dim3A_428, %broadcast_in_dim3A_429 : vector<16xi1>, vector<16xi32>
          %add3A_431 = arith.addi %add3A_413, %select_n3A_430 : vector<16xi32>
          %broadcast_in_dim3A_432 = vector.shape_cast %and3A_47 : vector<16xi32> to vector<16x1xi32>
          %gather3A_433 = vector.shape_cast %broadcast_in_dim3A_432 : vector<16x1xi32> to vector<16xi32>
          %gather3A_434 = tpu.dynamic_gather %gather3A_309[%gather3A_433] in [0] : vector<16xi32>, vector<16xi32> -> vector<16xi32>
          %mul3A_435 = arith.constant 16 : i32
          %mul3A_436 = arith.muli %while3A_303, %mul3A_435 : i32
          %add3A_437 = vector.broadcast %mul3A_436 : i32 to vector<16xi32>
          %add3A_438 = arith.addi %add3A_437, %and3A_47 : vector<16xi32>
          %gt3A_439 = arith.cmpi sgt, %gather3A_434, %gather3A : vector<16xi32>
          %eq3A_440 = arith.cmpi eq, %gather3A_434, %gather3A : vector<16xi32>
          %lt3A_441 = arith.cmpi slt, %add3A_438, %add3A_269 : vector<16xi32>
          %and3A_442 = arith.andi %eq3A_440, %lt3A_441 : vector<16xi1>
          %or3A_443 = arith.ori %gt3A_439, %and3A_442 : vector<16xi1>
          %jit3A_444 = arith.constant 1 : i32
          %jit3A_445 = arith.constant 0 : i32
          %broadcast_in_dim3A_446 = vector.broadcast %jit3A_444 : i32 to vector<16xi32>
          %broadcast_in_dim3A_447 = vector.broadcast %jit3A_445 : i32 to vector<16xi32>
          %select_n3A_448 = arith.select %or3A_443, %broadcast_in_dim3A_446, %broadcast_in_dim3A_447 : vector<16xi1>, vector<16xi32>
          %add3A_449 = arith.addi %add3A_431, %select_n3A_448 : vector<16xi32>
          %broadcast_in_dim3A_450 = vector.shape_cast %and3A_53 : vector<16xi32> to vector<16x1xi32>
          %gather3A_451 = vector.shape_cast %broadcast_in_dim3A_450 : vector<16x1xi32> to vector<16xi32>
          %gather3A_452 = tpu.dynamic_gather %gather3A_309[%gather3A_451] in [0] : vector<16xi32>, vector<16xi32> -> vector<16xi32>
          %mul3A_453 = arith.constant 16 : i32
          %mul3A_454 = arith.muli %while3A_303, %mul3A_453 : i32
          %add3A_455 = vector.broadcast %mul3A_454 : i32 to vector<16xi32>
          %add3A_456 = arith.addi %add3A_455, %and3A_53 : vector<16xi32>
          %gt3A_457 = arith.cmpi sgt, %gather3A_452, %gather3A : vector<16xi32>
          %eq3A_458 = arith.cmpi eq, %gather3A_452, %gather3A : vector<16xi32>
          %lt3A_459 = arith.cmpi slt, %add3A_456, %add3A_269 : vector<16xi32>
          %and3A_460 = arith.andi %eq3A_458, %lt3A_459 : vector<16xi1>
          %or3A_461 = arith.ori %gt3A_457, %and3A_460 : vector<16xi1>
          %jit3A_462 = arith.constant 1 : i32
          %jit3A_463 = arith.constant 0 : i32
          %broadcast_in_dim3A_464 = vector.broadcast %jit3A_462 : i32 to vector<16xi32>
          %broadcast_in_dim3A_465 = vector.broadcast %jit3A_463 : i32 to vector<16xi32>
          %select_n3A_466 = arith.select %or3A_461, %broadcast_in_dim3A_464, %broadcast_in_dim3A_465 : vector<16xi1>, vector<16xi32>
          %add3A_467 = arith.addi %add3A_449, %select_n3A_466 : vector<16xi32>
          %broadcast_in_dim3A_468 = vector.shape_cast %and3A_59 : vector<16xi32> to vector<16x1xi32>
          %gather3A_469 = vector.shape_cast %broadcast_in_dim3A_468 : vector<16x1xi32> to vector<16xi32>
          %gather3A_470 = tpu.dynamic_gather %gather3A_309[%gather3A_469] in [0] : vector<16xi32>, vector<16xi32> -> vector<16xi32>
          %mul3A_471 = arith.constant 16 : i32
          %mul3A_472 = arith.muli %while3A_303, %mul3A_471 : i32
          %add3A_473 = vector.broadcast %mul3A_472 : i32 to vector<16xi32>
          %add3A_474 = arith.addi %add3A_473, %and3A_59 : vector<16xi32>
          %gt3A_475 = arith.cmpi sgt, %gather3A_470, %gather3A : vector<16xi32>
          %eq3A_476 = arith.cmpi eq, %gather3A_470, %gather3A : vector<16xi32>
          %lt3A_477 = arith.cmpi slt, %add3A_474, %add3A_269 : vector<16xi32>
          %and3A_478 = arith.andi %eq3A_476, %lt3A_477 : vector<16xi1>
          %or3A_479 = arith.ori %gt3A_475, %and3A_478 : vector<16xi1>
          %jit3A_480 = arith.constant 1 : i32
          %jit3A_481 = arith.constant 0 : i32
          %broadcast_in_dim3A_482 = vector.broadcast %jit3A_480 : i32 to vector<16xi32>
          %broadcast_in_dim3A_483 = vector.broadcast %jit3A_481 : i32 to vector<16xi32>
          %select_n3A_484 = arith.select %or3A_479, %broadcast_in_dim3A_482, %broadcast_in_dim3A_483 : vector<16xi1>, vector<16xi32>
          %add3A_485 = arith.addi %add3A_467, %select_n3A_484 : vector<16xi32>
          %broadcast_in_dim3A_486 = vector.shape_cast %and3A_65 : vector<16xi32> to vector<16x1xi32>
          %gather3A_487 = vector.shape_cast %broadcast_in_dim3A_486 : vector<16x1xi32> to vector<16xi32>
          %gather3A_488 = tpu.dynamic_gather %gather3A_309[%gather3A_487] in [0] : vector<16xi32>, vector<16xi32> -> vector<16xi32>
          %mul3A_489 = arith.constant 16 : i32
          %mul3A_490 = arith.muli %while3A_303, %mul3A_489 : i32
          %add3A_491 = vector.broadcast %mul3A_490 : i32 to vector<16xi32>
          %add3A_492 = arith.addi %add3A_491, %and3A_65 : vector<16xi32>
          %gt3A_493 = arith.cmpi sgt, %gather3A_488, %gather3A : vector<16xi32>
          %eq3A_494 = arith.cmpi eq, %gather3A_488, %gather3A : vector<16xi32>
          %lt3A_495 = arith.cmpi slt, %add3A_492, %add3A_269 : vector<16xi32>
          %and3A_496 = arith.andi %eq3A_494, %lt3A_495 : vector<16xi1>
          %or3A_497 = arith.ori %gt3A_493, %and3A_496 : vector<16xi1>
          %jit3A_498 = arith.constant 1 : i32
          %jit3A_499 = arith.constant 0 : i32
          %broadcast_in_dim3A_500 = vector.broadcast %jit3A_498 : i32 to vector<16xi32>
          %broadcast_in_dim3A_501 = vector.broadcast %jit3A_499 : i32 to vector<16xi32>
          %select_n3A_502 = arith.select %or3A_497, %broadcast_in_dim3A_500, %broadcast_in_dim3A_501 : vector<16xi1>, vector<16xi32>
          %add3A_503 = arith.addi %add3A_485, %select_n3A_502 : vector<16xi32>
          %broadcast_in_dim3A_504 = vector.shape_cast %and3A_71 : vector<16xi32> to vector<16x1xi32>
          %gather3A_505 = vector.shape_cast %broadcast_in_dim3A_504 : vector<16x1xi32> to vector<16xi32>
          %gather3A_506 = tpu.dynamic_gather %gather3A_309[%gather3A_505] in [0] : vector<16xi32>, vector<16xi32> -> vector<16xi32>
          %mul3A_507 = arith.constant 16 : i32
          %mul3A_508 = arith.muli %while3A_303, %mul3A_507 : i32
          %add3A_509 = vector.broadcast %mul3A_508 : i32 to vector<16xi32>
          %add3A_510 = arith.addi %add3A_509, %and3A_71 : vector<16xi32>
          %gt3A_511 = arith.cmpi sgt, %gather3A_506, %gather3A : vector<16xi32>
          %eq3A_512 = arith.cmpi eq, %gather3A_506, %gather3A : vector<16xi32>
          %lt3A_513 = arith.cmpi slt, %add3A_510, %add3A_269 : vector<16xi32>
          %and3A_514 = arith.andi %eq3A_512, %lt3A_513 : vector<16xi1>
          %or3A_515 = arith.ori %gt3A_511, %and3A_514 : vector<16xi1>
          %jit3A_516 = arith.constant 1 : i32
          %jit3A_517 = arith.constant 0 : i32
          %broadcast_in_dim3A_518 = vector.broadcast %jit3A_516 : i32 to vector<16xi32>
          %broadcast_in_dim3A_519 = vector.broadcast %jit3A_517 : i32 to vector<16xi32>
          %select_n3A_520 = arith.select %or3A_515, %broadcast_in_dim3A_518, %broadcast_in_dim3A_519 : vector<16xi1>, vector<16xi32>
          %add3A_521 = arith.addi %add3A_503, %select_n3A_520 : vector<16xi32>
          %broadcast_in_dim3A_522 = vector.shape_cast %and3A_77 : vector<16xi32> to vector<16x1xi32>
          %gather3A_523 = vector.shape_cast %broadcast_in_dim3A_522 : vector<16x1xi32> to vector<16xi32>
          %gather3A_524 = tpu.dynamic_gather %gather3A_309[%gather3A_523] in [0] : vector<16xi32>, vector<16xi32> -> vector<16xi32>
          %mul3A_525 = arith.constant 16 : i32
          %mul3A_526 = arith.muli %while3A_303, %mul3A_525 : i32
          %add3A_527 = vector.broadcast %mul3A_526 : i32 to vector<16xi32>
          %add3A_528 = arith.addi %add3A_527, %and3A_77 : vector<16xi32>
          %gt3A_529 = arith.cmpi sgt, %gather3A_524, %gather3A : vector<16xi32>
          %eq3A_530 = arith.cmpi eq, %gather3A_524, %gather3A : vector<16xi32>
          %lt3A_531 = arith.cmpi slt, %add3A_528, %add3A_269 : vector<16xi32>
          %and3A_532 = arith.andi %eq3A_530, %lt3A_531 : vector<16xi1>
          %or3A_533 = arith.ori %gt3A_529, %and3A_532 : vector<16xi1>
          %jit3A_534 = arith.constant 1 : i32
          %jit3A_535 = arith.constant 0 : i32
          %broadcast_in_dim3A_536 = vector.broadcast %jit3A_534 : i32 to vector<16xi32>
          %broadcast_in_dim3A_537 = vector.broadcast %jit3A_535 : i32 to vector<16xi32>
          %select_n3A_538 = arith.select %or3A_533, %broadcast_in_dim3A_536, %broadcast_in_dim3A_537 : vector<16xi1>, vector<16xi32>
          %add3A_539 = arith.addi %add3A_521, %select_n3A_538 : vector<16xi32>
          %broadcast_in_dim3A_540 = vector.shape_cast %and3A_83 : vector<16xi32> to vector<16x1xi32>
          %gather3A_541 = vector.shape_cast %broadcast_in_dim3A_540 : vector<16x1xi32> to vector<16xi32>
          %gather3A_542 = tpu.dynamic_gather %gather3A_309[%gather3A_541] in [0] : vector<16xi32>, vector<16xi32> -> vector<16xi32>
          %mul3A_543 = arith.constant 16 : i32
          %mul3A_544 = arith.muli %while3A_303, %mul3A_543 : i32
          %add3A_545 = vector.broadcast %mul3A_544 : i32 to vector<16xi32>
          %add3A_546 = arith.addi %add3A_545, %and3A_83 : vector<16xi32>
          %gt3A_547 = arith.cmpi sgt, %gather3A_542, %gather3A : vector<16xi32>
          %eq3A_548 = arith.cmpi eq, %gather3A_542, %gather3A : vector<16xi32>
          %lt3A_549 = arith.cmpi slt, %add3A_546, %add3A_269 : vector<16xi32>
          %and3A_550 = arith.andi %eq3A_548, %lt3A_549 : vector<16xi1>
          %or3A_551 = arith.ori %gt3A_547, %and3A_550 : vector<16xi1>
          %jit3A_552 = arith.constant 1 : i32
          %jit3A_553 = arith.constant 0 : i32
          %broadcast_in_dim3A_554 = vector.broadcast %jit3A_552 : i32 to vector<16xi32>
          %broadcast_in_dim3A_555 = vector.broadcast %jit3A_553 : i32 to vector<16xi32>
          %select_n3A_556 = arith.select %or3A_551, %broadcast_in_dim3A_554, %broadcast_in_dim3A_555 : vector<16xi1>, vector<16xi32>
          %add3A_557 = arith.addi %add3A_539, %select_n3A_556 : vector<16xi32>
          %broadcast_in_dim3A_558 = vector.shape_cast %and3A_89 : vector<16xi32> to vector<16x1xi32>
          %gather3A_559 = vector.shape_cast %broadcast_in_dim3A_558 : vector<16x1xi32> to vector<16xi32>
          %gather3A_560 = tpu.dynamic_gather %gather3A_309[%gather3A_559] in [0] : vector<16xi32>, vector<16xi32> -> vector<16xi32>
          %mul3A_561 = arith.constant 16 : i32
          %mul3A_562 = arith.muli %while3A_303, %mul3A_561 : i32
          %add3A_563 = vector.broadcast %mul3A_562 : i32 to vector<16xi32>
          %add3A_564 = arith.addi %add3A_563, %and3A_89 : vector<16xi32>
          %gt3A_565 = arith.cmpi sgt, %gather3A_560, %gather3A : vector<16xi32>
          %eq3A_566 = arith.cmpi eq, %gather3A_560, %gather3A : vector<16xi32>
          %lt3A_567 = arith.cmpi slt, %add3A_564, %add3A_269 : vector<16xi32>
          %and3A_568 = arith.andi %eq3A_566, %lt3A_567 : vector<16xi1>
          %or3A_569 = arith.ori %gt3A_565, %and3A_568 : vector<16xi1>
          %jit3A_570 = arith.constant 1 : i32
          %jit3A_571 = arith.constant 0 : i32
          %broadcast_in_dim3A_572 = vector.broadcast %jit3A_570 : i32 to vector<16xi32>
          %broadcast_in_dim3A_573 = vector.broadcast %jit3A_571 : i32 to vector<16xi32>
          %select_n3A_574 = arith.select %or3A_569, %broadcast_in_dim3A_572, %broadcast_in_dim3A_573 : vector<16xi1>, vector<16xi32>
          %add3A_575 = arith.addi %add3A_557, %select_n3A_574 : vector<16xi32>
          %broadcast_in_dim3A_576 = vector.shape_cast %and3A_95 : vector<16xi32> to vector<16x1xi32>
          %gather3A_577 = vector.shape_cast %broadcast_in_dim3A_576 : vector<16x1xi32> to vector<16xi32>
          %gather3A_578 = tpu.dynamic_gather %gather3A_309[%gather3A_577] in [0] : vector<16xi32>, vector<16xi32> -> vector<16xi32>
          %mul3A_579 = arith.constant 16 : i32
          %mul3A_580 = arith.muli %while3A_303, %mul3A_579 : i32
          %add3A_581 = vector.broadcast %mul3A_580 : i32 to vector<16xi32>
          %add3A_582 = arith.addi %add3A_581, %and3A_95 : vector<16xi32>
          %gt3A_583 = arith.cmpi sgt, %gather3A_578, %gather3A : vector<16xi32>
          %eq3A_584 = arith.cmpi eq, %gather3A_578, %gather3A : vector<16xi32>
          %lt3A_585 = arith.cmpi slt, %add3A_582, %add3A_269 : vector<16xi32>
          %and3A_586 = arith.andi %eq3A_584, %lt3A_585 : vector<16xi1>
          %or3A_587 = arith.ori %gt3A_583, %and3A_586 : vector<16xi1>
          %jit3A_588 = arith.constant 1 : i32
          %jit3A_589 = arith.constant 0 : i32
          %broadcast_in_dim3A_590 = vector.broadcast %jit3A_588 : i32 to vector<16xi32>
          %broadcast_in_dim3A_591 = vector.broadcast %jit3A_589 : i32 to vector<16xi32>
          %select_n3A_592 = arith.select %or3A_587, %broadcast_in_dim3A_590, %broadcast_in_dim3A_591 : vector<16xi1>, vector<16xi32>
          %add3A_593 = arith.addi %add3A_575, %select_n3A_592 : vector<16xi32>
          scf.yield %add3A_593 : vector<16xi32>
        }
        %lt3A = arith.constant 100 : i32
        %lt3A_283 = vector.broadcast %lt3A : i32 to vector<16xi32>
        %lt3A_284 = arith.cmpi slt, %while3A_282, %lt3A_283 : vector<16xi32>
        %gather3A_285 = tpu.vector_load_idx %arg10[%get3A_265] : memref<12560xi32, #tpu.memory_space<vmem>>[vector<16xi32>], vector<16xi32>,
        %gather3A_286 = tpu.vector_load_idx %arg11[%get3A_265] : memref<12560xf32, #tpu.memory_space<vmem>>[vector<16xi32>], vector<16xf32>,
        %lt3A_287 = arith.constant 0 : i32
        %lt3A_288 = vector.broadcast %lt3A_287 : i32 to vector<16xi32>
        %lt3A_289 = arith.cmpi slt, %gather3A, %lt3A_288 : vector<16xi32>
        %xor3A_290 = arith.constant 2147483647 : i32
        %xor3A_291 = vector.broadcast %xor3A_290 : i32 to vector<16xi32>
        %xor3A_292 = arith.xori %gather3A, %xor3A_291 : vector<16xi32>
        %select_n3A = arith.select %lt3A_289, %xor3A_292, %gather3A : vector<16xi1>, vector<16xi32>
        %bitcast3A = vector.bitcast %select_n3A : vector<16xi32> to vector<16xf32>
        tpu.vector_store_idx %arg16[%while3A_282], %gather3A_285 masked %lt3A_284 : memref<112xi32, #tpu.memory_space<vmem>>[vector<16xi32>], vector<16xi32>, vector<16xi1>
        %mul3A_293 = arith.constant 2 : i32
        %mul3A_294 = vector.broadcast %mul3A_293 : i32 to vector<16xi32>
        %mul3A_295 = arith.muli %mul3A_294, %while3A_282 : vector<16xi32>
        tpu.vector_store_idx %arg17[%mul3A_295], %gather3A_286 masked %lt3A_284 : memref<224xf32, #tpu.memory_space<vmem>>[vector<16xi32>], vector<16xf32>, vector<16xi1>
        %mul3A_296 = arith.constant 2 : i32
        %mul3A_297 = vector.broadcast %mul3A_296 : i32 to vector<16xi32>
        %mul3A_298 = arith.muli %mul3A_297, %while3A_282 : vector<16xi32>
        %add3A_299 = arith.constant 1 : i32
        %add3A_300 = vector.broadcast %add3A_299 : i32 to vector<16xi32>
        %add3A_301 = arith.addi %mul3A_298, %add3A_300 : vector<16xi32>
        tpu.vector_store_idx %arg17[%add3A_301], %bitcast3A masked %lt3A_284 : memref<224xf32, #tpu.memory_space<vmem>>[vector<16xi32>], vector<16xf32>, vector<16xi1>
        %while3A_302 = arith.constant 0 : i32
        scf.yield %while3A_302 : i32
      }
      %while3A_258 = arith.constant 1 : i32
      %while3A_259 = scf.for %while3A_261 = %while3A_255 to %while3A_251 step %while3A_258 iter_args(%while3A_262 = %while3A_257) -> (i32)  : i32 {
        %mul3A_263 = arith.constant 16 : i32
        %mul3A_264 = arith.muli %while3A_261, %mul3A_263 : i32
        %get3A = arith.index_cast %mul3A_264 : i32 to index
        %get3A_265 = tpu.vector_load %arg15[%get3A] {strides = array<i32>} : memref<144xi32, #tpu.memory_space<vmem>>, vector<16xi32>,
        %gather3A = tpu.vector_load_idx %arg9[%get3A_265] : memref<12560xi32, #tpu.memory_space<vmem>>[vector<16xi32>], vector<16xi32>,
        %mul3A_266 = arith.constant 16 : i32
        %mul3A_267 = arith.muli %while3A_261, %mul3A_266 : i32
        %add3A_268 = vector.broadcast %mul3A_267 : i32 to vector<16xi32>
        %add3A_269 = arith.addi %add3A_268, %iota3A : vector<16xi32>
        %broadcast_in_dim3A_270 = arith.constant 0 : i32
        %broadcast_in_dim3A_271 = vector.broadcast %broadcast_in_dim3A_270 : i32 to vector<16xi32>
        %while3A_272 = arith.constant 0 : i32
        %while3A_273 = arith.subi %shift_right_arithmetic3A_247, %while3A_272 : i32
        %while3A_274 = arith.addi %while3A_272, %while3A_273 : i32
        %while3A_275 = arith.constant 1 : i32
        %while3A_276 = arith.divsi %while3A_273, %while3A_275 : i32
        %while3A_277 = arith.muli %while3A_276, %while3A_275 : i32
        %while3A_278 = arith.addi %while3A_272, %while3A_277 : i32
        %while3A_279 = arith.constant 1 : i32
        %while3A_280 = scf.for %while3A_303 = %while3A_272 to %while3A_278 step %while3A_279 iter_args(%while3A_304 = %broadcast_in_dim3A_271) -> (vector<16xi32>)  : i32 {
          %mul3A_305 = arith.constant 16 : i32
          %mul3A_306 = arith.muli %while3A_303, %mul3A_305 : i32
          %get3A_307 = arith.index_cast %mul3A_306 : i32 to index
          %get3A_308 = tpu.vector_load %arg15[%get3A_307] {strides = array<i32>} : memref<144xi32, #tpu.memory_space<vmem>>, vector<16xi32>,
          %gather3A_309 = tpu.vector_load_idx %arg9[%get3A_308] : memref<12560xi32, #tpu.memory_space<vmem>>[vector<16xi32>], vector<16xi32>,
          %broadcast_in_dim3A_310 = vector.shape_cast %and3A_5 : vector<16xi32> to vector<16x1xi32>
          %gather3A_311 = vector.shape_cast %broadcast_in_dim3A_310 : vector<16x1xi32> to vector<16xi32>
          %gather3A_312 = tpu.dynamic_gather %gather3A_309[%gather3A_311] in [0] : vector<16xi32>, vector<16xi32> -> vector<16xi32>
          %mul3A_313 = arith.constant 16 : i32
          %mul3A_314 = arith.muli %while3A_303, %mul3A_313 : i32
          %add3A_315 = vector.broadcast %mul3A_314 : i32 to vector<16xi32>
          %add3A_316 = arith.addi %add3A_315, %and3A_5 : vector<16xi32>
          %gt3A = arith.cmpi sgt, %gather3A_312, %gather3A : vector<16xi32>
          %eq3A = arith.cmpi eq, %gather3A_312, %gather3A : vector<16xi32>
          %lt3A_317 = arith.cmpi slt, %add3A_316, %add3A_269 : vector<16xi32>
          %and3A_318 = arith.andi %eq3A, %lt3A_317 : vector<16xi1>
          %or3A = arith.ori %gt3A, %and3A_318 : vector<16xi1>
          %jit3A = arith.constant 1 : i32
          %jit3A_319 = arith.constant 0 : i32
          %broadcast_in_dim3A_320 = vector.broadcast %jit3A : i32 to vector<16xi32>
          %broadcast_in_dim3A_321 = vector.broadcast %jit3A_319 : i32 to vector<16xi32>
          %select_n3A_322 = arith.select %or3A, %broadcast_in_dim3A_320, %broadcast_in_dim3A_321 : vector<16xi1>, vector<16xi32>
          %add3A_323 = arith.addi %while3A_304, %select_n3A_322 : vector<16xi32>
          %broadcast_in_dim3A_324 = vector.shape_cast %and3A_11 : vector<16xi32> to vector<16x1xi32>
          %gather3A_325 = vector.shape_cast %broadcast_in_dim3A_324 : vector<16x1xi32> to vector<16xi32>
          %gather3A_326 = tpu.dynamic_gather %gather3A_309[%gather3A_325] in [0] : vector<16xi32>, vector<16xi32> -> vector<16xi32>
          %mul3A_327 = arith.constant 16 : i32
          %mul3A_328 = arith.muli %while3A_303, %mul3A_327 : i32
          %add3A_329 = vector.broadcast %mul3A_328 : i32 to vector<16xi32>
          %add3A_330 = arith.addi %add3A_329, %and3A_11 : vector<16xi32>
          %gt3A_331 = arith.cmpi sgt, %gather3A_326, %gather3A : vector<16xi32>
          %eq3A_332 = arith.cmpi eq, %gather3A_326, %gather3A : vector<16xi32>
          %lt3A_333 = arith.cmpi slt, %add3A_330, %add3A_269 : vector<16xi32>
          %and3A_334 = arith.andi %eq3A_332, %lt3A_333 : vector<16xi1>
          %or3A_335 = arith.ori %gt3A_331, %and3A_334 : vector<16xi1>
          %jit3A_336 = arith.constant 1 : i32
          %jit3A_337 = arith.constant 0 : i32
          %broadcast_in_dim3A_338 = vector.broadcast %jit3A_336 : i32 to vector<16xi32>
          %broadcast_in_dim3A_339 = vector.broadcast %jit3A_337 : i32 to vector<16xi32>
          %select_n3A_340 = arith.select %or3A_335, %broadcast_in_dim3A_338, %broadcast_in_dim3A_339 : vector<16xi1>, vector<16xi32>
          %add3A_341 = arith.addi %add3A_323, %select_n3A_340 : vector<16xi32>
          %broadcast_in_dim3A_342 = vector.shape_cast %and3A_17 : vector<16xi32> to vector<16x1xi32>
          %gather3A_343 = vector.shape_cast %broadcast_in_dim3A_342 : vector<16x1xi32> to vector<16xi32>
          %gather3A_344 = tpu.dynamic_gather %gather3A_309[%gather3A_343] in [0] : vector<16xi32>, vector<16xi32> -> vector<16xi32>
          %mul3A_345 = arith.constant 16 : i32
          %mul3A_346 = arith.muli %while3A_303, %mul3A_345 : i32
          %add3A_347 = vector.broadcast %mul3A_346 : i32 to vector<16xi32>
          %add3A_348 = arith.addi %add3A_347, %and3A_17 : vector<16xi32>
          %gt3A_349 = arith.cmpi sgt, %gather3A_344, %gather3A : vector<16xi32>
          %eq3A_350 = arith.cmpi eq, %gather3A_344, %gather3A : vector<16xi32>
          %lt3A_351 = arith.cmpi slt, %add3A_348, %add3A_269 : vector<16xi32>
          %and3A_352 = arith.andi %eq3A_350, %lt3A_351 : vector<16xi1>
          %or3A_353 = arith.ori %gt3A_349, %and3A_352 : vector<16xi1>
          %jit3A_354 = arith.constant 1 : i32
          %jit3A_355 = arith.constant 0 : i32
          %broadcast_in_dim3A_356 = vector.broadcast %jit3A_354 : i32 to vector<16xi32>
          %broadcast_in_dim3A_357 = vector.broadcast %jit3A_355 : i32 to vector<16xi32>
          %select_n3A_358 = arith.select %or3A_353, %broadcast_in_dim3A_356, %broadcast_in_dim3A_357 : vector<16xi1>, vector<16xi32>
          %add3A_359 = arith.addi %add3A_341, %select_n3A_358 : vector<16xi32>
          %broadcast_in_dim3A_360 = vector.shape_cast %and3A_23 : vector<16xi32> to vector<16x1xi32>
          %gather3A_361 = vector.shape_cast %broadcast_in_dim3A_360 : vector<16x1xi32> to vector<16xi32>
          %gather3A_362 = tpu.dynamic_gather %gather3A_309[%gather3A_361] in [0] : vector<16xi32>, vector<16xi32> -> vector<16xi32>
          %mul3A_363 = arith.constant 16 : i32
          %mul3A_364 = arith.muli %while3A_303, %mul3A_363 : i32
          %add3A_365 = vector.broadcast %mul3A_364 : i32 to vector<16xi32>
          %add3A_366 = arith.addi %add3A_365, %and3A_23 : vector<16xi32>
          %gt3A_367 = arith.cmpi sgt, %gather3A_362, %gather3A : vector<16xi32>
          %eq3A_368 = arith.cmpi eq, %gather3A_362, %gather3A : vector<16xi32>
          %lt3A_369 = arith.cmpi slt, %add3A_366, %add3A_269 : vector<16xi32>
          %and3A_370 = arith.andi %eq3A_368, %lt3A_369 : vector<16xi1>
          %or3A_371 = arith.ori %gt3A_367, %and3A_370 : vector<16xi1>
          %jit3A_372 = arith.constant 1 : i32
          %jit3A_373 = arith.constant 0 : i32
          %broadcast_in_dim3A_374 = vector.broadcast %jit3A_372 : i32 to vector<16xi32>
          %broadcast_in_dim3A_375 = vector.broadcast %jit3A_373 : i32 to vector<16xi32>
          %select_n3A_376 = arith.select %or3A_371, %broadcast_in_dim3A_374, %broadcast_in_dim3A_375 : vector<16xi1>, vector<16xi32>
          %add3A_377 = arith.addi %add3A_359, %select_n3A_376 : vector<16xi32>
          %broadcast_in_dim3A_378 = vector.shape_cast %and3A_29 : vector<16xi32> to vector<16x1xi32>
          %gather3A_379 = vector.shape_cast %broadcast_in_dim3A_378 : vector<16x1xi32> to vector<16xi32>
          %gather3A_380 = tpu.dynamic_gather %gather3A_309[%gather3A_379] in [0] : vector<16xi32>, vector<16xi32> -> vector<16xi32>
          %mul3A_381 = arith.constant 16 : i32
          %mul3A_382 = arith.muli %while3A_303, %mul3A_381 : i32
          %add3A_383 = vector.broadcast %mul3A_382 : i32 to vector<16xi32>
          %add3A_384 = arith.addi %add3A_383, %and3A_29 : vector<16xi32>
          %gt3A_385 = arith.cmpi sgt, %gather3A_380, %gather3A : vector<16xi32>
          %eq3A_386 = arith.cmpi eq, %gather3A_380, %gather3A : vector<16xi32>
          %lt3A_387 = arith.cmpi slt, %add3A_384, %add3A_269 : vector<16xi32>
          %and3A_388 = arith.andi %eq3A_386, %lt3A_387 : vector<16xi1>
          %or3A_389 = arith.ori %gt3A_385, %and3A_388 : vector<16xi1>
          %jit3A_390 = arith.constant 1 : i32
          %jit3A_391 = arith.constant 0 : i32
          %broadcast_in_dim3A_392 = vector.broadcast %jit3A_390 : i32 to vector<16xi32>
          %broadcast_in_dim3A_393 = vector.broadcast %jit3A_391 : i32 to vector<16xi32>
          %select_n3A_394 = arith.select %or3A_389, %broadcast_in_dim3A_392, %broadcast_in_dim3A_393 : vector<16xi1>, vector<16xi32>
          %add3A_395 = arith.addi %add3A_377, %select_n3A_394 : vector<16xi32>
          %broadcast_in_dim3A_396 = vector.shape_cast %and3A_35 : vector<16xi32> to vector<16x1xi32>
          %gather3A_397 = vector.shape_cast %broadcast_in_dim3A_396 : vector<16x1xi32> to vector<16xi32>
          %gather3A_398 = tpu.dynamic_gather %gather3A_309[%gather3A_397] in [0] : vector<16xi32>, vector<16xi32> -> vector<16xi32>
          %mul3A_399 = arith.constant 16 : i32
          %mul3A_400 = arith.muli %while3A_303, %mul3A_399 : i32
          %add3A_401 = vector.broadcast %mul3A_400 : i32 to vector<16xi32>
          %add3A_402 = arith.addi %add3A_401, %and3A_35 : vector<16xi32>
          %gt3A_403 = arith.cmpi sgt, %gather3A_398, %gather3A : vector<16xi32>
          %eq3A_404 = arith.cmpi eq, %gather3A_398, %gather3A : vector<16xi32>
          %lt3A_405 = arith.cmpi slt, %add3A_402, %add3A_269 : vector<16xi32>
          %and3A_406 = arith.andi %eq3A_404, %lt3A_405 : vector<16xi1>
          %or3A_407 = arith.ori %gt3A_403, %and3A_406 : vector<16xi1>
          %jit3A_408 = arith.constant 1 : i32
          %jit3A_409 = arith.constant 0 : i32
          %broadcast_in_dim3A_410 = vector.broadcast %jit3A_408 : i32 to vector<16xi32>
          %broadcast_in_dim3A_411 = vector.broadcast %jit3A_409 : i32 to vector<16xi32>
          %select_n3A_412 = arith.select %or3A_407, %broadcast_in_dim3A_410, %broadcast_in_dim3A_411 : vector<16xi1>, vector<16xi32>
          %add3A_413 = arith.addi %add3A_395, %select_n3A_412 : vector<16xi32>
          %broadcast_in_dim3A_414 = vector.shape_cast %and3A_41 : vector<16xi32> to vector<16x1xi32>
          %gather3A_415 = vector.shape_cast %broadcast_in_dim3A_414 : vector<16x1xi32> to vector<16xi32>
          %gather3A_416 = tpu.dynamic_gather %gather3A_309[%gather3A_415] in [0] : vector<16xi32>, vector<16xi32> -> vector<16xi32>
          %mul3A_417 = arith.constant 16 : i32
          %mul3A_418 = arith.muli %while3A_303, %mul3A_417 : i32
          %add3A_419 = vector.broadcast %mul3A_418 : i32 to vector<16xi32>
          %add3A_420 = arith.addi %add3A_419, %and3A_41 : vector<16xi32>
          %gt3A_421 = arith.cmpi sgt, %gather3A_416, %gather3A : vector<16xi32>
          %eq3A_422 = arith.cmpi eq, %gather3A_416, %gather3A : vector<16xi32>
          %lt3A_423 = arith.cmpi slt, %add3A_420, %add3A_269 : vector<16xi32>
          %and3A_424 = arith.andi %eq3A_422, %lt3A_423 : vector<16xi1>
          %or3A_425 = arith.ori %gt3A_421, %and3A_424 : vector<16xi1>
          %jit3A_426 = arith.constant 1 : i32
          %jit3A_427 = arith.constant 0 : i32
          %broadcast_in_dim3A_428 = vector.broadcast %jit3A_426 : i32 to vector<16xi32>
          %broadcast_in_dim3A_429 = vector.broadcast %jit3A_427 : i32 to vector<16xi32>
          %select_n3A_430 = arith.select %or3A_425, %broadcast_in_dim3A_428, %broadcast_in_dim3A_429 : vector<16xi1>, vector<16xi32>
          %add3A_431 = arith.addi %add3A_413, %select_n3A_430 : vector<16xi32>
          %broadcast_in_dim3A_432 = vector.shape_cast %and3A_47 : vector<16xi32> to vector<16x1xi32>
          %gather3A_433 = vector.shape_cast %broadcast_in_dim3A_432 : vector<16x1xi32> to vector<16xi32>
          %gather3A_434 = tpu.dynamic_gather %gather3A_309[%gather3A_433] in [0] : vector<16xi32>, vector<16xi32> -> vector<16xi32>
          %mul3A_435 = arith.constant 16 : i32
          %mul3A_436 = arith.muli %while3A_303, %mul3A_435 : i32
          %add3A_437 = vector.broadcast %mul3A_436 : i32 to vector<16xi32>
          %add3A_438 = arith.addi %add3A_437, %and3A_47 : vector<16xi32>
          %gt3A_439 = arith.cmpi sgt, %gather3A_434, %gather3A : vector<16xi32>
          %eq3A_440 = arith.cmpi eq, %gather3A_434, %gather3A : vector<16xi32>
          %lt3A_441 = arith.cmpi slt, %add3A_438, %add3A_269 : vector<16xi32>
          %and3A_442 = arith.andi %eq3A_440, %lt3A_441 : vector<16xi1>
          %or3A_443 = arith.ori %gt3A_439, %and3A_442 : vector<16xi1>
          %jit3A_444 = arith.constant 1 : i32
          %jit3A_445 = arith.constant 0 : i32
          %broadcast_in_dim3A_446 = vector.broadcast %jit3A_444 : i32 to vector<16xi32>
          %broadcast_in_dim3A_447 = vector.broadcast %jit3A_445 : i32 to vector<16xi32>
          %select_n3A_448 = arith.select %or3A_443, %broadcast_in_dim3A_446, %broadcast_in_dim3A_447 : vector<16xi1>, vector<16xi32>
          %add3A_449 = arith.addi %add3A_431, %select_n3A_448 : vector<16xi32>
          %broadcast_in_dim3A_450 = vector.shape_cast %and3A_53 : vector<16xi32> to vector<16x1xi32>
          %gather3A_451 = vector.shape_cast %broadcast_in_dim3A_450 : vector<16x1xi32> to vector<16xi32>
          %gather3A_452 = tpu.dynamic_gather %gather3A_309[%gather3A_451] in [0] : vector<16xi32>, vector<16xi32> -> vector<16xi32>
          %mul3A_453 = arith.constant 16 : i32
          %mul3A_454 = arith.muli %while3A_303, %mul3A_453 : i32
          %add3A_455 = vector.broadcast %mul3A_454 : i32 to vector<16xi32>
          %add3A_456 = arith.addi %add3A_455, %and3A_53 : vector<16xi32>
          %gt3A_457 = arith.cmpi sgt, %gather3A_452, %gather3A : vector<16xi32>
          %eq3A_458 = arith.cmpi eq, %gather3A_452, %gather3A : vector<16xi32>
          %lt3A_459 = arith.cmpi slt, %add3A_456, %add3A_269 : vector<16xi32>
          %and3A_460 = arith.andi %eq3A_458, %lt3A_459 : vector<16xi1>
          %or3A_461 = arith.ori %gt3A_457, %and3A_460 : vector<16xi1>
          %jit3A_462 = arith.constant 1 : i32
          %jit3A_463 = arith.constant 0 : i32
          %broadcast_in_dim3A_464 = vector.broadcast %jit3A_462 : i32 to vector<16xi32>
          %broadcast_in_dim3A_465 = vector.broadcast %jit3A_463 : i32 to vector<16xi32>
          %select_n3A_466 = arith.select %or3A_461, %broadcast_in_dim3A_464, %broadcast_in_dim3A_465 : vector<16xi1>, vector<16xi32>
          %add3A_467 = arith.addi %add3A_449, %select_n3A_466 : vector<16xi32>
          %broadcast_in_dim3A_468 = vector.shape_cast %and3A_59 : vector<16xi32> to vector<16x1xi32>
          %gather3A_469 = vector.shape_cast %broadcast_in_dim3A_468 : vector<16x1xi32> to vector<16xi32>
          %gather3A_470 = tpu.dynamic_gather %gather3A_309[%gather3A_469] in [0] : vector<16xi32>, vector<16xi32> -> vector<16xi32>
          %mul3A_471 = arith.constant 16 : i32
          %mul3A_472 = arith.muli %while3A_303, %mul3A_471 : i32
          %add3A_473 = vector.broadcast %mul3A_472 : i32 to vector<16xi32>
          %add3A_474 = arith.addi %add3A_473, %and3A_59 : vector<16xi32>
          %gt3A_475 = arith.cmpi sgt, %gather3A_470, %gather3A : vector<16xi32>
          %eq3A_476 = arith.cmpi eq, %gather3A_470, %gather3A : vector<16xi32>
          %lt3A_477 = arith.cmpi slt, %add3A_474, %add3A_269 : vector<16xi32>
          %and3A_478 = arith.andi %eq3A_476, %lt3A_477 : vector<16xi1>
          %or3A_479 = arith.ori %gt3A_475, %and3A_478 : vector<16xi1>
          %jit3A_480 = arith.constant 1 : i32
          %jit3A_481 = arith.constant 0 : i32
          %broadcast_in_dim3A_482 = vector.broadcast %jit3A_480 : i32 to vector<16xi32>
          %broadcast_in_dim3A_483 = vector.broadcast %jit3A_481 : i32 to vector<16xi32>
          %select_n3A_484 = arith.select %or3A_479, %broadcast_in_dim3A_482, %broadcast_in_dim3A_483 : vector<16xi1>, vector<16xi32>
          %add3A_485 = arith.addi %add3A_467, %select_n3A_484 : vector<16xi32>
          %broadcast_in_dim3A_486 = vector.shape_cast %and3A_65 : vector<16xi32> to vector<16x1xi32>
          %gather3A_487 = vector.shape_cast %broadcast_in_dim3A_486 : vector<16x1xi32> to vector<16xi32>
          %gather3A_488 = tpu.dynamic_gather %gather3A_309[%gather3A_487] in [0] : vector<16xi32>, vector<16xi32> -> vector<16xi32>
          %mul3A_489 = arith.constant 16 : i32
          %mul3A_490 = arith.muli %while3A_303, %mul3A_489 : i32
          %add3A_491 = vector.broadcast %mul3A_490 : i32 to vector<16xi32>
          %add3A_492 = arith.addi %add3A_491, %and3A_65 : vector<16xi32>
          %gt3A_493 = arith.cmpi sgt, %gather3A_488, %gather3A : vector<16xi32>
          %eq3A_494 = arith.cmpi eq, %gather3A_488, %gather3A : vector<16xi32>
          %lt3A_495 = arith.cmpi slt, %add3A_492, %add3A_269 : vector<16xi32>
          %and3A_496 = arith.andi %eq3A_494, %lt3A_495 : vector<16xi1>
          %or3A_497 = arith.ori %gt3A_493, %and3A_496 : vector<16xi1>
          %jit3A_498 = arith.constant 1 : i32
          %jit3A_499 = arith.constant 0 : i32
          %broadcast_in_dim3A_500 = vector.broadcast %jit3A_498 : i32 to vector<16xi32>
          %broadcast_in_dim3A_501 = vector.broadcast %jit3A_499 : i32 to vector<16xi32>
          %select_n3A_502 = arith.select %or3A_497, %broadcast_in_dim3A_500, %broadcast_in_dim3A_501 : vector<16xi1>, vector<16xi32>
          %add3A_503 = arith.addi %add3A_485, %select_n3A_502 : vector<16xi32>
          %broadcast_in_dim3A_504 = vector.shape_cast %and3A_71 : vector<16xi32> to vector<16x1xi32>
          %gather3A_505 = vector.shape_cast %broadcast_in_dim3A_504 : vector<16x1xi32> to vector<16xi32>
          %gather3A_506 = tpu.dynamic_gather %gather3A_309[%gather3A_505] in [0] : vector<16xi32>, vector<16xi32> -> vector<16xi32>
          %mul3A_507 = arith.constant 16 : i32
          %mul3A_508 = arith.muli %while3A_303, %mul3A_507 : i32
          %add3A_509 = vector.broadcast %mul3A_508 : i32 to vector<16xi32>
          %add3A_510 = arith.addi %add3A_509, %and3A_71 : vector<16xi32>
          %gt3A_511 = arith.cmpi sgt, %gather3A_506, %gather3A : vector<16xi32>
          %eq3A_512 = arith.cmpi eq, %gather3A_506, %gather3A : vector<16xi32>
          %lt3A_513 = arith.cmpi slt, %add3A_510, %add3A_269 : vector<16xi32>
          %and3A_514 = arith.andi %eq3A_512, %lt3A_513 : vector<16xi1>
          %or3A_515 = arith.ori %gt3A_511, %and3A_514 : vector<16xi1>
          %jit3A_516 = arith.constant 1 : i32
          %jit3A_517 = arith.constant 0 : i32
          %broadcast_in_dim3A_518 = vector.broadcast %jit3A_516 : i32 to vector<16xi32>
          %broadcast_in_dim3A_519 = vector.broadcast %jit3A_517 : i32 to vector<16xi32>
          %select_n3A_520 = arith.select %or3A_515, %broadcast_in_dim3A_518, %broadcast_in_dim3A_519 : vector<16xi1>, vector<16xi32>
          %add3A_521 = arith.addi %add3A_503, %select_n3A_520 : vector<16xi32>
          %broadcast_in_dim3A_522 = vector.shape_cast %and3A_77 : vector<16xi32> to vector<16x1xi32>
          %gather3A_523 = vector.shape_cast %broadcast_in_dim3A_522 : vector<16x1xi32> to vector<16xi32>
          %gather3A_524 = tpu.dynamic_gather %gather3A_309[%gather3A_523] in [0] : vector<16xi32>, vector<16xi32> -> vector<16xi32>
          %mul3A_525 = arith.constant 16 : i32
          %mul3A_526 = arith.muli %while3A_303, %mul3A_525 : i32
          %add3A_527 = vector.broadcast %mul3A_526 : i32 to vector<16xi32>
          %add3A_528 = arith.addi %add3A_527, %and3A_77 : vector<16xi32>
          %gt3A_529 = arith.cmpi sgt, %gather3A_524, %gather3A : vector<16xi32>
          %eq3A_530 = arith.cmpi eq, %gather3A_524, %gather3A : vector<16xi32>
          %lt3A_531 = arith.cmpi slt, %add3A_528, %add3A_269 : vector<16xi32>
          %and3A_532 = arith.andi %eq3A_530, %lt3A_531 : vector<16xi1>
          %or3A_533 = arith.ori %gt3A_529, %and3A_532 : vector<16xi1>
          %jit3A_534 = arith.constant 1 : i32
          %jit3A_535 = arith.constant 0 : i32
          %broadcast_in_dim3A_536 = vector.broadcast %jit3A_534 : i32 to vector<16xi32>
          %broadcast_in_dim3A_537 = vector.broadcast %jit3A_535 : i32 to vector<16xi32>
          %select_n3A_538 = arith.select %or3A_533, %broadcast_in_dim3A_536, %broadcast_in_dim3A_537 : vector<16xi1>, vector<16xi32>
          %add3A_539 = arith.addi %add3A_521, %select_n3A_538 : vector<16xi32>
          %broadcast_in_dim3A_540 = vector.shape_cast %and3A_83 : vector<16xi32> to vector<16x1xi32>
          %gather3A_541 = vector.shape_cast %broadcast_in_dim3A_540 : vector<16x1xi32> to vector<16xi32>
          %gather3A_542 = tpu.dynamic_gather %gather3A_309[%gather3A_541] in [0] : vector<16xi32>, vector<16xi32> -> vector<16xi32>
          %mul3A_543 = arith.constant 16 : i32
          %mul3A_544 = arith.muli %while3A_303, %mul3A_543 : i32
          %add3A_545 = vector.broadcast %mul3A_544 : i32 to vector<16xi32>
          %add3A_546 = arith.addi %add3A_545, %and3A_83 : vector<16xi32>
          %gt3A_547 = arith.cmpi sgt, %gather3A_542, %gather3A : vector<16xi32>
          %eq3A_548 = arith.cmpi eq, %gather3A_542, %gather3A : vector<16xi32>
          %lt3A_549 = arith.cmpi slt, %add3A_546, %add3A_269 : vector<16xi32>
          %and3A_550 = arith.andi %eq3A_548, %lt3A_549 : vector<16xi1>
          %or3A_551 = arith.ori %gt3A_547, %and3A_550 : vector<16xi1>
          %jit3A_552 = arith.constant 1 : i32
          %jit3A_553 = arith.constant 0 : i32
          %broadcast_in_dim3A_554 = vector.broadcast %jit3A_552 : i32 to vector<16xi32>
          %broadcast_in_dim3A_555 = vector.broadcast %jit3A_553 : i32 to vector<16xi32>
          %select_n3A_556 = arith.select %or3A_551, %broadcast_in_dim3A_554, %broadcast_in_dim3A_555 : vector<16xi1>, vector<16xi32>
          %add3A_557 = arith.addi %add3A_539, %select_n3A_556 : vector<16xi32>
          %broadcast_in_dim3A_558 = vector.shape_cast %and3A_89 : vector<16xi32> to vector<16x1xi32>
          %gather3A_559 = vector.shape_cast %broadcast_in_dim3A_558 : vector<16x1xi32> to vector<16xi32>
          %gather3A_560 = tpu.dynamic_gather %gather3A_309[%gather3A_559] in [0] : vector<16xi32>, vector<16xi32> -> vector<16xi32>
          %mul3A_561 = arith.constant 16 : i32
          %mul3A_562 = arith.muli %while3A_303, %mul3A_561 : i32
          %add3A_563 = vector.broadcast %mul3A_562 : i32 to vector<16xi32>
          %add3A_564 = arith.addi %add3A_563, %and3A_89 : vector<16xi32>
          %gt3A_565 = arith.cmpi sgt, %gather3A_560, %gather3A : vector<16xi32>
          %eq3A_566 = arith.cmpi eq, %gather3A_560, %gather3A : vector<16xi32>
          %lt3A_567 = arith.cmpi slt, %add3A_564, %add3A_269 : vector<16xi32>
          %and3A_568 = arith.andi %eq3A_566, %lt3A_567 : vector<16xi1>
          %or3A_569 = arith.ori %gt3A_565, %and3A_568 : vector<16xi1>
          %jit3A_570 = arith.constant 1 : i32
          %jit3A_571 = arith.constant 0 : i32
          %broadcast_in_dim3A_572 = vector.broadcast %jit3A_570 : i32 to vector<16xi32>
          %broadcast_in_dim3A_573 = vector.broadcast %jit3A_571 : i32 to vector<16xi32>
          %select_n3A_574 = arith.select %or3A_569, %broadcast_in_dim3A_572, %broadcast_in_dim3A_573 : vector<16xi1>, vector<16xi32>
          %add3A_575 = arith.addi %add3A_557, %select_n3A_574 : vector<16xi32>
          %broadcast_in_dim3A_576 = vector.shape_cast %and3A_95 : vector<16xi32> to vector<16x1xi32>
          %gather3A_577 = vector.shape_cast %broadcast_in_dim3A_576 : vector<16x1xi32> to vector<16xi32>
          %gather3A_578 = tpu.dynamic_gather %gather3A_309[%gather3A_577] in [0] : vector<16xi32>, vector<16xi32> -> vector<16xi32>
          %mul3A_579 = arith.constant 16 : i32
          %mul3A_580 = arith.muli %while3A_303, %mul3A_579 : i32
          %add3A_581 = vector.broadcast %mul3A_580 : i32 to vector<16xi32>
          %add3A_582 = arith.addi %add3A_581, %and3A_95 : vector<16xi32>
          %gt3A_583 = arith.cmpi sgt, %gather3A_578, %gather3A : vector<16xi32>
          %eq3A_584 = arith.cmpi eq, %gather3A_578, %gather3A : vector<16xi32>
          %lt3A_585 = arith.cmpi slt, %add3A_582, %add3A_269 : vector<16xi32>
          %and3A_586 = arith.andi %eq3A_584, %lt3A_585 : vector<16xi1>
          %or3A_587 = arith.ori %gt3A_583, %and3A_586 : vector<16xi1>
          %jit3A_588 = arith.constant 1 : i32
          %jit3A_589 = arith.constant 0 : i32
          %broadcast_in_dim3A_590 = vector.broadcast %jit3A_588 : i32 to vector<16xi32>
          %broadcast_in_dim3A_591 = vector.broadcast %jit3A_589 : i32 to vector<16xi32>
          %select_n3A_592 = arith.select %or3A_587, %broadcast_in_dim3A_590, %broadcast_in_dim3A_591 : vector<16xi1>, vector<16xi32>
          %add3A_593 = arith.addi %add3A_575, %select_n3A_592 : vector<16xi32>
          scf.yield %add3A_593 : vector<16xi32>
        }
        %while3A_281 = arith.constant 1 : i32
        %while3A_282 = scf.for %while3A_303 = %while3A_278 to %while3A_274 step %while3A_281 iter_args(%while3A_304 = %while3A_280) -> (vector<16xi32>)  : i32 {
          %mul3A_305 = arith.constant 16 : i32
          %mul3A_306 = arith.muli %while3A_303, %mul3A_305 : i32
          %get3A_307 = arith.index_cast %mul3A_306 : i32 to index
          %get3A_308 = tpu.vector_load %arg15[%get3A_307] {strides = array<i32>} : memref<144xi32, #tpu.memory_space<vmem>>, vector<16xi32>,
          %gather3A_309 = tpu.vector_load_idx %arg9[%get3A_308] : memref<12560xi32, #tpu.memory_space<vmem>>[vector<16xi32>], vector<16xi32>,
          %broadcast_in_dim3A_310 = vector.shape_cast %and3A_5 : vector<16xi32> to vector<16x1xi32>
          %gather3A_311 = vector.shape_cast %broadcast_in_dim3A_310 : vector<16x1xi32> to vector<16xi32>
          %gather3A_312 = tpu.dynamic_gather %gather3A_309[%gather3A_311] in [0] : vector<16xi32>, vector<16xi32> -> vector<16xi32>
          %mul3A_313 = arith.constant 16 : i32
          %mul3A_314 = arith.muli %while3A_303, %mul3A_313 : i32
          %add3A_315 = vector.broadcast %mul3A_314 : i32 to vector<16xi32>
          %add3A_316 = arith.addi %add3A_315, %and3A_5 : vector<16xi32>
          %gt3A = arith.cmpi sgt, %gather3A_312, %gather3A : vector<16xi32>
          %eq3A = arith.cmpi eq, %gather3A_312, %gather3A : vector<16xi32>
          %lt3A_317 = arith.cmpi slt, %add3A_316, %add3A_269 : vector<16xi32>
          %and3A_318 = arith.andi %eq3A, %lt3A_317 : vector<16xi1>
          %or3A = arith.ori %gt3A, %and3A_318 : vector<16xi1>
          %jit3A = arith.constant 1 : i32
          %jit3A_319 = arith.constant 0 : i32
          %broadcast_in_dim3A_320 = vector.broadcast %jit3A : i32 to vector<16xi32>
          %broadcast_in_dim3A_321 = vector.broadcast %jit3A_319 : i32 to vector<16xi32>
          %select_n3A_322 = arith.select %or3A, %broadcast_in_dim3A_320, %broadcast_in_dim3A_321 : vector<16xi1>, vector<16xi32>
          %add3A_323 = arith.addi %while3A_304, %select_n3A_322 : vector<16xi32>
          %broadcast_in_dim3A_324 = vector.shape_cast %and3A_11 : vector<16xi32> to vector<16x1xi32>
          %gather3A_325 = vector.shape_cast %broadcast_in_dim3A_324 : vector<16x1xi32> to vector<16xi32>
          %gather3A_326 = tpu.dynamic_gather %gather3A_309[%gather3A_325] in [0] : vector<16xi32>, vector<16xi32> -> vector<16xi32>
          %mul3A_327 = arith.constant 16 : i32
          %mul3A_328 = arith.muli %while3A_303, %mul3A_327 : i32
          %add3A_329 = vector.broadcast %mul3A_328 : i32 to vector<16xi32>
          %add3A_330 = arith.addi %add3A_329, %and3A_11 : vector<16xi32>
          %gt3A_331 = arith.cmpi sgt, %gather3A_326, %gather3A : vector<16xi32>
          %eq3A_332 = arith.cmpi eq, %gather3A_326, %gather3A : vector<16xi32>
          %lt3A_333 = arith.cmpi slt, %add3A_330, %add3A_269 : vector<16xi32>
          %and3A_334 = arith.andi %eq3A_332, %lt3A_333 : vector<16xi1>
          %or3A_335 = arith.ori %gt3A_331, %and3A_334 : vector<16xi1>
          %jit3A_336 = arith.constant 1 : i32
          %jit3A_337 = arith.constant 0 : i32
          %broadcast_in_dim3A_338 = vector.broadcast %jit3A_336 : i32 to vector<16xi32>
          %broadcast_in_dim3A_339 = vector.broadcast %jit3A_337 : i32 to vector<16xi32>
          %select_n3A_340 = arith.select %or3A_335, %broadcast_in_dim3A_338, %broadcast_in_dim3A_339 : vector<16xi1>, vector<16xi32>
          %add3A_341 = arith.addi %add3A_323, %select_n3A_340 : vector<16xi32>
          %broadcast_in_dim3A_342 = vector.shape_cast %and3A_17 : vector<16xi32> to vector<16x1xi32>
          %gather3A_343 = vector.shape_cast %broadcast_in_dim3A_342 : vector<16x1xi32> to vector<16xi32>
          %gather3A_344 = tpu.dynamic_gather %gather3A_309[%gather3A_343] in [0] : vector<16xi32>, vector<16xi32> -> vector<16xi32>
          %mul3A_345 = arith.constant 16 : i32
          %mul3A_346 = arith.muli %while3A_303, %mul3A_345 : i32
          %add3A_347 = vector.broadcast %mul3A_346 : i32 to vector<16xi32>
          %add3A_348 = arith.addi %add3A_347, %and3A_17 : vector<16xi32>
          %gt3A_349 = arith.cmpi sgt, %gather3A_344, %gather3A : vector<16xi32>
          %eq3A_350 = arith.cmpi eq, %gather3A_344, %gather3A : vector<16xi32>
          %lt3A_351 = arith.cmpi slt, %add3A_348, %add3A_269 : vector<16xi32>
          %and3A_352 = arith.andi %eq3A_350, %lt3A_351 : vector<16xi1>
          %or3A_353 = arith.ori %gt3A_349, %and3A_352 : vector<16xi1>
          %jit3A_354 = arith.constant 1 : i32
          %jit3A_355 = arith.constant 0 : i32
          %broadcast_in_dim3A_356 = vector.broadcast %jit3A_354 : i32 to vector<16xi32>
          %broadcast_in_dim3A_357 = vector.broadcast %jit3A_355 : i32 to vector<16xi32>
          %select_n3A_358 = arith.select %or3A_353, %broadcast_in_dim3A_356, %broadcast_in_dim3A_357 : vector<16xi1>, vector<16xi32>
          %add3A_359 = arith.addi %add3A_341, %select_n3A_358 : vector<16xi32>
          %broadcast_in_dim3A_360 = vector.shape_cast %and3A_23 : vector<16xi32> to vector<16x1xi32>
          %gather3A_361 = vector.shape_cast %broadcast_in_dim3A_360 : vector<16x1xi32> to vector<16xi32>
          %gather3A_362 = tpu.dynamic_gather %gather3A_309[%gather3A_361] in [0] : vector<16xi32>, vector<16xi32> -> vector<16xi32>
          %mul3A_363 = arith.constant 16 : i32
          %mul3A_364 = arith.muli %while3A_303, %mul3A_363 : i32
          %add3A_365 = vector.broadcast %mul3A_364 : i32 to vector<16xi32>
          %add3A_366 = arith.addi %add3A_365, %and3A_23 : vector<16xi32>
          %gt3A_367 = arith.cmpi sgt, %gather3A_362, %gather3A : vector<16xi32>
          %eq3A_368 = arith.cmpi eq, %gather3A_362, %gather3A : vector<16xi32>
          %lt3A_369 = arith.cmpi slt, %add3A_366, %add3A_269 : vector<16xi32>
          %and3A_370 = arith.andi %eq3A_368, %lt3A_369 : vector<16xi1>
          %or3A_371 = arith.ori %gt3A_367, %and3A_370 : vector<16xi1>
          %jit3A_372 = arith.constant 1 : i32
          %jit3A_373 = arith.constant 0 : i32
          %broadcast_in_dim3A_374 = vector.broadcast %jit3A_372 : i32 to vector<16xi32>
          %broadcast_in_dim3A_375 = vector.broadcast %jit3A_373 : i32 to vector<16xi32>
          %select_n3A_376 = arith.select %or3A_371, %broadcast_in_dim3A_374, %broadcast_in_dim3A_375 : vector<16xi1>, vector<16xi32>
          %add3A_377 = arith.addi %add3A_359, %select_n3A_376 : vector<16xi32>
          %broadcast_in_dim3A_378 = vector.shape_cast %and3A_29 : vector<16xi32> to vector<16x1xi32>
          %gather3A_379 = vector.shape_cast %broadcast_in_dim3A_378 : vector<16x1xi32> to vector<16xi32>
          %gather3A_380 = tpu.dynamic_gather %gather3A_309[%gather3A_379] in [0] : vector<16xi32>, vector<16xi32> -> vector<16xi32>
          %mul3A_381 = arith.constant 16 : i32
          %mul3A_382 = arith.muli %while3A_303, %mul3A_381 : i32
          %add3A_383 = vector.broadcast %mul3A_382 : i32 to vector<16xi32>
          %add3A_384 = arith.addi %add3A_383, %and3A_29 : vector<16xi32>
          %gt3A_385 = arith.cmpi sgt, %gather3A_380, %gather3A : vector<16xi32>
          %eq3A_386 = arith.cmpi eq, %gather3A_380, %gather3A : vector<16xi32>
          %lt3A_387 = arith.cmpi slt, %add3A_384, %add3A_269 : vector<16xi32>
          %and3A_388 = arith.andi %eq3A_386, %lt3A_387 : vector<16xi1>
          %or3A_389 = arith.ori %gt3A_385, %and3A_388 : vector<16xi1>
          %jit3A_390 = arith.constant 1 : i32
          %jit3A_391 = arith.constant 0 : i32
          %broadcast_in_dim3A_392 = vector.broadcast %jit3A_390 : i32 to vector<16xi32>
          %broadcast_in_dim3A_393 = vector.broadcast %jit3A_391 : i32 to vector<16xi32>
          %select_n3A_394 = arith.select %or3A_389, %broadcast_in_dim3A_392, %broadcast_in_dim3A_393 : vector<16xi1>, vector<16xi32>
          %add3A_395 = arith.addi %add3A_377, %select_n3A_394 : vector<16xi32>
          %broadcast_in_dim3A_396 = vector.shape_cast %and3A_35 : vector<16xi32> to vector<16x1xi32>
          %gather3A_397 = vector.shape_cast %broadcast_in_dim3A_396 : vector<16x1xi32> to vector<16xi32>
          %gather3A_398 = tpu.dynamic_gather %gather3A_309[%gather3A_397] in [0] : vector<16xi32>, vector<16xi32> -> vector<16xi32>
          %mul3A_399 = arith.constant 16 : i32
          %mul3A_400 = arith.muli %while3A_303, %mul3A_399 : i32
          %add3A_401 = vector.broadcast %mul3A_400 : i32 to vector<16xi32>
          %add3A_402 = arith.addi %add3A_401, %and3A_35 : vector<16xi32>
          %gt3A_403 = arith.cmpi sgt, %gather3A_398, %gather3A : vector<16xi32>
          %eq3A_404 = arith.cmpi eq, %gather3A_398, %gather3A : vector<16xi32>
          %lt3A_405 = arith.cmpi slt, %add3A_402, %add3A_269 : vector<16xi32>
          %and3A_406 = arith.andi %eq3A_404, %lt3A_405 : vector<16xi1>
          %or3A_407 = arith.ori %gt3A_403, %and3A_406 : vector<16xi1>
          %jit3A_408 = arith.constant 1 : i32
          %jit3A_409 = arith.constant 0 : i32
          %broadcast_in_dim3A_410 = vector.broadcast %jit3A_408 : i32 to vector<16xi32>
          %broadcast_in_dim3A_411 = vector.broadcast %jit3A_409 : i32 to vector<16xi32>
          %select_n3A_412 = arith.select %or3A_407, %broadcast_in_dim3A_410, %broadcast_in_dim3A_411 : vector<16xi1>, vector<16xi32>
          %add3A_413 = arith.addi %add3A_395, %select_n3A_412 : vector<16xi32>
          %broadcast_in_dim3A_414 = vector.shape_cast %and3A_41 : vector<16xi32> to vector<16x1xi32>
          %gather3A_415 = vector.shape_cast %broadcast_in_dim3A_414 : vector<16x1xi32> to vector<16xi32>
          %gather3A_416 = tpu.dynamic_gather %gather3A_309[%gather3A_415] in [0] : vector<16xi32>, vector<16xi32> -> vector<16xi32>
          %mul3A_417 = arith.constant 16 : i32
          %mul3A_418 = arith.muli %while3A_303, %mul3A_417 : i32
          %add3A_419 = vector.broadcast %mul3A_418 : i32 to vector<16xi32>
          %add3A_420 = arith.addi %add3A_419, %and3A_41 : vector<16xi32>
          %gt3A_421 = arith.cmpi sgt, %gather3A_416, %gather3A : vector<16xi32>
          %eq3A_422 = arith.cmpi eq, %gather3A_416, %gather3A : vector<16xi32>
          %lt3A_423 = arith.cmpi slt, %add3A_420, %add3A_269 : vector<16xi32>
          %and3A_424 = arith.andi %eq3A_422, %lt3A_423 : vector<16xi1>
          %or3A_425 = arith.ori %gt3A_421, %and3A_424 : vector<16xi1>
          %jit3A_426 = arith.constant 1 : i32
          %jit3A_427 = arith.constant 0 : i32
          %broadcast_in_dim3A_428 = vector.broadcast %jit3A_426 : i32 to vector<16xi32>
          %broadcast_in_dim3A_429 = vector.broadcast %jit3A_427 : i32 to vector<16xi32>
          %select_n3A_430 = arith.select %or3A_425, %broadcast_in_dim3A_428, %broadcast_in_dim3A_429 : vector<16xi1>, vector<16xi32>
          %add3A_431 = arith.addi %add3A_413, %select_n3A_430 : vector<16xi32>
          %broadcast_in_dim3A_432 = vector.shape_cast %and3A_47 : vector<16xi32> to vector<16x1xi32>
          %gather3A_433 = vector.shape_cast %broadcast_in_dim3A_432 : vector<16x1xi32> to vector<16xi32>
          %gather3A_434 = tpu.dynamic_gather %gather3A_309[%gather3A_433] in [0] : vector<16xi32>, vector<16xi32> -> vector<16xi32>
          %mul3A_435 = arith.constant 16 : i32
          %mul3A_436 = arith.muli %while3A_303, %mul3A_435 : i32
          %add3A_437 = vector.broadcast %mul3A_436 : i32 to vector<16xi32>
          %add3A_438 = arith.addi %add3A_437, %and3A_47 : vector<16xi32>
          %gt3A_439 = arith.cmpi sgt, %gather3A_434, %gather3A : vector<16xi32>
          %eq3A_440 = arith.cmpi eq, %gather3A_434, %gather3A : vector<16xi32>
          %lt3A_441 = arith.cmpi slt, %add3A_438, %add3A_269 : vector<16xi32>
          %and3A_442 = arith.andi %eq3A_440, %lt3A_441 : vector<16xi1>
          %or3A_443 = arith.ori %gt3A_439, %and3A_442 : vector<16xi1>
          %jit3A_444 = arith.constant 1 : i32
          %jit3A_445 = arith.constant 0 : i32
          %broadcast_in_dim3A_446 = vector.broadcast %jit3A_444 : i32 to vector<16xi32>
          %broadcast_in_dim3A_447 = vector.broadcast %jit3A_445 : i32 to vector<16xi32>
          %select_n3A_448 = arith.select %or3A_443, %broadcast_in_dim3A_446, %broadcast_in_dim3A_447 : vector<16xi1>, vector<16xi32>
          %add3A_449 = arith.addi %add3A_431, %select_n3A_448 : vector<16xi32>
          %broadcast_in_dim3A_450 = vector.shape_cast %and3A_53 : vector<16xi32> to vector<16x1xi32>
          %gather3A_451 = vector.shape_cast %broadcast_in_dim3A_450 : vector<16x1xi32> to vector<16xi32>
          %gather3A_452 = tpu.dynamic_gather %gather3A_309[%gather3A_451] in [0] : vector<16xi32>, vector<16xi32> -> vector<16xi32>
          %mul3A_453 = arith.constant 16 : i32
          %mul3A_454 = arith.muli %while3A_303, %mul3A_453 : i32
          %add3A_455 = vector.broadcast %mul3A_454 : i32 to vector<16xi32>
          %add3A_456 = arith.addi %add3A_455, %and3A_53 : vector<16xi32>
          %gt3A_457 = arith.cmpi sgt, %gather3A_452, %gather3A : vector<16xi32>
          %eq3A_458 = arith.cmpi eq, %gather3A_452, %gather3A : vector<16xi32>
          %lt3A_459 = arith.cmpi slt, %add3A_456, %add3A_269 : vector<16xi32>
          %and3A_460 = arith.andi %eq3A_458, %lt3A_459 : vector<16xi1>
          %or3A_461 = arith.ori %gt3A_457, %and3A_460 : vector<16xi1>
          %jit3A_462 = arith.constant 1 : i32
          %jit3A_463 = arith.constant 0 : i32
          %broadcast_in_dim3A_464 = vector.broadcast %jit3A_462 : i32 to vector<16xi32>
          %broadcast_in_dim3A_465 = vector.broadcast %jit3A_463 : i32 to vector<16xi32>
          %select_n3A_466 = arith.select %or3A_461, %broadcast_in_dim3A_464, %broadcast_in_dim3A_465 : vector<16xi1>, vector<16xi32>
          %add3A_467 = arith.addi %add3A_449, %select_n3A_466 : vector<16xi32>
          %broadcast_in_dim3A_468 = vector.shape_cast %and3A_59 : vector<16xi32> to vector<16x1xi32>
          %gather3A_469 = vector.shape_cast %broadcast_in_dim3A_468 : vector<16x1xi32> to vector<16xi32>
          %gather3A_470 = tpu.dynamic_gather %gather3A_309[%gather3A_469] in [0] : vector<16xi32>, vector<16xi32> -> vector<16xi32>
          %mul3A_471 = arith.constant 16 : i32
          %mul3A_472 = arith.muli %while3A_303, %mul3A_471 : i32
          %add3A_473 = vector.broadcast %mul3A_472 : i32 to vector<16xi32>
          %add3A_474 = arith.addi %add3A_473, %and3A_59 : vector<16xi32>
          %gt3A_475 = arith.cmpi sgt, %gather3A_470, %gather3A : vector<16xi32>
          %eq3A_476 = arith.cmpi eq, %gather3A_470, %gather3A : vector<16xi32>
          %lt3A_477 = arith.cmpi slt, %add3A_474, %add3A_269 : vector<16xi32>
          %and3A_478 = arith.andi %eq3A_476, %lt3A_477 : vector<16xi1>
          %or3A_479 = arith.ori %gt3A_475, %and3A_478 : vector<16xi1>
          %jit3A_480 = arith.constant 1 : i32
          %jit3A_481 = arith.constant 0 : i32
          %broadcast_in_dim3A_482 = vector.broadcast %jit3A_480 : i32 to vector<16xi32>
          %broadcast_in_dim3A_483 = vector.broadcast %jit3A_481 : i32 to vector<16xi32>
          %select_n3A_484 = arith.select %or3A_479, %broadcast_in_dim3A_482, %broadcast_in_dim3A_483 : vector<16xi1>, vector<16xi32>
          %add3A_485 = arith.addi %add3A_467, %select_n3A_484 : vector<16xi32>
          %broadcast_in_dim3A_486 = vector.shape_cast %and3A_65 : vector<16xi32> to vector<16x1xi32>
          %gather3A_487 = vector.shape_cast %broadcast_in_dim3A_486 : vector<16x1xi32> to vector<16xi32>
          %gather3A_488 = tpu.dynamic_gather %gather3A_309[%gather3A_487] in [0] : vector<16xi32>, vector<16xi32> -> vector<16xi32>
          %mul3A_489 = arith.constant 16 : i32
          %mul3A_490 = arith.muli %while3A_303, %mul3A_489 : i32
          %add3A_491 = vector.broadcast %mul3A_490 : i32 to vector<16xi32>
          %add3A_492 = arith.addi %add3A_491, %and3A_65 : vector<16xi32>
          %gt3A_493 = arith.cmpi sgt, %gather3A_488, %gather3A : vector<16xi32>
          %eq3A_494 = arith.cmpi eq, %gather3A_488, %gather3A : vector<16xi32>
          %lt3A_495 = arith.cmpi slt, %add3A_492, %add3A_269 : vector<16xi32>
          %and3A_496 = arith.andi %eq3A_494, %lt3A_495 : vector<16xi1>
          %or3A_497 = arith.ori %gt3A_493, %and3A_496 : vector<16xi1>
          %jit3A_498 = arith.constant 1 : i32
          %jit3A_499 = arith.constant 0 : i32
          %broadcast_in_dim3A_500 = vector.broadcast %jit3A_498 : i32 to vector<16xi32>
          %broadcast_in_dim3A_501 = vector.broadcast %jit3A_499 : i32 to vector<16xi32>
          %select_n3A_502 = arith.select %or3A_497, %broadcast_in_dim3A_500, %broadcast_in_dim3A_501 : vector<16xi1>, vector<16xi32>
          %add3A_503 = arith.addi %add3A_485, %select_n3A_502 : vector<16xi32>
          %broadcast_in_dim3A_504 = vector.shape_cast %and3A_71 : vector<16xi32> to vector<16x1xi32>
          %gather3A_505 = vector.shape_cast %broadcast_in_dim3A_504 : vector<16x1xi32> to vector<16xi32>
          %gather3A_506 = tpu.dynamic_gather %gather3A_309[%gather3A_505] in [0] : vector<16xi32>, vector<16xi32> -> vector<16xi32>
          %mul3A_507 = arith.constant 16 : i32
          %mul3A_508 = arith.muli %while3A_303, %mul3A_507 : i32
          %add3A_509 = vector.broadcast %mul3A_508 : i32 to vector<16xi32>
          %add3A_510 = arith.addi %add3A_509, %and3A_71 : vector<16xi32>
          %gt3A_511 = arith.cmpi sgt, %gather3A_506, %gather3A : vector<16xi32>
          %eq3A_512 = arith.cmpi eq, %gather3A_506, %gather3A : vector<16xi32>
          %lt3A_513 = arith.cmpi slt, %add3A_510, %add3A_269 : vector<16xi32>
          %and3A_514 = arith.andi %eq3A_512, %lt3A_513 : vector<16xi1>
          %or3A_515 = arith.ori %gt3A_511, %and3A_514 : vector<16xi1>
          %jit3A_516 = arith.constant 1 : i32
          %jit3A_517 = arith.constant 0 : i32
          %broadcast_in_dim3A_518 = vector.broadcast %jit3A_516 : i32 to vector<16xi32>
          %broadcast_in_dim3A_519 = vector.broadcast %jit3A_517 : i32 to vector<16xi32>
          %select_n3A_520 = arith.select %or3A_515, %broadcast_in_dim3A_518, %broadcast_in_dim3A_519 : vector<16xi1>, vector<16xi32>
          %add3A_521 = arith.addi %add3A_503, %select_n3A_520 : vector<16xi32>
          %broadcast_in_dim3A_522 = vector.shape_cast %and3A_77 : vector<16xi32> to vector<16x1xi32>
          %gather3A_523 = vector.shape_cast %broadcast_in_dim3A_522 : vector<16x1xi32> to vector<16xi32>
          %gather3A_524 = tpu.dynamic_gather %gather3A_309[%gather3A_523] in [0] : vector<16xi32>, vector<16xi32> -> vector<16xi32>
          %mul3A_525 = arith.constant 16 : i32
          %mul3A_526 = arith.muli %while3A_303, %mul3A_525 : i32
          %add3A_527 = vector.broadcast %mul3A_526 : i32 to vector<16xi32>
          %add3A_528 = arith.addi %add3A_527, %and3A_77 : vector<16xi32>
          %gt3A_529 = arith.cmpi sgt, %gather3A_524, %gather3A : vector<16xi32>
          %eq3A_530 = arith.cmpi eq, %gather3A_524, %gather3A : vector<16xi32>
          %lt3A_531 = arith.cmpi slt, %add3A_528, %add3A_269 : vector<16xi32>
          %and3A_532 = arith.andi %eq3A_530, %lt3A_531 : vector<16xi1>
          %or3A_533 = arith.ori %gt3A_529, %and3A_532 : vector<16xi1>
          %jit3A_534 = arith.constant 1 : i32
          %jit3A_535 = arith.constant 0 : i32
          %broadcast_in_dim3A_536 = vector.broadcast %jit3A_534 : i32 to vector<16xi32>
          %broadcast_in_dim3A_537 = vector.broadcast %jit3A_535 : i32 to vector<16xi32>
          %select_n3A_538 = arith.select %or3A_533, %broadcast_in_dim3A_536, %broadcast_in_dim3A_537 : vector<16xi1>, vector<16xi32>
          %add3A_539 = arith.addi %add3A_521, %select_n3A_538 : vector<16xi32>
          %broadcast_in_dim3A_540 = vector.shape_cast %and3A_83 : vector<16xi32> to vector<16x1xi32>
          %gather3A_541 = vector.shape_cast %broadcast_in_dim3A_540 : vector<16x1xi32> to vector<16xi32>
          %gather3A_542 = tpu.dynamic_gather %gather3A_309[%gather3A_541] in [0] : vector<16xi32>, vector<16xi32> -> vector<16xi32>
          %mul3A_543 = arith.constant 16 : i32
          %mul3A_544 = arith.muli %while3A_303, %mul3A_543 : i32
          %add3A_545 = vector.broadcast %mul3A_544 : i32 to vector<16xi32>
          %add3A_546 = arith.addi %add3A_545, %and3A_83 : vector<16xi32>
          %gt3A_547 = arith.cmpi sgt, %gather3A_542, %gather3A : vector<16xi32>
          %eq3A_548 = arith.cmpi eq, %gather3A_542, %gather3A : vector<16xi32>
          %lt3A_549 = arith.cmpi slt, %add3A_546, %add3A_269 : vector<16xi32>
          %and3A_550 = arith.andi %eq3A_548, %lt3A_549 : vector<16xi1>
          %or3A_551 = arith.ori %gt3A_547, %and3A_550 : vector<16xi1>
          %jit3A_552 = arith.constant 1 : i32
          %jit3A_553 = arith.constant 0 : i32
          %broadcast_in_dim3A_554 = vector.broadcast %jit3A_552 : i32 to vector<16xi32>
          %broadcast_in_dim3A_555 = vector.broadcast %jit3A_553 : i32 to vector<16xi32>
          %select_n3A_556 = arith.select %or3A_551, %broadcast_in_dim3A_554, %broadcast_in_dim3A_555 : vector<16xi1>, vector<16xi32>
          %add3A_557 = arith.addi %add3A_539, %select_n3A_556 : vector<16xi32>
          %broadcast_in_dim3A_558 = vector.shape_cast %and3A_89 : vector<16xi32> to vector<16x1xi32>
          %gather3A_559 = vector.shape_cast %broadcast_in_dim3A_558 : vector<16x1xi32> to vector<16xi32>
          %gather3A_560 = tpu.dynamic_gather %gather3A_309[%gather3A_559] in [0] : vector<16xi32>, vector<16xi32> -> vector<16xi32>
          %mul3A_561 = arith.constant 16 : i32
          %mul3A_562 = arith.muli %while3A_303, %mul3A_561 : i32
          %add3A_563 = vector.broadcast %mul3A_562 : i32 to vector<16xi32>
          %add3A_564 = arith.addi %add3A_563, %and3A_89 : vector<16xi32>
          %gt3A_565 = arith.cmpi sgt, %gather3A_560, %gather3A : vector<16xi32>
          %eq3A_566 = arith.cmpi eq, %gather3A_560, %gather3A : vector<16xi32>
          %lt3A_567 = arith.cmpi slt, %add3A_564, %add3A_269 : vector<16xi32>
          %and3A_568 = arith.andi %eq3A_566, %lt3A_567 : vector<16xi1>
          %or3A_569 = arith.ori %gt3A_565, %and3A_568 : vector<16xi1>
          %jit3A_570 = arith.constant 1 : i32
          %jit3A_571 = arith.constant 0 : i32
          %broadcast_in_dim3A_572 = vector.broadcast %jit3A_570 : i32 to vector<16xi32>
          %broadcast_in_dim3A_573 = vector.broadcast %jit3A_571 : i32 to vector<16xi32>
          %select_n3A_574 = arith.select %or3A_569, %broadcast_in_dim3A_572, %broadcast_in_dim3A_573 : vector<16xi1>, vector<16xi32>
          %add3A_575 = arith.addi %add3A_557, %select_n3A_574 : vector<16xi32>
          %broadcast_in_dim3A_576 = vector.shape_cast %and3A_95 : vector<16xi32> to vector<16x1xi32>
          %gather3A_577 = vector.shape_cast %broadcast_in_dim3A_576 : vector<16x1xi32> to vector<16xi32>
          %gather3A_578 = tpu.dynamic_gather %gather3A_309[%gather3A_577] in [0] : vector<16xi32>, vector<16xi32> -> vector<16xi32>
          %mul3A_579 = arith.constant 16 : i32
          %mul3A_580 = arith.muli %while3A_303, %mul3A_579 : i32
          %add3A_581 = vector.broadcast %mul3A_580 : i32 to vector<16xi32>
          %add3A_582 = arith.addi %add3A_581, %and3A_95 : vector<16xi32>
          %gt3A_583 = arith.cmpi sgt, %gather3A_578, %gather3A : vector<16xi32>
          %eq3A_584 = arith.cmpi eq, %gather3A_578, %gather3A : vector<16xi32>
          %lt3A_585 = arith.cmpi slt, %add3A_582, %add3A_269 : vector<16xi32>
          %and3A_586 = arith.andi %eq3A_584, %lt3A_585 : vector<16xi1>
          %or3A_587 = arith.ori %gt3A_583, %and3A_586 : vector<16xi1>
          %jit3A_588 = arith.constant 1 : i32
          %jit3A_589 = arith.constant 0 : i32
          %broadcast_in_dim3A_590 = vector.broadcast %jit3A_588 : i32 to vector<16xi32>
          %broadcast_in_dim3A_591 = vector.broadcast %jit3A_589 : i32 to vector<16xi32>
          %select_n3A_592 = arith.select %or3A_587, %broadcast_in_dim3A_590, %broadcast_in_dim3A_591 : vector<16xi1>, vector<16xi32>
          %add3A_593 = arith.addi %add3A_575, %select_n3A_592 : vector<16xi32>
          scf.yield %add3A_593 : vector<16xi32>
        }
        %lt3A = arith.constant 100 : i32
        %lt3A_283 = vector.broadcast %lt3A : i32 to vector<16xi32>
        %lt3A_284 = arith.cmpi slt, %while3A_282, %lt3A_283 : vector<16xi32>
        %gather3A_285 = tpu.vector_load_idx %arg10[%get3A_265] : memref<12560xi32, #tpu.memory_space<vmem>>[vector<16xi32>], vector<16xi32>,
        %gather3A_286 = tpu.vector_load_idx %arg11[%get3A_265] : memref<12560xf32, #tpu.memory_space<vmem>>[vector<16xi32>], vector<16xf32>,
        %lt3A_287 = arith.constant 0 : i32
        %lt3A_288 = vector.broadcast %lt3A_287 : i32 to vector<16xi32>
        %lt3A_289 = arith.cmpi slt, %gather3A, %lt3A_288 : vector<16xi32>
        %xor3A_290 = arith.constant 2147483647 : i32
        %xor3A_291 = vector.broadcast %xor3A_290 : i32 to vector<16xi32>
        %xor3A_292 = arith.xori %gather3A, %xor3A_291 : vector<16xi32>
        %select_n3A = arith.select %lt3A_289, %xor3A_292, %gather3A : vector<16xi1>, vector<16xi32>
        %bitcast3A = vector.bitcast %select_n3A : vector<16xi32> to vector<16xf32>
        tpu.vector_store_idx %arg16[%while3A_282], %gather3A_285 masked %lt3A_284 : memref<112xi32, #tpu.memory_space<vmem>>[vector<16xi32>], vector<16xi32>, vector<16xi1>
        %mul3A_293 = arith.constant 2 : i32
        %mul3A_294 = vector.broadcast %mul3A_293 : i32 to vector<16xi32>
        %mul3A_295 = arith.muli %mul3A_294, %while3A_282 : vector<16xi32>
        tpu.vector_store_idx %arg17[%mul3A_295], %gather3A_286 masked %lt3A_284 : memref<224xf32, #tpu.memory_space<vmem>>[vector<16xi32>], vector<16xf32>, vector<16xi1>
        %mul3A_296 = arith.constant 2 : i32
        %mul3A_297 = vector.broadcast %mul3A_296 : i32 to vector<16xi32>
        %mul3A_298 = arith.muli %mul3A_297, %while3A_282 : vector<16xi32>
        %add3A_299 = arith.constant 1 : i32
        %add3A_300 = vector.broadcast %add3A_299 : i32 to vector<16xi32>
        %add3A_301 = arith.addi %mul3A_298, %add3A_300 : vector<16xi32>
        tpu.vector_store_idx %arg17[%add3A_301], %bitcast3A masked %lt3A_284 : memref<224xf32, #tpu.memory_space<vmem>>[vector<16xi32>], vector<16xf32>, vector<16xi1>
        %while3A_302 = arith.constant 0 : i32
        scf.yield %while3A_302 : i32
      }
      "tpu.region"() ({
        %run_scoped3A = tpu.sem_alloc : memref<!tpu.dma_semaphore, #tpu.memory_space<semaphore_mem>>
        %dma_start3A_261 = arith.constant 0 : i32
        %dma_start3A_262 = tpu.memref_slice %arg3[%add3A_108, %dma_start3A_261] : memref<768x112xi32, #tpu.memory_space<hbm>> -> memref<1x112xi32, #tpu.memory_space<hbm>>
        %dma_start3A_263 = tpu.memref_squeeze %dma_start3A_262 : memref<1x112xi32, #tpu.memory_space<hbm>> -> memref<112xi32, #tpu.memory_space<hbm>>
        %dma_start3A_264 = arith.constant 0 : i32
        %dma_start3A_265 = tpu.memref_slice %arg3[%add3A_108, %dma_start3A_264] : memref<768x112xi32, #tpu.memory_space<hbm>> -> memref<1x112xi32, #tpu.memory_space<hbm>>
        %dma_start3A_266 = tpu.memref_squeeze %dma_start3A_265 : memref<1x112xi32, #tpu.memory_space<hbm>> -> memref<112xi32, #tpu.memory_space<hbm>>
        tpu.enqueue_dma source(%arg16 : memref<112xi32, #tpu.memory_space<vmem>>) target(%dma_start3A_266 : memref<112xi32, #tpu.memory_space<hbm>>) target_semaphore(%run_scoped3A : memref<!tpu.dma_semaphore, #tpu.memory_space<semaphore_mem>>)
        %dma_wait3A_267 = arith.constant 0 : i32
        %dma_wait3A_268 = tpu.memref_slice %arg3[%add3A_108, %dma_wait3A_267] : memref<768x112xi32, #tpu.memory_space<hbm>> -> memref<1x112xi32, #tpu.memory_space<hbm>>
        %dma_wait3A_269 = tpu.memref_squeeze %dma_wait3A_268 : memref<1x112xi32, #tpu.memory_space<hbm>> -> memref<112xi32, #tpu.memory_space<hbm>>
        %dma_wait3A_270 = arith.constant 0 : i32
        %dma_wait3A_271 = tpu.memref_slice %arg3[%add3A_108, %dma_wait3A_270] : memref<768x112xi32, #tpu.memory_space<hbm>> -> memref<1x112xi32, #tpu.memory_space<hbm>>
        %dma_wait3A_272 = tpu.memref_squeeze %dma_wait3A_271 : memref<1x112xi32, #tpu.memory_space<hbm>> -> memref<112xi32, #tpu.memory_space<hbm>>
        tpu.wait_dma2 semaphore(%run_scoped3A : memref<!tpu.dma_semaphore, #tpu.memory_space<semaphore_mem>>) src(%arg16 : memref<112xi32, #tpu.memory_space<vmem>>) dst(%dma_wait3A_272 : memref<112xi32, #tpu.memory_space<hbm>>)
        tpu.yield
      }) : () -> ()
      "tpu.region"() ({
        %run_scoped3A = tpu.sem_alloc : memref<!tpu.dma_semaphore, #tpu.memory_space<semaphore_mem>>
        %dma_start3A_261 = arith.constant 0 : i32
        %dma_start3A_262 = tpu.memref_slice %arg4[%add3A_108, %dma_start3A_261] : memref<768x224xf32, #tpu.memory_space<hbm>> -> memref<1x224xf32, #tpu.memory_space<hbm>>
        %dma_start3A_263 = tpu.memref_squeeze %dma_start3A_262 : memref<1x224xf32, #tpu.memory_space<hbm>> -> memref<224xf32, #tpu.memory_space<hbm>>
        %dma_start3A_264 = arith.constant 0 : i32
        %dma_start3A_265 = tpu.memref_slice %arg4[%add3A_108, %dma_start3A_264] : memref<768x224xf32, #tpu.memory_space<hbm>> -> memref<1x224xf32, #tpu.memory_space<hbm>>
        %dma_start3A_266 = tpu.memref_squeeze %dma_start3A_265 : memref<1x224xf32, #tpu.memory_space<hbm>> -> memref<224xf32, #tpu.memory_space<hbm>>
        tpu.enqueue_dma source(%arg17 : memref<224xf32, #tpu.memory_space<vmem>>) target(%dma_start3A_266 : memref<224xf32, #tpu.memory_space<hbm>>) target_semaphore(%run_scoped3A : memref<!tpu.dma_semaphore, #tpu.memory_space<semaphore_mem>>)
        %dma_wait3A_267 = arith.constant 0 : i32
        %dma_wait3A_268 = tpu.memref_slice %arg4[%add3A_108, %dma_wait3A_267] : memref<768x224xf32, #tpu.memory_space<hbm>> -> memref<1x224xf32, #tpu.memory_space<hbm>>
        %dma_wait3A_269 = tpu.memref_squeeze %dma_wait3A_268 : memref<1x224xf32, #tpu.memory_space<hbm>> -> memref<224xf32, #tpu.memory_space<hbm>>
        %dma_wait3A_270 = arith.constant 0 : i32
        %dma_wait3A_271 = tpu.memref_slice %arg4[%add3A_108, %dma_wait3A_270] : memref<768x224xf32, #tpu.memory_space<hbm>> -> memref<1x224xf32, #tpu.memory_space<hbm>>
        %dma_wait3A_272 = tpu.memref_squeeze %dma_wait3A_271 : memref<1x224xf32, #tpu.memory_space<hbm>> -> memref<224xf32, #tpu.memory_space<hbm>>
        tpu.wait_dma2 semaphore(%run_scoped3A : memref<!tpu.dma_semaphore, #tpu.memory_space<semaphore_mem>>) src(%arg17 : memref<224xf32, #tpu.memory_space<vmem>>) dst(%dma_wait3A_272 : memref<224xf32, #tpu.memory_space<hbm>>)
        tpu.yield
      }) : () -> ()
      %scan3A_260 = arith.constant 0 : i32
      scf.yield %scan3A_260 : i32
    }
    %scan3A_103 = arith.constant 24 : i32
    return
  }
}

</mosaic_0001>

<sc_bundles>
// kernel: kernel.3.cloned.1.call-start
scs
__scs_entry_jumppad:
0x0: {  	(pc) =	sbr.rel $0x88, $3  }
0x1: {  	(tag) =	ssettag $0x0;
	lr =	simm.s32 $0x1  }
0x2: {  	[smem:$0x3FA0] =	sst lr;
	_ =	strace $0xD0000000  }
0x3: {  	_ = 	snop  }
0x4: {  	_ = 	snop  }
0x5: {  	_ = 	snop  }
0x6: {  	_ = 	snop  }
0x7: {  	_ = 	snop  }
__scs_overlays_trampoline_lowered:
0x8: {  	[smem:$0x3FAF] =	sst s0  }
0x9: {  	[smem:$0x3FB0] =	sst s1  }
0xa: {  	[smem:$0x3FB1] =	sst s2  }
0xb: {  	[smem:$0x3FB2] =	sst s3  }
0xc: {  	[smem:$0x3FB3] =	sst s4  }
0xd: {  	[smem:$0x3FB4] =	sst s5  }
0xe: {  	[smem:$0x3FB5] =	sst s6  }
0xf: {  	[smem:$0x3FB6] =	sst s7  }
0x10: {  	[smem:$0x3FB7] =	sst s8  }
0x11: {  	[smem:$0x3FB8] =	sst s9;
	s0 =	simm.s32 @!p0 $0x0  }
0x12: {  	s1 =	sld [smem:$0x3F9E];
	s0 =	simm.s32 @p0 $0x1  }
0x13: {  	[smem:$0x3FB9] =	sst s0;
	s0 =	simm.s32 @!p1 $0x0  }
0x14: {  	s2 =	sld [smem:$0x3F9D];
	s0 =	simm.s32 @p1 $0x1  }
0x15: {  	[smem:$0x3FBA] =	sst s0;
	s0 =	simm.s32 @!p2 $0x0  }
0x16: {  	s3 =	sld [smem:$0x3FDB];
	s0 =	simm.s32 @p2 $0x1  }
0x17: {  	s4 =	simm.s32 $0x1BF5;
	[smem:$0x3FBC] =	sst s0  }
0x18: {  	s0 =	sld [smem:$0x3F9F];
	_ =	swait.ge [sflag:s4], $0x0  }
0x19: {  	s7 =	sld [smem:$0x3FA0]  }
0x1a: {  	s8 =	sadd.s32 $0xFFFFE003, lr  }
0x1b: {  	s9 =	sadd.s32 $0xFFFFFEF7, lr;
	s5 =	simm.s32 $0xFFFFFFFF;
	p2 =	slt.u32 s8, $0xFFFFF086  }
0x1c: {  	p1 =	slt.u32 s9, $0xF7A;
	s5 =	simm.s32 @!p2 $0x0  }
0x1d: {  	s5 =	simm.s32 @p1 $0x1;
	p0 =	seq.s32 s7, s2  }
0x1e: {  	s7 =	smul.u32 @!p0 $0xF7A, s2;
	p2 =	seq.s32 @!p0 s5, $0x0  }
0x1f: {  	s9 =	smul.u32 $0xF7A, s1;
	s8 =	simm.s32 @!p0 $0x1BF5;
	p2 =	por !p2, p0  }
0x20: {  	[sflag:s8] =	ssyncset.s32 @!p0 $0xFFFFF086;
	s6 =	sadd.s32 @!p0 s3, s7;
	s7 =	simm.s32 @!p0 $0x108  }
0x21: {  	s3 =	sadd.s32 s3, s9;
	s6 =	sadd.s32 @!p0 $0x88, s6;
	s7 =	simm.s32 @p2 $0x1082  }
0x22: {  	[simem:s7], [sflag:s8] =	dma.local @!p0 [hbm:s6], $0xF7A  }
0x23: {  	s9 =	sor.u32 $0xD0000000, s2;
	s6 =	simm.s32 $0x108;
	_ =	swait.ge @!p0 [sflag:s8], $0x0  }
0x24: {  	s3 =	sadd.s32 $0x88, s3;
	s6 =	simm.s32 @!p1 $0x1082;
	[sflag:s4] =	ssyncset.s32 $0xFFFFF086  }
0x25: {  	[simem:s6], [sflag:s4] =	dma.local [hbm:s3], $0xF7A  }
0x26: {  	[smem:$0x3FA0] =	sst s1;
	(tag) =	ssettag s2;
	_ =	strace s9  }
0x27: {  	s1 =	sld [smem:$0x3FB0]  }
0x28: {  	s2 =	sld [smem:$0x3FB1]  }
0x29: {  	s4 =	sld [smem:$0x3FB3]  }
0x2a: {  	p0 =	seq.s32 s5, $0x0;
	s5 =	sld [smem:$0x3FB4]  }
0x2b: {  	s6 =	sld [smem:$0x3FB5]  }
0x2c: {  	s7 =	sld [smem:$0x3FB6]  }
0x2d: {  	s3 =	simm.s32 $0x108;
	s8 =	sld [smem:$0x3FB7]  }
0x2e: {  	s3 =	simm.s32 @!p0 $0x1082;
	s9 =	sld [smem:$0x3FB8]  }
0x2f: {  	lr =	sadd.s32 s0, s3;
	s0 =	sld [smem:$0x3FAF]  }
0x30: {  	s3 =	sld [smem:$0x3FB2]  }
0x31: {  	[smem:$0x3FBB] =	sst s10  }
0x32: {  	s10 =	sld [smem:$0x3FB9];
	_ =	sdelay $0x3  }
0x33: {  	p0 =	seq.s32 s10, $0x1;
	s10 =	sld [smem:$0x3FBB];
	_ =	sdelay $0x3  }
0x34: {  	[smem:$0x3FBB] =	sst s10  }
0x35: {  	s10 =	sld [smem:$0x3FBA];
	_ =	sdelay $0x3  }
0x36: {  	p1 =	seq.s32 s10, $0x1;
	s10 =	sld [smem:$0x3FBB];
	_ =	sdelay $0x3  }
0x37: {  	[smem:$0x3FBB] =	sst s10  }
0x38: {  	s10 =	sld [smem:$0x3FBC]  }
0x39: {  	_ = 	snop;
	(pc) =	sbr.ind lr, $3  }
0x3a: {  	_ = 	snop  }
0x3b: {  	_ = 	snop  }
0x3c: {  	p2 =	seq.s32 s10, $0x1;
	s10 =	sld [smem:$0x3FBB]  }
0x3d: {  	_ =	shalt  }
0x3e: {  	_ =	shalt  }
0x3f: {  	_ =	shalt  }
0x40: {  	_ =	shalt  }
0x41: {  	_ =	shalt  }
0x42: {  	_ =	shalt  }
0x43: {  	_ =	shalt  }
0x44: {  	_ =	shalt  }
0x45: {  	_ =	shalt  }
0x46: {  	_ =	shalt  }
0x47: {  	_ =	shalt  }
0x48: {  	_ =	shalt  }
0x49: {  	_ =	shalt  }
0x4a: {  	_ =	shalt  }
0x4b: {  	_ =	shalt  }
0x4c: {  	_ =	shalt  }
0x4d: {  	_ =	shalt  }
0x4e: {  	_ =	shalt  }
0x4f: {  	_ =	shalt  }
0x50: {  	_ =	shalt  }
0x51: {  	_ =	shalt  }
0x52: {  	_ =	shalt  }
0x53: {  	_ =	shalt  }
0x54: {  	_ =	shalt  }
0x55: {  	_ =	shalt  }
0x56: {  	_ =	shalt  }
0x57: {  	_ =	shalt  }
0x58: {  	_ =	shalt  }
0x59: {  	_ =	shalt  }
0x5a: {  	_ =	shalt  }
0x5b: {  	_ =	shalt  }
0x5c: {  	_ =	shalt  }
0x5d: {  	_ =	shalt  }
0x5e: {  	_ =	shalt  }
0x5f: {  	_ =	shalt  }
0x60: {  	_ =	shalt  }
0x61: {  	_ =	shalt  }
0x62: {  	_ =	shalt  }
0x63: {  	_ =	shalt  }
0x64: {  	_ =	shalt  }
0x65: {  	_ =	shalt  }
0x66: {  	_ =	shalt  }
0x67: {  	_ =	shalt  }
0x68: {  	_ =	shalt  }
0x69: {  	_ =	shalt  }
0x6a: {  	_ =	shalt  }
0x6b: {  	_ =	shalt  }
0x6c: {  	_ =	shalt  }
0x6d: {  	_ =	shalt  }
0x6e: {  	_ =	shalt  }
0x6f: {  	_ =	shalt  }
0x70: {  	_ =	shalt  }
0x71: {  	_ =	shalt  }
0x72: {  	_ =	shalt  }
0x73: {  	_ =	shalt  }
0x74: {  	_ =	shalt  }
0x75: {  	_ =	shalt  }
0x76: {  	_ =	shalt  }
0x77: {  	_ =	shalt  }
0x78: {  	_ =	shalt  }
0x79: {  	_ =	shalt  }
0x7a: {  	_ =	shalt  }
0x7b: {  	_ =	shalt  }
0x7c: {  	_ =	shalt  }
0x7d: {  	_ =	shalt  }
0x7e: {  	_ =	shalt  }
0x7f: {  	_ =	shalt  }
0x80: {  	_ =	shalt  }
0x81: {  	_ =	shalt  }
0x82: {  	_ =	shalt  }
0x83: {  	_ =	shalt  }
0x84: {  	_ =	shalt  }
0x85: {  	_ =	shalt  }
0x86: {  	_ =	shalt  }
0x87: {  	_ =	shalt  }
.Lfunc_end0:
.L_simem_size_0:
called_computation_lowered:
.L_overlay_start_0:
0x88: {  	s2 =	sld [smem:$0x3FD9]  }
0x89: {  	s3 =	sld [smem:$0x3FFE];
	_ =	sdelay $0x1  }
0x8a: {  	s1 =	srdreg.scid  }
0x8b: {  	s0 =	sand.u32 $0x1, s1  }
0x8c: {  	s14 =	sshll.u32 s0, $0xA;
	s2 =	sadd.s32 s3, s2  }
0x8d: {  	s2 =	sadd.s32 s2, s14  }
0x8e: {  	[smem:$0x3FC7] =	sst s2  }
0x8f: {  	_ = 	snop  }
0x90: {  	s2 =	sld [smem:$0x3FD0];
	_ =	sdelay $0x2  }
0x91: {  	s15 =	simm.s32 $0xA;
	s4 =	simm.s32 $0x10  }
0x92: {  	[smem:s4], [sflag:s15] =	dma.local [hbm:s2], $0x1  }
0x93: {  	_ =	swait.eq [sflag:s15], $0x1  }
0x94: {  	[sflag:s15] =	ssyncset.done $0x0  }
0x95: {  	s16 =	sld [smem:$0x10];
	[sflag:s15] =	ssyncadd.s32 $0xFFFFFFFF  }
0x96: {  	s17 =	sld [smem:$0x11];
	(tm) =	ssettm $0x1  }
0x97: {  	s18 =	sld [smem:$0x3FFB];
	_ =	sdelay $0x3  }
0x98: {  	_ =	strace s18  }
0x99: {  	s4 =	sld [smem:$0x3FFC];
	_ =	sdelay $0x3  }
0x9a: {  	_ =	strace s4  }
0x9b: {  	s4 =	sld [smem:$0x3FFD];
	_ =	sdelay $0x3  }
0x9c: {  	_ =	strace s4  }
0x9d: {  	_ =	strace $0x8FFFFFFF  }
0x9e: {  	s19 =	sld [smem:$0x3FDB];
	_ =	sdelay $0x1  }
0x9f: {  	s5 =	simm.s32 $_scs_section_size  }
0xa0: {  	s6 =	simm.s32 $_size__tile_overlayer_lowered;
	s7 =	simm.s32 $_tile_overlayer_lowered  }
0xa1: {  	s22 =	simm.s32 $0x1BFF;
	s21 =	sshll.u32 s7, $0x1;
	s4 =	sadd.s32 s5, s19  }
0xa2: {  	s8 =	simm.s32 $0x0;
	s20 =	sshll.u32 s6, $0x1;
	s6 =	sadd.s32 s21, s4  }
0xa3: {  	[timem:s8], [sflag:s22] =	dma.local [hbm:s6], s20  }
0xa4: {  	_ =	swait.ge [sflag:s22], s20  }
0xa5: {  	s5 =	ssub.s32 $0x0, s20;
	[sflag:s22] =	ssyncset.done $0x0  }
0xa6: {  	[sflag:s22] =	ssyncadd.s32 s5;
	_ =	sdelay $0x1  }
0xa7: {  	s23 =	simm.s32 $0x1B8B  }
0xa8: {  	_ =	swait.ge [sflag:s23], $0x1  }
0xa9: {  	[sflag:s23] =	ssyncset.done $0x0  }
0xaa: {  	s25 =	simm.s32 $0x1B8E;
	s24 =	sld [smem:$0x3FFE];
	[sflag:s23] =	ssyncadd.s32 $0xFFFFFFFF  }
0xab: {  	s26 =	simm.s32 $execute0_lowered;
	[smem:$0x3FD2] =	sst s25  }
0xac: {  	s6 =	sshll.u32 s26, $0x1;
	_ =	strace $0x80000046;
	[dreg:$0x1] =	wrdreg $0xFFFFFFFF  }
0xad: {  	s28 =	simm.s32 $_size_execute0_lowered;
	s4 =	sadd.s32 s4, s6;
	[dreg:$0x0] =	wrdreg $0x0  }
0xae: {  	s6 =	sshll.u32 s28, $0x1;
	[dreg:$0x2] =	wrdreg s4  }
0xaf: {  	[dreg:$0x3] =	wrdreg s6  }
0xb0: {  	[dreg:$0x4] =	wrdreg $0xC0  }
0xb1: {  	_ =	task [dreg:s8], $0x5FFFF  }
0xb2: {  	[dreg:$0x1] =	wrdreg $0xFFFFFFFF  }
0xb3: {  	[dreg:$0x0] =	wrdreg $0x60  }
0xb4: {  	[dreg:$0x2] =	wrdreg s24  }
0xb5: {  	[dreg:$0x3] =	wrdreg s17  }
0xb6: {  	[dreg:$0x4] =	wrdreg s16  }
0xb7: {  	[dreg:$0x5] =	wrdreg $0x9  }
0xb8: {  	_ =	task.clear_ibuf [dreg:s8], $0x6FFFF;
	_ =	strace $0x90000046  }
0xb9: {  	s29 =	simm.s32 $0x9;
	_ =	strace $0x80000048  }
0xba: {  	_ =	swait.ge [sflag:s29], $0x1  }
0xbb: {  	[sflag:s29] =	ssyncadd.s32 $0xFFFFFFFF  }
0xbc: {  	_ =	strace $0x90000048  }
0xbd: {  	_ =	sfence  }
0xbe: {  	s30 =	sld [smem:$0x0];
	_ =	sdelay $0x2  }
0xbf: {  	s31 =	sshll.u32 s1, $0xD;
	s1 =	sshrl.u32 s1, $0x2  }
0xc0: {  	s3 =	sand.u32 $0x4000, s31;
	s1 =	sadd.s32 s1, s30  }
0xc1: {  	s0 =	sor.u32 s3, s0;
	s1 =	sshll.u32 s1, $0x11  }
0xc2: {  	s0 =	sor.u32 s1, s0  }
0xc3: {  	s0 =	sadd.s32 $0x8F2B, s0  }
0xc4: {  	[sflag:s0] =	ssyncadd.remote.s32 $0x1  }
0xc5: {  	_ =	sfence.sel $0xFFFF  }
0xc6: {  	[dreg:$0x0] =	wrdreg $0xFFFFFFFF;
	(pc) =	sbr.abs _section_cstart, $3  }
0xc7: {  	[dreg:$0x1] =	wrdreg $0xFFFFFFFF  }
0xc8: {  	_ =	task.clear_ibuf [dreg:s8], $0x2FFFF;
	_ =	strace $0x9FFFFFFF  }
0xc9: {  	(tm) =	ssettm $0x7FFFFFFF  }
tec
execute0_lowered:
.L_overlay_start_1:
0x0: {  	(tag) =	ssettag $0x1  }
0x1: {  	v1 =	vimm.s32 $0xFEDCBA9  }
0x2: {  	v1 =	vunpack.c.l.s4.s8 v1  }
0x3: {  	v2 =	vimm.s32 $0x87654321  }
0x4: {  	v2 =	vunpack.c.l.s4.s8 v2;
	v1 =	vunpack.c.0.s8.s32 v1  }
0x5: {  	v5 =	vimm.s32 $0x10FEDCBA  }
0x6: {  	v5 =	vunpack.c.l.s4.s8 v5;
	[tilespmem:$0x1FE70] =	vst v1;
	v1 =	vunpack.c.0.s8.s32 v2  }
0x7: {  	v7 =	vimm.s32 $0x98765432  }
0x8: {  	v7 =	vunpack.c.l.s4.s8 v7;
	[tilespmem:$0x1FE80] =	vst v1;
	v1 =	vunpack.c.0.s8.s32 v5;
	_ =	sdelay $0x1  }
0x9: {  	[tilespmem:$0x1FE90] =	vst v1;
	v1 =	vunpack.c.0.s8.s32 v7  }
0xa: {  	v0 =	vlaneseq.u32;
	v10 =	vimm.s32 $0x0  }
0xb: {  	v55 =	vimm.s32 $0x3100;
	v8 =	vimm.s32 $0x43210FED;
	[tilespmem:$0x1FEA0] =	vst v1;
	v1 =	vimm.s32 $0x210FEDCB  }
0xc: {  	v45 =	vimm.s32 $0xCBA98765;
	v63 =	vimm.s32 $0xEDCBA987;
	v1 =	vunpack.c.l.s4.s8 v1  }
0xd: {  	v11 =	vmul.u32 $0x4, v0;
	v14 =	vmul.u32 $0x2, v0;
	v2 =	vimm.s32 $0xA9876543  }
0xe: {  	v2 =	vunpack.c.l.s4.s8 v2;
	v5 =	vimm.s32 $0x3210FEDC;
	v1 =	vunpack.c.0.s8.s32 v1  }
0xf: {  	v8 =	vunpack.c.l.s4.s8 v8;
	v3 =	vor.u32 $0x1, v11;
	v5 =	vunpack.c.l.s4.s8 v5  }
0x10: {  	s1 =	rddreg [dreg:$0x0];
	v4 =	vor.u32 $0x3, v11;
	v12 =	vor.u32 $0x1C1, v11;
	[tilespmem:$0x1FEB0] =	vst v1;
	v1 =	vunpack.c.0.s8.s32 v2  }
0x11: {  	s0 =	rddreg [dreg:$0x1];
	s3 =	simm.s32 $0x0;
	v6 =	vor.u32 $0x41, v11;
	v13 =	vor.u32 $0x1C3, v11;
	v2 =	vunpack.c.0.s8.s32 v5  }
0x12: {  	[smem:$0x7FF] =	sst s3;
	v9 =	vor.u32 $0x43, v11;
	v15 =	vor.u32 $0x201, v11;
	v16 =	vor.u32 $0x203, v11;
	[tilespmem:$0x1FEC0] =	vst v1  }
0x13: {  	s2 =	rddreg [dreg:$0x2];
	v17 =	vor.u32 $0x20, v14;
	v51 =	vor.u32 $0x40, v11;
	v52 =	vor.u32 $0x81, v11;
	_ =	strace $0x80000047;
	[tilespmem:$0x1FED0] =	vst v2  }
0x14: {  	v53 =	vor.u32 $0x83, v11;
	v54 =	vor.u32 $0x241, v11;
	v7 =	vimm.s32 $0xBA987654;
	[tilespmem:$0x1FF50] =	vst v11  }
0x15: {  	v18 =	vor.u32 $0x243, v11;
	v19 =	vor.u32 $0x40, v14;
	v7 =	vunpack.c.l.s4.s8 v7;
	[tilespmem:$0x1FF60] =	vst v12  }
0x16: {  	v20 =	vor.u32 $0x80, v11;
	v21 =	vor.u32 $0xC1, v11;
	v1 =	vunpack.c.l.s4.s8 v45;
	[tilespmem:$0x1FF70] =	vst v13  }
0x17: {  	v22 =	vor.u32 $0xC3, v11;
	v23 =	vor.u32 $0x281, v11;
	v2 =	vunpack.c.0.s8.s32 v7;
	[tilespmem:$0x1FF80] =	vst v14  }
0x18: {  	v24 =	vor.u32 $0x283, v11;
	v25 =	vor.u32 $0x60, v14;
	[tilespmem:$0x1FF90] =	vst v15;
	v1 =	vunpack.c.0.s8.s32 v1  }
0x19: {  	v26 =	vor.u32 $0xC0, v11;
	v27 =	vor.u32 $0x101, v11;
	v28 =	vor.u32 $0x103, v11;
	[tilespmem:$0x1FEE0] =	vst v2  }
0x1a: {  	v29 =	vor.u32 $0x2C1, v11;
	v2 =	vunpack.c.0.s8.s32 v8;
	[tilespmem:$0x1FF00] =	vst v1;
	v1 =	vimm.s32 $0x543210FE  }
0x1b: {  	v30 =	vor.u32 $0x2C3, v11;
	v31 =	vor.u32 $0x80, v14;
	[tilespmem:$0x1FFA0] =	vst v16;
	v1 =	vunpack.c.l.s4.s8 v1  }
0x1c: {  	v32 =	vor.u32 $0x100, v11;
	v5 =	vimm.s32 $0xDCBA9876;
	[tilespmem:$0x1FEF0] =	vst v2;
	v2 =	vimm.s32 $0xFEDCBA98  }
0x1d: {  	s4 =	srdreg.scid;
	s5 =	stileid.u32;
	s9 =	simm.s32 $0x400;
	v5 =	vunpack.c.l.s4.s8 v5;
	[tilespmem:$0x1FFB0] =	vst v17;
	v2 =	vunpack.c.l.s4.s8 v2;
	v1 =	vunpack.c.0.s8.s32 v1  }
0x1e: {  	s10 =	simm.s32 $0x1;
	s11 =	simm.s32 $0x6200;
	s12 =	simm.s32 $0x2;
	v33 =	vor.u32 $0x141, v11;
	v34 =	vor.u32 $0x143, v11;
	[tilespmem:$0x1FFC0] =	vst v51;
	v8 =	vimm.s32 $0x6543210F  }
0x1f: {  	s13 =	simm.s32 $0x80000000;
	s14 =	simm.s32 $0x15900;
	s15 =	simm.s32 $0x15D80;
	v8 =	vunpack.c.l.s4.s8 v8;
	v2 =	vunpack.c.0.s8.s32 v2;
	[tilespmem:$0x1FF10] =	vst v1;
	v1 =	vunpack.c.0.s8.s32 v5  }
0x20: {  	s16 =	simm.s32 $0x16200;
	s17 =	simm.s32 $0xC400;
	s4 =	sand.u32 $0x1, s4;
	v35 =	vor.u32 $0x301, v11;
	v45 =	vunpack.c.l.s4.s8 v63;
	v7 =	vimm.s32 $0x76543210;
	[tilespmem:$0x1FFD0] =	vst v52  }
.Ltmp0:
0x21: {  	s20 =	simm.s32 $0x16300;
	s6 =	ssub.s32 $0x2, s4;
	v7 =	vunpack.c.l.s4.s8 v7;
	[tilespmem:$0x1FF20] =	vst v1;
	v1 =	vand.u32 $0xF, v2;
	v2 =	vunpack.c.0.s8.s32 v8;
	(pc) =	sbr.rel .LBB2_1-.Ltmp0, $4  }
0x22: {  	s21 =	simm.s32 $0x16380;
	s22 =	simm.s32 $0x3;
	v36 =	vor.u32 $0x303, v11;
	v37 =	vor.u32 $0xA0, v14;
	v38 =	vor.u32 $0x140, v11;
	s7 =	sshrl.u32 s6, $0x1;
	[tilespmem:$0x1FFE0] =	vst v53  }
0x23: {  	s8 =	sshll.u32 s5, $0x1;
	s5 =	sadd.s32 $0x800, s1;
	v39 =	vor.u32 $0x181, v11;
	s31 =	ssub.s32 s6, s7;
	v7 =	vunpack.c.0.s8.s32 v7;
	[tilespmem:$0x1FF30] =	vst v2;
	v2 =	vunpack.c.0.s8.s32 v45  }
0x24: {  	s4 =	sor.u32 s4, s8;
	s8 =	simm.s32 $0x80;
	v40 =	vor.u32 $0x183, v11;
	v41 =	vor.u32 $0x341, v11;
	v42 =	vor.u32 $0x343, v11;
	s1 =	smax.u32 s31, $0x1;
	[tilespmem:$0x1FFF0] =	vst v54  }
0x25: {  	v43 =	vor.u32 $0xC0, v14;
	v44 =	vor.u32 $0x180, v11;
	s6 =	smul.u32 $0x18, s4;
	s4 =	simm.s32 $0x0;
	[dreg:$0x4] =	wrdreg s1;
	v60 =	vcombine.low v1, v7;
	[tilespmem:$0x1FF40] =	vst v2  }
.LBB2_39:
0x26: {  	s4 =	rddreg [dreg:$0x5]  }
0x27: {  	s1 =	rddreg [dreg:$0x4];
	s4 =	sadd.s32 $0x1, s4  }
0x28: {  	p0 =	sne.s32 s4, s1  }
.Ltmp1:
0x29: {  	_ = 	snop;
	(pc) =	sbr.rel @!p0 .LBB2_40-.Ltmp1, $1  }
0x2a: {  	_ =	sdelay $0x3  }
.LBB2_1:
0x2b: {  	v1 =	vimm.s32 $0x80000000  }
0x2c: {  	[dreg:$0x5] =	wrdreg s4;
	s24 =	simm.s32 $0x0;
	[tilespmem:$0xF500] =	vst v1  }
.LBB2_2:
0x2d: {  	s1 =	sadd.s32 s6, s24  }
0x2e: {  	s25 =	sshrl.u32 s1, $0x3  }
0x2f: {  	s26 =	sshll.u32 s24, $0x7;
	s28 =	smul.u32 $0xC4000, s25  }
0x30: {  	s26 =	sand.u32 $0x380, s26  }
0x31: {  	s1 =	sor.u32 s26, s28  }
0x32: {  	s4 =	sshrl.u32 s1, $0x3  }
0x33: {  	s29 =	simm.s32 $0x0;
	s4 =	sadd.s32 s5, s4  }
0x34: {  	[tilespmem:s29], [sflag:$0x1] =	stream.strided.gather [hbm4b:s4+s8], $0x6200, s9, s8, $0x38;
	[tilespmem:$0x16480] =	vst v63  }
0x35: {  	s1 =	sadd.s32 $0x31000, s1;
	_ =	swait.ge [sflag:s10], $0x6200  }
0x36: {  	s30 =	simm.s32 $0x12730;
	s1 =	sshrl.u32 s1, $0x3;
	[sflag:s10] =	ssyncset.done $0x0  }
0x37: {  	s31 =	simm.s32 $0xC430;
	s1 =	sadd.s32 s5, s1;
	[sflag:s10] =	ssyncadd.s32 $0xFFFF9E00  }
0x38: {  	[tilespmem:s11], [sflag:$0x2] =	stream.strided.gather [hbm4b:s1+s8], $0x6200, s9, s8, $0x38;
	[tilespmem:$0x16480] =	vst v63  }
0x39: {  	v61 =	vimm.s32 $0x80000000;
	s7 =	simm.s32 $0x0;
	s4 =	simm.s32 $0x0;
	s1 =	simm.s32 $0xF5B0  }
.LBB2_3:
0x3a: {  	v1 =	vor.u32 s4, v3  }
0x3b: {  	v2 =	vor.u32 s4, v4;
	v5 =	vadd.s32 s4, v12  }
0x3c: {  	v5 =	vand.u32 $0xFF80, v5  }
0x3d: {  	v7 =	vadd.s32 s4, v13;
	v5 =	vor.u32 v6, v5  }
0x3e: {  	v7 =	vand.u32 $0xFF80, v7  }
0x3f: {  	v7 =	vor.u32 v9, v7;
	v1 =	vld.idx.msk [tilespmem:v1+s3+$0x0], $0xffff  }
0x40: {  	v2 =	vld.idx.msk [tilespmem:v2+s3+$0x0], $0xffff;
	_ =	sdelay $0x1  }
0x41: {  	v5 =	vld.idx.msk [tilespmem:v5+s3+$0x0], $0xffff;
	_ =	sdelay $0x1  }
0x42: {  	v7 =	vld.idx.msk [tilespmem:v7+s3+$0x0], $0xffff  }
0x43: {  	vm0 =	vgt.f32 v2, v1  }
0x44: {  	v1 =	vsel vm0, v2, v1  }
0x45: {  	vm1 =	vgt.f32 v5, v1  }
0x46: {  	v2 =	vsel vm0, $0x2, v10;
	v1 =	vsel vm1, v5, v1  }
0x47: {  	v2 =	vsel vm1, $0x1C0, v2;
	vm8 =	vgt.f32 v7, v1  }
0x48: {  	v2 =	vsel vm8, $0x1C2, v2  }
0x49: {  	v5 =	vadd.s32 s4, v2  }
0x4a: {  	v5 =	vadd.s32 v11, v5  }
0x4b: {  	vm1 =	vmor vm1, vm8  }
0x4c: {  	v8 =	vsel vm1, $0x1, v10  }
0x4d: {  	v8 =	vor.u32 s29, v8  }
0x4e: {  	v1 =	vsel vm8, v7, v1;
	v2 =	vshrl.u32 v2, $0x1;
	v8 =	vmul.u32 $0xE0, v8  }
0x4f: {  	vm0 =	vlt.s32 v1, $0x0;
	v2 =	vand.u32 $0x1, v2;
	v5 =	vld.idx.msk [tilespmem:v5+s3+$0x0], $0xffff  }
0x50: {  	v7 =	vor.u32 v2, v8;
	v2 =	vxor.u32 $0x7FFFFFFF, v1;
	v8 =	vor.u32 s4, v6  }
0x51: {  	v45 =	vadd.s32 s4, v15;
	v2 =	vsel vm0, v2, v1;
	v1 =	vor.u32 s4, v9  }
0x52: {  	v45 =	vand.u32 $0xFF80, v45;
	v7 =	vor.u32 v14, v7;
	[tilespmem:s31+$0xFFFFFFD0] =	vst v2  }
0x53: {  	v49 =	vadd.s32 s4, v16;
	[tilespmem:s1+$0xFFFFFFD0] =	vst v7;
	v7 =	vor.u32 v3, v45  }
0x54: {  	[tilespmem:s30+$0xFFFFFFD0] =	vst v5;
	v5 =	vand.u32 $0xFF80, v49  }
0x55: {  	v8 =	vld.idx.msk [tilespmem:v8+s3+$0x0], $0xffff;
	v5 =	vor.u32 v4, v5  }
0x56: {  	v1 =	vld.idx.msk [tilespmem:v1+s3+$0x0], $0xffff;
	_ =	sdelay $0x1  }
0x57: {  	v7 =	vld.idx.msk [tilespmem:v7+s3+$0x0], $0xffff;
	_ =	sdelay $0x1  }
0x58: {  	v5 =	vld.idx.msk [tilespmem:v5+s3+$0x0], $0xffff  }
0x59: {  	vm9 =	vgt.f32 v1, v8  }
0x5a: {  	v1 =	vsel vm9, v1, v8  }
0x5b: {  	vm10 =	vgt.f32 v7, v1  }
0x5c: {  	v8 =	vsel vm9, $0x2, v10;
	v1 =	vsel vm10, v7, v1  }
0x5d: {  	v7 =	vsel vm10, $0x1C0, v8;
	vm11 =	vgt.f32 v5, v1  }
0x5e: {  	v7 =	vsel vm11, $0x1C2, v7  }
0x5f: {  	vm1 =	vmor vm10, vm11;
	v8 =	vadd.s32 s4, v7  }
0x60: {  	v50 =	vsel vm1, $0x1, v10;
	v8 =	vadd.s32 v51, v8  }
0x61: {  	v45 =	vor.u32 s29, v50  }
0x62: {  	v7 =	vshrl.u32 v7, $0x1;
	v45 =	vmul.u32 $0xE0, v45  }
0x63: {  	v56 =	vadd.s32 s4, v53;
	v7 =	vand.u32 $0x1, v7  }
0x64: {  	v1 =	vsel vm11, v5, v1;
	v5 =	vor.u32 v7, v45;
	v7 =	vadd.s32 s4, v52  }
0x65: {  	v47 =	vand.u32 $0xFF80, v56;
	v7 =	vand.u32 $0xFF80, v7;
	v8 =	vld.idx.msk [tilespmem:v8+s3+$0x0], $0xffff  }
0x66: {  	vm0 =	vlt.s32 v1, $0x0;
	v46 =	vxor.u32 $0x7FFFFFFF, v1;
	v7 =	vor.u32 v3, v7  }
0x67: {  	v57 =	vadd.s32 s4, v54;
	v45 =	vsel vm0, v46, v1;
	v1 =	vor.u32 v4, v47  }
0x68: {  	v46 =	vand.u32 $0xFF80, v57;
	v5 =	vadd.s32 v17, v5;
	[tilespmem:s31+$0xFFFFFFE0] =	vst v45  }
0x69: {  	v58 =	vadd.s32 s4, v18;
	[tilespmem:s1+$0xFFFFFFE0] =	vst v5;
	v5 =	vor.u32 v6, v46  }
0x6a: {  	[tilespmem:s30+$0xFFFFFFE0] =	vst v8;
	v8 =	vand.u32 $0xFF80, v58  }
0x6b: {  	v7 =	vld.idx.msk [tilespmem:v7+s3+$0x0], $0xffff;
	v8 =	vor.u32 v9, v8  }
0x6c: {  	v1 =	vld.idx.msk [tilespmem:v1+s3+$0x0], $0xffff;
	_ =	sdelay $0x1  }
0x6d: {  	v5 =	vld.idx.msk [tilespmem:v5+s3+$0x0], $0xffff;
	_ =	sdelay $0x1  }
0x6e: {  	v8 =	vld.idx.msk [tilespmem:v8+s3+$0x0], $0xffff  }
0x6f: {  	vm12 =	vgt.f32 v1, v7  }
0x70: {  	v1 =	vsel vm12, v1, v7  }
0x71: {  	vm13 =	vgt.f32 v5, v1  }
0x72: {  	v7 =	vsel vm12, $0x2, v10;
	v1 =	vsel vm13, v5, v1  }
0x73: {  	v5 =	vsel vm13, $0x1C0, v7;
	vm14 =	vgt.f32 v8, v1  }
0x74: {  	v5 =	vsel vm14, $0x1C2, v5  }
0x75: {  	v7 =	vadd.s32 s4, v5  }
0x76: {  	v7 =	vadd.s32 v20, v7  }
0x77: {  	v62 =	vadd.s32 s4, v22  }
0x78: {  	v48 =	vand.u32 $0xFF80, v62;
	vm1 =	vmor vm13, vm14  }
0x79: {  	v50 =	vadd.s32 s4, v23;
	v1 =	vsel vm14, v8, v1;
	v59 =	vsel vm1, $0x1, v10  }
0x7a: {  	v8 =	vadd.s32 s4, v21;
	v5 =	vshrl.u32 v5, $0x1;
	v46 =	vor.u32 s29, v59  }
0x7b: {  	vm0 =	vlt.s32 v1, $0x0;
	v8 =	vand.u32 $0xFF80, v8;
	v46 =	vmul.u32 $0xE0, v46;
	v7 =	vld.idx.msk [tilespmem:v7+s3+$0x0], $0xffff  }
0x7c: {  	v63 =	vxor.u32 $0x7FFFFFFF, v1;
	v5 =	vand.u32 $0x1, v5;
	v8 =	vor.u32 v6, v8  }
0x7d: {  	v5 =	vor.u32 v5, v46;
	v46 =	vsel vm0, v63, v1;
	v1 =	vor.u32 v9, v48  }
0x7e: {  	v47 =	vand.u32 $0xFF80, v50;
	v5 =	vadd.s32 v19, v5;
	[tilespmem:s31+$0xFFFFFFF0] =	vst v46  }
0x7f: {  	v56 =	vadd.s32 s4, v24;
	[tilespmem:s1+$0xFFFFFFF0] =	vst v5;
	v5 =	vor.u32 v3, v47  }
0x80: {  	[tilespmem:s30+$0xFFFFFFF0] =	vst v7;
	v7 =	vand.u32 $0xFF80, v56  }
0x81: {  	v8 =	vld.idx.msk [tilespmem:v8+s3+$0x0], $0xffff;
	v7 =	vor.u32 v4, v7  }
0x82: {  	v1 =	vld.idx.msk [tilespmem:v1+s3+$0x0], $0xffff;
	_ =	sdelay $0x1  }
0x83: {  	v5 =	vld.idx.msk [tilespmem:v5+s3+$0x0], $0xffff;
	_ =	sdelay $0x1  }
0x84: {  	v7 =	vld.idx.msk [tilespmem:v7+s3+$0x0], $0xffff  }
0x85: {  	vm15 =	vgt.f32 v1, v8  }
0x86: {  	v1 =	vsel vm15, v1, v8  }
0x87: {  	vm4 =	vgt.f32 v5, v1  }
0x88: {  	v8 =	vsel vm15, $0x2, v10;
	v1 =	vsel vm4, v5, v1  }
0x89: {  	v5 =	vsel vm4, $0x1C0, v8;
	vm5 =	vgt.f32 v7, v1  }
0x8a: {  	v5 =	vsel vm5, $0x1C2, v5  }
0x8b: {  	v8 =	vadd.s32 s4, v5  }
0x8c: {  	v8 =	vadd.s32 v26, v8  }
0x8d: {  	vm1 =	vmor vm4, vm5  }
0x8e: {  	v58 =	vadd.s32 s4, v28;
	v57 =	vsel vm1, $0x1, v10  }
0x8f: {  	v1 =	vsel vm5, v7, v1;
	v7 =	vadd.s32 s4, v27;
	v47 =	vor.u32 s29, v57  }
0x90: {  	v5 =	vshrl.u32 v5, $0x1;
	vm0 =	vlt.s32 v1, $0x0;
	v47 =	vmul.u32 $0xE0, v47  }
0x91: {  	v7 =	vand.u32 $0xFF80, v7;
	v59 =	vxor.u32 $0x7FFFFFFF, v1;
	v5 =	vand.u32 $0x1, v5;
	v8 =	vld.idx.msk [tilespmem:v8+s3+$0x0], $0xffff  }
0x92: {  	v7 =	vor.u32 v3, v7;
	v5 =	vor.u32 v5, v47;
	v47 =	vand.u32 $0xFF80, v58  }
0x93: {  	v62 =	vadd.s32 s4, v29;
	v1 =	vsel vm0, v59, v1;
	v47 =	vor.u32 v4, v47  }
0x94: {  	v48 =	vand.u32 $0xFF80, v62;
	v5 =	vadd.s32 v25, v5;
	[tilespmem:s31+$0x0] =	vst v1  }
0x95: {  	v63 =	vadd.s32 s4, v30;
	[tilespmem:s1+$0x0] =	vst v5;
	v5 =	vor.u32 v6, v48  }
0x96: {  	[tilespmem:s30+$0x0] =	vst v8;
	v8 =	vand.u32 $0xFF80, v63  }
0x97: {  	v7 =	vld.idx.msk [tilespmem:v7+s3+$0x0], $0xffff;
	v8 =	vor.u32 v9, v8  }
0x98: {  	v47 =	vld.idx.msk [tilespmem:v47+s3+$0x0], $0xffff;
	_ =	sdelay $0x1  }
0x99: {  	v5 =	vld.idx.msk [tilespmem:v5+s3+$0x0], $0xffff;
	_ =	sdelay $0x1  }
0x9a: {  	v8 =	vld.idx.msk [tilespmem:v8+s3+$0x0], $0xffff  }
0x9b: {  	vm6 =	vgt.f32 v47, v7  }
0x9c: {  	v7 =	vsel vm6, v47, v7  }
0x9d: {  	vm7 =	vgt.f32 v5, v7  }
0x9e: {  	v56 =	vsel vm6, $0x2, v10;
	v5 =	vsel vm7, v5, v7  }
0x9f: {  	v7 =	vsel vm7, $0x1C0, v56;
	vm8 =	vgt.f32 v8, v5  }
0xa0: {  	v7 =	vsel vm8, $0x1C2, v7  }
0xa1: {  	v57 =	vadd.s32 s4, v7  }
0xa2: {  	v47 =	vadd.s32 v32, v57  }
0xa3: {  	vm1 =	vmor vm7, vm8  }
0xa4: {  	v59 =	vadd.s32 s4, v34;
	v58 =	vsel vm1, $0x1, v10  }
0xa5: {  	v5 =	vsel vm8, v8, v5;
	v8 =	vadd.s32 s4, v33;
	v48 =	vor.u32 s29, v58  }
0xa6: {  	v7 =	vshrl.u32 v7, $0x1;
	vm0 =	vlt.s32 v5, $0x0;
	v48 =	vmul.u32 $0xE0, v48  }
0xa7: {  	v8 =	vand.u32 $0xFF80, v8;
	v49 =	vxor.u32 $0x7FFFFFFF, v5;
	v7 =	vand.u32 $0x1, v7;
	v47 =	vld.idx.msk [tilespmem:v47+s3+$0x0], $0xffff  }
0xa8: {  	v8 =	vor.u32 v6, v8;
	v7 =	vor.u32 v7, v48;
	v48 =	vand.u32 $0xFF80, v59  }
0xa9: {  	v62 =	vadd.s32 s4, v35;
	v5 =	vsel vm0, v49, v5;
	v48 =	vor.u32 v9, v48  }
0xaa: {  	v49 =	vand.u32 $0xFF80, v62;
	v7 =	vadd.s32 v31, v7;
	[tilespmem:s31+$0x10] =	vst v5  }
0xab: {  	v63 =	vadd.s32 s4, v36;
	[tilespmem:s1+$0x10] =	vst v7;
	v7 =	vor.u32 v3, v49  }
0xac: {  	v56 =	vand.u32 $0xFF80, v63;
	[tilespmem:s30+$0x10] =	vst v47  }
0xad: {  	v47 =	vor.u32 v4, v56;
	v8 =	vld.idx.msk [tilespmem:v8+s3+$0x0], $0xffff  }
0xae: {  	v48 =	vld.idx.msk [tilespmem:v48+s3+$0x0], $0xffff;
	_ =	sdelay $0x1  }
0xaf: {  	v7 =	vld.idx.msk [tilespmem:v7+s3+$0x0], $0xffff;
	_ =	sdelay $0x1  }
0xb0: {  	v47 =	vld.idx.msk [tilespmem:v47+s3+$0x0], $0xffff  }
0xb1: {  	vm9 =	vgt.f32 v48, v8  }
0xb2: {  	v8 =	vsel vm9, v48, v8  }
0xb3: {  	vm10 =	vgt.f32 v7, v8  }
0xb4: {  	v57 =	vsel vm9, $0x2, v10;
	v7 =	vsel vm10, v7, v8  }
0xb5: {  	v8 =	vsel vm10, $0x1C0, v57;
	vm11 =	vgt.f32 v47, v7  }
0xb6: {  	v8 =	vsel vm11, $0x1C2, v8  }
0xb7: {  	v58 =	vadd.s32 s4, v8  }
0xb8: {  	v48 =	vadd.s32 v38, v58;
	_ =	sdelay $0x1  }
0xb9: {  	v50 =	vadd.s32 s4, v40;
	v63 =	vadd.s32 s4, v39;
	vm1 =	vmor vm10, vm11  }
0xba: {  	v50 =	vand.u32 $0xFF80, v50;
	v49 =	vand.u32 $0xFF80, v63;
	v59 =	vsel vm1, $0x1, v10  }
0xbb: {  	v49 =	vor.u32 v3, v49;
	v7 =	vsel vm11, v47, v7;
	v47 =	vor.u32 s29, v59  }
0xbc: {  	v56 =	vor.u32 v4, v50;
	v8 =	vshrl.u32 v8, $0x1;
	v47 =	vmul.u32 $0xE0, v47;
	v48 =	vld.idx.msk [tilespmem:v48+s3+$0x0], $0xffff  }
0xbd: {  	vm0 =	vlt.s32 v7, $0x0;
	v62 =	vxor.u32 $0x7FFFFFFF, v7;
	v8 =	vand.u32 $0x1, v8  }
0xbe: {  	v57 =	vadd.s32 s4, v41;
	v7 =	vsel vm0, v62, v7;
	v8 =	vor.u32 v8, v47  }
0xbf: {  	v50 =	vand.u32 $0xFF80, v57;
	v8 =	vadd.s32 v37, v8;
	[tilespmem:s31+$0x20] =	vst v7  }
0xc0: {  	v58 =	vadd.s32 s4, v42;
	[tilespmem:s1+$0x20] =	vst v8;
	v8 =	vor.u32 v6, v50  }
0xc1: {  	v59 =	vand.u32 $0xFF80, v58;
	[tilespmem:s30+$0x20] =	vst v48  }
0xc2: {  	v48 =	vor.u32 v9, v59;
	v49 =	vld.idx.msk [tilespmem:v49+s3+$0x0], $0xffff  }
0xc3: {  	v47 =	vld.idx.msk [tilespmem:v56+s3+$0x0], $0xffff;
	_ =	sdelay $0x1  }
0xc4: {  	v8 =	vld.idx.msk [tilespmem:v8+s3+$0x0], $0xffff  }
0xc5: {  	vm12 =	vgt.s32 v2, v45  }
0xc6: {  	v2 =	vsel vm12, v2, v45;
	v62 =	vld.idx.msk [tilespmem:v48+s3+$0x0], $0xffff  }
0xc7: {  	vm0 =	vgt.s32 v2, v46;
	vm13 =	vgt.f32 v47, v49  }
0xc8: {  	v2 =	vsel vm0, v2, v46;
	v63 =	vsel vm13, v47, v49  }
0xc9: {  	vm0 =	vgt.s32 v2, v1;
	vm2 =	vgt.f32 v8, v63  }
0xca: {  	v1 =	vsel vm0, v2, v1;
	v2 =	vsel vm2, v8, v63  }
0xcb: {  	vm0 =	vgt.s32 v1, v5;
	vm3 =	vgt.f32 v62, v2  }
0xcc: {  	v1 =	vsel vm0, v1, v5;
	v2 =	vsel vm3, v62, v2  }
0xcd: {  	vm0 =	vgt.s32 v1, v7;
	vm4 =	vlt.s32 v2, $0x0;
	v5 =	vxor.u32 $0x7FFFFFFF, v2  }
0xce: {  	v1 =	vsel vm0, v1, v7;
	v2 =	vsel vm4, v5, v2  }
0xcf: {  	vm0 =	vgt.s32 v1, v2  }
0xd0: {  	v1 =	vsel vm0, v1, v2  }
0xd1: {  	v1 =	vxor.u32 $0x80000000, v1  }
0xd2: {  	(xrf0) =	vmax.scan.msk.u32 $0xffff, v1;
	_ =	sdelay $0x5  }
0xd3: {  	v1, _, _ =	vpop (xrf0)  }
0xd4: {  	(v2sf) =	vpush v1, $0xF;
	_ =	sdelay $0x2  }
0xd5: {  	v1 =	vsel vm13, $0x2, v10  }
0xd6: {  	v1 =	vsel vm2, $0x1C0, v1  }
0xd7: {  	v1 =	vsel vm3, $0x1C2, v1  }
0xd8: {  	v5 =	vadd.s32 s4, v1  }
0xd9: {  	v5 =	vadd.s32 v44, v5  }
0xda: {  	vm14 =	vmor vm2, vm3  }
0xdb: {  	v7 =	vsel vm14, $0x1, v10  }
0xdc: {  	v7 =	vor.u32 s29, v7  }
0xdd: {  	v7 =	vmul.u32 $0xE0, v7;
	v1 =	vshrl.u32 v1, $0x1  }
0xde: {  	v1 =	vand.u32 $0x1, v1;
	v5 =	vld.idx.msk [tilespmem:v5+s3+$0x0], $0xffff  }
0xdf: {  	p0 =	sne.s32 s7, $0x1B;
	v1 =	vor.u32 v1, v7  }
.Ltmp2:
0xe0: {  	s18 =	sand.u32 $0xF, s7;
	v1 =	vadd.s32 v43, v1;
	[tilespmem:s31+$0x30] =	vst v2;
	(pc) =	sbr.rel @p0 .LBB2_3-.Ltmp2, $4  }
0xe1: {  	[tilespmem:s1+$0x30] =	vst v1;
	v1 =	vmov s18;
	s19 =	spop (v2sf)  }
0xe2: {  	s23 =	sand.u32 $0x10, s7;
	vm15 =	veq.s32 v1, v0;
	s19 =	sxor.u32 $0x80000000, s19  }
0xe3: {  	s7 =	sadd.s32 $0x1, s7;
	s29 =	sadd.s32 $0x2, s29;
	s4 =	sadd.s32 $0x380, s4;
	[tilespmem:s30+$0x30] =	vst v5;
	v61 =	vsel vm15, s19, v61  }
0xe4: {  	s31 =	sadd.s32 $0x70, s31;
	s1 =	sadd.s32 $0x70, s1;
	s30 =	sadd.s32 $0x70, s30;
	[tilespmem:s23+$0x15880] =	vst v61  }
0xe5: {  	s28 =	sadd.s32 s26, s28  }
0xe6: {  	_ =	swait.ge [sflag:s12], $0x6200;
	s29 =	simm.s32 $0x0;
	s1 =	sadd.s32 $0x62000, s28  }
0xe7: {  	s30 =	simm.s32 $0x38;
	[sflag:s12] =	ssyncset.done $0x0;
	s1 =	sshrl.u32 s1, $0x3  }
0xe8: {  	s31 =	simm.s32 $0x1C;
	[sflag:s12] =	ssyncadd.s32 $0xFFFF9E00;
	s1 =	sadd.s32 s5, s1  }
0xe9: {  	[tilespmem:s29], [sflag:$0x1] =	stream.strided.gather [hbm4b:s1+s8], $0x6200, s9, s8, $0x38;
	[tilespmem:$0x16480] =	vst v63  }
0xea: {  	s4 =	simm.s32 $0x133A0;
	s7 =	simm.s32 $0xD0A0;
	s1 =	simm.s32 $0x10220  }
.LBB2_5:
0xeb: {  	v1 =	vor.u32 s29, v3  }
0xec: {  	v2 =	vor.u32 s29, v4;
	v5 =	vadd.s32 s29, v12  }
0xed: {  	v5 =	vand.u32 $0xFF80, v5  }
0xee: {  	v7 =	vadd.s32 s29, v13;
	v5 =	vor.u32 v6, v5  }
0xef: {  	v7 =	vand.u32 $0xFF80, v7  }
0xf0: {  	v7 =	vor.u32 v9, v7;
	v1 =	vld.idx.msk [tilespmem:v1+s11+$0x0], $0xffff  }
0xf1: {  	v2 =	vld.idx.msk [tilespmem:v2+s11+$0x0], $0xffff;
	_ =	sdelay $0x1  }
0xf2: {  	v5 =	vld.idx.msk [tilespmem:v5+s11+$0x0], $0xffff;
	_ =	sdelay $0x1  }
0xf3: {  	v7 =	vld.idx.msk [tilespmem:v7+s11+$0x0], $0xffff  }
0xf4: {  	vm0 =	vgt.f32 v2, v1  }
0xf5: {  	v1 =	vsel vm0, v2, v1  }
0xf6: {  	vm1 =	vgt.f32 v5, v1  }
0xf7: {  	v2 =	vsel vm0, $0x2, v10;
	v1 =	vsel vm1, v5, v1  }
0xf8: {  	v2 =	vsel vm1, $0x1C0, v2;
	vm8 =	vgt.f32 v7, v1  }
0xf9: {  	v2 =	vsel vm8, $0x1C2, v2  }
0xfa: {  	v5 =	vadd.s32 s29, v2  }
0xfb: {  	v5 =	vadd.s32 v11, v5  }
0xfc: {  	vm1 =	vmor vm1, vm8  }
0xfd: {  	v8 =	vsel vm1, $0x1, v10  }
0xfe: {  	v8 =	vor.u32 s30, v8  }
0xff: {  	v1 =	vsel vm8, v7, v1;
	v2 =	vshrl.u32 v2, $0x1;
	v8 =	vmul.u32 $0xE0, v8  }
0x100: {  	vm0 =	vlt.s32 v1, $0x0;
	v2 =	vand.u32 $0x1, v2;
	v5 =	vld.idx.msk [tilespmem:v5+s11+$0x0], $0xffff  }
0x101: {  	v7 =	vor.u32 v2, v8;
	v2 =	vxor.u32 $0x7FFFFFFF, v1;
	v8 =	vor.u32 s29, v6  }
0x102: {  	v45 =	vadd.s32 s29, v15;
	v2 =	vsel vm0, v2, v1;
	v1 =	vor.u32 s29, v9  }
0x103: {  	v45 =	vand.u32 $0xFF80, v45;
	v7 =	vor.u32 v14, v7;
	[tilespmem:s7+$0xFFFFFFA0] =	vst v2  }
0x104: {  	v49 =	vadd.s32 s29, v16;
	[tilespmem:s1+$0xFFFFFFA0] =	vst v7;
	v7 =	vor.u32 v3, v45  }
0x105: {  	[tilespmem:s4+$0xFFFFFFA0] =	vst v5;
	v5 =	vand.u32 $0xFF80, v49  }
0x106: {  	v8 =	vld.idx.msk [tilespmem:v8+s11+$0x0], $0xffff;
	v5 =	vor.u32 v4, v5  }
0x107: {  	v1 =	vld.idx.msk [tilespmem:v1+s11+$0x0], $0xffff;
	_ =	sdelay $0x1  }
0x108: {  	v7 =	vld.idx.msk [tilespmem:v7+s11+$0x0], $0xffff;
	_ =	sdelay $0x1  }
0x109: {  	v5 =	vld.idx.msk [tilespmem:v5+s11+$0x0], $0xffff  }
0x10a: {  	vm9 =	vgt.f32 v1, v8  }
0x10b: {  	v1 =	vsel vm9, v1, v8  }
0x10c: {  	vm10 =	vgt.f32 v7, v1  }
0x10d: {  	v8 =	vsel vm9, $0x2, v10;
	v1 =	vsel vm10, v7, v1  }
0x10e: {  	v7 =	vsel vm10, $0x1C0, v8;
	vm11 =	vgt.f32 v5, v1  }
0x10f: {  	v7 =	vsel vm11, $0x1C2, v7  }
0x110: {  	vm1 =	vmor vm10, vm11;
	v8 =	vadd.s32 s29, v7  }
0x111: {  	v50 =	vsel vm1, $0x1, v10;
	v8 =	vadd.s32 v51, v8  }
0x112: {  	v45 =	vor.u32 s30, v50  }
0x113: {  	v7 =	vshrl.u32 v7, $0x1;
	v45 =	vmul.u32 $0xE0, v45  }
0x114: {  	v56 =	vadd.s32 s29, v53;
	v7 =	vand.u32 $0x1, v7  }
0x115: {  	v1 =	vsel vm11, v5, v1;
	v5 =	vor.u32 v7, v45;
	v7 =	vadd.s32 s29, v52  }
0x116: {  	v47 =	vand.u32 $0xFF80, v56;
	v7 =	vand.u32 $0xFF80, v7;
	v8 =	vld.idx.msk [tilespmem:v8+s11+$0x0], $0xffff  }
0x117: {  	vm0 =	vlt.s32 v1, $0x0;
	v46 =	vxor.u32 $0x7FFFFFFF, v1;
	v7 =	vor.u32 v3, v7  }
0x118: {  	v57 =	vadd.s32 s29, v54;
	v45 =	vsel vm0, v46, v1;
	v1 =	vor.u32 v4, v47  }
0x119: {  	v46 =	vand.u32 $0xFF80, v57;
	v5 =	vadd.s32 v17, v5;
	[tilespmem:s7+$0xFFFFFFB0] =	vst v45  }
0x11a: {  	v58 =	vadd.s32 s29, v18;
	[tilespmem:s1+$0xFFFFFFB0] =	vst v5;
	v5 =	vor.u32 v6, v46  }
0x11b: {  	[tilespmem:s4+$0xFFFFFFB0] =	vst v8;
	v8 =	vand.u32 $0xFF80, v58  }
0x11c: {  	v7 =	vld.idx.msk [tilespmem:v7+s11+$0x0], $0xffff;
	v8 =	vor.u32 v9, v8  }
0x11d: {  	v1 =	vld.idx.msk [tilespmem:v1+s11+$0x0], $0xffff;
	_ =	sdelay $0x1  }
0x11e: {  	v5 =	vld.idx.msk [tilespmem:v5+s11+$0x0], $0xffff;
	_ =	sdelay $0x1  }
0x11f: {  	v8 =	vld.idx.msk [tilespmem:v8+s11+$0x0], $0xffff  }
0x120: {  	vm12 =	vgt.f32 v1, v7  }
0x121: {  	v1 =	vsel vm12, v1, v7  }
0x122: {  	vm13 =	vgt.f32 v5, v1  }
0x123: {  	v7 =	vsel vm12, $0x2, v10;
	v1 =	vsel vm13, v5, v1  }
0x124: {  	v5 =	vsel vm13, $0x1C0, v7;
	vm14 =	vgt.f32 v8, v1  }
0x125: {  	v5 =	vsel vm14, $0x1C2, v5  }
0x126: {  	v7 =	vadd.s32 s29, v5  }
0x127: {  	v7 =	vadd.s32 v20, v7  }
0x128: {  	v62 =	vadd.s32 s29, v22  }
0x129: {  	v48 =	vand.u32 $0xFF80, v62;
	vm1 =	vmor vm13, vm14  }
0x12a: {  	v50 =	vadd.s32 s29, v23;
	v1 =	vsel vm14, v8, v1;
	v59 =	vsel vm1, $0x1, v10  }
0x12b: {  	v8 =	vadd.s32 s29, v21;
	v5 =	vshrl.u32 v5, $0x1;
	v46 =	vor.u32 s30, v59  }
0x12c: {  	vm0 =	vlt.s32 v1, $0x0;
	v8 =	vand.u32 $0xFF80, v8;
	v46 =	vmul.u32 $0xE0, v46;
	v7 =	vld.idx.msk [tilespmem:v7+s11+$0x0], $0xffff  }
0x12d: {  	v63 =	vxor.u32 $0x7FFFFFFF, v1;
	v5 =	vand.u32 $0x1, v5;
	v8 =	vor.u32 v6, v8  }
0x12e: {  	v5 =	vor.u32 v5, v46;
	v46 =	vsel vm0, v63, v1;
	v1 =	vor.u32 v9, v48  }
0x12f: {  	v47 =	vand.u32 $0xFF80, v50;
	v5 =	vadd.s32 v19, v5;
	[tilespmem:s7+$0xFFFFFFC0] =	vst v46  }
0x130: {  	v56 =	vadd.s32 s29, v24;
	[tilespmem:s1+$0xFFFFFFC0] =	vst v5;
	v5 =	vor.u32 v3, v47  }
0x131: {  	[tilespmem:s4+$0xFFFFFFC0] =	vst v7;
	v7 =	vand.u32 $0xFF80, v56  }
0x132: {  	v8 =	vld.idx.msk [tilespmem:v8+s11+$0x0], $0xffff;
	v7 =	vor.u32 v4, v7  }
0x133: {  	v1 =	vld.idx.msk [tilespmem:v1+s11+$0x0], $0xffff;
	_ =	sdelay $0x1  }
0x134: {  	v5 =	vld.idx.msk [tilespmem:v5+s11+$0x0], $0xffff;
	_ =	sdelay $0x1  }
0x135: {  	v7 =	vld.idx.msk [tilespmem:v7+s11+$0x0], $0xffff  }
0x136: {  	vm15 =	vgt.f32 v1, v8  }
0x137: {  	v1 =	vsel vm15, v1, v8  }
0x138: {  	vm4 =	vgt.f32 v5, v1  }
0x139: {  	v8 =	vsel vm15, $0x2, v10;
	v1 =	vsel vm4, v5, v1  }
0x13a: {  	v5 =	vsel vm4, $0x1C0, v8;
	vm5 =	vgt.f32 v7, v1  }
0x13b: {  	v5 =	vsel vm5, $0x1C2, v5  }
0x13c: {  	v8 =	vadd.s32 s29, v5  }
0x13d: {  	v8 =	vadd.s32 v26, v8  }
0x13e: {  	vm1 =	vmor vm4, vm5  }
0x13f: {  	v58 =	vadd.s32 s29, v28;
	v57 =	vsel vm1, $0x1, v10  }
0x140: {  	v1 =	vsel vm5, v7, v1;
	v7 =	vadd.s32 s29, v27;
	v47 =	vor.u32 s30, v57  }
0x141: {  	v5 =	vshrl.u32 v5, $0x1;
	vm0 =	vlt.s32 v1, $0x0;
	v47 =	vmul.u32 $0xE0, v47  }
0x142: {  	v7 =	vand.u32 $0xFF80, v7;
	v59 =	vxor.u32 $0x7FFFFFFF, v1;
	v5 =	vand.u32 $0x1, v5;
	v8 =	vld.idx.msk [tilespmem:v8+s11+$0x0], $0xffff  }
0x143: {  	v7 =	vor.u32 v3, v7;
	v5 =	vor.u32 v5, v47;
	v47 =	vand.u32 $0xFF80, v58  }
0x144: {  	v62 =	vadd.s32 s29, v29;
	v1 =	vsel vm0, v59, v1;
	v47 =	vor.u32 v4, v47  }
0x145: {  	v48 =	vand.u32 $0xFF80, v62;
	v5 =	vadd.s32 v25, v5;
	[tilespmem:s7+$0xFFFFFFD0] =	vst v1  }
0x146: {  	v63 =	vadd.s32 s29, v30;
	[tilespmem:s1+$0xFFFFFFD0] =	vst v5;
	v5 =	vor.u32 v6, v48  }
0x147: {  	[tilespmem:s4+$0xFFFFFFD0] =	vst v8;
	v8 =	vand.u32 $0xFF80, v63  }
0x148: {  	v7 =	vld.idx.msk [tilespmem:v7+s11+$0x0], $0xffff;
	v8 =	vor.u32 v9, v8  }
0x149: {  	v47 =	vld.idx.msk [tilespmem:v47+s11+$0x0], $0xffff;
	_ =	sdelay $0x1  }
0x14a: {  	v5 =	vld.idx.msk [tilespmem:v5+s11+$0x0], $0xffff;
	_ =	sdelay $0x1  }
0x14b: {  	v8 =	vld.idx.msk [tilespmem:v8+s11+$0x0], $0xffff  }
0x14c: {  	vm6 =	vgt.f32 v47, v7  }
0x14d: {  	v7 =	vsel vm6, v47, v7  }
0x14e: {  	vm7 =	vgt.f32 v5, v7  }
0x14f: {  	v56 =	vsel vm6, $0x2, v10;
	v5 =	vsel vm7, v5, v7  }
0x150: {  	v7 =	vsel vm7, $0x1C0, v56;
	vm8 =	vgt.f32 v8, v5  }
0x151: {  	v7 =	vsel vm8, $0x1C2, v7  }
0x152: {  	v57 =	vadd.s32 s29, v7  }
0x153: {  	v47 =	vadd.s32 v32, v57  }
0x154: {  	vm1 =	vmor vm7, vm8  }
0x155: {  	v59 =	vadd.s32 s29, v34;
	v58 =	vsel vm1, $0x1, v10  }
0x156: {  	v5 =	vsel vm8, v8, v5;
	v8 =	vadd.s32 s29, v33;
	v48 =	vor.u32 s30, v58  }
0x157: {  	v7 =	vshrl.u32 v7, $0x1;
	vm0 =	vlt.s32 v5, $0x0;
	v48 =	vmul.u32 $0xE0, v48  }
0x158: {  	v8 =	vand.u32 $0xFF80, v8;
	v49 =	vxor.u32 $0x7FFFFFFF, v5;
	v7 =	vand.u32 $0x1, v7;
	v47 =	vld.idx.msk [tilespmem:v47+s11+$0x0], $0xffff  }
0x159: {  	v8 =	vor.u32 v6, v8;
	v7 =	vor.u32 v7, v48;
	v48 =	vand.u32 $0xFF80, v59  }
0x15a: {  	v62 =	vadd.s32 s29, v35;
	v5 =	vsel vm0, v49, v5;
	v48 =	vor.u32 v9, v48  }
0x15b: {  	v49 =	vand.u32 $0xFF80, v62;
	v7 =	vadd.s32 v31, v7;
	[tilespmem:s7+$0xFFFFFFE0] =	vst v5  }
0x15c: {  	v63 =	vadd.s32 s29, v36;
	[tilespmem:s1+$0xFFFFFFE0] =	vst v7;
	v7 =	vor.u32 v3, v49  }
0x15d: {  	v56 =	vand.u32 $0xFF80, v63;
	[tilespmem:s4+$0xFFFFFFE0] =	vst v47  }
0x15e: {  	v47 =	vor.u32 v4, v56;
	v8 =	vld.idx.msk [tilespmem:v8+s11+$0x0], $0xffff  }
0x15f: {  	v48 =	vld.idx.msk [tilespmem:v48+s11+$0x0], $0xffff;
	_ =	sdelay $0x1  }
0x160: {  	v7 =	vld.idx.msk [tilespmem:v7+s11+$0x0], $0xffff;
	_ =	sdelay $0x1  }
0x161: {  	v47 =	vld.idx.msk [tilespmem:v47+s11+$0x0], $0xffff  }
0x162: {  	vm9 =	vgt.f32 v48, v8  }
0x163: {  	v8 =	vsel vm9, v48, v8  }
0x164: {  	vm10 =	vgt.f32 v7, v8  }
0x165: {  	v57 =	vsel vm9, $0x2, v10;
	v7 =	vsel vm10, v7, v8  }
0x166: {  	v8 =	vsel vm10, $0x1C0, v57;
	vm11 =	vgt.f32 v47, v7  }
0x167: {  	v8 =	vsel vm11, $0x1C2, v8  }
0x168: {  	v58 =	vadd.s32 s29, v8  }
0x169: {  	v48 =	vadd.s32 v38, v58;
	_ =	sdelay $0x1  }
0x16a: {  	v50 =	vadd.s32 s29, v40;
	v63 =	vadd.s32 s29, v39;
	vm1 =	vmor vm10, vm11  }
0x16b: {  	v50 =	vand.u32 $0xFF80, v50;
	v49 =	vand.u32 $0xFF80, v63;
	v59 =	vsel vm1, $0x1, v10  }
0x16c: {  	v49 =	vor.u32 v3, v49;
	v7 =	vsel vm11, v47, v7;
	v47 =	vor.u32 s30, v59  }
0x16d: {  	v56 =	vor.u32 v4, v50;
	v8 =	vshrl.u32 v8, $0x1;
	v47 =	vmul.u32 $0xE0, v47;
	v48 =	vld.idx.msk [tilespmem:v48+s11+$0x0], $0xffff  }
0x16e: {  	vm0 =	vlt.s32 v7, $0x0;
	v62 =	vxor.u32 $0x7FFFFFFF, v7;
	v8 =	vand.u32 $0x1, v8  }
0x16f: {  	v57 =	vadd.s32 s29, v41;
	v7 =	vsel vm0, v62, v7;
	v8 =	vor.u32 v8, v47  }
0x170: {  	v50 =	vand.u32 $0xFF80, v57;
	v8 =	vadd.s32 v37, v8;
	[tilespmem:s7+$0xFFFFFFF0] =	vst v7  }
0x171: {  	v58 =	vadd.s32 s29, v42;
	[tilespmem:s1+$0xFFFFFFF0] =	vst v8;
	v8 =	vor.u32 v6, v50  }
0x172: {  	v59 =	vand.u32 $0xFF80, v58;
	[tilespmem:s4+$0xFFFFFFF0] =	vst v48  }
0x173: {  	v48 =	vor.u32 v9, v59;
	v49 =	vld.idx.msk [tilespmem:v49+s11+$0x0], $0xffff  }
0x174: {  	v47 =	vld.idx.msk [tilespmem:v56+s11+$0x0], $0xffff;
	_ =	sdelay $0x1  }
0x175: {  	v8 =	vld.idx.msk [tilespmem:v8+s11+$0x0], $0xffff  }
0x176: {  	vm12 =	vgt.s32 v2, v45  }
0x177: {  	v2 =	vsel vm12, v2, v45;
	v62 =	vld.idx.msk [tilespmem:v48+s11+$0x0], $0xffff  }
0x178: {  	vm0 =	vgt.s32 v2, v46;
	vm13 =	vgt.f32 v47, v49  }
0x179: {  	v2 =	vsel vm0, v2, v46;
	v63 =	vsel vm13, v47, v49  }
0x17a: {  	vm0 =	vgt.s32 v2, v1;
	vm2 =	vgt.f32 v8, v63  }
0x17b: {  	v1 =	vsel vm0, v2, v1;
	v2 =	vsel vm2, v8, v63  }
0x17c: {  	vm0 =	vgt.s32 v1, v5;
	vm3 =	vgt.f32 v62, v2  }
0x17d: {  	v1 =	vsel vm0, v1, v5;
	v2 =	vsel vm3, v62, v2  }
0x17e: {  	vm0 =	vgt.s32 v1, v7;
	vm4 =	vlt.s32 v2, $0x0;
	v5 =	vxor.u32 $0x7FFFFFFF, v2  }
0x17f: {  	v1 =	vsel vm0, v1, v7;
	v2 =	vsel vm4, v5, v2  }
0x180: {  	vm0 =	vgt.s32 v1, v2  }
0x181: {  	v1 =	vsel vm0, v1, v2  }
0x182: {  	v1 =	vxor.u32 $0x80000000, v1  }
0x183: {  	(xrf0) =	vmax.scan.msk.u32 $0xffff, v1;
	_ =	sdelay $0x5  }
0x184: {  	v1, _, _ =	vpop (xrf0)  }
0x185: {  	(v2sf) =	vpush v1, $0xF;
	_ =	sdelay $0x2  }
0x186: {  	v1 =	vsel vm13, $0x2, v10  }
0x187: {  	v1 =	vsel vm2, $0x1C0, v1  }
0x188: {  	v1 =	vsel vm3, $0x1C2, v1  }
0x189: {  	v5 =	vadd.s32 s29, v1  }
0x18a: {  	v5 =	vadd.s32 v44, v5;
	_ =	sdelay $0x1  }
0x18b: {  	vm14 =	vmor vm2, vm3  }
0x18c: {  	v7 =	vsel vm14, $0x1, v10  }
0x18d: {  	v7 =	vor.u32 s30, v7  }
0x18e: {  	v7 =	vmul.u32 $0xE0, v7;
	v1 =	vshrl.u32 v1, $0x1;
	v5 =	vld.idx.msk [tilespmem:v5+s11+$0x0], $0xffff  }
0x18f: {  	p0 =	sne.s32 s30, $0x6E;
	v1 =	vand.u32 $0x1, v1  }
.Ltmp3:
0x190: {  	s18 =	sand.u32 $0xF, s31;
	v1 =	vor.u32 v1, v7;
	(pc) =	sbr.rel @p0 .LBB2_5-.Ltmp3, $4  }
0x191: {  	v1 =	vadd.s32 v43, v1;
	[tilespmem:s7+$0x0] =	vst v2;
	v2 =	vmov s18;
	s19 =	spop (v2sf)  }
0x192: {  	s23 =	sand.u32 $0x30, s31;
	[tilespmem:s1+$0x0] =	vst v1;
	vm15 =	veq.s32 v2, v0;
	s19 =	sxor.u32 $0x80000000, s19  }
0x193: {  	s31 =	sadd.s32 $0x1, s31;
	s30 =	sadd.s32 $0x2, s30;
	s29 =	sadd.s32 $0x380, s29;
	[tilespmem:s4+$0x0] =	vst v5;
	v61 =	vsel vm15, s19, v61  }
0x194: {  	s7 =	sadd.s32 $0x70, s7;
	s1 =	sadd.s32 $0x70, s1;
	s4 =	sadd.s32 $0x70, s4;
	[tilespmem:s23+$0x15880] =	vst v61  }
0x195: {  	_ =	swait.ge [sflag:s10], $0x6200;
	s1 =	sadd.s32 $0x93000, s28;
	s28 =	simm.s32 $0x70  }
0x196: {  	s29 =	simm.s32 $0x38;
	[sflag:s10] =	ssyncset.done $0x0;
	s1 =	sshrl.u32 s1, $0x3  }
0x197: {  	s30 =	simm.s32 $0x0;
	[sflag:s10] =	ssyncadd.s32 $0xFFFF9E00;
	s1 =	sadd.s32 s5, s1  }
0x198: {  	[tilespmem:s11], [sflag:$0x2] =	stream.strided.gather [hbm4b:s1+s8], $0x6200, s9, s8, $0x38;
	[tilespmem:$0x16480] =	vst v63  }
0x199: {  	s4 =	simm.s32 $0x13FE0;
	s7 =	simm.s32 $0xDCE0;
	s1 =	simm.s32 $0x10E60  }
.LBB2_7:
0x19a: {  	v1 =	vor.u32 s30, v3  }
0x19b: {  	v2 =	vor.u32 s30, v4;
	v5 =	vadd.s32 s30, v12  }
0x19c: {  	v5 =	vand.u32 $0xFF80, v5  }
0x19d: {  	v7 =	vadd.s32 s30, v13;
	v5 =	vor.u32 v6, v5  }
0x19e: {  	v7 =	vand.u32 $0xFF80, v7  }
0x19f: {  	v7 =	vor.u32 v9, v7;
	v1 =	vld.idx.msk [tilespmem:v1+s3+$0x0], $0xffff  }
0x1a0: {  	v2 =	vld.idx.msk [tilespmem:v2+s3+$0x0], $0xffff;
	_ =	sdelay $0x1  }
0x1a1: {  	v5 =	vld.idx.msk [tilespmem:v5+s3+$0x0], $0xffff;
	_ =	sdelay $0x1  }
0x1a2: {  	v7 =	vld.idx.msk [tilespmem:v7+s3+$0x0], $0xffff  }
0x1a3: {  	vm0 =	vgt.f32 v2, v1  }
0x1a4: {  	v1 =	vsel vm0, v2, v1  }
0x1a5: {  	vm1 =	vgt.f32 v5, v1  }
0x1a6: {  	v2 =	vsel vm0, $0x2, v10;
	v1 =	vsel vm1, v5, v1  }
0x1a7: {  	v2 =	vsel vm1, $0x1C0, v2;
	vm8 =	vgt.f32 v7, v1  }
0x1a8: {  	v2 =	vsel vm8, $0x1C2, v2  }
0x1a9: {  	v5 =	vadd.s32 s30, v2  }
0x1aa: {  	v5 =	vadd.s32 v11, v5  }
0x1ab: {  	vm1 =	vmor vm1, vm8  }
0x1ac: {  	v8 =	vsel vm1, $0x1, v10  }
0x1ad: {  	v8 =	vor.u32 s28, v8  }
0x1ae: {  	v1 =	vsel vm8, v7, v1;
	v2 =	vshrl.u32 v2, $0x1;
	v8 =	vmul.u32 $0xE0, v8  }
0x1af: {  	vm0 =	vlt.s32 v1, $0x0;
	v2 =	vand.u32 $0x1, v2;
	v5 =	vld.idx.msk [tilespmem:v5+s3+$0x0], $0xffff  }
0x1b0: {  	v7 =	vor.u32 v2, v8;
	v2 =	vxor.u32 $0x7FFFFFFF, v1;
	v8 =	vor.u32 s30, v6  }
0x1b1: {  	v45 =	vadd.s32 s30, v15;
	v2 =	vsel vm0, v2, v1;
	v1 =	vor.u32 s30, v9  }
0x1b2: {  	v45 =	vand.u32 $0xFF80, v45;
	v7 =	vor.u32 v14, v7;
	[tilespmem:s7+$0xFFFFFFA0] =	vst v2  }
0x1b3: {  	v49 =	vadd.s32 s30, v16;
	[tilespmem:s1+$0xFFFFFFA0] =	vst v7;
	v7 =	vor.u32 v3, v45  }
0x1b4: {  	[tilespmem:s4+$0xFFFFFFA0] =	vst v5;
	v5 =	vand.u32 $0xFF80, v49  }
0x1b5: {  	v8 =	vld.idx.msk [tilespmem:v8+s3+$0x0], $0xffff;
	v5 =	vor.u32 v4, v5  }
0x1b6: {  	v1 =	vld.idx.msk [tilespmem:v1+s3+$0x0], $0xffff;
	_ =	sdelay $0x1  }
0x1b7: {  	v7 =	vld.idx.msk [tilespmem:v7+s3+$0x0], $0xffff;
	_ =	sdelay $0x1  }
0x1b8: {  	v5 =	vld.idx.msk [tilespmem:v5+s3+$0x0], $0xffff  }
0x1b9: {  	vm9 =	vgt.f32 v1, v8  }
0x1ba: {  	v1 =	vsel vm9, v1, v8  }
0x1bb: {  	vm10 =	vgt.f32 v7, v1  }
0x1bc: {  	v8 =	vsel vm9, $0x2, v10;
	v1 =	vsel vm10, v7, v1  }
0x1bd: {  	v7 =	vsel vm10, $0x1C0, v8;
	vm11 =	vgt.f32 v5, v1  }
0x1be: {  	v7 =	vsel vm11, $0x1C2, v7  }
0x1bf: {  	vm1 =	vmor vm10, vm11;
	v8 =	vadd.s32 s30, v7  }
0x1c0: {  	v50 =	vsel vm1, $0x1, v10;
	v8 =	vadd.s32 v51, v8  }
0x1c1: {  	v45 =	vor.u32 s28, v50  }
0x1c2: {  	v7 =	vshrl.u32 v7, $0x1;
	v45 =	vmul.u32 $0xE0, v45  }
0x1c3: {  	v56 =	vadd.s32 s30, v53;
	v7 =	vand.u32 $0x1, v7  }
0x1c4: {  	v1 =	vsel vm11, v5, v1;
	v5 =	vor.u32 v7, v45;
	v7 =	vadd.s32 s30, v52  }
0x1c5: {  	v47 =	vand.u32 $0xFF80, v56;
	v7 =	vand.u32 $0xFF80, v7;
	v8 =	vld.idx.msk [tilespmem:v8+s3+$0x0], $0xffff  }
0x1c6: {  	vm0 =	vlt.s32 v1, $0x0;
	v46 =	vxor.u32 $0x7FFFFFFF, v1;
	v7 =	vor.u32 v3, v7  }
0x1c7: {  	v57 =	vadd.s32 s30, v54;
	v45 =	vsel vm0, v46, v1;
	v1 =	vor.u32 v4, v47  }
0x1c8: {  	v46 =	vand.u32 $0xFF80, v57;
	v5 =	vadd.s32 v17, v5;
	[tilespmem:s7+$0xFFFFFFB0] =	vst v45  }
0x1c9: {  	v58 =	vadd.s32 s30, v18;
	[tilespmem:s1+$0xFFFFFFB0] =	vst v5;
	v5 =	vor.u32 v6, v46  }
0x1ca: {  	[tilespmem:s4+$0xFFFFFFB0] =	vst v8;
	v8 =	vand.u32 $0xFF80, v58  }
0x1cb: {  	v7 =	vld.idx.msk [tilespmem:v7+s3+$0x0], $0xffff;
	v8 =	vor.u32 v9, v8  }
0x1cc: {  	v1 =	vld.idx.msk [tilespmem:v1+s3+$0x0], $0xffff;
	_ =	sdelay $0x1  }
0x1cd: {  	v5 =	vld.idx.msk [tilespmem:v5+s3+$0x0], $0xffff;
	_ =	sdelay $0x1  }
0x1ce: {  	v8 =	vld.idx.msk [tilespmem:v8+s3+$0x0], $0xffff  }
0x1cf: {  	vm12 =	vgt.f32 v1, v7  }
0x1d0: {  	v1 =	vsel vm12, v1, v7  }
0x1d1: {  	vm13 =	vgt.f32 v5, v1  }
0x1d2: {  	v7 =	vsel vm12, $0x2, v10;
	v1 =	vsel vm13, v5, v1  }
0x1d3: {  	v5 =	vsel vm13, $0x1C0, v7;
	vm14 =	vgt.f32 v8, v1  }
0x1d4: {  	v5 =	vsel vm14, $0x1C2, v5  }
0x1d5: {  	v7 =	vadd.s32 s30, v5  }
0x1d6: {  	v7 =	vadd.s32 v20, v7  }
0x1d7: {  	v62 =	vadd.s32 s30, v22  }
0x1d8: {  	v48 =	vand.u32 $0xFF80, v62;
	vm1 =	vmor vm13, vm14  }
0x1d9: {  	v50 =	vadd.s32 s30, v23;
	v1 =	vsel vm14, v8, v1;
	v59 =	vsel vm1, $0x1, v10  }
0x1da: {  	v8 =	vadd.s32 s30, v21;
	v5 =	vshrl.u32 v5, $0x1;
	v46 =	vor.u32 s28, v59  }
0x1db: {  	vm0 =	vlt.s32 v1, $0x0;
	v8 =	vand.u32 $0xFF80, v8;
	v46 =	vmul.u32 $0xE0, v46;
	v7 =	vld.idx.msk [tilespmem:v7+s3+$0x0], $0xffff  }
0x1dc: {  	v63 =	vxor.u32 $0x7FFFFFFF, v1;
	v5 =	vand.u32 $0x1, v5;
	v8 =	vor.u32 v6, v8  }
0x1dd: {  	v5 =	vor.u32 v5, v46;
	v46 =	vsel vm0, v63, v1;
	v1 =	vor.u32 v9, v48  }
0x1de: {  	v47 =	vand.u32 $0xFF80, v50;
	v5 =	vadd.s32 v19, v5;
	[tilespmem:s7+$0xFFFFFFC0] =	vst v46  }
0x1df: {  	v56 =	vadd.s32 s30, v24;
	[tilespmem:s1+$0xFFFFFFC0] =	vst v5;
	v5 =	vor.u32 v3, v47  }
0x1e0: {  	[tilespmem:s4+$0xFFFFFFC0] =	vst v7;
	v7 =	vand.u32 $0xFF80, v56  }
0x1e1: {  	v8 =	vld.idx.msk [tilespmem:v8+s3+$0x0], $0xffff;
	v7 =	vor.u32 v4, v7  }
0x1e2: {  	v1 =	vld.idx.msk [tilespmem:v1+s3+$0x0], $0xffff;
	_ =	sdelay $0x1  }
0x1e3: {  	v5 =	vld.idx.msk [tilespmem:v5+s3+$0x0], $0xffff;
	_ =	sdelay $0x1  }
0x1e4: {  	v7 =	vld.idx.msk [tilespmem:v7+s3+$0x0], $0xffff  }
0x1e5: {  	vm15 =	vgt.f32 v1, v8  }
0x1e6: {  	v1 =	vsel vm15, v1, v8  }
0x1e7: {  	vm4 =	vgt.f32 v5, v1  }
0x1e8: {  	v8 =	vsel vm15, $0x2, v10;
	v1 =	vsel vm4, v5, v1  }
0x1e9: {  	v5 =	vsel vm4, $0x1C0, v8;
	vm5 =	vgt.f32 v7, v1  }
0x1ea: {  	v5 =	vsel vm5, $0x1C2, v5  }
0x1eb: {  	v8 =	vadd.s32 s30, v5  }
0x1ec: {  	v8 =	vadd.s32 v26, v8  }
0x1ed: {  	vm1 =	vmor vm4, vm5  }
0x1ee: {  	v58 =	vadd.s32 s30, v28;
	v57 =	vsel vm1, $0x1, v10  }
0x1ef: {  	v1 =	vsel vm5, v7, v1;
	v7 =	vadd.s32 s30, v27;
	v47 =	vor.u32 s28, v57  }
0x1f0: {  	v5 =	vshrl.u32 v5, $0x1;
	vm0 =	vlt.s32 v1, $0x0;
	v47 =	vmul.u32 $0xE0, v47  }
0x1f1: {  	v7 =	vand.u32 $0xFF80, v7;
	v59 =	vxor.u32 $0x7FFFFFFF, v1;
	v5 =	vand.u32 $0x1, v5;
	v8 =	vld.idx.msk [tilespmem:v8+s3+$0x0], $0xffff  }
0x1f2: {  	v7 =	vor.u32 v3, v7;
	v5 =	vor.u32 v5, v47;
	v47 =	vand.u32 $0xFF80, v58  }
0x1f3: {  	v62 =	vadd.s32 s30, v29;
	v1 =	vsel vm0, v59, v1;
	v47 =	vor.u32 v4, v47  }
0x1f4: {  	v48 =	vand.u32 $0xFF80, v62;
	v5 =	vadd.s32 v25, v5;
	[tilespmem:s7+$0xFFFFFFD0] =	vst v1  }
0x1f5: {  	v63 =	vadd.s32 s30, v30;
	[tilespmem:s1+$0xFFFFFFD0] =	vst v5;
	v5 =	vor.u32 v6, v48  }
0x1f6: {  	[tilespmem:s4+$0xFFFFFFD0] =	vst v8;
	v8 =	vand.u32 $0xFF80, v63  }
0x1f7: {  	v7 =	vld.idx.msk [tilespmem:v7+s3+$0x0], $0xffff;
	v8 =	vor.u32 v9, v8  }
0x1f8: {  	v47 =	vld.idx.msk [tilespmem:v47+s3+$0x0], $0xffff;
	_ =	sdelay $0x1  }
0x1f9: {  	v5 =	vld.idx.msk [tilespmem:v5+s3+$0x0], $0xffff;
	_ =	sdelay $0x1  }
0x1fa: {  	v8 =	vld.idx.msk [tilespmem:v8+s3+$0x0], $0xffff  }
0x1fb: {  	vm6 =	vgt.f32 v47, v7  }
0x1fc: {  	v7 =	vsel vm6, v47, v7  }
0x1fd: {  	vm7 =	vgt.f32 v5, v7  }
0x1fe: {  	v56 =	vsel vm6, $0x2, v10;
	v5 =	vsel vm7, v5, v7  }
0x1ff: {  	v7 =	vsel vm7, $0x1C0, v56;
	vm8 =	vgt.f32 v8, v5  }
0x200: {  	v7 =	vsel vm8, $0x1C2, v7  }
0x201: {  	v57 =	vadd.s32 s30, v7  }
0x202: {  	v47 =	vadd.s32 v32, v57  }
0x203: {  	vm1 =	vmor vm7, vm8  }
0x204: {  	v59 =	vadd.s32 s30, v34;
	v58 =	vsel vm1, $0x1, v10  }
0x205: {  	v5 =	vsel vm8, v8, v5;
	v8 =	vadd.s32 s30, v33;
	v48 =	vor.u32 s28, v58  }
0x206: {  	v7 =	vshrl.u32 v7, $0x1;
	vm0 =	vlt.s32 v5, $0x0;
	v48 =	vmul.u32 $0xE0, v48  }
0x207: {  	v8 =	vand.u32 $0xFF80, v8;
	v49 =	vxor.u32 $0x7FFFFFFF, v5;
	v7 =	vand.u32 $0x1, v7;
	v47 =	vld.idx.msk [tilespmem:v47+s3+$0x0], $0xffff  }
0x208: {  	v8 =	vor.u32 v6, v8;
	v7 =	vor.u32 v7, v48;
	v48 =	vand.u32 $0xFF80, v59  }
0x209: {  	v62 =	vadd.s32 s30, v35;
	v5 =	vsel vm0, v49, v5;
	v48 =	vor.u32 v9, v48  }
0x20a: {  	v49 =	vand.u32 $0xFF80, v62;
	v7 =	vadd.s32 v31, v7;
	[tilespmem:s7+$0xFFFFFFE0] =	vst v5  }
0x20b: {  	v63 =	vadd.s32 s30, v36;
	[tilespmem:s1+$0xFFFFFFE0] =	vst v7;
	v7 =	vor.u32 v3, v49  }
0x20c: {  	v56 =	vand.u32 $0xFF80, v63;
	[tilespmem:s4+$0xFFFFFFE0] =	vst v47  }
0x20d: {  	v47 =	vor.u32 v4, v56;
	v8 =	vld.idx.msk [tilespmem:v8+s3+$0x0], $0xffff  }
0x20e: {  	v48 =	vld.idx.msk [tilespmem:v48+s3+$0x0], $0xffff;
	_ =	sdelay $0x1  }
0x20f: {  	v7 =	vld.idx.msk [tilespmem:v7+s3+$0x0], $0xffff;
	_ =	sdelay $0x1  }
0x210: {  	v47 =	vld.idx.msk [tilespmem:v47+s3+$0x0], $0xffff  }
0x211: {  	vm9 =	vgt.f32 v48, v8  }
0x212: {  	v8 =	vsel vm9, v48, v8  }
0x213: {  	vm10 =	vgt.f32 v7, v8  }
0x214: {  	v57 =	vsel vm9, $0x2, v10;
	v7 =	vsel vm10, v7, v8  }
0x215: {  	v8 =	vsel vm10, $0x1C0, v57;
	vm11 =	vgt.f32 v47, v7  }
0x216: {  	v8 =	vsel vm11, $0x1C2, v8  }
0x217: {  	v58 =	vadd.s32 s30, v8  }
0x218: {  	v48 =	vadd.s32 v38, v58;
	_ =	sdelay $0x1  }
0x219: {  	v50 =	vadd.s32 s30, v40;
	v63 =	vadd.s32 s30, v39;
	vm1 =	vmor vm10, vm11  }
0x21a: {  	v50 =	vand.u32 $0xFF80, v50;
	v49 =	vand.u32 $0xFF80, v63;
	v59 =	vsel vm1, $0x1, v10  }
0x21b: {  	v49 =	vor.u32 v3, v49;
	v7 =	vsel vm11, v47, v7;
	v47 =	vor.u32 s28, v59  }
0x21c: {  	v56 =	vor.u32 v4, v50;
	v8 =	vshrl.u32 v8, $0x1;
	v47 =	vmul.u32 $0xE0, v47;
	v48 =	vld.idx.msk [tilespmem:v48+s3+$0x0], $0xffff  }
0x21d: {  	vm0 =	vlt.s32 v7, $0x0;
	v62 =	vxor.u32 $0x7FFFFFFF, v7;
	v8 =	vand.u32 $0x1, v8  }
0x21e: {  	v57 =	vadd.s32 s30, v41;
	v7 =	vsel vm0, v62, v7;
	v8 =	vor.u32 v8, v47  }
0x21f: {  	v50 =	vand.u32 $0xFF80, v57;
	v8 =	vadd.s32 v37, v8;
	[tilespmem:s7+$0xFFFFFFF0] =	vst v7  }
0x220: {  	v58 =	vadd.s32 s30, v42;
	[tilespmem:s1+$0xFFFFFFF0] =	vst v8;
	v8 =	vor.u32 v6, v50  }
0x221: {  	v59 =	vand.u32 $0xFF80, v58;
	[tilespmem:s4+$0xFFFFFFF0] =	vst v48  }
0x222: {  	v48 =	vor.u32 v9, v59;
	v49 =	vld.idx.msk [tilespmem:v49+s3+$0x0], $0xffff  }
0x223: {  	v47 =	vld.idx.msk [tilespmem:v56+s3+$0x0], $0xffff;
	_ =	sdelay $0x1  }
0x224: {  	v8 =	vld.idx.msk [tilespmem:v8+s3+$0x0], $0xffff  }
0x225: {  	vm12 =	vgt.s32 v2, v45  }
0x226: {  	v2 =	vsel vm12, v2, v45;
	v62 =	vld.idx.msk [tilespmem:v48+s3+$0x0], $0xffff  }
0x227: {  	vm0 =	vgt.s32 v2, v46;
	vm13 =	vgt.f32 v47, v49  }
0x228: {  	v2 =	vsel vm0, v2, v46;
	v63 =	vsel vm13, v47, v49  }
0x229: {  	vm0 =	vgt.s32 v2, v1;
	vm2 =	vgt.f32 v8, v63  }
0x22a: {  	v1 =	vsel vm0, v2, v1;
	v2 =	vsel vm2, v8, v63  }
0x22b: {  	vm0 =	vgt.s32 v1, v5;
	vm3 =	vgt.f32 v62, v2  }
0x22c: {  	v1 =	vsel vm0, v1, v5;
	v2 =	vsel vm3, v62, v2  }
0x22d: {  	vm0 =	vgt.s32 v1, v7;
	vm4 =	vlt.s32 v2, $0x0;
	v5 =	vxor.u32 $0x7FFFFFFF, v2  }
0x22e: {  	v1 =	vsel vm0, v1, v7;
	v2 =	vsel vm4, v5, v2  }
0x22f: {  	vm0 =	vgt.s32 v1, v2  }
0x230: {  	v1 =	vsel vm0, v1, v2  }
0x231: {  	v1 =	vxor.u32 $0x80000000, v1  }
0x232: {  	(xrf0) =	vmax.scan.msk.u32 $0xffff, v1;
	_ =	sdelay $0x5  }
0x233: {  	v1, _, _ =	vpop (xrf0)  }
0x234: {  	(v2sf) =	vpush v1, $0xF;
	_ =	sdelay $0x2  }
0x235: {  	v1 =	vsel vm13, $0x2, v10  }
0x236: {  	v1 =	vsel vm2, $0x1C0, v1  }
0x237: {  	v1 =	vsel vm3, $0x1C2, v1  }
0x238: {  	v5 =	vadd.s32 s30, v1  }
0x239: {  	v5 =	vadd.s32 v44, v5;
	_ =	sdelay $0x1  }
0x23a: {  	vm14 =	vmor vm2, vm3  }
0x23b: {  	v7 =	vsel vm14, $0x1, v10  }
0x23c: {  	v7 =	vor.u32 s28, v7  }
0x23d: {  	v7 =	vmul.u32 $0xE0, v7;
	v1 =	vshrl.u32 v1, $0x1;
	v5 =	vld.idx.msk [tilespmem:v5+s3+$0x0], $0xffff  }
0x23e: {  	p0 =	sne.s32 s28, $0xA6;
	v1 =	vand.u32 $0x1, v1  }
.Ltmp4:
0x23f: {  	s18 =	sand.u32 $0xF, s29;
	v1 =	vor.u32 v1, v7;
	(pc) =	sbr.rel @p0 .LBB2_7-.Ltmp4, $4  }
0x240: {  	v1 =	vadd.s32 v43, v1;
	[tilespmem:s7+$0x0] =	vst v2;
	v2 =	vmov s18;
	s19 =	spop (v2sf)  }
0x241: {  	s31 =	sand.u32 $0x70, s29;
	[tilespmem:s1+$0x0] =	vst v1;
	vm15 =	veq.s32 v2, v0;
	s19 =	sxor.u32 $0x80000000, s19  }
0x242: {  	s29 =	sadd.s32 $0x1, s29;
	s28 =	sadd.s32 $0x2, s28;
	s30 =	sadd.s32 $0x380, s30;
	[tilespmem:s4+$0x0] =	vst v5;
	v61 =	vsel vm15, s19, v61  }
0x243: {  	s7 =	sadd.s32 $0x70, s7;
	s1 =	sadd.s32 $0x70, s1;
	s4 =	sadd.s32 $0x70, s4;
	[tilespmem:s31+$0x15880] =	vst v61  }
0x244: {  	_ =	swait.ge [sflag:s12], $0x6200;
	s28 =	simm.s32 $0xA8;
	s29 =	simm.s32 $0x54  }
0x245: {  	s30 =	simm.s32 $0x0;
	s31 =	simm.s32 $0x11AA0;
	[sflag:s12] =	ssyncset.done $0x0  }
0x246: {  	s1 =	simm.s32 $0x14C20;
	s4 =	simm.s32 $0xE920;
	[sflag:s12] =	ssyncadd.s32 $0xFFFF9E00  }
.LBB2_9:
0x247: {  	v1 =	vor.u32 s30, v3  }
0x248: {  	v2 =	vor.u32 s30, v4;
	v5 =	vadd.s32 s30, v12  }
0x249: {  	v5 =	vand.u32 $0xFF80, v5  }
0x24a: {  	v7 =	vadd.s32 s30, v13;
	v5 =	vor.u32 v6, v5  }
0x24b: {  	v7 =	vand.u32 $0xFF80, v7  }
0x24c: {  	v7 =	vor.u32 v9, v7;
	v1 =	vld.idx.msk [tilespmem:v1+s11+$0x0], $0xffff  }
0x24d: {  	v2 =	vld.idx.msk [tilespmem:v2+s11+$0x0], $0xffff;
	_ =	sdelay $0x1  }
0x24e: {  	v5 =	vld.idx.msk [tilespmem:v5+s11+$0x0], $0xffff;
	_ =	sdelay $0x1  }
0x24f: {  	v7 =	vld.idx.msk [tilespmem:v7+s11+$0x0], $0xffff  }
0x250: {  	vm0 =	vgt.f32 v2, v1  }
0x251: {  	v1 =	vsel vm0, v2, v1  }
0x252: {  	vm1 =	vgt.f32 v5, v1  }
0x253: {  	v2 =	vsel vm0, $0x2, v10;
	v1 =	vsel vm1, v5, v1  }
0x254: {  	v2 =	vsel vm1, $0x1C0, v2;
	vm8 =	vgt.f32 v7, v1  }
0x255: {  	v2 =	vsel vm8, $0x1C2, v2  }
0x256: {  	v5 =	vadd.s32 s30, v2  }
0x257: {  	v5 =	vadd.s32 v11, v5  }
0x258: {  	vm1 =	vmor vm1, vm8  }
0x259: {  	v8 =	vsel vm1, $0x1, v10  }
0x25a: {  	v8 =	vor.u32 s28, v8  }
0x25b: {  	v1 =	vsel vm8, v7, v1;
	v2 =	vshrl.u32 v2, $0x1;
	v8 =	vmul.u32 $0xE0, v8  }
0x25c: {  	vm0 =	vlt.s32 v1, $0x0;
	v2 =	vand.u32 $0x1, v2;
	v5 =	vld.idx.msk [tilespmem:v5+s11+$0x0], $0xffff  }
0x25d: {  	v7 =	vor.u32 v2, v8;
	v2 =	vxor.u32 $0x7FFFFFFF, v1;
	v8 =	vor.u32 s30, v6  }
0x25e: {  	v45 =	vadd.s32 s30, v15;
	v2 =	vsel vm0, v2, v1;
	v1 =	vor.u32 s30, v9  }
0x25f: {  	v45 =	vand.u32 $0xFF80, v45;
	v7 =	vor.u32 v14, v7;
	[tilespmem:s4+$0xFFFFFFA0] =	vst v2  }
0x260: {  	v49 =	vadd.s32 s30, v16;
	[tilespmem:s31+$0xFFFFFFA0] =	vst v7;
	v7 =	vor.u32 v3, v45  }
0x261: {  	[tilespmem:s1+$0xFFFFFFA0] =	vst v5;
	v5 =	vand.u32 $0xFF80, v49  }
0x262: {  	v8 =	vld.idx.msk [tilespmem:v8+s11+$0x0], $0xffff;
	v5 =	vor.u32 v4, v5  }
0x263: {  	v1 =	vld.idx.msk [tilespmem:v1+s11+$0x0], $0xffff;
	_ =	sdelay $0x1  }
0x264: {  	v7 =	vld.idx.msk [tilespmem:v7+s11+$0x0], $0xffff;
	_ =	sdelay $0x1  }
0x265: {  	v5 =	vld.idx.msk [tilespmem:v5+s11+$0x0], $0xffff  }
0x266: {  	vm9 =	vgt.f32 v1, v8  }
0x267: {  	v1 =	vsel vm9, v1, v8  }
0x268: {  	vm10 =	vgt.f32 v7, v1  }
0x269: {  	v8 =	vsel vm9, $0x2, v10;
	v1 =	vsel vm10, v7, v1  }
0x26a: {  	v7 =	vsel vm10, $0x1C0, v8;
	vm11 =	vgt.f32 v5, v1  }
0x26b: {  	v7 =	vsel vm11, $0x1C2, v7  }
0x26c: {  	vm1 =	vmor vm10, vm11;
	v8 =	vadd.s32 s30, v7  }
0x26d: {  	v50 =	vsel vm1, $0x1, v10;
	v8 =	vadd.s32 v51, v8  }
0x26e: {  	v45 =	vor.u32 s28, v50  }
0x26f: {  	v7 =	vshrl.u32 v7, $0x1;
	v45 =	vmul.u32 $0xE0, v45  }
0x270: {  	v56 =	vadd.s32 s30, v53;
	v7 =	vand.u32 $0x1, v7  }
0x271: {  	v1 =	vsel vm11, v5, v1;
	v5 =	vor.u32 v7, v45;
	v7 =	vadd.s32 s30, v52  }
0x272: {  	v47 =	vand.u32 $0xFF80, v56;
	v7 =	vand.u32 $0xFF80, v7;
	v8 =	vld.idx.msk [tilespmem:v8+s11+$0x0], $0xffff  }
0x273: {  	vm0 =	vlt.s32 v1, $0x0;
	v46 =	vxor.u32 $0x7FFFFFFF, v1;
	v7 =	vor.u32 v3, v7  }
0x274: {  	v57 =	vadd.s32 s30, v54;
	v45 =	vsel vm0, v46, v1;
	v1 =	vor.u32 v4, v47  }
0x275: {  	v46 =	vand.u32 $0xFF80, v57;
	v5 =	vadd.s32 v17, v5;
	[tilespmem:s4+$0xFFFFFFB0] =	vst v45  }
0x276: {  	v58 =	vadd.s32 s30, v18;
	[tilespmem:s31+$0xFFFFFFB0] =	vst v5;
	v5 =	vor.u32 v6, v46  }
0x277: {  	[tilespmem:s1+$0xFFFFFFB0] =	vst v8;
	v8 =	vand.u32 $0xFF80, v58  }
0x278: {  	v7 =	vld.idx.msk [tilespmem:v7+s11+$0x0], $0xffff;
	v8 =	vor.u32 v9, v8  }
0x279: {  	v1 =	vld.idx.msk [tilespmem:v1+s11+$0x0], $0xffff;
	_ =	sdelay $0x1  }
0x27a: {  	v5 =	vld.idx.msk [tilespmem:v5+s11+$0x0], $0xffff;
	_ =	sdelay $0x1  }
0x27b: {  	v8 =	vld.idx.msk [tilespmem:v8+s11+$0x0], $0xffff  }
0x27c: {  	vm12 =	vgt.f32 v1, v7  }
0x27d: {  	v1 =	vsel vm12, v1, v7  }
0x27e: {  	vm13 =	vgt.f32 v5, v1  }
0x27f: {  	v7 =	vsel vm12, $0x2, v10;
	v1 =	vsel vm13, v5, v1  }
0x280: {  	v5 =	vsel vm13, $0x1C0, v7;
	vm14 =	vgt.f32 v8, v1  }
0x281: {  	v5 =	vsel vm14, $0x1C2, v5  }
0x282: {  	v7 =	vadd.s32 s30, v5  }
0x283: {  	v7 =	vadd.s32 v20, v7  }
0x284: {  	v62 =	vadd.s32 s30, v22  }
0x285: {  	v48 =	vand.u32 $0xFF80, v62;
	vm1 =	vmor vm13, vm14  }
0x286: {  	v50 =	vadd.s32 s30, v23;
	v1 =	vsel vm14, v8, v1;
	v59 =	vsel vm1, $0x1, v10  }
0x287: {  	v8 =	vadd.s32 s30, v21;
	v5 =	vshrl.u32 v5, $0x1;
	v46 =	vor.u32 s28, v59  }
0x288: {  	vm0 =	vlt.s32 v1, $0x0;
	v8 =	vand.u32 $0xFF80, v8;
	v46 =	vmul.u32 $0xE0, v46;
	v7 =	vld.idx.msk [tilespmem:v7+s11+$0x0], $0xffff  }
0x289: {  	v63 =	vxor.u32 $0x7FFFFFFF, v1;
	v5 =	vand.u32 $0x1, v5;
	v8 =	vor.u32 v6, v8  }
0x28a: {  	v5 =	vor.u32 v5, v46;
	v46 =	vsel vm0, v63, v1;
	v1 =	vor.u32 v9, v48  }
0x28b: {  	v47 =	vand.u32 $0xFF80, v50;
	v5 =	vadd.s32 v19, v5;
	[tilespmem:s4+$0xFFFFFFC0] =	vst v46  }
0x28c: {  	v56 =	vadd.s32 s30, v24;
	[tilespmem:s31+$0xFFFFFFC0] =	vst v5;
	v5 =	vor.u32 v3, v47  }
0x28d: {  	[tilespmem:s1+$0xFFFFFFC0] =	vst v7;
	v7 =	vand.u32 $0xFF80, v56  }
0x28e: {  	v8 =	vld.idx.msk [tilespmem:v8+s11+$0x0], $0xffff;
	v7 =	vor.u32 v4, v7  }
0x28f: {  	v1 =	vld.idx.msk [tilespmem:v1+s11+$0x0], $0xffff;
	_ =	sdelay $0x1  }
0x290: {  	v5 =	vld.idx.msk [tilespmem:v5+s11+$0x0], $0xffff;
	_ =	sdelay $0x1  }
0x291: {  	v7 =	vld.idx.msk [tilespmem:v7+s11+$0x0], $0xffff  }
0x292: {  	vm15 =	vgt.f32 v1, v8  }
0x293: {  	v1 =	vsel vm15, v1, v8  }
0x294: {  	vm4 =	vgt.f32 v5, v1  }
0x295: {  	v8 =	vsel vm15, $0x2, v10;
	v1 =	vsel vm4, v5, v1  }
0x296: {  	v5 =	vsel vm4, $0x1C0, v8;
	vm5 =	vgt.f32 v7, v1  }
0x297: {  	v5 =	vsel vm5, $0x1C2, v5  }
0x298: {  	v8 =	vadd.s32 s30, v5  }
0x299: {  	v8 =	vadd.s32 v26, v8  }
0x29a: {  	vm1 =	vmor vm4, vm5  }
0x29b: {  	v58 =	vadd.s32 s30, v28;
	v57 =	vsel vm1, $0x1, v10  }
0x29c: {  	v1 =	vsel vm5, v7, v1;
	v7 =	vadd.s32 s30, v27;
	v47 =	vor.u32 s28, v57  }
0x29d: {  	v5 =	vshrl.u32 v5, $0x1;
	vm0 =	vlt.s32 v1, $0x0;
	v47 =	vmul.u32 $0xE0, v47  }
0x29e: {  	v7 =	vand.u32 $0xFF80, v7;
	v59 =	vxor.u32 $0x7FFFFFFF, v1;
	v5 =	vand.u32 $0x1, v5;
	v8 =	vld.idx.msk [tilespmem:v8+s11+$0x0], $0xffff  }
0x29f: {  	v7 =	vor.u32 v3, v7;
	v5 =	vor.u32 v5, v47;
	v47 =	vand.u32 $0xFF80, v58  }
0x2a0: {  	v62 =	vadd.s32 s30, v29;
	v1 =	vsel vm0, v59, v1;
	v47 =	vor.u32 v4, v47  }
0x2a1: {  	v48 =	vand.u32 $0xFF80, v62;
	v5 =	vadd.s32 v25, v5;
	[tilespmem:s4+$0xFFFFFFD0] =	vst v1  }
0x2a2: {  	v63 =	vadd.s32 s30, v30;
	[tilespmem:s31+$0xFFFFFFD0] =	vst v5;
	v5 =	vor.u32 v6, v48  }
0x2a3: {  	[tilespmem:s1+$0xFFFFFFD0] =	vst v8;
	v8 =	vand.u32 $0xFF80, v63  }
0x2a4: {  	v7 =	vld.idx.msk [tilespmem:v7+s11+$0x0], $0xffff;
	v8 =	vor.u32 v9, v8  }
0x2a5: {  	v47 =	vld.idx.msk [tilespmem:v47+s11+$0x0], $0xffff;
	_ =	sdelay $0x1  }
0x2a6: {  	v5 =	vld.idx.msk [tilespmem:v5+s11+$0x0], $0xffff;
	_ =	sdelay $0x1  }
0x2a7: {  	v8 =	vld.idx.msk [tilespmem:v8+s11+$0x0], $0xffff  }
0x2a8: {  	vm6 =	vgt.f32 v47, v7  }
0x2a9: {  	v7 =	vsel vm6, v47, v7  }
0x2aa: {  	vm7 =	vgt.f32 v5, v7  }
0x2ab: {  	v56 =	vsel vm6, $0x2, v10;
	v5 =	vsel vm7, v5, v7  }
0x2ac: {  	v7 =	vsel vm7, $0x1C0, v56;
	vm8 =	vgt.f32 v8, v5  }
0x2ad: {  	v7 =	vsel vm8, $0x1C2, v7  }
0x2ae: {  	v57 =	vadd.s32 s30, v7  }
0x2af: {  	v47 =	vadd.s32 v32, v57  }
0x2b0: {  	vm1 =	vmor vm7, vm8  }
0x2b1: {  	v59 =	vadd.s32 s30, v34;
	v58 =	vsel vm1, $0x1, v10  }
0x2b2: {  	v5 =	vsel vm8, v8, v5;
	v8 =	vadd.s32 s30, v33;
	v48 =	vor.u32 s28, v58  }
0x2b3: {  	v7 =	vshrl.u32 v7, $0x1;
	vm0 =	vlt.s32 v5, $0x0;
	v48 =	vmul.u32 $0xE0, v48  }
0x2b4: {  	v8 =	vand.u32 $0xFF80, v8;
	v49 =	vxor.u32 $0x7FFFFFFF, v5;
	v7 =	vand.u32 $0x1, v7;
	v47 =	vld.idx.msk [tilespmem:v47+s11+$0x0], $0xffff  }
0x2b5: {  	v8 =	vor.u32 v6, v8;
	v7 =	vor.u32 v7, v48;
	v48 =	vand.u32 $0xFF80, v59  }
0x2b6: {  	v62 =	vadd.s32 s30, v35;
	v5 =	vsel vm0, v49, v5;
	v48 =	vor.u32 v9, v48  }
0x2b7: {  	v49 =	vand.u32 $0xFF80, v62;
	v7 =	vadd.s32 v31, v7;
	[tilespmem:s4+$0xFFFFFFE0] =	vst v5  }
0x2b8: {  	v63 =	vadd.s32 s30, v36;
	[tilespmem:s31+$0xFFFFFFE0] =	vst v7;
	v7 =	vor.u32 v3, v49  }
0x2b9: {  	v56 =	vand.u32 $0xFF80, v63;
	[tilespmem:s1+$0xFFFFFFE0] =	vst v47  }
0x2ba: {  	v47 =	vor.u32 v4, v56;
	v8 =	vld.idx.msk [tilespmem:v8+s11+$0x0], $0xffff  }
0x2bb: {  	v48 =	vld.idx.msk [tilespmem:v48+s11+$0x0], $0xffff;
	_ =	sdelay $0x1  }
0x2bc: {  	v7 =	vld.idx.msk [tilespmem:v7+s11+$0x0], $0xffff;
	_ =	sdelay $0x1  }
0x2bd: {  	v47 =	vld.idx.msk [tilespmem:v47+s11+$0x0], $0xffff  }
0x2be: {  	vm9 =	vgt.f32 v48, v8  }
0x2bf: {  	v8 =	vsel vm9, v48, v8  }
0x2c0: {  	vm10 =	vgt.f32 v7, v8  }
0x2c1: {  	v57 =	vsel vm9, $0x2, v10;
	v7 =	vsel vm10, v7, v8  }
0x2c2: {  	v8 =	vsel vm10, $0x1C0, v57;
	vm11 =	vgt.f32 v47, v7  }
0x2c3: {  	v8 =	vsel vm11, $0x1C2, v8  }
0x2c4: {  	v58 =	vadd.s32 s30, v8  }
0x2c5: {  	v48 =	vadd.s32 v38, v58;
	_ =	sdelay $0x1  }
0x2c6: {  	v50 =	vadd.s32 s30, v40;
	v63 =	vadd.s32 s30, v39;
	vm1 =	vmor vm10, vm11  }
0x2c7: {  	v50 =	vand.u32 $0xFF80, v50;
	v49 =	vand.u32 $0xFF80, v63;
	v59 =	vsel vm1, $0x1, v10  }
0x2c8: {  	v49 =	vor.u32 v3, v49;
	v7 =	vsel vm11, v47, v7;
	v47 =	vor.u32 s28, v59  }
0x2c9: {  	v56 =	vor.u32 v4, v50;
	v8 =	vshrl.u32 v8, $0x1;
	v47 =	vmul.u32 $0xE0, v47;
	v48 =	vld.idx.msk [tilespmem:v48+s11+$0x0], $0xffff  }
0x2ca: {  	vm0 =	vlt.s32 v7, $0x0;
	v62 =	vxor.u32 $0x7FFFFFFF, v7;
	v8 =	vand.u32 $0x1, v8  }
0x2cb: {  	v57 =	vadd.s32 s30, v41;
	v7 =	vsel vm0, v62, v7;
	v8 =	vor.u32 v8, v47  }
0x2cc: {  	v50 =	vand.u32 $0xFF80, v57;
	v8 =	vadd.s32 v37, v8;
	[tilespmem:s4+$0xFFFFFFF0] =	vst v7  }
0x2cd: {  	v58 =	vadd.s32 s30, v42;
	[tilespmem:s31+$0xFFFFFFF0] =	vst v8;
	v8 =	vor.u32 v6, v50  }
0x2ce: {  	v59 =	vand.u32 $0xFF80, v58;
	[tilespmem:s1+$0xFFFFFFF0] =	vst v48  }
0x2cf: {  	v48 =	vor.u32 v9, v59;
	v49 =	vld.idx.msk [tilespmem:v49+s11+$0x0], $0xffff  }
0x2d0: {  	v47 =	vld.idx.msk [tilespmem:v56+s11+$0x0], $0xffff;
	_ =	sdelay $0x1  }
0x2d1: {  	v8 =	vld.idx.msk [tilespmem:v8+s11+$0x0], $0xffff  }
0x2d2: {  	vm12 =	vgt.s32 v2, v45  }
0x2d3: {  	v2 =	vsel vm12, v2, v45;
	v62 =	vld.idx.msk [tilespmem:v48+s11+$0x0], $0xffff  }
0x2d4: {  	vm0 =	vgt.s32 v2, v46;
	vm13 =	vgt.f32 v47, v49  }
0x2d5: {  	v2 =	vsel vm0, v2, v46;
	v63 =	vsel vm13, v47, v49  }
0x2d6: {  	vm0 =	vgt.s32 v2, v1;
	vm2 =	vgt.f32 v8, v63  }
0x2d7: {  	v1 =	vsel vm0, v2, v1;
	v2 =	vsel vm2, v8, v63  }
0x2d8: {  	vm0 =	vgt.s32 v1, v5;
	vm3 =	vgt.f32 v62, v2  }
0x2d9: {  	v1 =	vsel vm0, v1, v5;
	v2 =	vsel vm3, v62, v2  }
0x2da: {  	vm0 =	vgt.s32 v1, v7;
	vm4 =	vlt.s32 v2, $0x0;
	v5 =	vxor.u32 $0x7FFFFFFF, v2  }
0x2db: {  	v1 =	vsel vm0, v1, v7;
	v2 =	vsel vm4, v5, v2  }
0x2dc: {  	vm0 =	vgt.s32 v1, v2  }
0x2dd: {  	v1 =	vsel vm0, v1, v2  }
0x2de: {  	v1 =	vxor.u32 $0x80000000, v1  }
0x2df: {  	(xrf0) =	vmax.scan.msk.u32 $0xffff, v1;
	_ =	sdelay $0x5  }
0x2e0: {  	v1, _, _ =	vpop (xrf0)  }
0x2e1: {  	(v2sf) =	vpush v1, $0xF;
	_ =	sdelay $0x2  }
0x2e2: {  	v1 =	vsel vm13, $0x2, v10  }
0x2e3: {  	v1 =	vsel vm2, $0x1C0, v1  }
0x2e4: {  	v1 =	vsel vm3, $0x1C2, v1  }
0x2e5: {  	v5 =	vadd.s32 s30, v1  }
0x2e6: {  	v5 =	vadd.s32 v44, v5;
	_ =	sdelay $0x1  }
0x2e7: {  	vm14 =	vmor vm2, vm3  }
0x2e8: {  	v7 =	vsel vm14, $0x1, v10  }
0x2e9: {  	v7 =	vor.u32 s28, v7  }
0x2ea: {  	v7 =	vmul.u32 $0xE0, v7;
	v1 =	vshrl.u32 v1, $0x1;
	v5 =	vld.idx.msk [tilespmem:v5+s11+$0x0], $0xffff  }
0x2eb: {  	p0 =	seq.s32 s28, $0xDE;
	v1 =	vand.u32 $0x1, v1  }
.Ltmp5:
0x2ec: {  	s7 =	sand.u32 $0xF, s29;
	v1 =	vor.u32 v1, v7;
	(pc) =	sbr.rel @!p0 .LBB2_9-.Ltmp5, $4  }
0x2ed: {  	v1 =	vadd.s32 v43, v1;
	[tilespmem:s4+$0x0] =	vst v2;
	v2 =	vmov s7;
	s18 =	spop (v2sf)  }
0x2ee: {  	s23 =	sand.u32 $0x70, s29;
	[tilespmem:s31+$0x0] =	vst v1;
	vm15 =	veq.s32 v2, v0;
	s18 =	sxor.u32 $0x80000000, s18  }
0x2ef: {  	s29 =	sadd.s32 $0x1, s29;
	s28 =	sadd.s32 $0x2, s28;
	s30 =	sadd.s32 $0x380, s30;
	[tilespmem:s1+$0x0] =	vst v5;
	v61 =	vsel vm15, s18, v61  }
0x2f0: {  	s4 =	sadd.s32 $0x70, s4;
	s31 =	sadd.s32 $0x70, s31;
	s1 =	sadd.s32 $0x70, s1;
	[tilespmem:s23+$0x15880] =	vst v61  }
0x2f1: {  	v2 =	vld [tilespmem:$0x15880]  }
0x2f2: {  	v1 =	vld [tilespmem:$0x15890]  }
0x2f3: {  	s1 =	simm.s32 $0x0;
	s4 =	simm.s32 $0x80000000;
	v5 =	vld [tilespmem:$0x158A0]  }
0x2f4: {  	v7 =	vld [tilespmem:$0x158B0];
	s4 =	sor.u32 s4, s1  }
0x2f5: {  	v8 =	vld [tilespmem:$0x158C0];
	s7 =	sxor.u32 $0x80000000, s4  }
0x2f6: {  	v45 =	vld [tilespmem:$0x158D0];
	vm0 =	vge.s32 v2, s7  }
0x2f7: {  	vm10 =	vge.s32 v1, s7;
	v1 =	vld [tilespmem:$0x158E0];
	v46 =	vmpcnt.ones.xlane vm0  }
0x2f8: {  	vm11 =	vge.s32 v5, s7;
	v47 =	vmpcnt.ones.xlane vm10  }
0x2f9: {  	vm12 =	vge.s32 v7, s7;
	v5 =	vmpcnt.ones.xlane vm11;
	(v2sf) =	vpush v46, $0x0  }
0x2fa: {  	vm13 =	vge.s32 v8, s7;
	v7 =	vmpcnt.ones.xlane vm12;
	(v2sf) =	vpush v47, $0x0  }
0x2fb: {  	vm14 =	vge.s32 v45, s7;
	v8 =	vmpcnt.ones.xlane vm13;
	(v2sf) =	vpush v5, $0x0  }
0x2fc: {  	v5 =	vmpcnt.ones.xlane vm14;
	vm15 =	vge.s32 v1, s7;
	(v2sf) =	vpush v7, $0x0  }
0x2fd: {  	v1 =	vmpcnt.ones.xlane vm15;
	(v2sf) =	vpush v8, $0x0  }
0x2fe: {  	(v2sf) =	vpush v5, $0x0  }
0x2ff: {  	(v2sf) =	vpush v1, $0x0;
	_ =	sdelay $0x8  }
0x300: {  	s31 =	spop (v2sf)  }
0x301: {  	s18 =	spop (v2sf)  }
0x302: {  	s7 =	sadd.s32 s31, s18;
	s19 =	spop (v2sf)  }
0x303: {  	s7 =	sadd.s32 s19, s7;
	s23 =	spop (v2sf)  }
0x304: {  	s7 =	sadd.s32 s23, s7;
	s29 =	spop (v2sf)  }
0x305: {  	s7 =	sadd.s32 s29, s7;
	s30 =	spop (v2sf)  }
0x306: {  	s7 =	sadd.s32 s30, s7;
	s31 =	spop (v2sf)  }
0x307: {  	s18 =	sadd.s32 s31, s7  }
0x308: {  	s28 =	simm.s32 $0x1;
	v1 =	vld [tilespmem:$0x15890];
	s7 =	simm.s32 $0x2;
	p1 =	sgt.s32 s18, $0x63  }
.LBB2_11:
0x309: {  	p0 =	sne.s32 s7, $0xF;
	s18 =	sshrl.u32 s13, s28;
	v5 =	vld [tilespmem:$0x158A0];
	s1 =	smov.u32 @p1 s4  }
0x30a: {  	s28 =	smov.u32 s7;
	s4 =	sor.u32 s18, s1;
	v7 =	vld [tilespmem:$0x158B0]  }
0x30b: {  	s18 =	sxor.u32 $0x80000000, s4;
	v8 =	vld [tilespmem:$0x158C0]  }
0x30c: {  	vm0 =	vge.s32 v2, s18;
	v45 =	vld [tilespmem:$0x158D0]  }
0x30d: {  	v46 =	vmpcnt.ones.xlane vm0;
	vm0 =	vge.s32 v1, s18;
	v1 =	vld [tilespmem:$0x158E0]  }
0x30e: {  	v47 =	vmpcnt.ones.xlane vm0;
	vm0 =	vge.s32 v5, s18  }
0x30f: {  	v5 =	vmpcnt.ones.xlane vm0;
	vm0 =	vge.s32 v7, s18;
	(v2sf) =	vpush v46, $0x0  }
0x310: {  	v7 =	vmpcnt.ones.xlane vm0;
	vm0 =	vge.s32 v8, s18;
	(v2sf) =	vpush v47, $0x0  }
0x311: {  	v8 =	vmpcnt.ones.xlane vm0;
	vm0 =	vge.s32 v45, s18;
	(v2sf) =	vpush v5, $0x0  }
0x312: {  	v5 =	vmpcnt.ones.xlane vm0;
	vm0 =	vge.s32 v1, s18;
	(v2sf) =	vpush v7, $0x0  }
0x313: {  	v1 =	vmpcnt.ones.xlane vm0;
	(v2sf) =	vpush v8, $0x0  }
0x314: {  	(v2sf) =	vpush v5, $0x0  }
0x315: {  	(v2sf) =	vpush v1, $0x0;
	_ =	sdelay $0x8  }
0x316: {  	s18 =	spop (v2sf)  }
0x317: {  	s19 =	spop (v2sf)  }
0x318: {  	s18 =	sadd.s32 s18, s19;
	s19 =	spop (v2sf)  }
0x319: {  	s18 =	sadd.s32 s19, s18;
	s19 =	spop (v2sf)  }
.Ltmp6:
0x31a: {  	s18 =	sadd.s32 s19, s18;
	s19 =	spop (v2sf);
	(pc) =	sbr.rel @p0 .LBB2_11-.Ltmp6, $4  }
0x31b: {  	s18 =	sadd.s32 s19, s18;
	s19 =	spop (v2sf)  }
0x31c: {  	s18 =	sadd.s32 s19, s18;
	s19 =	spop (v2sf)  }
0x31d: {  	s18 =	sadd.s32 s19, s18  }
0x31e: {  	s7 =	sadd.s32 $0x1, s7;
	v1 =	vld [tilespmem:$0x15890];
	p1 =	sgt.s32 s18, $0x63  }
0x31f: {  	s7 =	sshrl.u32 s13, s28;
	v5 =	vld [tilespmem:$0x158A0];
	s1 =	smov.u32 @p1 s4  }
0x320: {  	v7 =	vld [tilespmem:$0x158B0];
	s4 =	sor.u32 s7, s1  }
0x321: {  	v8 =	vld [tilespmem:$0x158C0];
	s7 =	sxor.u32 $0x80000000, s4  }
0x322: {  	vm0 =	vge.s32 v2, s7;
	v2 =	vld [tilespmem:$0x158D0]  }
0x323: {  	v45 =	vmpcnt.ones.xlane vm0;
	vm9 =	vge.s32 v1, s7;
	v1 =	vld [tilespmem:$0x158E0]  }
0x324: {  	v46 =	vmpcnt.ones.xlane vm9;
	vm10 =	vge.s32 v5, s7  }
0x325: {  	vm11 =	vge.s32 v7, s7;
	v5 =	vmpcnt.ones.xlane vm10;
	(v2sf) =	vpush v45, $0x0  }
0x326: {  	vm12 =	vge.s32 v8, s7;
	v7 =	vmpcnt.ones.xlane vm11;
	(v2sf) =	vpush v46, $0x0  }
0x327: {  	v8 =	vmpcnt.ones.xlane vm12;
	vm13 =	vge.s32 v2, s7;
	(v2sf) =	vpush v5, $0x0  }
0x328: {  	v2 =	vmpcnt.ones.xlane vm13;
	vm14 =	vge.s32 v1, s7;
	(v2sf) =	vpush v7, $0x0  }
0x329: {  	v1 =	vmpcnt.ones.xlane vm14;
	(v2sf) =	vpush v8, $0x0  }
0x32a: {  	(v2sf) =	vpush v2, $0x0  }
0x32b: {  	(v2sf) =	vpush v1, $0x0;
	_ =	sdelay $0x8  }
0x32c: {  	s31 =	spop (v2sf)  }
0x32d: {  	s18 =	spop (v2sf)  }
0x32e: {  	s7 =	sadd.s32 s31, s18;
	s19 =	spop (v2sf)  }
0x32f: {  	s7 =	sadd.s32 s19, s7;
	s23 =	spop (v2sf)  }
0x330: {  	s7 =	sadd.s32 s23, s7;
	s29 =	spop (v2sf)  }
0x331: {  	s7 =	sadd.s32 s29, s7;
	s30 =	spop (v2sf)  }
0x332: {  	s19 =	simm.s32 $0xC400;
	s7 =	sadd.s32 s30, s7;
	s31 =	spop (v2sf)  }
0x333: {  	v2 =	vld [tilespmem:s19+$0x0];
	s7 =	sadd.s32 s31, s7  }
0x334: {  	p0 =	sgt.s32 s7, $0x63  }
0x335: {  	s1 =	smov.u32 @p0 s4  }
0x336: {  	s1 =	sxor.u32 $0x80000000, s1  }
0x337: {  	v1 =	vmov s1  }
0x338: {  	vm15 =	vge.s32 v2, v1  }
0x339: {  	v5 =	vmpcnt.ones.xlane vm15  }
0x33a: {  	v7 =	vsel vm15, $0x1, v10  }
0x33b: {  	(xrf0) =	vadd.scan.msk.s32 $0xffff, v7;
	(v2sf) =	vpush v5, $0x0  }
0x33c: {  	p0 =	por $0x1, $0x1;
	s1 =	simm.s32 $0x0  }
0x33d: {  	s1 =	simm.s32 @!p0 $0x400  }
0x33e: {  	v5 =	vmov s1  }
0x33f: {  	v5 =	vadd.s32 $0xFFFFFFFF, v5  }
0x340: {  	v5 =	vbroadcast v5, $0x0  }
0x341: {  	v7, _, _ =	vpop (xrf0)  }
0x342: {  	v5 =	vadd.s32 v7, v5;
	_ =	sdelay $0x2  }
0x343: {  	s4 =	simm.s32 $0x0  }
0x344: {  	v7 =	vor.u32 s4, v0  }
0x345: {  	[tilespmem:v5+s14+$0x0] =	vst.idx.msk vm15, v7  }
0x346: {  	s7 =	simm.s32 $0xC410;
	[tilespmem:v5+s15+$0x0] =	vst.idx.msk vm15, v2  }
0x347: {  	v2 =	vld [tilespmem:s7+$0x0]  }
0x348: {  	s28 =	simm.s32 $0x20;
	s1 =	simm.s32 $0x10;
	s18 =	spop (v2sf)  }
.LBB2_13:
0x349: {  	p0 =	sne.s32 s28, $0x30F0  }
0x34a: {  	s4 =	sadd.s32 s4, s18;
	s18 =	smov.u32 s28;
	s28 =	sadd.s32 $0x10, s28  }
0x34b: {  	p1 =	slt.s32 s4, $0x400;
	s19 =	smov.u32 s4  }
0x34c: {  	vm0 =	vge.s32 v2, v1;
	s19 =	simm.s32 @!p1 $0x400  }
0x34d: {  	v5 =	vsel vm0, $0x1, v10;
	v7 =	vmov s19;
	v8 =	vmpcnt.ones.xlane vm0  }
0x34e: {  	v7 =	vadd.s32 $0xFFFFFFFF, v7;
	(xrf0) =	vadd.scan.msk.s32 $0xffff, v5  }
0x34f: {  	(v2sf) =	vpush v8, $0x0;
	_ =	sdelay $0x3  }
0x350: {  	v5 =	vbroadcast v7, $0x0  }
0x351: {  	v7, _, _ =	vpop (xrf0)  }
0x352: {  	v5 =	vadd.s32 v7, v5;
	_ =	sdelay $0x3  }
0x353: {  	v7 =	vor.u32 s1, v0;
	s1 =	smov.u32 s18  }
.Ltmp7:
0x354: {  	[tilespmem:v5+s14+$0x0] =	vst.idx.msk vm0, v7;
	(pc) =	sbr.rel @p0 .LBB2_13-.Ltmp7, $3  }
0x355: {  	s7 =	sadd.s32 $0x10, s7;
	[tilespmem:v5+s15+$0x0] =	vst.idx.msk vm0, v2  }
0x356: {  	v2 =	vld [tilespmem:s7+$0x0];
	_ =	sdelay $0x1  }
0x357: {  	s18 =	spop (v2sf)  }
0x358: {  	_ =	sdelay $0x1  }
0x359: {  	vm0 =	vge.s32 v2, v1  }
0x35a: {  	v1 =	vmpcnt.ones.xlane vm0;
	_ =	sdelay $0x1  }
0x35b: {  	(v2sf) =	vpush v1, $0x0;
	_ =	sdelay $0x4  }
0x35c: {  	v1 =	vsel vm0, $0x1, v10  }
0x35d: {  	s4 =	sadd.s32 s4, s18;
	(xrf0) =	vadd.scan.msk.s32 $0xffff, v1  }
0x35e: {  	p0 =	slt.s32 s4, $0x400;
	s7 =	smov.u32 s4  }
0x35f: {  	s7 =	simm.s32 @!p0 $0x400  }
0x360: {  	v1 =	vmov s7  }
0x361: {  	v1 =	vadd.s32 $0xFFFFFFFF, v1  }
0x362: {  	v1 =	vbroadcast v1, $0x0  }
0x363: {  	v5, _, _ =	vpop (xrf0)  }
0x364: {  	v1 =	vadd.s32 v5, v1;
	_ =	sdelay $0x1  }
0x365: {  	s30 =	spop (v2sf)  }
0x366: {  	s4 =	sadd.s32 s4, s30  }
0x367: {  	v5 =	vor.u32 s1, v0;
	p0 =	slt.s32 s4, $0x400  }
0x368: {  	[tilespmem:v1+s14+$0x0] =	vst.idx.msk vm0, v5;
	s4 =	simm.s32 @!p0 $0x400  }
0x369: {  	[tilespmem:v1+s15+$0x0] =	vst.idx.msk vm0, v2;
	s31 =	sadd.s32 $0xF, s4  }
0x36a: {  	v1 =	vimm.s32 $0x80000000;
	[tilespmem:s4+$0x15900] =	vst v55;
	s1 =	sshra.s32 s31, $0x4  }
0x36b: {  	s28 =	simm.s32 $0x0;
	s7 =	simm.s32 $0x0;
	[tilespmem:s4+$0x15D80] =	vst v1;
	p0 =	slt.s32 s1, $0x1  }
.LBB2_15:
.Ltmp8:
0x36c: {  	(pc) =	sbr.rel @!p0 .LBB2_16-.Ltmp8, $1  }
0x36d: {  	_ =	sdelay $0x3  }
0x36e: {  	s28 =	sadd.s32 $0x1, s28  }
0x36f: {  	p1 =	seq.s32 s28, $0x20  }
.Ltmp9:
0x370: {  	_ = 	snop;
	(pc) =	sbr.rel @!p1 .LBB2_15-.Ltmp9, $4  }
.Ltmp10:
0x371: {  	_ = 	snop;
	(pc) =	sbr.rel @p1 .LBB2_37-.Ltmp10, $4  }
0x372: {  	_ = 	snop  }
0x373: {  	_ = 	snop  }
0x374: {  	_ = 	snop  }
0x375: {  	_ = 	snop  }
.LBB2_16:
0x376: {  	s4 =	simm.s32 $0x15D80  }
0x377: {  	p4 =	sne.s32 s1, $0x1;
	v2 =	vld [tilespmem:s4+$0x0]  }
.Ltmp11:
0x378: {  	s31 =	sshrl.u32 s13, s28;
	(pc) =	sbr.rel @!p4 .LBB2_17-.Ltmp11, $4  }
0x379: {  	s29 =	sor.u32 s31, s7  }
0x37a: {  	s4 =	sxor.u32 $0x80000000, s29  }
0x37b: {  	s30 =	simm.s32 $0x0;
	s18 =	simm.s32 $0x15D90;
	p1 =	por $0x0, $0x0;
	v1 =	vmov s4  }
0x37c: {  	p2 =	por $0x0, $0x0;
	p3 =	por $0x0, $0x0;
	s4 =	sadd.s32 $0xFFFFFFFF, s1;
	vm0 =	vge.s32 v2, v1  }
0x37d: {  	v2 =	vld [tilespmem:s18+$0x0];
	p4 =	sne.s32 s4, $0x1  }
.Ltmp12:
0x37e: {  	_ = 	snop;
	(pc) =	sbr.rel @!p4 .LBB2_19-.Ltmp12, $3  }
0x37f: {  	_ = 	snop  }
0x380: {  	v5 =	vmpcnt.ones.xlane vm0;
	_ =	sdelay $0x1  }
0x381: {  	s18 =	sadd.s32 $0xFFFFFFFF, s4;
	s19 =	simm.s32 $0x15DA0;
	p1 =	por $0x1, $0x1;
	(v2sf) =	vpush v5, $0x0;
	vm0 =	vge.s32 v2, v1  }
0x382: {  	v5 =	vmpcnt.ones.xlane vm0;
	_ =	sdelay $0x1  }
0x383: {  	(v2sf) =	vpush v5, $0x0;
	_ =	sdelay $0x3  }
0x384: {  	v2 =	vld [tilespmem:s19+$0x0];
	p4 =	sne.s32 s18, $0x1  }
.Ltmp13:
0x385: {  	_ = 	snop;
	(pc) =	sbr.rel @!p4 .LBB2_21-.Ltmp13, $2  }
0x386: {  	_ =	sdelay $0x2  }
0x387: {  	s18 =	sadd.s32 $0xFFFFFFFF, s18;
	s19 =	simm.s32 $0x15DB0;
	p2 =	por $0x1, $0x1;
	vm0 =	vge.s32 v2, v1  }
0x388: {  	v5 =	vmpcnt.ones.xlane vm0;
	_ =	sdelay $0x1  }
0x389: {  	(v2sf) =	vpush v5, $0x0;
	_ =	sdelay $0x2  }
0x38a: {  	v2 =	vld [tilespmem:s19+$0x0];
	p4 =	sne.s32 s18, $0x1  }
.Ltmp14:
0x38b: {  	_ = 	snop;
	(pc) =	sbr.rel @!p4 .LBB2_23-.Ltmp14, $3  }
0x38c: {  	_ =	sdelay $0x1  }
0x38d: {  	s18 =	sadd.s32 $0xFFFFFFFF, s18;
	s19 =	simm.s32 $0x15DC0  }
0x38e: {  	p3 =	por $0x1, $0x1;
	s31 =	simm.s32 $0x0;
	s23 =	spop (v2sf);
	vm0 =	vge.s32 v2, v1  }
.LBB2_24:
0x38f: {  	v2 =	vld [tilespmem:s19+$0x0];
	p4 =	sne.s32 s18, $0x1;
	s18 =	sadd.s32 $0xFFFFFFFF, s18;
	v5 =	vmpcnt.ones.xlane vm0;
	s31 =	sadd.s32 s31, s23  }
.Ltmp15:
0x390: {  	(pc) =	sbr.rel @p4 .LBB2_24-.Ltmp15, $2  }
0x391: {  	(v2sf) =	vpush v5, $0x0;
	_ =	sdelay $0x3  }
0x392: {  	s19 =	sadd.s32 $0x10, s19;
	vm0 =	vge.s32 v2, v1;
	s23 =	spop (v2sf)  }
0x393: {  	_ = 	snop  }
.LBB2_26:
0x394: {  	v1 =	vmpcnt.ones.xlane vm0;
	_ =	sdelay $0x1  }
0x395: {  	(v2sf) =	vpush v1, $0x0;
	_ =	sdelay $0x9  }
0x396: {  	s18 =	sadd.s32 @p3 s31, s23;
	s19 =	spop @p2 (v2sf);
	s23 =	simm.s32 $0x0  }
0x397: {  	s19 =	smov.u32 @p2 s19;
	s23 =	smov.u32 @p3 s18  }
0x398: {  	s18 =	sadd.s32 @p2 s23, s19;
	s23 =	simm.s32 $0x0;
	s19 =	spop @p1 (v2sf)  }
0x399: {  	s23 =	smov.u32 @p2 s18;
	p2 =	seq.s32 s28, $0x1F;
	s19 =	smov.u32 @p1 s19  }
.Ltmp16:
0x39a: {  	s18 =	sadd.s32 @p1 s23, s19;
	(pc) =	sbr.rel @!p2 .LBB2_15-.Ltmp16, $4  }
.Ltmp17:
0x39b: {  	s30 =	smov.u32 @p1 s18;
	s31 =	spop (v2sf);
	(pc) =	sbr.rel @p2 .LBB2_27-.Ltmp17, $4  }
0x39c: {  	s18 =	sadd.s32 s30, s31  }
0x39d: {  	p1 =	sgt.s32 s18, $0x63  }
0x39e: {  	s28 =	sadd.s32 $0x1, s28;
	s7 =	smov.u32 @p1 s29  }
0x39f: {  	_ = 	snop  }
.LBB2_17:
.Ltmp18:
0x3a0: {  	(pc) =	sbr.rel .LBB2_26-.Ltmp18, $2  }
0x3a1: {  	_ =	sdelay $0x2  }
0x3a2: {  	s31 =	simm.s32 $0x0  }
.LBB2_19:
.Ltmp19:
0x3a3: {  	(pc) =	sbr.rel .LBB2_26-.Ltmp19, $2  }
0x3a4: {  	_ =	sdelay $0x2  }
0x3a5: {  	s31 =	simm.s32 $0x0  }
.LBB2_21:
.Ltmp20:
0x3a6: {  	(pc) =	sbr.rel .LBB2_26-.Ltmp20, $2  }
0x3a7: {  	_ =	sdelay $0x2  }
0x3a8: {  	s31 =	simm.s32 $0x0  }
.LBB2_23:
.Ltmp21:
0x3a9: {  	(pc) =	sbr.rel .LBB2_26-.Ltmp21, $2  }
0x3aa: {  	_ =	sdelay $0x2  }
0x3ab: {  	s31 =	simm.s32 $0x0  }
.LBB2_37:
0x3ac: {  	[tilespmem:$0x16200] =	vst v55  }
.LBB2_38:
0x3ad: {  	s1 =	sshll.u32 s25, $0xA  }
0x3ae: {  	s1 =	sor.u32 s26, s1  }
0x3af: {  	s1 =	sshrl.u32 s1, $0x3  }
0x3b0: {  	s31 =	sshll.u32 s25, $0xB;
	s1 =	sadd.s32 s0, s1  }
0x3b1: {  	[hbm4b:s1+s3] =	stream.linear.scatter [tilespmem:s20], [sflag:$0x3], $0x80, $0x38;
	[tilespmem:$0x16480] =	vst v63  }
0x3b2: {  	s1 =	sor.u32 s26, s31;
	_ =	swait.ge [sflag:s22], $0x80  }
0x3b3: {  	s24 =	sadd.s32 $0x1, s24;
	s1 =	sshrl.u32 s1, $0x3;
	[sflag:s22] =	ssyncset.done $0x0  }
0x3b4: {  	p0 =	sne.s32 s24, $0x18;
	s1 =	sadd.s32 s2, s1;
	[sflag:s22] =	ssyncadd.s32 $0xFFFFFF80  }
0x3b5: {  	[hbm4b:s1+s8] =	stream.strided.scatter [tilespmem:s21], [sflag:$0x3], $0x100, s9, s8, $0x38;
	[tilespmem:$0x16480] =	vst v63  }
.Ltmp22:
0x3b6: {  	_ = 	snop;
	(pc) =	sbr.rel @p0 .LBB2_2-.Ltmp22, $4  }
.Ltmp23:
0x3b7: {  	_ = 	snop;
	(pc) =	sbr.rel @!p0 .LBB2_39-.Ltmp23, $4  }
0x3b8: {  	_ =	swait.ge [sflag:s22], $0x100  }
0x3b9: {  	[sflag:s22] =	ssyncset.done $0x0  }
0x3ba: {  	[sflag:s22] =	ssyncadd.s32 $0xFFFFFF00  }
0x3bb: {  	_ = 	snop  }
.LBB2_27:
0x3bc: {  	p1 =	seq.s32 s1, $0x1  }
.Ltmp24:
0x3bd: {  	_ = 	snop;
	(pc) =	sbr.rel @p1 .LBB2_28-.Ltmp24, $3  }
0x3be: {  	_ =	sdelay $0x1  }
0x3bf: {  	s7 =	sxor.u32 $0x80000000, s7;
	s18 =	simm.s32 $0x15D80  }
0x3c0: {  	s1 =	simm.s32 $0x0;
	p0 =	por $0x0, $0x0;
	v1 =	vmov s7;
	s7 =	simm.s32 $0x15900;
	v2 =	vld [tilespmem:s18+$0x0]  }
0x3c1: {  	_ =	sdelay $0x3  }
0x3c2: {  	vm0 =	vge.s32 v2, v1  }
0x3c3: {  	v2 =	vmpcnt.ones.xlane vm0;
	_ =	sdelay $0x1  }
0x3c4: {  	(v2sf) =	vpush v2, $0x0;
	v2 =	vsel vm0, $0x1, v10  }
0x3c5: {  	(xrf0) =	vadd.scan.msk.s32 $0xffff, v2  }
0x3c6: {  	p0 =	por $0x1, $0x1;
	s18 =	simm.s32 $0x0  }
0x3c7: {  	s18 =	simm.s32 @!p0 $0x80  }
0x3c8: {  	v2 =	vmov s18  }
0x3c9: {  	v2 =	vadd.s32 $0xFFFFFFFF, v2  }
0x3ca: {  	v2 =	vbroadcast v2, $0x0  }
0x3cb: {  	v5, _, _ =	vpop (xrf0)  }
0x3cc: {  	v7 =	vld [tilespmem:s7+$0x0];
	v2 =	vadd.s32 v5, v2;
	_ =	sdelay $0x3  }
0x3cd: {  	p1 =	seq.s32 s4, $0x1  }
.Ltmp25:
0x3ce: {  	s30 =	simm.s32 $0x15D90;
	[tilespmem:v2+s16+$0x0] =	vst.idx.msk vm0, v7;
	(pc) =	sbr.rel @p1 .LBB2_30-.Ltmp25, $3  }
0x3cf: {  	v2 =	vld [tilespmem:s30+$0x0];
	_ =	sdelay $0x1  }
0x3d0: {  	s29 =	sadd.s32 $0xFFFFFFFF, s4;
	s28 =	simm.s32 $0x0  }
0x3d1: {  	s4 =	simm.s32 $0x15900;
	p0 =	por $0x1, $0x1;
	s18 =	spop (v2sf)  }
.LBB2_31:
0x3d2: {  	p1 =	seq.s32 s29, $0x1;
	s28 =	sadd.s32 s28, s18;
	s4 =	sadd.s32 $0x10, s4  }
0x3d3: {  	s29 =	sadd.s32 $0xFFFFFFFF, s29;
	vm0 =	vge.s32 v2, v1;
	p2 =	slt.s32 s28, $0x80;
	s18 =	smov.u32 s28  }
0x3d4: {  	s18 =	simm.s32 @!p2 $0x80;
	v2 =	vsel vm0, $0x1, v10;
	v5 =	vmpcnt.ones.xlane vm0  }
0x3d5: {  	v7 =	vmov s18;
	(xrf0) =	vadd.scan.msk.s32 $0xffff, v2  }
0x3d6: {  	v2 =	vadd.s32 $0xFFFFFFFF, v7;
	(v2sf) =	vpush v5, $0x0;
	_ =	sdelay $0x3  }
0x3d7: {  	v2 =	vbroadcast v2, $0x0  }
0x3d8: {  	v5, _, _ =	vpop (xrf0)  }
0x3d9: {  	v7 =	vld [tilespmem:s4+$0x0];
	v2 =	vadd.s32 v5, v2;
	_ =	sdelay $0x4  }
.Ltmp26:
0x3da: {  	s30 =	sadd.s32 $0x10, s30;
	[tilespmem:v2+s16+$0x0] =	vst.idx.msk vm0, v7;
	(pc) =	sbr.rel @!p1 .LBB2_31-.Ltmp26, $2  }
0x3db: {  	v2 =	vld [tilespmem:s30+$0x0];
	_ =	sdelay $0x2  }
0x3dc: {  	s18 =	spop (v2sf)  }
.LBB2_32:
0x3dd: {  	_ = 	snop  }
0x3de: {  	vm0 =	vge.s32 v2, v1  }
0x3df: {  	v1 =	vmpcnt.ones.xlane vm0;
	_ =	sdelay $0x1  }
0x3e0: {  	(v2sf) =	vpush v1, $0x0;
	_ =	sdelay $0xb  }
0x3e1: {  	s18 =	sadd.s32 @p0 s28, s18;
	v1 =	vsel vm0, $0x1, v10  }
0x3e2: {  	s1 =	smov.u32 @p0 s18;
	(xrf0) =	vadd.scan.msk.s32 $0xffff, v1  }
0x3e3: {  	p1 =	slt.s32 s1, $0x80;
	s18 =	smov.u32 s1  }
0x3e4: {  	s18 =	simm.s32 @!p1 $0x80;
	s23 =	spop (v2sf)  }
0x3e5: {  	s4 =	sadd.s32 @p0 $0x10, s4;
	v1 =	vmov s18;
	s1 =	sadd.s32 s1, s23  }
0x3e6: {  	s7 =	smov.u32 @p0 s4;
	v1 =	vadd.s32 $0xFFFFFFFF, v1;
	p0 =	slt.s32 s1, $0x80  }
0x3e7: {  	v1 =	vbroadcast v1, $0x0;
	s1 =	simm.s32 @!p0 $0x80  }
0x3e8: {  	v2, _, _ =	vpop (xrf0);
	s31 =	sadd.s32 $0xF, s1  }
0x3e9: {  	v5 =	vld [tilespmem:s7+$0x0];
	v1 =	vadd.s32 v2, v1;
	s28 =	sshra.s32 s31, $0x4  }
0x3ea: {  	p0 =	slt.s32 s28, $0x1  }
.Ltmp27:
0x3eb: {  	_ = 	snop;
	(pc) =	sbr.rel @p0 .LBB2_38-.Ltmp27, $3  }
0x3ec: {  	_ =	sdelay $0x1  }
0x3ed: {  	[tilespmem:v1+s16+$0x0] =	vst.idx.msk vm0, v5  }
0x3ee: {  	s29 =	simm.s32 $0x0;
	s30 =	simm.s32 $0x0;
	[tilespmem:s1+$0x16200] =	vst v55  }
.LBB2_33:
0x3ef: {  	v2 =	vld [tilespmem:$0x1FED0]  }
0x3f0: {  	v5 =	vld [tilespmem:$0x1FEE0]  }
0x3f1: {  	v11 =	vld [tilespmem:$0x1FEF0]  }
0x3f2: {  	v12 =	vld [tilespmem:$0x1FF00]  }
0x3f3: {  	v16 =	vld [tilespmem:$0x1FF30]  }
0x3f4: {  	s1 =	simm.s32 $0x16200;
	v15 =	vld [tilespmem:$0x1FF40]  }
0x3f5: {  	v1 =	vld [tilespmem:s1+$0x0]  }
0x3f6: {  	s31 =	sshll.u32 s30, $0x4;
	v56 =	vld [tilespmem:$0x1FF10]  }
0x3f7: {  	v8 =	vld [tilespmem:s31+$0x16200]  }
0x3f8: {  	v13 =	vld [tilespmem:$0x1FF20];
	v5 =	vcombine.low v5, v2  }
0x3f9: {  	v17 =	vld [tilespmem:$0x1FE90]  }
0x3fa: {  	v14 =	vld [tilespmem:$0x1FEA0];
	v45 =	vand.u32 $0xF, v5;
	v5 =	vcombine.low v11, v12  }
0x3fb: {  	v58 =	vld [tilespmem:$0x1FEC0]  }
0x3fc: {  	v46 =	vand.u32 $0xF, v5;
	v5 =	vcombine.low v12, v11;
	v11 =	vld [tilespmem:$0x1FEB0]  }
0x3fd: {  	v61 =	vld.idx.msk [tilespmem:v1+s17+$0x0], $0xffff  }
0x3fe: {  	v7 =	vmov s29  }
0x3ff: {  	v63 =	vor.u32 s31, v0;
	v2 =	vmov s31;
	v52 =	vcombine.low v13, v56;
	v62 =	vld.idx.msk [tilespmem:v8+s17+$0x0], $0xffff  }
0x400: {  	v59 =	vld [tilespmem:$0x1FE80];
	v48 =	vcombine.low v14, v17;
	vm3 =	vlt.s32 v7, v2;
	v1 =	vor.u32 s29, v45  }
0x401: {  	[tilespmem:$0x1FE10] =	vst v8;
	v8 =	vcombine.low v15, v16;
	v47 =	vor.u32 s29, v46;
	v51 =	vcombine.low v58, v11;
	v11 =	vld [tilespmem:$0x1FE70]  }
0x402: {  	vm0 =	vlt.s32 v47, v63;
	v47 =	vand.u32 $0xF, v48;
	v53 =	vperm.xlane v61, v0  }
0x403: {  	vm1 =	vlt.s32 v1, v63;
	v1 =	vor.u32 s29, v47;
	v54 =	vperm.xlane v61, v47  }
0x404: {  	vm2 =	veq.s32 v53, v62;
	vm4 =	vgt.s32 v53, v62;
	v51 =	vand.u32 $0xF, v51  }
0x405: {  	v53 =	vand.u32 $0xF, v5;
	vm3 =	vmand vm3, vm2;
	v5 =	vperm.xlane v61, v51  }
0x406: {  	vm2 =	vgt.s32 v54, v62;
	v49 =	vcombine.low v59, v11;
	v50 =	vcombine.low v11, v59  }
0x407: {  	v55 =	vor.u32 s29, v51;
	vm3 =	vmor vm4, vm3;
	v11 =	vperm.xlane v61, v46  }
0x408: {  	v48 =	vand.u32 $0xF, v50;
	v49 =	vand.u32 $0xF, v49;
	v50 =	vand.u32 $0xF, v8  }
0x409: {  	v8 =	vor.u32 s29, v60;
	vm6 =	veq.s32 v11, v62;
	v7 =	vperm.xlane v61, v49  }
0x40a: {  	vm5 =	vlt.s32 v8, v63;
	vm0 =	vmand vm0, vm6;
	v8 =	vsel vm3, $0x1, v10  }
0x40b: {  	vm3 =	veq.s32 v54, v62;
	v54 =	vperm.xlane v61, v60;
	vm6 =	vlt.s32 v1, v63  }
0x40c: {  	vm12 =	vlt.s32 v55, v63;
	vm3 =	vmand vm6, vm3;
	vm7 =	vgt.s32 v7, v62  }
0x40d: {  	vm8 =	veq.s32 v7, v62;
	v7 =	vor.u32 s29, v49;
	vm15 =	veq.s32 v54, v62  }
0x40e: {  	vm6 =	vgt.s32 v54, v62;
	vm4 =	vlt.s32 v7, v63;
	vm5 =	vmand vm5, vm15  }
0x40f: {  	vm2 =	vmor vm2, vm3;
	vm4 =	vmand vm4, vm8;
	vm5 =	vmor vm6, vm5  }
0x410: {  	[tilespmem:$0x1FE20] =	vst v8;
	vm4 =	vmor vm7, vm4;
	vm7 =	veq.s32 v5, v62;
	v7 =	vsel vm5, $0x1, v10  }
0x411: {  	vm15 =	vgt.s32 v5, v62;
	v8 =	vsel vm4, $0x1, v10;
	[tilespmem:$0x1FE60] =	vst v7;
	vm3 =	vmand vm12, vm7  }
0x412: {  	v7 =	vsel vm2, $0x1, v10;
	[tilespmem:$0x1FE30] =	vst v8;
	vm3 =	vmor vm15, vm3  }
0x413: {  	v52 =	vand.u32 $0xF, v52;
	[tilespmem:$0x1FE40] =	vst v7;
	v7 =	vld [tilespmem:$0x1FEE0];
	v5 =	vsel vm3, $0x1, v10  }
0x414: {  	v1 =	vperm.xlane v61, v52;
	v55 =	vperm.xlane v61, v48;
	v8 =	vor.u32 s29, v52;
	[tilespmem:$0x1FE50] =	vst v5;
	v5 =	vld [tilespmem:$0x1FED0]  }
0x415: {  	v54 =	vperm.xlane v61, v45;
	vm5 =	vlt.s32 v8, v63;
	v8 =	vor.u32 s29, v48  }
0x416: {  	vm2 =	veq.s32 v1, v62;
	vm7 =	veq.s32 v55, v62;
	vm13 =	vlt.s32 v8, v63  }
0x417: {  	vm2 =	vmand vm5, vm2;
	vm5 =	vgt.s32 v55, v62;
	vm7 =	vmand vm13, vm7  }
0x418: {  	v57 =	vor.u32 s29, v50;
	vm5 =	vmor vm5, vm7;
	vm7 =	veq.s32 v54, v62  }
0x419: {  	vm1 =	vmand vm1, vm7;
	vm7 =	vlt.s32 v57, v63;
	v57 =	vcombine.low v5, v7;
	v5 =	vld [tilespmem:$0x1FEB0]  }
0x41a: {  	v7 =	vld [tilespmem:$0x1FEC0];
	_ =	sdelay $0x2  }
0x41b: {  	v59 =	vor.u32 s29, v53;
	v12 =	vperm.xlane v61, v50  }
0x41c: {  	v58 =	vperm.xlane v61, v53;
	vm14 =	vlt.s32 v59, v63  }
0x41d: {  	vm6 =	veq.s32 v12, v62;
	v8 =	vcombine.low v56, v13;
	v5 =	vcombine.low v5, v7  }
0x41e: {  	vm4 =	veq.s32 v58, v62;
	v13 =	vcombine.low v16, v15;
	v15 =	vcombine.low v17, v14  }
0x41f: {  	vm4 =	vmand vm14, vm4;
	vm3 =	vgt.s32 v1, v62;
	v56 =	vand.u32 $0xF, v5;
	v5 =	vld [tilespmem:$0x1FE20]  }
0x420: {  	vm2 =	vmor vm3, vm2;
	vm3 =	vgt.s32 v11, v62;
	v11 =	vld [tilespmem:$0x1FE30];
	v55 =	vand.u32 $0xF, v15  }
0x421: {  	vm0 =	vmor vm3, vm0;
	vm6 =	vmand vm7, vm6;
	vm7 =	vgt.s32 v54, v62  }
0x422: {  	v54 =	vand.u32 $0xF, v8;
	v8 =	vor.u32 s29, v55;
	vm1 =	vmor vm7, vm1  }
0x423: {  	vm7 =	vgt.s32 v58, v62;
	v15 =	vsel vm1, $0x1, v10;
	v7 =	vimm.s32 $0x0  }
0x424: {  	vm1 =	vgt.s32 v12, v62;
	v7 =	vadd.s32 v5, v7;
	v5 =	vperm.xlane v61, v55  }
0x425: {  	vm4 =	vmor vm7, vm4;
	vm1 =	vmor vm1, vm6;
	v7 =	vadd.s32 v11, v7;
	v11 =	vld [tilespmem:$0x1FE40]  }
0x426: {  	v12 =	vsel vm1, $0x1, v10;
	vm1 =	veq.s32 v5, v62;
	vm3 =	vgt.s32 v5, v62;
	v5 =	vld [tilespmem:$0x1FE50]  }
0x427: {  	v14 =	vsel vm4, $0x1, v10;
	vm4 =	vlt.s32 v8, v63;
	v8 =	vperm.xlane v61, v56  }
0x428: {  	v57 =	vand.u32 $0xF, v57;
	v59 =	vor.u32 s29, v56;
	vm1 =	vmand vm4, vm1  }
0x429: {  	vm4 =	vlt.s32 v59, v63;
	v59 =	vsel vm2, $0x1, v10;
	vm2 =	veq.s32 v8, v62  }
0x42a: {  	vm2 =	vmand vm4, vm2;
	vm4 =	vgt.s32 v8, v62;
	v7 =	vadd.s32 v11, v7  }
0x42b: {  	v8 =	vperm.xlane v61, v57;
	vm1 =	vmor vm3, vm1;
	v5 =	vadd.s32 v5, v7  }
0x42c: {  	vm2 =	vmor vm4, vm2;
	v7 =	vor.u32 s29, v57;
	v5 =	vadd.s32 v15, v5  }
0x42d: {  	vm4 =	veq.s32 v8, v62;
	vm3 =	vlt.s32 v7, v63;
	v7 =	vadd.s32 v14, v5  }
0x42e: {  	vm3 =	vmand vm3, vm4;
	v11 =	vadd.s32 v59, v7;
	v59 =	vand.u32 $0xF, v13  }
0x42f: {  	v7 =	vsel vm2, $0x1, v10;
	vm2 =	vgt.s32 v8, v62;
	v8 =	vor.u32 s29, v59  }
0x430: {  	p0 =	sne.s32 s28, $0x1;
	vm4 =	vmor vm2, vm3;
	vm3 =	vlt.s32 v8, v63;
	v8 =	vld [tilespmem:$0x1FE60]  }
.Ltmp28:
0x431: {  	_ = 	snop;
	(pc) =	sbr.rel @!p0 .LBB2_35-.Ltmp28, $4  }
0x432: {  	v5 =	vperm.xlane v61, v54;
	v61 =	vperm.xlane v61, v59  }
0x433: {  	v1 =	vsel vm5, $0x1, v10  }
0x434: {  	v58 =	vor.u32 s29, v54;
	v11 =	vadd.s32 v12, v11;
	vm2 =	veq.s32 v61, v62  }
0x435: {  	s4 =	simm.s32 $0x16210;
	s7 =	simm.s32 $0x0;
	s1 =	sadd.s32 $0xFFFFFFFF, s28;
	vm2 =	vmand vm3, vm2;
	vm3 =	veq.s32 v5, v62;
	v8 =	vadd.s32 v8, v11  }
.LBB2_34:
0x436: {  	v11 =	vld [tilespmem:s4+$0x0];
	_ =	sdelay $0x2  }
0x437: {  	v12 =	vsel vm1, $0x1, v10;
	vm1 =	vgt.s32 v5, v62  }
0x438: {  	s7 =	sadd.s32 $0x10, s7;
	v1 =	vadd.s32 v1, v8;
	v5 =	vsel vm4, $0x1, v10;
	vm4 =	vlt.s32 v58, v63  }
0x439: {  	v8 =	vsel vm0, $0x1, v10;
	v1 =	vadd.s32 v12, v1;
	v58 =	vor.u32 s7, v45  }
0x43a: {  	vm0 =	vmand vm4, vm3;
	v13 =	vor.u32 s7, v60;
	v1 =	vadd.s32 v7, v1  }
0x43b: {  	vm0 =	vmor vm1, vm0;
	vm1 =	vgt.s32 v61, v62;
	v1 =	vadd.s32 v5, v1  }
0x43c: {  	v5 =	vsel vm0, $0x1, v10;
	vm0 =	vmor vm1, vm2;
	v1 =	vadd.s32 v8, v1;
	v61 =	vld.idx.msk [tilespmem:v11+s17+$0x0], $0xffff  }
0x43d: {  	v14 =	vor.u32 s7, v50;
	v1 =	vadd.s32 v5, v1;
	v5 =	vsel vm0, $0x1, v10  }
0x43e: {  	v7 =	vmov s7;
	v1 =	vadd.s32 v5, v1;
	v5 =	vor.u32 s7, v46  }
0x43f: {  	vm0 =	vlt.s32 v58, v63;
	vm2 =	vlt.s32 v5, v63;
	v5 =	vimm.s32 $0x0  }
0x440: {  	v16 =	vor.u32 s7, v53;
	vm4 =	vlt.s32 v7, v2;
	v5 =	vsel vm0, $0xFFFFFFFF, v5  }
0x441: {  	v7 =	vimm.s32 $0x0;
	v8 =	vor.u32 s7, v47;
	[tilespmem:$0x1FDC0] =	vst v5;
	v5 =	vperm.xlane v61, v0  }
0x442: {  	vm11 =	vlt.s32 v8, v63;
	v11 =	vperm.xlane v61, v46;
	v12 =	vperm.xlane v61, v47  }
0x443: {  	v8 =	vperm.xlane v61, v52;
	v15 =	vperm.xlane v61, v55;
	vm3 =	veq.s32 v5, v62  }
0x444: {  	vm0 =	vgt.s32 v11, v62;
	vm6 =	vgt.s32 v12, v62;
	vm5 =	vgt.s32 v5, v62  }
0x445: {  	v5 =	vperm.xlane v61, v49;
	vm7 =	veq.s32 v11, v62;
	vm10 =	veq.s32 v12, v62  }
0x446: {  	v12 =	vperm.xlane v61, v51;
	v7 =	vsel vm0, $0xFFFFFFFF, v7;
	vm3 =	vmand vm4, vm3  }
0x447: {  	vm4 =	vlt.s32 v13, v63;
	vm0 =	vmand vm2, vm7;
	v13 =	vor.u32 s7, v56  }
0x448: {  	vm14 =	vmand vm11, vm10;
	[tilespmem:$0x1FDD0] =	vst v7;
	v7 =	vor.u32 s7, v55;
	vm9 =	vgt.s32 v5, v62  }
0x449: {  	vm8 =	veq.s32 v5, v62;
	v5 =	vimm.s32 $0x0;
	vm3 =	vmor vm5, vm3  }
0x44a: {  	vm7 =	vgt.s32 v12, v62;
	vm6 =	vmor vm6, vm14;
	v5 =	vsel vm0, $0xFFFFFFFF, v5  }
0x44b: {  	v11 =	vsel vm3, $0x1, v10;
	vm0 =	vlt.s32 v13, v63;
	v13 =	vor.u32 s7, v51  }
0x44c: {  	[tilespmem:$0x1FDE0] =	vst v5;
	v5 =	vor.u32 s7, v49;
	v1 =	vadd.s32 v11, v1;
	v11 =	vimm.s32 $0x0  }
0x44d: {  	v11 =	vsel vm0, $0xFFFFFFFF, v11;
	vm5 =	vlt.s32 v5, v63;
	v5 =	vperm.xlane v61, v50  }
0x44e: {  	vm0 =	vgt.s32 v15, v62;
	[tilespmem:$0x1FDF0] =	vst v11;
	v11 =	vperm.xlane v61, v60;
	vm12 =	vmand vm5, vm8  }
0x44f: {  	vm8 =	vgt.s32 v8, v62;
	vm9 =	vmor vm9, vm12;
	vm12 =	veq.s32 v5, v62  }
0x450: {  	vm10 =	vgt.s32 v5, v62;
	v5 =	vperm.xlane v61, v45;
	vm5 =	veq.s32 v11, v62  }
0x451: {  	vm15 =	vgt.s32 v11, v62;
	v11 =	vperm.xlane v61, v56;
	v17 =	vsel vm9, $0x1, v10  }
0x452: {  	vm9 =	veq.s32 v15, v62;
	v15 =	vor.u32 s7, v52;
	vm13 =	vmand vm4, vm5  }
0x453: {  	vm5 =	vlt.s32 v7, v63;
	v7 =	vimm.s32 $0x0;
	v1 =	vadd.s32 v17, v1  }
0x454: {  	vm14 =	vgt.s32 v5, v62;
	vm3 =	veq.s32 v5, v62;
	v7 =	vsel vm0, $0xFFFFFFFF, v7  }
0x455: {  	vm13 =	vmor vm15, vm13;
	vm15 =	veq.s32 v12, v62;
	vm0 =	vlt.s32 v13, v63  }
0x456: {  	v13 =	vperm.xlane v61, v48;
	[tilespmem:$0x1FE00] =	vst v7;
	v7 =	vperm.xlane v61, v53;
	v12 =	vsel vm13, $0x1, v10  }
0x457: {  	vm13 =	vlt.s32 v16, v63;
	vm4 =	vmand vm0, vm15;
	v16 =	vsel vm6, $0x1, v10  }
0x458: {  	vm15 =	vlt.s32 v15, v63;
	v15 =	vor.u32 s7, v48;
	v5 =	vadd.s32 v16, v1;
	v1 =	vld [tilespmem:$0x1FDC0]  }
0x459: {  	vm6 =	veq.s32 v8, v62;
	vm1 =	veq.s32 v13, v62;
	vm2 =	vgt.s32 v13, v62  }
0x45a: {  	vm0 =	vlt.s32 v15, v63;
	vm6 =	vmand vm15, vm6;
	vm15 =	vlt.s32 v14, v63  }
0x45b: {  	vm4 =	vmor vm7, vm4;
	vm11 =	veq.s32 v7, v62;
	vm0 =	vmand vm0, vm1  }
0x45c: {  	v16 =	vld [tilespmem:$0x1FDD0];
	vm1 =	vgt.s32 v7, v62;
	vm15 =	vmand vm15, vm12;
	v7 =	vsel vm4, $0x1, v10  }
0x45d: {  	vm0 =	vmor vm2, vm0;
	v5 =	vadd.s32 v7, v5;
	vm2 =	vnez.u8 v1  }
0x45e: {  	v1 =	vsel vm0, $0x1, v10;
	vm2 =	vmand vm2, vm3;
	vm3 =	vmand vm13, vm11  }
0x45f: {  	vm0 =	vmor vm10, vm15;
	vm2 =	vmor vm14, vm2;
	vm1 =	vmor vm1, vm3  }
0x460: {  	v7 =	vsel vm1, $0x1, v10;
	vm1 =	veq.s32 v11, v62;
	v8 =	vsel vm2, $0x1, v10  }
0x461: {  	vm2 =	vgt.s32 v11, v62;
	v11 =	vsel vm0, $0x1, v10;
	vm0 =	vnez.u8 v16;
	v16 =	vld [tilespmem:$0x1FDE0]  }
0x462: {  	v5 =	vadd.s32 v8, v5;
	v8 =	vld [tilespmem:$0x1FDF0];
	_ =	sdelay $0x2  }
0x463: {  	vm3 =	vmor vm8, vm6  }
0x464: {  	v14 =	vsel vm3, $0x1, v10;
	vm3 =	vnez.u8 v16  }
0x465: {  	vm0 =	vmor vm0, vm3;
	vm3 =	vnez.u8 v8;
	v8 =	vld [tilespmem:$0x1FE00]  }
0x466: {  	v13 =	vperm.xlane v61, v57  }
0x467: {  	v58 =	vor.u32 s7, v54;
	v15 =	vor.u32 s7, v57;
	vm4 =	vmand vm5, vm9  }
0x468: {  	vm5 =	vlt.s32 v15, v63;
	vm6 =	vgt.s32 v13, v62;
	v7 =	vadd.s32 v7, v5  }
0x469: {  	p0 =	sne.s32 s1, $0x1;
	v5 =	vperm.xlane v61, v54;
	v61 =	vperm.xlane v61, v59;
	vm3 =	vmand vm3, vm1  }
.Ltmp29:
0x46a: {  	v7 =	vadd.s32 v14, v7;
	vm2 =	vmor vm2, vm3;
	vm1 =	vnez.u8 v8;
	(pc) =	sbr.rel @p0 .LBB2_34-.Ltmp29, $4  }
0x46b: {  	v8 =	vadd.s32 v11, v7;
	vm1 =	vmor vm1, vm4;
	vm4 =	veq.s32 v13, v62  }
0x46c: {  	v7 =	vsel vm2, $0x1, v10;
	v11 =	vor.u32 s7, v59;
	vm2 =	vmand vm5, vm4  }
0x46d: {  	vm5 =	vlt.s32 v11, v63;
	vm4 =	vmor vm6, vm2;
	vm2 =	veq.s32 v61, v62  }
0x46e: {  	s1 =	sadd.s32 $0xFFFFFFFF, s1;
	s4 =	sadd.s32 $0x10, s4;
	vm3 =	veq.s32 v5, v62;
	v8 =	vadd.s32 v12, v8;
	vm2 =	vmand vm5, vm2  }
.LBB2_35:
0x46f: {  	v2 =	vsel vm1, $0x1, v10;
	v1 =	vadd.s32 v1, v8  }
0x470: {  	v1 =	vadd.s32 v2, v1  }
0x471: {  	vm9 =	vgt.s32 v5, v62;
	v5 =	vsel vm4, $0x1, v10;
	v1 =	vadd.s32 v7, v1  }
0x472: {  	v1 =	vadd.s32 v5, v1;
	v5 =	vld [tilespmem:$0x1FE10]  }
0x473: {  	vm10 =	vlt.s32 v58, v63  }
0x474: {  	vm11 =	vmand vm10, vm3  }
0x475: {  	vm12 =	vgt.s32 v61, v62;
	v12 =	vld [tilespmem:$0x1FF60];
	v2 =	vsel vm0, $0x1, v10;
	vm0 =	vmor vm9, vm11  }
0x476: {  	v13 =	vld [tilespmem:$0x1FF70];
	vm13 =	vmor vm12, vm2;
	v1 =	vadd.s32 v2, v1;
	v2 =	vsel vm0, $0x1, v10  }
0x477: {  	v14 =	vld [tilespmem:$0x1FF80];
	v1 =	vadd.s32 v2, v1;
	v2 =	vsel vm13, $0x1, v10  }
0x478: {  	v15 =	vld [tilespmem:$0x1FF90];
	v1 =	vadd.s32 v2, v1  }
0x479: {  	s1 =	simm.s32 $0xF580;
	v16 =	vld [tilespmem:$0x1FFA0];
	vm14 =	vlt.s32 v1, $0x64  }
0x47a: {  	s31 =	simm.s32 $0x12700;
	v2 =	vld.idx.msk [tilespmem:v5+s1+$0x0], $0xffff  }
0x47b: {  	s30 =	sadd.s32 $0x1, s30;
	v7 =	vshll.u32 v1, $0x1;
	v5 =	vld.idx.msk [tilespmem:v5+s31+$0x0], $0xffff  }
0x47c: {  	v17 =	vld [tilespmem:$0x1FFB0];
	p0 =	sne.s32 s30, s28;
	v8 =	vor.u32 $0x1, v7  }
.Ltmp30:
0x47d: {  	v51 =	vld [tilespmem:$0x1FFC0];
	(pc) =	sbr.rel @p0 .LBB2_33-.Ltmp30, $4  }
.Ltmp31:
0x47e: {  	v52 =	vld [tilespmem:$0x1FFD0];
	(pc) =	sbr.rel @!p0 .LBB2_38-.Ltmp31, $4  }
0x47f: {  	vm15 =	vlt.s32 v62, $0x0;
	v11 =	vxor.u32 $0x7FFFFFFF, v62;
	v53 =	vld [tilespmem:$0x1FFE0];
	[tilespmem:v1+s20+$0x0] =	vst.idx.msk vm14, v2  }
0x480: {  	v54 =	vld [tilespmem:$0x1FFF0];
	v1 =	vsel vm15, v11, v62;
	[tilespmem:v7+s21+$0x0] =	vst.idx.msk vm14, v5  }
0x481: {  	v55 =	vimm.s32 $0x3100;
	v11 =	vld [tilespmem:$0x1FF50];
	[tilespmem:v8+s21+$0x0] =	vst.idx.msk vm14, v1  }
0x482: {  	_ = 	snop  }
.LBB2_28:
.Ltmp32:
0x483: {  	(pc) =	sbr.rel .LBB2_32-.Ltmp32, $2  }
0x484: {  	_ =	sdelay $0x2  }
0x485: {  	s28 =	simm.s32 $0x0;
	s4 =	simm.s32 $0x15900  }
.LBB2_30:
.Ltmp33:
0x486: {  	(pc) =	sbr.rel .LBB2_32-.Ltmp33, $2  }
0x487: {  	_ =	sdelay $0x2  }
0x488: {  	s28 =	simm.s32 $0x0;
	s4 =	simm.s32 $0x15900  }
.LBB2_40:
0x489: {  	_ =	sfence.sel $0x180000  }
0x48a: {  	[bflag:$0x0] =	sbarrier.arrive $0xFFFF  }
0x48b: {  	_ =	strace $0x90000047  }
0x48c: {  	s0 =	stileid.u32;
	[bflag:$0x2] =	sbarrier.arrive $0xFFFF  }
0x48d: {  	p0 =	sne.s32 s0, $0x0;
	s0 =	rddreg [dreg:$0x3]  }
0x48e: {  	s0 =	sadd.s32 @!p0 $0x100000, s0  }
0x48f: {  	[sflag:s0] =	ssyncadd.tile.s32 @!p0 $0x1;
	_ =	shalt  }
.Lfunc_end2:
_tile_overlayer_lowered:
.L_overlay_start_2:
0x490: {  	(tag) =	ssettag $0x2  }
0x491: {  	s0 =	rddreg [dreg:$0x0];
	s2 =	stileid.u32  }
0x492: {  	s1 =	rddreg [dreg:$0x1];
	p0 =	sne.s32 s2, $0x0  }
0x493: {  	s3 =	rddreg [dreg:$0x2];
	[bflag:$0x3] =	sbarrier.arrive $0xFFFF;
	s2 =	simm.s32 @!p0 $0x1C03  }
0x494: {  	[timem:s3], [sflag:s2] =	dma.local @!p0 [hbm:s0], s1  }
0x495: {  	s0 =	simm.s32 @!p0 $0x3  }
0x496: {  	_ =	swait.ge @!p0 [sflag:s0], s1  }
0x497: {  	s1 =	ssub.s32 @!p0 $0x0, s1;
	[sflag:s0] =	ssyncset.done @!p0 $0x0  }
0x498: {  	[sflag:s0] =	ssyncadd.s32 @!p0 s1  }
0x499: {  	[bflag:$0x3] =	sbarrier.arrive $0xFFFF  }
0x49a: {  	_ =	shalt  }

</sc_bundles>
